<compile_context>
chip_gen: v7x
topology: tpu7x:2x2x1
jax: 0.10.2.dev20260603
libtpu: 0.0.44.dev20260713+nightly
codegen_flags: <defaults>
</compile_context>

<pallas_src>
import functools

import jax
import jax.numpy as jnp
from jax import lax
from jax.experimental import pallas as pl
from jax.experimental.pallas import tpu as pltpu
from jax.experimental.pallas import tpu_sc as plsc

B = 16384
D = 64
NU = 1000000
NC_TAB = 100000

_info = plsc.get_sparse_core_info()
_NCORE, _NSUB = _info.num_cores, _info.num_subcores
_NW = _NCORE * _NSUB
_BPW = B // _NW
_FP = 16

_U_LAST = (NU - 1) // 128
_UGRP = 8
_GSEG = 4


def _sread(ref, i):
    return ref[pl.ds(i, 16)][0]


def _stage_segments(r_v, seg_s):
    seg_s[0] = 0

    def body(p, ns):
        new = lax.ne(lax.shift_right_logical(_sread(r_v, _FP + p), 7),
                     lax.shift_right_logical(_sread(r_v, _FP + p - 1), 7))

        def write(n):
            seg_s[n] = p
            return n + 1

        return lax.cond(new, write, lambda n: n, ns)

    ns = lax.fori_loop(1, _BPW, body, 1)
    seg_s[ns] = _BPW
    return ns


def _user_kernel(skeys, user_raw, user_tt, user_tail, emb_out,
                 seg_s, uraw_v, key_v, r_v, i_v, slot_v, col_v, stage,
                 buf, slabsem, wsem):
    wid = lax.axis_index("s") * _NCORE + lax.axis_index("c")
    base = wid * _BPW
    lanes = lax.iota(jnp.int32, 16)

    pltpu.sync_copy(user_raw, uraw_v)
    pltpu.sync_copy(skeys.at[pl.ds(base, _BPW)], key_v.at[pl.ds(_FP, _BPW)])
    pltpu.sync_copy(user_tail, buf.at[_UGRP])

    def decode(k, c):
        kv = key_v[pl.ds(_FP + k * 16, 16)]
        iv = lax.bitwise_and(kv, (1 << 14) - 1)
        rv = plsc.load_gather(uraw_v, [iv])
        i_v[pl.ds(k * 16, 16)] = iv
        r_v[pl.ds(_FP + k * 16, 16)] = rv
        return c

    lax.fori_loop(0, _BPW // 16, decode, 0)
    first = r_v[pl.ds(_FP, 16)]
    r_v[pl.ds(0, 16)] = jnp.full((16,), 1, jnp.int32) * first[0]

    ns = _stage_segments(r_v, seg_s)

    lastv = jnp.full((16,), _U_LAST, jnp.int32)

    def slots(k, segc):
        v = r_v[pl.ds(_FP + k * 16, 16)]
        prev = r_v[pl.ds(_FP + k * 16 - 1, 16)]
        vs = lax.shift_right_logical(v, 7)
        b = (vs != lax.shift_right_logical(prev, 7)).astype(jnp.int32)
        segs = plsc.cumsum(b) + segc
        is_last = vs == lastv
        slot = jnp.where(is_last, jnp.int32(_UGRP),
                         lax.bitwise_and(segs, _UGRP - 1))
        col = jnp.where(is_last, v - (NU - 128), lax.bitwise_and(v, 127))
        slot_v[pl.ds(k * 16, 16)] = slot
        col_v[pl.ds(k * 16, 16)] = col
        return segs[15]

    lax.fori_loop(0, _BPW // 16, slots, jnp.int32(0))

    ngrp = (ns + _GSEG - 1) // _GSEG

    def gseg(g, j):
        s = g * _GSEG + j
        valid = s < ns
        st = seg_s[jnp.minimum(s, ns)]
        slab = lax.shift_right_logical(_sread(r_v, _FP + st), 7)
        return jnp.logical_and(valid, lax.ne(slab, _U_LAST)), slab, s

    def gfire(g):
        for j in range(_GSEG):
            fire, slab, s = gseg(g, j)

            @pl.when(fire)
            def _():
                off = pl.multiple_of(slab * 128, 128)
                pltpu.async_copy(user_tt.at[:, pl.ds(off, 128)],
                                 buf.at[lax.bitwise_and(s, _UGRP - 1)],
                                 slabsem)

    gfire(jnp.int32(0))

    def group(g, carry):
        nf = jnp.int32(0)
        for j in range(_GSEG):
            fire, _, _ = gseg(g, j)
            nf = nf + fire.astype(jnp.int32)

        def drain(i, c):
            pltpu.make_async_copy(user_tt.at[:, pl.ds(0, 128)],
                                  buf.at[0], slabsem).wait()
            return c

        lax.fori_loop(0, nf, drain, 0)
        gfire(g + 1)

        pstart = seg_s[jnp.minimum(g * _GSEG, ns)]
        pend = seg_s[jnp.minimum((g + 1) * _GSEG, ns)]

        def pblock(pb, c):
            pos = pb * 16 + lanes
            m = jnp.logical_and(pos >= pstart, pos < pend)
            sl = slot_v[pl.ds(pb * 16, 16)]
            co = col_v[pl.ds(pb * 16, 16)]
            wbase = pos * D
            for d in range(D):
                dv = jnp.full((16,), d, jnp.int32)
                val = plsc.load_gather(buf, [sl, dv, co])
                plsc.store_scatter(stage, [wbase + d], val, mask=m)
            return c

        lax.fori_loop(lax.shift_right_logical(pstart, 4),
                      lax.shift_right_logical(pend + 15, 4), pblock, 0)

        def emit(p, c):
            i = _sread(i_v, p)
            pltpu.async_copy(
                stage.at[pl.ds(pl.multiple_of(p * D, D), D)],
                emb_out.at[pl.ds(pl.multiple_of(i * D, D), D)], wsem)
            return c

        lax.fori_loop(pstart, pend, emit, 0)
        return carry

    lax.fori_loop(0, ngrp, group, 0)
    pltpu.make_async_copy(stage, emb_out.at[pl.ds(0, _BPW * D)],
                          wsem).wait()


def _content_kernel(content_idx, content_table, u_emb, out_hbm,
                    cidx_v, crows, urows, out_v, csem, usem):
    wid = lax.axis_index("s") * _NCORE + lax.axis_index("c")
    base = wid * _BPW
    lanes = lax.iota(jnp.int32, 16)

    pltpu.sync_copy(content_idx.at[pl.ds(wid * 4, 4)], cidx_v)
    ucp = pltpu.async_copy(u_emb.at[pl.ds(base * D, _BPW * D)], urows,
                           usem)

    copies = []
    for j in range(4):
        copies.append(pltpu.async_copy(
            content_table.at[cidx_v.at[j]],
            crows.at[pl.ds(j * 128, 128)], csem))
    for c in copies:
        c.wait()
    ucp.wait()

    def dblk(h, c):
        prow = lanes + h * 16
        rows = prow * D
        acc0 = jnp.zeros((16,), jnp.float32)
        acc1 = jnp.zeros((16,), jnp.float32)
        for d in range(0, D, 2):
            d0 = jnp.full((16,), d, jnp.int32)
            d1 = jnp.full((16,), d + 1, jnp.int32)
            acc0 += (plsc.load_gather(urows, [rows + d])
                     * plsc.load_gather(crows, [prow, d0]))
            acc1 += (plsc.load_gather(urows, [rows + (d + 1)])
                     * plsc.load_gather(crows, [prow, d1]))
        out_v[pl.ds(h * 16, 16)] = acc0 + acc1
        return c

    lax.fori_loop(0, _BPW // 16, dblk, 0)

    pltpu.sync_copy(out_v, out_hbm.at[pl.ds(base, _BPW)])


@jax.jit
def _run(skeys, user, content_idx2d, user_tt, content_table, user_tail):
    mesh = plsc.VectorSubcoreMesh(core_axis_name="c", subcore_axis_name="s")

    k1 = functools.partial(
        pl.kernel, mesh=mesh,
        out_type=jax.ShapeDtypeStruct((B * D,), jnp.float32),
        compiler_params=pltpu.CompilerParams(needs_layout_passes=False),
        scratch_types=[
            pltpu.SMEM((_BPW + 1,), jnp.int32),
            pltpu.VMEM((B,), jnp.int32),
            pltpu.VMEM((_FP + _BPW + 16,), jnp.int32),
            pltpu.VMEM((_FP + _BPW + 16,), jnp.int32),
            pltpu.VMEM((_BPW + 16,), jnp.int32),
            pltpu.VMEM((_BPW + 16,), jnp.int32),
            pltpu.VMEM((_BPW + 16,), jnp.int32),
            pltpu.VMEM((_BPW * D,), jnp.float32),
            pltpu.VMEM((_UGRP + 1, D, 128), jnp.float32),
            pltpu.SemaphoreType.DMA,
            pltpu.SemaphoreType.DMA,
        ],
    )(_user_kernel)
    u_emb = k1(skeys, user, user_tt, user_tail)

    k2 = functools.partial(
        pl.kernel, mesh=mesh,
        out_type=jax.ShapeDtypeStruct((B,), jnp.float32),
        compiler_params=pltpu.CompilerParams(
            needs_layout_passes=False, use_tc_tiling_on_sc=False),
        scratch_types=[
            pltpu.VMEM((4, 128), jnp.int32),
            pltpu.VMEM((_BPW, D), jnp.float32),
            pltpu.VMEM((_BPW * D,), jnp.float32),
            pltpu.VMEM((_BPW,), jnp.float32),
            pltpu.SemaphoreType.DMA,
            pltpu.SemaphoreType.DMA,
        ],
    )(_content_kernel)
    return k2(content_idx2d, content_table, u_emb)


def kernel(user, content, user_table, content_table):
    keys = lax.bitwise_or(
        lax.shift_left(lax.shift_right_logical(user, 7), 14),
        jnp.arange(B, dtype=jnp.int32))
    skeys = lax.sort(keys, is_stable=False)
    out = _run(skeys, user, content.reshape(B // 128, 128),
               user_table.T, content_table,
               user_table[NU - 128:, :].T)
    return out.reshape(B, 1)

# --- scband reference (transcript-rebuilt; emitter-appended) ---
"""Pipeline reference for scband-content-based-model-5695126634604 (READ-ONLY COPY).

The authoritative reference and input builder live on the scoring server;
editing this copy changes nothing except your own understanding.
"""

import jax, jax.numpy as jnp
import numpy as np

NUM_USERS = 1000000
NUM_CONTENT = 100000
EMBED_DIM = 64
BATCH = 16384

def setup_inputs(seed: int = 0) -> dict:
    key = jax.random.key(seed)
    k1, k2, k3, k4 = jax.random.split(key, 4)
    user = jax.random.randint(k1, (BATCH,), 0, NUM_USERS, dtype=jnp.int64 if jax.config.jax_enable_x64 else jnp.int32).astype(jnp.int32)
    content = jax.random.randint(k2, (BATCH,), 0, NUM_CONTENT, dtype=jnp.int32)
    user_table = jax.random.normal(k3, (NUM_USERS, EMBED_DIM), dtype=jnp.float32) * 0.05
    content_table = jax.random.normal(k4, (NUM_CONTENT, EMBED_DIM), dtype=jnp.float32) * 0.05
    return {"user": user, "content": content, "user_table": user_table, "content_table": content_table}

def reference(user, content, user_table, content_table):
    # user_embedding lookup + flatten -> [B, D]
    user_emb = jnp.take(user_table, user, axis=0)
    # content_embedding lookup + flatten -> [B, D]
    content_emb = jnp.take(content_table, content, axis=0)
    # Dot(axes=1): per-row dot product -> [B, 1]
    dot = jnp.sum(user_emb * content_emb, axis=1, keepdims=True)
    return dot

if __name__ == "__main__":
    import jax
    _d = setup_inputs()
    print(jax.jit(kernel)(*tuple(_d.values())))

</pallas_src>

<mosaic_0001>
#map = affine_map<(d0, d1) -> (0)>
#map1 = affine_map<(d0, d1) -> (0, 0)>
module attributes {stable_mosaic.version = 14 : i64} {
  func.func @_user_kernel(%arg0: i32, %arg1: i32, %arg2: memref<16384xi32, #tpu.memory_space<hbm>>, %arg3: memref<16384xi32, #tpu.memory_space<hbm>>, %arg4: memref<64x1000000xf32, #tpu.memory_space<hbm>>, %arg5: memref<64x128xf32, #tpu.memory_space<hbm>>, %arg6: memref<1048576xf32, #tpu.memory_space<hbm>>, %arg7: memref<513xi32, #tpu.memory_space<smem>>, %arg8: memref<16384xi32, #tpu.memory_space<vmem>>, %arg9: memref<544xi32, #tpu.memory_space<vmem>>, %arg10: memref<544xi32, #tpu.memory_space<vmem>>, %arg11: memref<528xi32, #tpu.memory_space<vmem>>, %arg12: memref<528xi32, #tpu.memory_space<vmem>>, %arg13: memref<528xi32, #tpu.memory_space<vmem>>, %arg14: memref<32768xf32, #tpu.memory_space<vmem>>, %arg15: memref<9x64x128xf32, #tpu.memory_space<vmem>>, %arg16: memref<!tpu.dma_semaphore, #tpu.memory_space<semaphore_mem>>, %arg17: memref<!tpu.dma_semaphore, #tpu.memory_space<semaphore_mem>>) attributes {dimension_semantics = [#tpu.dimension_semantics<core_parallel>, #tpu.dimension_semantics<subcore_parallel>], iteration_bounds = array<i64: 2, 16>, scalar_prefetch = 0 : i64, scratch_operands = 11 : i64, tpu.core_type = #tpu.core_type<sc_vector_subcore>, window_params = [{transform_indices = #map}, {transform_indices = #map}, {transform_indices = #map1}, {transform_indices = #map1}, {transform_indices = #map}]} {
    %mul3A = arith.constant 2 : i32
    %mul3A_0 = arith.muli %arg1, %mul3A : i32
    %add3A = arith.addi %mul3A_0, %arg0 : i32
    %mul3A_1 = arith.constant 512 : i32
    %mul3A_2 = arith.muli %add3A, %mul3A_1 : i32
    %iota3A = tpu.iota {dimensions = array<i32: 0>} : vector<16xi32>
    "tpu.region"() ({
      %run_scoped3A_155 = tpu.sem_alloc : memref<!tpu.dma_semaphore, #tpu.memory_space<semaphore_mem>>
      tpu.enqueue_dma source(%arg3 : memref<16384xi32, #tpu.memory_space<hbm>>) target(%arg8 : memref<16384xi32, #tpu.memory_space<vmem>>) target_semaphore(%run_scoped3A_155 : memref<!tpu.dma_semaphore, #tpu.memory_space<semaphore_mem>>)
      tpu.wait_dma2 semaphore(%run_scoped3A_155 : memref<!tpu.dma_semaphore, #tpu.memory_space<semaphore_mem>>) src(%arg3 : memref<16384xi32, #tpu.memory_space<hbm>>) dst(%arg8 : memref<16384xi32, #tpu.memory_space<vmem>>)
      tpu.yield
    }) : () -> ()
    "tpu.region"() ({
      %run_scoped3A_155 = tpu.sem_alloc : memref<!tpu.dma_semaphore, #tpu.memory_space<semaphore_mem>>
      %dma_start3A = arith.constant 16 : i32
      %dma_start3A_156 = tpu.memref_slice %arg9[%dma_start3A] : memref<544xi32, #tpu.memory_space<vmem>> -> memref<512xi32, #tpu.memory_space<vmem>>
      %dma_start3A_157 = tpu.memref_slice %arg2[%mul3A_2] : memref<16384xi32, #tpu.memory_space<hbm>> -> memref<512xi32, #tpu.memory_space<hbm>>
      %dma_start3A_158 = arith.constant 16 : i32
      %dma_start3A_159 = tpu.memref_slice %arg9[%dma_start3A_158] : memref<544xi32, #tpu.memory_space<vmem>> -> memref<512xi32, #tpu.memory_space<vmem>>
      %dma_start3A_160 = tpu.memref_slice %arg2[%mul3A_2] : memref<16384xi32, #tpu.memory_space<hbm>> -> memref<512xi32, #tpu.memory_space<hbm>>
      tpu.enqueue_dma source(%dma_start3A_160 : memref<512xi32, #tpu.memory_space<hbm>>) target(%dma_start3A_159 : memref<512xi32, #tpu.memory_space<vmem>>) target_semaphore(%run_scoped3A_155 : memref<!tpu.dma_semaphore, #tpu.memory_space<semaphore_mem>>)
      %dma_wait3A_161 = arith.constant 16 : i32
      %dma_wait3A_162 = tpu.memref_slice %arg9[%dma_wait3A_161] : memref<544xi32, #tpu.memory_space<vmem>> -> memref<512xi32, #tpu.memory_space<vmem>>
      %dma_wait3A_163 = tpu.memref_slice %arg2[%mul3A_2] : memref<16384xi32, #tpu.memory_space<hbm>> -> memref<512xi32, #tpu.memory_space<hbm>>
      %dma_wait3A_164 = arith.constant 16 : i32
      %dma_wait3A_165 = tpu.memref_slice %arg9[%dma_wait3A_164] : memref<544xi32, #tpu.memory_space<vmem>> -> memref<512xi32, #tpu.memory_space<vmem>>
      %dma_wait3A_166 = tpu.memref_slice %arg2[%mul3A_2] : memref<16384xi32, #tpu.memory_space<hbm>> -> memref<512xi32, #tpu.memory_space<hbm>>
      tpu.wait_dma2 semaphore(%run_scoped3A_155 : memref<!tpu.dma_semaphore, #tpu.memory_space<semaphore_mem>>) src(%dma_wait3A_166 : memref<512xi32, #tpu.memory_space<hbm>>) dst(%dma_wait3A_165 : memref<512xi32, #tpu.memory_space<vmem>>)
      tpu.yield
    }) : () -> ()
    %run_scoped3A = arith.constant 8 : i32
    "tpu.region"() ({
      %run_scoped3A_155 = tpu.sem_alloc : memref<!tpu.dma_semaphore, #tpu.memory_space<semaphore_mem>>
      %dma_start3A = arith.constant 0 : i32
      %dma_start3A_156 = arith.constant 0 : i32
      %dma_start3A_157 = tpu.memref_slice %arg15[%run_scoped3A, %dma_start3A, %dma_start3A_156] : memref<9x64x128xf32, #tpu.memory_space<vmem>> -> memref<1x64x128xf32, #tpu.memory_space<vmem>>
      %dma_start3A_158 = tpu.memref_squeeze %dma_start3A_157 : memref<1x64x128xf32, #tpu.memory_space<vmem>> -> memref<64x128xf32, #tpu.memory_space<vmem>>
      %dma_start3A_159 = arith.constant 0 : i32
      %dma_start3A_160 = arith.constant 0 : i32
      %dma_start3A_161 = tpu.memref_slice %arg15[%run_scoped3A, %dma_start3A_159, %dma_start3A_160] : memref<9x64x128xf32, #tpu.memory_space<vmem>> -> memref<1x64x128xf32, #tpu.memory_space<vmem>>
      %dma_start3A_162 = tpu.memref_squeeze %dma_start3A_161 : memref<1x64x128xf32, #tpu.memory_space<vmem>> -> memref<64x128xf32, #tpu.memory_space<vmem>>
      tpu.enqueue_dma source(%arg5 : memref<64x128xf32, #tpu.memory_space<hbm>>) target(%dma_start3A_162 : memref<64x128xf32, #tpu.memory_space<vmem>>) target_semaphore(%run_scoped3A_155 : memref<!tpu.dma_semaphore, #tpu.memory_space<semaphore_mem>>)
      %dma_wait3A_163 = arith.constant 0 : i32
      %dma_wait3A_164 = arith.constant 0 : i32
      %dma_wait3A_165 = tpu.memref_slice %arg15[%run_scoped3A, %dma_wait3A_163, %dma_wait3A_164] : memref<9x64x128xf32, #tpu.memory_space<vmem>> -> memref<1x64x128xf32, #tpu.memory_space<vmem>>
      %dma_wait3A_166 = tpu.memref_squeeze %dma_wait3A_165 : memref<1x64x128xf32, #tpu.memory_space<vmem>> -> memref<64x128xf32, #tpu.memory_space<vmem>>
      %dma_wait3A_167 = arith.constant 0 : i32
      %dma_wait3A_168 = arith.constant 0 : i32
      %dma_wait3A_169 = tpu.memref_slice %arg15[%run_scoped3A, %dma_wait3A_167, %dma_wait3A_168] : memref<9x64x128xf32, #tpu.memory_space<vmem>> -> memref<1x64x128xf32, #tpu.memory_space<vmem>>
      %dma_wait3A_170 = tpu.memref_squeeze %dma_wait3A_169 : memref<1x64x128xf32, #tpu.memory_space<vmem>> -> memref<64x128xf32, #tpu.memory_space<vmem>>
      tpu.wait_dma2 semaphore(%run_scoped3A_155 : memref<!tpu.dma_semaphore, #tpu.memory_space<semaphore_mem>>) src(%arg5 : memref<64x128xf32, #tpu.memory_space<hbm>>) dst(%dma_wait3A_170 : memref<64x128xf32, #tpu.memory_space<vmem>>)
      tpu.yield
    }) : () -> ()
    %scan3A = arith.constant 0 : i32
    %scan3A_3 = arith.constant 0 : i32
    %scan3A_4 = arith.constant 32 : i32
    %scan3A_5 = arith.addi %scan3A_3, %scan3A_4 : i32
    %scan3A_6 = arith.constant 1 : i32
    scf.for %scan3A_155 = %scan3A_3 to %scan3A_5 step %scan3A_6  : i32 {
      %mul3A_156 = arith.constant 16 : i32
      %mul3A_157 = arith.muli %scan3A_155, %mul3A_156 : i32
      %add3A_158 = arith.constant 16 : i32
      %add3A_159 = arith.addi %add3A_158, %mul3A_157 : i32
      %get3A_160 = arith.index_cast %add3A_159 : i32 to index
      %get3A_161 = tpu.vector_load %arg9[%get3A_160] {strides = array<i32>} : memref<544xi32, #tpu.memory_space<vmem>>, vector<16xi32>,
      %and3A_162 = arith.constant 16383 : i32
      %and3A_163 = vector.broadcast %and3A_162 : i32 to vector<16xi32>
      %and3A_164 = arith.andi %get3A_161, %and3A_163 : vector<16xi32>
      %gather3A = tpu.vector_load_idx %arg8[%and3A_164] : memref<16384xi32, #tpu.memory_space<vmem>>[vector<16xi32>], vector<16xi32>,
      %mul3A_165 = arith.constant 16 : i32
      %mul3A_166 = arith.muli %scan3A_155, %mul3A_165 : i32
      %swap3A_167 = arith.index_cast %mul3A_166 : i32 to index
      %swap3A_168 = tpu.vector_load %arg11[%swap3A_167] {strides = array<i32>} : memref<528xi32, #tpu.memory_space<vmem>>, vector<16xi32>,
      tpu.vector_store %arg11[%swap3A_167], %and3A_164 {strides = array<i32>} : memref<528xi32, #tpu.memory_space<vmem>>, vector<16xi32>,
      %mul3A_169 = arith.constant 16 : i32
      %mul3A_170 = arith.muli %scan3A_155, %mul3A_169 : i32
      %add3A_171 = arith.constant 16 : i32
      %add3A_172 = arith.addi %add3A_171, %mul3A_170 : i32
      %swap3A_173 = arith.index_cast %add3A_172 : i32 to index
      %swap3A_174 = tpu.vector_load %arg10[%swap3A_173] {strides = array<i32>} : memref<544xi32, #tpu.memory_space<vmem>>, vector<16xi32>,
      tpu.vector_store %arg10[%swap3A_173], %gather3A {strides = array<i32>} : memref<544xi32, #tpu.memory_space<vmem>>, vector<16xi32>,
    }
    %scan3A_7 = arith.constant 32 : i32
    %get3A = arith.constant 16 : index
    %get3A_8 = tpu.vector_load %arg10[%get3A] {strides = array<i32>} : memref<544xi32, #tpu.memory_space<vmem>>, vector<16xi32>,
    %broadcast_in_dim3A = arith.constant 1 : i32
    %broadcast_in_dim3A_9 = vector.broadcast %broadcast_in_dim3A : i32 to vector<16xi32>
    %slice3A = vector.extract_strided_slice %get3A_8 {offsets = [0], sizes = [1], strides = [1]} : vector<16xi32> to vector<1xi32>
    %squeeze3A = vector.extract %slice3A[0] : i32 from vector<1xi32>
    %mul3A_10 = vector.broadcast %squeeze3A : i32 to vector<16xi32>
    %mul3A_11 = arith.muli %broadcast_in_dim3A_9, %mul3A_10 : vector<16xi32>
    %swap3A = arith.constant 0 : index
    %swap3A_12 = tpu.vector_load %arg10[%swap3A] {strides = array<i32>} : memref<544xi32, #tpu.memory_space<vmem>>, vector<16xi32>,
    tpu.vector_store %arg10[%swap3A], %mul3A_11 {strides = array<i32>} : memref<544xi32, #tpu.memory_space<vmem>>, vector<16xi32>,
    %swap3A_13 = arith.constant 0 : i32
    %swap3A_14 = arith.constant 0 : i32
    %swap3A_15 = arith.index_cast %swap3A_14 : i32 to index
    %swap3A_16 = memref.load %arg7[%swap3A_15] : memref<513xi32, #tpu.memory_space<smem>>
    memref.store %swap3A_13, %arg7[%swap3A_15] : memref<513xi32, #tpu.memory_space<smem>>
    %scan3A_17 = arith.constant 1 : i32
    %scan3A_18 = arith.constant 1 : i32
    %scan3A_19 = arith.constant 511 : i32
    %scan3A_20 = arith.addi %scan3A_18, %scan3A_19 : i32
    %scan3A_21 = arith.constant 1 : i32
    %scan3A_22 = scf.for %scan3A_155 = %scan3A_18 to %scan3A_20 step %scan3A_21 iter_args(%scan3A_156 = %scan3A_17) -> (i32)  : i32 {
      %add3A_157 = arith.constant 16 : i32
      %add3A_158 = arith.addi %add3A_157, %scan3A_155 : i32
      %get3A_159 = arith.index_cast %add3A_158 : i32 to index
      %get3A_160 = tpu.vector_load %arg10[%get3A_159] {strides = array<i32>} : memref<544xi32, #tpu.memory_space<vmem>>, vector<16xi32>,
      %slice3A_161 = vector.extract_strided_slice %get3A_160 {offsets = [0], sizes = [1], strides = [1]} : vector<16xi32> to vector<1xi32>
      %squeeze3A_162 = vector.extract %slice3A_161[0] : i32 from vector<1xi32>
      %shift_right_logical3A_163 = arith.constant 7 : i32
      %shift_right_logical3A_164 = arith.shrui %squeeze3A_162, %shift_right_logical3A_163 : i32
      %add3A_165 = arith.constant 16 : i32
      %add3A_166 = arith.addi %add3A_165, %scan3A_155 : i32
      %sub3A_167 = arith.constant 1 : i32
      %sub3A_168 = arith.subi %add3A_166, %sub3A_167 : i32
      %get3A_169 = arith.index_cast %sub3A_168 : i32 to index
      %get3A_170 = tpu.vector_load %arg10[%get3A_169] {strides = array<i32>} : memref<544xi32, #tpu.memory_space<vmem>>, vector<16xi32>,
      %slice3A_171 = vector.extract_strided_slice %get3A_170 {offsets = [0], sizes = [1], strides = [1]} : vector<16xi32> to vector<1xi32>
      %squeeze3A_172 = vector.extract %slice3A_171[0] : i32 from vector<1xi32>
      %shift_right_logical3A_173 = arith.constant 7 : i32
      %shift_right_logical3A_174 = arith.shrui %squeeze3A_172, %shift_right_logical3A_173 : i32
      %ne3A_175 = arith.cmpi ne, %shift_right_logical3A_164, %shift_right_logical3A_174 : i32
      %convert_element_type3A_176 = arith.extui %ne3A_175 : i1 to i32
      %cond3A_177 = arith.constant 0 : i32
      %cond3A_178 = arith.cmpi ne, %convert_element_type3A_176, %cond3A_177 : i32
      %cond3A_179 = scf.if %cond3A_178 -> (i32) {
        %swap3A_180 = arith.index_cast %scan3A_156 : i32 to index
        %swap3A_181 = memref.load %arg7[%swap3A_180] : memref<513xi32, #tpu.memory_space<smem>>
        memref.store %scan3A_155, %arg7[%swap3A_180] : memref<513xi32, #tpu.memory_space<smem>>
        %add3A_182 = arith.constant 1 : i32
        %add3A_183 = arith.addi %scan3A_156, %add3A_182 : i32
        scf.yield %add3A_183 : i32
      } else {
        scf.yield %scan3A_156 : i32
      }
      scf.yield %cond3A_179 : i32
    }
    %scan3A_23 = arith.constant 511 : i32
    %swap3A_24 = arith.constant 512 : i32
    %swap3A_25 = arith.index_cast %scan3A_22 : i32 to index
    %swap3A_26 = memref.load %arg7[%swap3A_25] : memref<513xi32, #tpu.memory_space<smem>>
    memref.store %swap3A_24, %arg7[%swap3A_25] : memref<513xi32, #tpu.memory_space<smem>>
    %broadcast_in_dim3A_27 = arith.constant 7812 : i32
    %broadcast_in_dim3A_28 = vector.broadcast %broadcast_in_dim3A_27 : i32 to vector<16xi32>
    %scan3A_29 = arith.constant 0 : i32
    %scan3A_30 = arith.constant 0 : i32
    %scan3A_31 = arith.constant 32 : i32
    %scan3A_32 = arith.addi %scan3A_30, %scan3A_31 : i32
    %scan3A_33 = arith.constant 1 : i32
    %scan3A_34 = scf.for %scan3A_155 = %scan3A_30 to %scan3A_32 step %scan3A_33 iter_args(%scan3A_156 = %scan3A_29) -> (i32)  : i32 {
      %mul3A_157 = arith.constant 16 : i32
      %mul3A_158 = arith.muli %scan3A_155, %mul3A_157 : i32
      %add3A_159 = arith.constant 16 : i32
      %add3A_160 = arith.addi %add3A_159, %mul3A_158 : i32
      %get3A_161 = arith.index_cast %add3A_160 : i32 to index
      %get3A_162 = tpu.vector_load %arg10[%get3A_161] {strides = array<i32>} : memref<544xi32, #tpu.memory_space<vmem>>, vector<16xi32>,
      %mul3A_163 = arith.constant 16 : i32
      %mul3A_164 = arith.muli %scan3A_155, %mul3A_163 : i32
      %add3A_165 = arith.constant 16 : i32
      %add3A_166 = arith.addi %add3A_165, %mul3A_164 : i32
      %sub3A_167 = arith.constant 1 : i32
      %sub3A_168 = arith.subi %add3A_166, %sub3A_167 : i32
      %get3A_169 = arith.index_cast %sub3A_168 : i32 to index
      %get3A_170 = tpu.vector_load %arg10[%get3A_169] {strides = array<i32>} : memref<544xi32, #tpu.memory_space<vmem>>, vector<16xi32>,
      %shift_right_logical3A_171 = arith.constant 7 : i32
      %shift_right_logical3A_172 = vector.broadcast %shift_right_logical3A_171 : i32 to vector<16xi32>
      %shift_right_logical3A_173 = arith.shrui %get3A_162, %shift_right_logical3A_172 : vector<16xi32>
      %shift_right_logical3A_174 = arith.constant 7 : i32
      %shift_right_logical3A_175 = vector.broadcast %shift_right_logical3A_174 : i32 to vector<16xi32>
      %shift_right_logical3A_176 = arith.shrui %get3A_170, %shift_right_logical3A_175 : vector<16xi32>
      %ne3A_177 = arith.cmpi ne, %shift_right_logical3A_173, %shift_right_logical3A_176 : vector<16xi32>
      %convert_element_type3A_178 = arith.extui %ne3A_177 : vector<16xi1> to vector<16xi32>
      %broadcast_in_dim3A_179 = arith.constant true
      %broadcast_in_dim3A_180 = vector.broadcast %broadcast_in_dim3A_179 : i1 to vector<16xi1>
      %masked_cumsum3A = tpu.scan <sum>, %convert_element_type3A_178 masked %broadcast_in_dim3A_180 : vector<16xi32>, vector<16xi1> -> vector<16xi32>
      %add3A_181 = vector.broadcast %scan3A_156 : i32 to vector<16xi32>
      %add3A_182 = arith.addi %masked_cumsum3A, %add3A_181 : vector<16xi32>
      %eq3A = arith.cmpi eq, %shift_right_logical3A_173, %broadcast_in_dim3A_28 : vector<16xi32>
      %and3A_183 = arith.constant 7 : i32
      %and3A_184 = vector.broadcast %and3A_183 : i32 to vector<16xi32>
      %and3A_185 = arith.andi %add3A_182, %and3A_184 : vector<16xi32>
      %jit3A_186 = arith.constant 8 : i32
      %broadcast_in_dim3A_187 = vector.broadcast %jit3A_186 : i32 to vector<16xi32>
      %select_n3A_188 = arith.select %eq3A, %broadcast_in_dim3A_187, %and3A_185 : vector<16xi1>, vector<16xi32>
      %sub3A_189 = arith.constant 999872 : i32
      %sub3A_190 = vector.broadcast %sub3A_189 : i32 to vector<16xi32>
      %sub3A_191 = arith.subi %get3A_162, %sub3A_190 : vector<16xi32>
      %and3A_192 = arith.constant 127 : i32
      %and3A_193 = vector.broadcast %and3A_192 : i32 to vector<16xi32>
      %and3A_194 = arith.andi %get3A_162, %and3A_193 : vector<16xi32>
      %select_n3A_195 = arith.select %eq3A, %sub3A_191, %and3A_194 : vector<16xi1>, vector<16xi32>
      %mul3A_196 = arith.constant 16 : i32
      %mul3A_197 = arith.muli %scan3A_155, %mul3A_196 : i32
      %swap3A_198 = arith.index_cast %mul3A_197 : i32 to index
      %swap3A_199 = tpu.vector_load %arg12[%swap3A_198] {strides = array<i32>} : memref<528xi32, #tpu.memory_space<vmem>>, vector<16xi32>,
      tpu.vector_store %arg12[%swap3A_198], %select_n3A_188 {strides = array<i32>} : memref<528xi32, #tpu.memory_space<vmem>>, vector<16xi32>,
      %mul3A_200 = arith.constant 16 : i32
      %mul3A_201 = arith.muli %scan3A_155, %mul3A_200 : i32
      %swap3A_202 = arith.index_cast %mul3A_201 : i32 to index
      %swap3A_203 = tpu.vector_load %arg13[%swap3A_202] {strides = array<i32>} : memref<528xi32, #tpu.memory_space<vmem>>, vector<16xi32>,
      tpu.vector_store %arg13[%swap3A_202], %select_n3A_195 {strides = array<i32>} : memref<528xi32, #tpu.memory_space<vmem>>, vector<16xi32>,
      %slice3A_204 = vector.extract_strided_slice %add3A_182 {offsets = [15], sizes = [1], strides = [1]} : vector<16xi32> to vector<1xi32>
      %squeeze3A_205 = vector.extract %slice3A_204[0] : i32 from vector<1xi32>
      scf.yield %squeeze3A_205 : i32
    }
    %scan3A_35 = arith.constant 32 : i32
    %add3A_36 = arith.constant 4 : i32
    %add3A_37 = arith.addi %scan3A_22, %add3A_36 : i32
    %sub3A = arith.constant 1 : i32
    %sub3A_38 = arith.subi %add3A_37, %sub3A : i32
    %jit3A = arith.constant 4 : i32
    %div3A = arith.divsi %sub3A_38, %jit3A : i32
    %sign3A = arith.constant 0 : i32
    %sign3A_39 = arith.cmpi sgt, %sub3A_38, %sign3A : i32
    %sign3A_40 = arith.extui %sign3A_39 : i1 to i32
    %sign3A_41 = arith.constant 0 : i32
    %sign3A_42 = arith.cmpi slt, %sub3A_38, %sign3A_41 : i32
    %sign3A_43 = arith.extui %sign3A_42 : i1 to i32
    %sign3A_44 = arith.subi %sign3A_40, %sign3A_43 : i32
    %sign3A_45 = arith.constant 0 : i32
    %sign3A_46 = arith.cmpi sgt, %jit3A, %sign3A_45 : i32
    %sign3A_47 = arith.extui %sign3A_46 : i1 to i32
    %sign3A_48 = arith.constant 0 : i32
    %sign3A_49 = arith.cmpi slt, %jit3A, %sign3A_48 : i32
    %sign3A_50 = arith.extui %sign3A_49 : i1 to i32
    %sign3A_51 = arith.subi %sign3A_47, %sign3A_50 : i32
    %ne3A = arith.cmpi ne, %sign3A_44, %sign3A_51 : i32
    %rem3A = arith.remsi %sub3A_38, %jit3A : i32
    %ne3A_52 = arith.constant 0 : i32
    %ne3A_53 = arith.cmpi ne, %rem3A, %ne3A_52 : i32
    %and3A = arith.andi %ne3A, %ne3A_53 : i1
    %sub3A_54 = arith.constant 1 : i32
    %sub3A_55 = arith.subi %div3A, %sub3A_54 : i32
    %select_n3A = arith.select %and3A, %sub3A_55, %div3A : i32
    %mul3A_56 = arith.constant 0 : i32
    %mul3A_57 = arith.constant 4 : i32
    %mul3A_58 = arith.muli %mul3A_56, %mul3A_57 : i32
    %add3A_59 = arith.constant 0 : i32
    %add3A_60 = arith.addi %mul3A_58, %add3A_59 : i32
    %lt3A = arith.cmpi slt, %add3A_60, %scan3A_22 : i32
    %min3A = arith.minsi %add3A_60, %scan3A_22 : i32
    %get3A_61 = arith.index_cast %min3A : i32 to index
    %get3A_62 = memref.load %arg7[%get3A_61] : memref<513xi32, #tpu.memory_space<smem>>
    %add3A_63 = arith.constant 16 : i32
    %add3A_64 = arith.addi %add3A_63, %get3A_62 : i32
    %get3A_65 = arith.index_cast %add3A_64 : i32 to index
    %get3A_66 = tpu.vector_load %arg10[%get3A_65] {strides = array<i32>} : memref<544xi32, #tpu.memory_space<vmem>>, vector<16xi32>,
    %slice3A_67 = vector.extract_strided_slice %get3A_66 {offsets = [0], sizes = [1], strides = [1]} : vector<16xi32> to vector<1xi32>
    %squeeze3A_68 = vector.extract %slice3A_67[0] : i32 from vector<1xi32>
    %shift_right_logical3A = arith.constant 7 : i32
    %shift_right_logical3A_69 = arith.shrui %squeeze3A_68, %shift_right_logical3A : i32
    %ne3A_70 = arith.constant 7812 : i32
    %ne3A_71 = arith.cmpi ne, %shift_right_logical3A_69, %ne3A_70 : i32
    %and3A_72 = arith.andi %lt3A, %ne3A_71 : i1
    %convert_element_type3A = arith.extui %and3A_72 : i1 to i32
    %cond3A = arith.constant 0 : i32
    %cond3A_73 = arith.cmpi ne, %convert_element_type3A, %cond3A : i32
    scf.if %cond3A_73 {
      %mul3A_155 = arith.constant 128 : i32
      %mul3A_156 = arith.muli %shift_right_logical3A_69, %mul3A_155 : i32
      %multiple_of3A = tpu.assume_multiple %mul3A_156, 128 : i32
      %and3A_157 = arith.constant 7 : i32
      %and3A_158 = arith.andi %add3A_60, %and3A_157 : i32
      %dma_start3A = arith.constant 0 : i32
      %dma_start3A_159 = arith.constant 0 : i32
      %dma_start3A_160 = tpu.memref_slice %arg15[%and3A_158, %dma_start3A, %dma_start3A_159] : memref<9x64x128xf32, #tpu.memory_space<vmem>> -> memref<1x64x128xf32, #tpu.memory_space<vmem>>
      %dma_start3A_161 = tpu.memref_squeeze %dma_start3A_160 : memref<1x64x128xf32, #tpu.memory_space<vmem>> -> memref<64x128xf32, #tpu.memory_space<vmem>>
      %dma_start3A_162 = arith.constant 0 : i32
      %dma_start3A_163 = tpu.memref_slice %arg4[%dma_start3A_162, %multiple_of3A] : memref<64x1000000xf32, #tpu.memory_space<hbm>> -> memref<64x128xf32, #tpu.memory_space<hbm>>
      %dma_start3A_164 = arith.constant 0 : i32
      %dma_start3A_165 = arith.constant 0 : i32
      %dma_start3A_166 = tpu.memref_slice %arg15[%and3A_158, %dma_start3A_164, %dma_start3A_165] : memref<9x64x128xf32, #tpu.memory_space<vmem>> -> memref<1x64x128xf32, #tpu.memory_space<vmem>>
      %dma_start3A_167 = tpu.memref_squeeze %dma_start3A_166 : memref<1x64x128xf32, #tpu.memory_space<vmem>> -> memref<64x128xf32, #tpu.memory_space<vmem>>
      %dma_start3A_168 = arith.constant 0 : i32
      %dma_start3A_169 = tpu.memref_slice %arg4[%dma_start3A_168, %multiple_of3A] : memref<64x1000000xf32, #tpu.memory_space<hbm>> -> memref<64x128xf32, #tpu.memory_space<hbm>>
      tpu.enqueue_dma source(%dma_start3A_169 : memref<64x128xf32, #tpu.memory_space<hbm>>) target(%dma_start3A_167 : memref<64x128xf32, #tpu.memory_space<vmem>>) target_semaphore(%arg16 : memref<!tpu.dma_semaphore, #tpu.memory_space<semaphore_mem>>)
    } else {
    }
    %mul3A_74 = arith.constant 0 : i32
    %mul3A_75 = arith.constant 4 : i32
    %mul3A_76 = arith.muli %mul3A_74, %mul3A_75 : i32
    %add3A_77 = arith.constant 1 : i32
    %add3A_78 = arith.addi %mul3A_76, %add3A_77 : i32
    %lt3A_79 = arith.cmpi slt, %add3A_78, %scan3A_22 : i32
    %min3A_80 = arith.minsi %add3A_78, %scan3A_22 : i32
    %get3A_81 = arith.index_cast %min3A_80 : i32 to index
    %get3A_82 = memref.load %arg7[%get3A_81] : memref<513xi32, #tpu.memory_space<smem>>
    %add3A_83 = arith.constant 16 : i32
    %add3A_84 = arith.addi %add3A_83, %get3A_82 : i32
    %get3A_85 = arith.index_cast %add3A_84 : i32 to index
    %get3A_86 = tpu.vector_load %arg10[%get3A_85] {strides = array<i32>} : memref<544xi32, #tpu.memory_space<vmem>>, vector<16xi32>,
    %slice3A_87 = vector.extract_strided_slice %get3A_86 {offsets = [0], sizes = [1], strides = [1]} : vector<16xi32> to vector<1xi32>
    %squeeze3A_88 = vector.extract %slice3A_87[0] : i32 from vector<1xi32>
    %shift_right_logical3A_89 = arith.constant 7 : i32
    %shift_right_logical3A_90 = arith.shrui %squeeze3A_88, %shift_right_logical3A_89 : i32
    %ne3A_91 = arith.constant 7812 : i32
    %ne3A_92 = arith.cmpi ne, %shift_right_logical3A_90, %ne3A_91 : i32
    %and3A_93 = arith.andi %lt3A_79, %ne3A_92 : i1
    %convert_element_type3A_94 = arith.extui %and3A_93 : i1 to i32
    %cond3A_95 = arith.constant 0 : i32
    %cond3A_96 = arith.cmpi ne, %convert_element_type3A_94, %cond3A_95 : i32
    scf.if %cond3A_96 {
      %mul3A_155 = arith.constant 128 : i32
      %mul3A_156 = arith.muli %shift_right_logical3A_90, %mul3A_155 : i32
      %multiple_of3A = tpu.assume_multiple %mul3A_156, 128 : i32
      %and3A_157 = arith.constant 7 : i32
      %and3A_158 = arith.andi %add3A_78, %and3A_157 : i32
      %dma_start3A = arith.constant 0 : i32
      %dma_start3A_159 = arith.constant 0 : i32
      %dma_start3A_160 = tpu.memref_slice %arg15[%and3A_158, %dma_start3A, %dma_start3A_159] : memref<9x64x128xf32, #tpu.memory_space<vmem>> -> memref<1x64x128xf32, #tpu.memory_space<vmem>>
      %dma_start3A_161 = tpu.memref_squeeze %dma_start3A_160 : memref<1x64x128xf32, #tpu.memory_space<vmem>> -> memref<64x128xf32, #tpu.memory_space<vmem>>
      %dma_start3A_162 = arith.constant 0 : i32
      %dma_start3A_163 = tpu.memref_slice %arg4[%dma_start3A_162, %multiple_of3A] : memref<64x1000000xf32, #tpu.memory_space<hbm>> -> memref<64x128xf32, #tpu.memory_space<hbm>>
      %dma_start3A_164 = arith.constant 0 : i32
      %dma_start3A_165 = arith.constant 0 : i32
      %dma_start3A_166 = tpu.memref_slice %arg15[%and3A_158, %dma_start3A_164, %dma_start3A_165] : memref<9x64x128xf32, #tpu.memory_space<vmem>> -> memref<1x64x128xf32, #tpu.memory_space<vmem>>
      %dma_start3A_167 = tpu.memref_squeeze %dma_start3A_166 : memref<1x64x128xf32, #tpu.memory_space<vmem>> -> memref<64x128xf32, #tpu.memory_space<vmem>>
      %dma_start3A_168 = arith.constant 0 : i32
      %dma_start3A_169 = tpu.memref_slice %arg4[%dma_start3A_168, %multiple_of3A] : memref<64x1000000xf32, #tpu.memory_space<hbm>> -> memref<64x128xf32, #tpu.memory_space<hbm>>
      tpu.enqueue_dma source(%dma_start3A_169 : memref<64x128xf32, #tpu.memory_space<hbm>>) target(%dma_start3A_167 : memref<64x128xf32, #tpu.memory_space<vmem>>) target_semaphore(%arg16 : memref<!tpu.dma_semaphore, #tpu.memory_space<semaphore_mem>>)
    } else {
    }
    %mul3A_97 = arith.constant 0 : i32
    %mul3A_98 = arith.constant 4 : i32
    %mul3A_99 = arith.muli %mul3A_97, %mul3A_98 : i32
    %add3A_100 = arith.constant 2 : i32
    %add3A_101 = arith.addi %mul3A_99, %add3A_100 : i32
    %lt3A_102 = arith.cmpi slt, %add3A_101, %scan3A_22 : i32
    %min3A_103 = arith.minsi %add3A_101, %scan3A_22 : i32
    %get3A_104 = arith.index_cast %min3A_103 : i32 to index
    %get3A_105 = memref.load %arg7[%get3A_104] : memref<513xi32, #tpu.memory_space<smem>>
    %add3A_106 = arith.constant 16 : i32
    %add3A_107 = arith.addi %add3A_106, %get3A_105 : i32
    %get3A_108 = arith.index_cast %add3A_107 : i32 to index
    %get3A_109 = tpu.vector_load %arg10[%get3A_108] {strides = array<i32>} : memref<544xi32, #tpu.memory_space<vmem>>, vector<16xi32>,
    %slice3A_110 = vector.extract_strided_slice %get3A_109 {offsets = [0], sizes = [1], strides = [1]} : vector<16xi32> to vector<1xi32>
    %squeeze3A_111 = vector.extract %slice3A_110[0] : i32 from vector<1xi32>
    %shift_right_logical3A_112 = arith.constant 7 : i32
    %shift_right_logical3A_113 = arith.shrui %squeeze3A_111, %shift_right_logical3A_112 : i32
    %ne3A_114 = arith.constant 7812 : i32
    %ne3A_115 = arith.cmpi ne, %shift_right_logical3A_113, %ne3A_114 : i32
    %and3A_116 = arith.andi %lt3A_102, %ne3A_115 : i1
    %convert_element_type3A_117 = arith.extui %and3A_116 : i1 to i32
    %cond3A_118 = arith.constant 0 : i32
    %cond3A_119 = arith.cmpi ne, %convert_element_type3A_117, %cond3A_118 : i32
    scf.if %cond3A_119 {
      %mul3A_155 = arith.constant 128 : i32
      %mul3A_156 = arith.muli %shift_right_logical3A_113, %mul3A_155 : i32
      %multiple_of3A = tpu.assume_multiple %mul3A_156, 128 : i32
      %and3A_157 = arith.constant 7 : i32
      %and3A_158 = arith.andi %add3A_101, %and3A_157 : i32
      %dma_start3A = arith.constant 0 : i32
      %dma_start3A_159 = arith.constant 0 : i32
      %dma_start3A_160 = tpu.memref_slice %arg15[%and3A_158, %dma_start3A, %dma_start3A_159] : memref<9x64x128xf32, #tpu.memory_space<vmem>> -> memref<1x64x128xf32, #tpu.memory_space<vmem>>
      %dma_start3A_161 = tpu.memref_squeeze %dma_start3A_160 : memref<1x64x128xf32, #tpu.memory_space<vmem>> -> memref<64x128xf32, #tpu.memory_space<vmem>>
      %dma_start3A_162 = arith.constant 0 : i32
      %dma_start3A_163 = tpu.memref_slice %arg4[%dma_start3A_162, %multiple_of3A] : memref<64x1000000xf32, #tpu.memory_space<hbm>> -> memref<64x128xf32, #tpu.memory_space<hbm>>
      %dma_start3A_164 = arith.constant 0 : i32
      %dma_start3A_165 = arith.constant 0 : i32
      %dma_start3A_166 = tpu.memref_slice %arg15[%and3A_158, %dma_start3A_164, %dma_start3A_165] : memref<9x64x128xf32, #tpu.memory_space<vmem>> -> memref<1x64x128xf32, #tpu.memory_space<vmem>>
      %dma_start3A_167 = tpu.memref_squeeze %dma_start3A_166 : memref<1x64x128xf32, #tpu.memory_space<vmem>> -> memref<64x128xf32, #tpu.memory_space<vmem>>
      %dma_start3A_168 = arith.constant 0 : i32
      %dma_start3A_169 = tpu.memref_slice %arg4[%dma_start3A_168, %multiple_of3A] : memref<64x1000000xf32, #tpu.memory_space<hbm>> -> memref<64x128xf32, #tpu.memory_space<hbm>>
      tpu.enqueue_dma source(%dma_start3A_169 : memref<64x128xf32, #tpu.memory_space<hbm>>) target(%dma_start3A_167 : memref<64x128xf32, #tpu.memory_space<vmem>>) target_semaphore(%arg16 : memref<!tpu.dma_semaphore, #tpu.memory_space<semaphore_mem>>)
    } else {
    }
    %mul3A_120 = arith.constant 0 : i32
    %mul3A_121 = arith.constant 4 : i32
    %mul3A_122 = arith.muli %mul3A_120, %mul3A_121 : i32
    %add3A_123 = arith.constant 3 : i32
    %add3A_124 = arith.addi %mul3A_122, %add3A_123 : i32
    %lt3A_125 = arith.cmpi slt, %add3A_124, %scan3A_22 : i32
    %min3A_126 = arith.minsi %add3A_124, %scan3A_22 : i32
    %get3A_127 = arith.index_cast %min3A_126 : i32 to index
    %get3A_128 = memref.load %arg7[%get3A_127] : memref<513xi32, #tpu.memory_space<smem>>
    %add3A_129 = arith.constant 16 : i32
    %add3A_130 = arith.addi %add3A_129, %get3A_128 : i32
    %get3A_131 = arith.index_cast %add3A_130 : i32 to index
    %get3A_132 = tpu.vector_load %arg10[%get3A_131] {strides = array<i32>} : memref<544xi32, #tpu.memory_space<vmem>>, vector<16xi32>,
    %slice3A_133 = vector.extract_strided_slice %get3A_132 {offsets = [0], sizes = [1], strides = [1]} : vector<16xi32> to vector<1xi32>
    %squeeze3A_134 = vector.extract %slice3A_133[0] : i32 from vector<1xi32>
    %shift_right_logical3A_135 = arith.constant 7 : i32
    %shift_right_logical3A_136 = arith.shrui %squeeze3A_134, %shift_right_logical3A_135 : i32
    %ne3A_137 = arith.constant 7812 : i32
    %ne3A_138 = arith.cmpi ne, %shift_right_logical3A_136, %ne3A_137 : i32
    %and3A_139 = arith.andi %lt3A_125, %ne3A_138 : i1
    %convert_element_type3A_140 = arith.extui %and3A_139 : i1 to i32
    %cond3A_141 = arith.constant 0 : i32
    %cond3A_142 = arith.cmpi ne, %convert_element_type3A_140, %cond3A_141 : i32
    scf.if %cond3A_142 {
      %mul3A_155 = arith.constant 128 : i32
      %mul3A_156 = arith.muli %shift_right_logical3A_136, %mul3A_155 : i32
      %multiple_of3A = tpu.assume_multiple %mul3A_156, 128 : i32
      %and3A_157 = arith.constant 7 : i32
      %and3A_158 = arith.andi %add3A_124, %and3A_157 : i32
      %dma_start3A = arith.constant 0 : i32
      %dma_start3A_159 = arith.constant 0 : i32
      %dma_start3A_160 = tpu.memref_slice %arg15[%and3A_158, %dma_start3A, %dma_start3A_159] : memref<9x64x128xf32, #tpu.memory_space<vmem>> -> memref<1x64x128xf32, #tpu.memory_space<vmem>>
      %dma_start3A_161 = tpu.memref_squeeze %dma_start3A_160 : memref<1x64x128xf32, #tpu.memory_space<vmem>> -> memref<64x128xf32, #tpu.memory_space<vmem>>
      %dma_start3A_162 = arith.constant 0 : i32
      %dma_start3A_163 = tpu.memref_slice %arg4[%dma_start3A_162, %multiple_of3A] : memref<64x1000000xf32, #tpu.memory_space<hbm>> -> memref<64x128xf32, #tpu.memory_space<hbm>>
      %dma_start3A_164 = arith.constant 0 : i32
      %dma_start3A_165 = arith.constant 0 : i32
      %dma_start3A_166 = tpu.memref_slice %arg15[%and3A_158, %dma_start3A_164, %dma_start3A_165] : memref<9x64x128xf32, #tpu.memory_space<vmem>> -> memref<1x64x128xf32, #tpu.memory_space<vmem>>
      %dma_start3A_167 = tpu.memref_squeeze %dma_start3A_166 : memref<1x64x128xf32, #tpu.memory_space<vmem>> -> memref<64x128xf32, #tpu.memory_space<vmem>>
      %dma_start3A_168 = arith.constant 0 : i32
      %dma_start3A_169 = tpu.memref_slice %arg4[%dma_start3A_168, %multiple_of3A] : memref<64x1000000xf32, #tpu.memory_space<hbm>> -> memref<64x128xf32, #tpu.memory_space<hbm>>
      tpu.enqueue_dma source(%dma_start3A_169 : memref<64x128xf32, #tpu.memory_space<hbm>>) target(%dma_start3A_167 : memref<64x128xf32, #tpu.memory_space<vmem>>) target_semaphore(%arg16 : memref<!tpu.dma_semaphore, #tpu.memory_space<semaphore_mem>>)
    } else {
    }
    %while3A = arith.constant 0 : i32
    %while3A_143 = arith.constant 0 : i32
    %while3A_144 = arith.subi %select_n3A, %while3A_143 : i32
    %while3A_145 = arith.addi %while3A_143, %while3A_144 : i32
    %while3A_146 = arith.constant 1 : i32
    %while3A_147 = arith.divsi %while3A_144, %while3A_146 : i32
    %while3A_148 = arith.muli %while3A_147, %while3A_146 : i32
    %while3A_149 = arith.addi %while3A_143, %while3A_148 : i32
    %while3A_150 = arith.constant 1 : i32
    scf.for %while3A_155 = %while3A_143 to %while3A_149 step %while3A_150  : i32 {
      %mul3A_156 = arith.constant 4 : i32
      %mul3A_157 = arith.muli %while3A_155, %mul3A_156 : i32
      %add3A_158 = arith.constant 0 : i32
      %add3A_159 = arith.addi %mul3A_157, %add3A_158 : i32
      %lt3A_160 = arith.cmpi slt, %add3A_159, %scan3A_22 : i32
      %min3A_161 = arith.minsi %add3A_159, %scan3A_22 : i32
      %get3A_162 = arith.index_cast %min3A_161 : i32 to index
      %get3A_163 = memref.load %arg7[%get3A_162] : memref<513xi32, #tpu.memory_space<smem>>
      %add3A_164 = arith.constant 16 : i32
      %add3A_165 = arith.addi %add3A_164, %get3A_163 : i32
      %get3A_166 = arith.index_cast %add3A_165 : i32 to index
      %get3A_167 = tpu.vector_load %arg10[%get3A_166] {strides = array<i32>} : memref<544xi32, #tpu.memory_space<vmem>>, vector<16xi32>,
      %slice3A_168 = vector.extract_strided_slice %get3A_167 {offsets = [0], sizes = [1], strides = [1]} : vector<16xi32> to vector<1xi32>
      %squeeze3A_169 = vector.extract %slice3A_168[0] : i32 from vector<1xi32>
      %shift_right_logical3A_170 = arith.constant 7 : i32
      %shift_right_logical3A_171 = arith.shrui %squeeze3A_169, %shift_right_logical3A_170 : i32
      %ne3A_172 = arith.constant 7812 : i32
      %ne3A_173 = arith.cmpi ne, %shift_right_logical3A_171, %ne3A_172 : i32
      %and3A_174 = arith.andi %lt3A_160, %ne3A_173 : i1
      %convert_element_type3A_175 = arith.extui %and3A_174 : i1 to i32
      %add3A_176 = arith.constant 0 : i32
      %add3A_177 = arith.addi %add3A_176, %convert_element_type3A_175 : i32
      %mul3A_178 = arith.constant 4 : i32
      %mul3A_179 = arith.muli %while3A_155, %mul3A_178 : i32
      %add3A_180 = arith.constant 1 : i32
      %add3A_181 = arith.addi %mul3A_179, %add3A_180 : i32
      %lt3A_182 = arith.cmpi slt, %add3A_181, %scan3A_22 : i32
      %min3A_183 = arith.minsi %add3A_181, %scan3A_22 : i32
      %get3A_184 = arith.index_cast %min3A_183 : i32 to index
      %get3A_185 = memref.load %arg7[%get3A_184] : memref<513xi32, #tpu.memory_space<smem>>
      %add3A_186 = arith.constant 16 : i32
      %add3A_187 = arith.addi %add3A_186, %get3A_185 : i32
      %get3A_188 = arith.index_cast %add3A_187 : i32 to index
      %get3A_189 = tpu.vector_load %arg10[%get3A_188] {strides = array<i32>} : memref<544xi32, #tpu.memory_space<vmem>>, vector<16xi32>,
      %slice3A_190 = vector.extract_strided_slice %get3A_189 {offsets = [0], sizes = [1], strides = [1]} : vector<16xi32> to vector<1xi32>
      %squeeze3A_191 = vector.extract %slice3A_190[0] : i32 from vector<1xi32>
      %shift_right_logical3A_192 = arith.constant 7 : i32
      %shift_right_logical3A_193 = arith.shrui %squeeze3A_191, %shift_right_logical3A_192 : i32
      %ne3A_194 = arith.constant 7812 : i32
      %ne3A_195 = arith.cmpi ne, %shift_right_logical3A_193, %ne3A_194 : i32
      %and3A_196 = arith.andi %lt3A_182, %ne3A_195 : i1
      %convert_element_type3A_197 = arith.extui %and3A_196 : i1 to i32
      %add3A_198 = arith.addi %add3A_177, %convert_element_type3A_197 : i32
      %mul3A_199 = arith.constant 4 : i32
      %mul3A_200 = arith.muli %while3A_155, %mul3A_199 : i32
      %add3A_201 = arith.constant 2 : i32
      %add3A_202 = arith.addi %mul3A_200, %add3A_201 : i32
      %lt3A_203 = arith.cmpi slt, %add3A_202, %scan3A_22 : i32
      %min3A_204 = arith.minsi %add3A_202, %scan3A_22 : i32
      %get3A_205 = arith.index_cast %min3A_204 : i32 to index
      %get3A_206 = memref.load %arg7[%get3A_205] : memref<513xi32, #tpu.memory_space<smem>>
      %add3A_207 = arith.constant 16 : i32
      %add3A_208 = arith.addi %add3A_207, %get3A_206 : i32
      %get3A_209 = arith.index_cast %add3A_208 : i32 to index
      %get3A_210 = tpu.vector_load %arg10[%get3A_209] {strides = array<i32>} : memref<544xi32, #tpu.memory_space<vmem>>, vector<16xi32>,
      %slice3A_211 = vector.extract_strided_slice %get3A_210 {offsets = [0], sizes = [1], strides = [1]} : vector<16xi32> to vector<1xi32>
      %squeeze3A_212 = vector.extract %slice3A_211[0] : i32 from vector<1xi32>
      %shift_right_logical3A_213 = arith.constant 7 : i32
      %shift_right_logical3A_214 = arith.shrui %squeeze3A_212, %shift_right_logical3A_213 : i32
      %ne3A_215 = arith.constant 7812 : i32
      %ne3A_216 = arith.cmpi ne, %shift_right_logical3A_214, %ne3A_215 : i32
      %and3A_217 = arith.andi %lt3A_203, %ne3A_216 : i1
      %convert_element_type3A_218 = arith.extui %and3A_217 : i1 to i32
      %add3A_219 = arith.addi %add3A_198, %convert_element_type3A_218 : i32
      %mul3A_220 = arith.constant 4 : i32
      %mul3A_221 = arith.muli %while3A_155, %mul3A_220 : i32
      %add3A_222 = arith.constant 3 : i32
      %add3A_223 = arith.addi %mul3A_221, %add3A_222 : i32
      %lt3A_224 = arith.cmpi slt, %add3A_223, %scan3A_22 : i32
      %min3A_225 = arith.minsi %add3A_223, %scan3A_22 : i32
      %get3A_226 = arith.index_cast %min3A_225 : i32 to index
      %get3A_227 = memref.load %arg7[%get3A_226] : memref<513xi32, #tpu.memory_space<smem>>
      %add3A_228 = arith.constant 16 : i32
      %add3A_229 = arith.addi %add3A_228, %get3A_227 : i32
      %get3A_230 = arith.index_cast %add3A_229 : i32 to index
      %get3A_231 = tpu.vector_load %arg10[%get3A_230] {strides = array<i32>} : memref<544xi32, #tpu.memory_space<vmem>>, vector<16xi32>,
      %slice3A_232 = vector.extract_strided_slice %get3A_231 {offsets = [0], sizes = [1], strides = [1]} : vector<16xi32> to vector<1xi32>
      %squeeze3A_233 = vector.extract %slice3A_232[0] : i32 from vector<1xi32>
      %shift_right_logical3A_234 = arith.constant 7 : i32
      %shift_right_logical3A_235 = arith.shrui %squeeze3A_233, %shift_right_logical3A_234 : i32
      %ne3A_236 = arith.constant 7812 : i32
      %ne3A_237 = arith.cmpi ne, %shift_right_logical3A_235, %ne3A_236 : i32
      %and3A_238 = arith.andi %lt3A_224, %ne3A_237 : i1
      %convert_element_type3A_239 = arith.extui %and3A_238 : i1 to i32
      %add3A_240 = arith.addi %add3A_219, %convert_element_type3A_239 : i32
      %while3A_241 = arith.constant 0 : i32
      %while3A_242 = arith.constant 0 : i32
      %while3A_243 = arith.subi %add3A_240, %while3A_242 : i32
      %while3A_244 = arith.addi %while3A_242, %while3A_243 : i32
      %while3A_245 = arith.constant 1 : i32
      %while3A_246 = arith.divsi %while3A_243, %while3A_245 : i32
      %while3A_247 = arith.muli %while3A_246, %while3A_245 : i32
      %while3A_248 = arith.addi %while3A_242, %while3A_247 : i32
      %while3A_249 = arith.constant 1 : i32
      scf.for %while3A_377 = %while3A_242 to %while3A_248 step %while3A_249  : i32 {
        %dma_wait3A_378 = arith.constant 0 : i32
        %dma_wait3A_379 = arith.constant 0 : i32
        %dma_wait3A_380 = arith.constant 0 : i32
        %dma_wait3A_381 = tpu.memref_slice %arg15[%dma_wait3A_378, %dma_wait3A_379, %dma_wait3A_380] : memref<9x64x128xf32, #tpu.memory_space<vmem>> -> memref<1x64x128xf32, #tpu.memory_space<vmem>>
        %dma_wait3A_382 = tpu.memref_squeeze %dma_wait3A_381 : memref<1x64x128xf32, #tpu.memory_space<vmem>> -> memref<64x128xf32, #tpu.memory_space<vmem>>
        %dma_wait3A_383 = arith.constant 0 : i32
        %dma_wait3A_384 = arith.constant 0 : i32
        %dma_wait3A_385 = tpu.memref_slice %arg4[%dma_wait3A_383, %dma_wait3A_384] : memref<64x1000000xf32, #tpu.memory_space<hbm>> -> memref<64x128xf32, #tpu.memory_space<hbm>>
        %dma_wait3A_386 = arith.constant 0 : i32
        %dma_wait3A_387 = arith.constant 0 : i32
        %dma_wait3A_388 = tpu.memref_slice %arg15[%dma_wait3A_378, %dma_wait3A_386, %dma_wait3A_387] : memref<9x64x128xf32, #tpu.memory_space<vmem>> -> memref<1x64x128xf32, #tpu.memory_space<vmem>>
        %dma_wait3A_389 = tpu.memref_squeeze %dma_wait3A_388 : memref<1x64x128xf32, #tpu.memory_space<vmem>> -> memref<64x128xf32, #tpu.memory_space<vmem>>
        %dma_wait3A_390 = arith.constant 0 : i32
        %dma_wait3A_391 = arith.constant 0 : i32
        %dma_wait3A_392 = tpu.memref_slice %arg4[%dma_wait3A_390, %dma_wait3A_391] : memref<64x1000000xf32, #tpu.memory_space<hbm>> -> memref<64x128xf32, #tpu.memory_space<hbm>>
        tpu.wait_dma2 semaphore(%arg16 : memref<!tpu.dma_semaphore, #tpu.memory_space<semaphore_mem>>) src(%dma_wait3A_392 : memref<64x128xf32, #tpu.memory_space<hbm>>) dst(%dma_wait3A_389 : memref<64x128xf32, #tpu.memory_space<vmem>>)
      }
      %while3A_250 = arith.constant 1 : i32
      scf.for %while3A_377 = %while3A_248 to %while3A_244 step %while3A_250  : i32 {
        %dma_wait3A_378 = arith.constant 0 : i32
        %dma_wait3A_379 = arith.constant 0 : i32
        %dma_wait3A_380 = arith.constant 0 : i32
        %dma_wait3A_381 = tpu.memref_slice %arg15[%dma_wait3A_378, %dma_wait3A_379, %dma_wait3A_380] : memref<9x64x128xf32, #tpu.memory_space<vmem>> -> memref<1x64x128xf32, #tpu.memory_space<vmem>>
        %dma_wait3A_382 = tpu.memref_squeeze %dma_wait3A_381 : memref<1x64x128xf32, #tpu.memory_space<vmem>> -> memref<64x128xf32, #tpu.memory_space<vmem>>
        %dma_wait3A_383 = arith.constant 0 : i32
        %dma_wait3A_384 = arith.constant 0 : i32
        %dma_wait3A_385 = tpu.memref_slice %arg4[%dma_wait3A_383, %dma_wait3A_384] : memref<64x1000000xf32, #tpu.memory_space<hbm>> -> memref<64x128xf32, #tpu.memory_space<hbm>>
        %dma_wait3A_386 = arith.constant 0 : i32
        %dma_wait3A_387 = arith.constant 0 : i32
        %dma_wait3A_388 = tpu.memref_slice %arg15[%dma_wait3A_378, %dma_wait3A_386, %dma_wait3A_387] : memref<9x64x128xf32, #tpu.memory_space<vmem>> -> memref<1x64x128xf32, #tpu.memory_space<vmem>>
        %dma_wait3A_389 = tpu.memref_squeeze %dma_wait3A_388 : memref<1x64x128xf32, #tpu.memory_space<vmem>> -> memref<64x128xf32, #tpu.memory_space<vmem>>
        %dma_wait3A_390 = arith.constant 0 : i32
        %dma_wait3A_391 = arith.constant 0 : i32
        %dma_wait3A_392 = tpu.memref_slice %arg4[%dma_wait3A_390, %dma_wait3A_391] : memref<64x1000000xf32, #tpu.memory_space<hbm>> -> memref<64x128xf32, #tpu.memory_space<hbm>>
        tpu.wait_dma2 semaphore(%arg16 : memref<!tpu.dma_semaphore, #tpu.memory_space<semaphore_mem>>) src(%dma_wait3A_392 : memref<64x128xf32, #tpu.memory_space<hbm>>) dst(%dma_wait3A_389 : memref<64x128xf32, #tpu.memory_space<vmem>>)
      }
      %add3A_251 = arith.constant 1 : i32
      %add3A_252 = arith.addi %while3A_155, %add3A_251 : i32
      %mul3A_253 = arith.constant 4 : i32
      %mul3A_254 = arith.muli %add3A_252, %mul3A_253 : i32
      %add3A_255 = arith.constant 0 : i32
      %add3A_256 = arith.addi %mul3A_254, %add3A_255 : i32
      %lt3A_257 = arith.cmpi slt, %add3A_256, %scan3A_22 : i32
      %min3A_258 = arith.minsi %add3A_256, %scan3A_22 : i32
      %get3A_259 = arith.index_cast %min3A_258 : i32 to index
      %get3A_260 = memref.load %arg7[%get3A_259] : memref<513xi32, #tpu.memory_space<smem>>
      %add3A_261 = arith.constant 16 : i32
      %add3A_262 = arith.addi %add3A_261, %get3A_260 : i32
      %get3A_263 = arith.index_cast %add3A_262 : i32 to index
      %get3A_264 = tpu.vector_load %arg10[%get3A_263] {strides = array<i32>} : memref<544xi32, #tpu.memory_space<vmem>>, vector<16xi32>,
      %slice3A_265 = vector.extract_strided_slice %get3A_264 {offsets = [0], sizes = [1], strides = [1]} : vector<16xi32> to vector<1xi32>
      %squeeze3A_266 = vector.extract %slice3A_265[0] : i32 from vector<1xi32>
      %shift_right_logical3A_267 = arith.constant 7 : i32
      %shift_right_logical3A_268 = arith.shrui %squeeze3A_266, %shift_right_logical3A_267 : i32
      %ne3A_269 = arith.constant 7812 : i32
      %ne3A_270 = arith.cmpi ne, %shift_right_logical3A_268, %ne3A_269 : i32
      %and3A_271 = arith.andi %lt3A_257, %ne3A_270 : i1
      %convert_element_type3A_272 = arith.extui %and3A_271 : i1 to i32
      %cond3A_273 = arith.constant 0 : i32
      %cond3A_274 = arith.cmpi ne, %convert_element_type3A_272, %cond3A_273 : i32
      scf.if %cond3A_274 {
        %mul3A_377 = arith.constant 128 : i32
        %mul3A_378 = arith.muli %shift_right_logical3A_268, %mul3A_377 : i32
        %multiple_of3A = tpu.assume_multiple %mul3A_378, 128 : i32
        %and3A_379 = arith.constant 7 : i32
        %and3A_380 = arith.andi %add3A_256, %and3A_379 : i32
        %dma_start3A = arith.constant 0 : i32
        %dma_start3A_381 = arith.constant 0 : i32
        %dma_start3A_382 = tpu.memref_slice %arg15[%and3A_380, %dma_start3A, %dma_start3A_381] : memref<9x64x128xf32, #tpu.memory_space<vmem>> -> memref<1x64x128xf32, #tpu.memory_space<vmem>>
        %dma_start3A_383 = tpu.memref_squeeze %dma_start3A_382 : memref<1x64x128xf32, #tpu.memory_space<vmem>> -> memref<64x128xf32, #tpu.memory_space<vmem>>
        %dma_start3A_384 = arith.constant 0 : i32
        %dma_start3A_385 = tpu.memref_slice %arg4[%dma_start3A_384, %multiple_of3A] : memref<64x1000000xf32, #tpu.memory_space<hbm>> -> memref<64x128xf32, #tpu.memory_space<hbm>>
        %dma_start3A_386 = arith.constant 0 : i32
        %dma_start3A_387 = arith.constant 0 : i32
        %dma_start3A_388 = tpu.memref_slice %arg15[%and3A_380, %dma_start3A_386, %dma_start3A_387] : memref<9x64x128xf32, #tpu.memory_space<vmem>> -> memref<1x64x128xf32, #tpu.memory_space<vmem>>
        %dma_start3A_389 = tpu.memref_squeeze %dma_start3A_388 : memref<1x64x128xf32, #tpu.memory_space<vmem>> -> memref<64x128xf32, #tpu.memory_space<vmem>>
        %dma_start3A_390 = arith.constant 0 : i32
        %dma_start3A_391 = tpu.memref_slice %arg4[%dma_start3A_390, %multiple_of3A] : memref<64x1000000xf32, #tpu.memory_space<hbm>> -> memref<64x128xf32, #tpu.memory_space<hbm>>
        tpu.enqueue_dma source(%dma_start3A_391 : memref<64x128xf32, #tpu.memory_space<hbm>>) target(%dma_start3A_389 : memref<64x128xf32, #tpu.memory_space<vmem>>) target_semaphore(%arg16 : memref<!tpu.dma_semaphore, #tpu.memory_space<semaphore_mem>>)
      } else {
      }
      %mul3A_275 = arith.constant 4 : i32
      %mul3A_276 = arith.muli %add3A_252, %mul3A_275 : i32
      %add3A_277 = arith.constant 1 : i32
      %add3A_278 = arith.addi %mul3A_276, %add3A_277 : i32
      %lt3A_279 = arith.cmpi slt, %add3A_278, %scan3A_22 : i32
      %min3A_280 = arith.minsi %add3A_278, %scan3A_22 : i32
      %get3A_281 = arith.index_cast %min3A_280 : i32 to index
      %get3A_282 = memref.load %arg7[%get3A_281] : memref<513xi32, #tpu.memory_space<smem>>
      %add3A_283 = arith.constant 16 : i32
      %add3A_284 = arith.addi %add3A_283, %get3A_282 : i32
      %get3A_285 = arith.index_cast %add3A_284 : i32 to index
      %get3A_286 = tpu.vector_load %arg10[%get3A_285] {strides = array<i32>} : memref<544xi32, #tpu.memory_space<vmem>>, vector<16xi32>,
      %slice3A_287 = vector.extract_strided_slice %get3A_286 {offsets = [0], sizes = [1], strides = [1]} : vector<16xi32> to vector<1xi32>
      %squeeze3A_288 = vector.extract %slice3A_287[0] : i32 from vector<1xi32>
      %shift_right_logical3A_289 = arith.constant 7 : i32
      %shift_right_logical3A_290 = arith.shrui %squeeze3A_288, %shift_right_logical3A_289 : i32
      %ne3A_291 = arith.constant 7812 : i32
      %ne3A_292 = arith.cmpi ne, %shift_right_logical3A_290, %ne3A_291 : i32
      %and3A_293 = arith.andi %lt3A_279, %ne3A_292 : i1
      %convert_element_type3A_294 = arith.extui %and3A_293 : i1 to i32
      %cond3A_295 = arith.constant 0 : i32
      %cond3A_296 = arith.cmpi ne, %convert_element_type3A_294, %cond3A_295 : i32
      scf.if %cond3A_296 {
        %mul3A_377 = arith.constant 128 : i32
        %mul3A_378 = arith.muli %shift_right_logical3A_290, %mul3A_377 : i32
        %multiple_of3A = tpu.assume_multiple %mul3A_378, 128 : i32
        %and3A_379 = arith.constant 7 : i32
        %and3A_380 = arith.andi %add3A_278, %and3A_379 : i32
        %dma_start3A = arith.constant 0 : i32
        %dma_start3A_381 = arith.constant 0 : i32
        %dma_start3A_382 = tpu.memref_slice %arg15[%and3A_380, %dma_start3A, %dma_start3A_381] : memref<9x64x128xf32, #tpu.memory_space<vmem>> -> memref<1x64x128xf32, #tpu.memory_space<vmem>>
        %dma_start3A_383 = tpu.memref_squeeze %dma_start3A_382 : memref<1x64x128xf32, #tpu.memory_space<vmem>> -> memref<64x128xf32, #tpu.memory_space<vmem>>
        %dma_start3A_384 = arith.constant 0 : i32
        %dma_start3A_385 = tpu.memref_slice %arg4[%dma_start3A_384, %multiple_of3A] : memref<64x1000000xf32, #tpu.memory_space<hbm>> -> memref<64x128xf32, #tpu.memory_space<hbm>>
        %dma_start3A_386 = arith.constant 0 : i32
        %dma_start3A_387 = arith.constant 0 : i32
        %dma_start3A_388 = tpu.memref_slice %arg15[%and3A_380, %dma_start3A_386, %dma_start3A_387] : memref<9x64x128xf32, #tpu.memory_space<vmem>> -> memref<1x64x128xf32, #tpu.memory_space<vmem>>
        %dma_start3A_389 = tpu.memref_squeeze %dma_start3A_388 : memref<1x64x128xf32, #tpu.memory_space<vmem>> -> memref<64x128xf32, #tpu.memory_space<vmem>>
        %dma_start3A_390 = arith.constant 0 : i32
        %dma_start3A_391 = tpu.memref_slice %arg4[%dma_start3A_390, %multiple_of3A] : memref<64x1000000xf32, #tpu.memory_space<hbm>> -> memref<64x128xf32, #tpu.memory_space<hbm>>
        tpu.enqueue_dma source(%dma_start3A_391 : memref<64x128xf32, #tpu.memory_space<hbm>>) target(%dma_start3A_389 : memref<64x128xf32, #tpu.memory_space<vmem>>) target_semaphore(%arg16 : memref<!tpu.dma_semaphore, #tpu.memory_space<semaphore_mem>>)
      } else {
      }
      %mul3A_297 = arith.constant 4 : i32
      %mul3A_298 = arith.muli %add3A_252, %mul3A_297 : i32
      %add3A_299 = arith.constant 2 : i32
      %add3A_300 = arith.addi %mul3A_298, %add3A_299 : i32
      %lt3A_301 = arith.cmpi slt, %add3A_300, %scan3A_22 : i32
      %min3A_302 = arith.minsi %add3A_300, %scan3A_22 : i32
      %get3A_303 = arith.index_cast %min3A_302 : i32 to index
      %get3A_304 = memref.load %arg7[%get3A_303] : memref<513xi32, #tpu.memory_space<smem>>
      %add3A_305 = arith.constant 16 : i32
      %add3A_306 = arith.addi %add3A_305, %get3A_304 : i32
      %get3A_307 = arith.index_cast %add3A_306 : i32 to index
      %get3A_308 = tpu.vector_load %arg10[%get3A_307] {strides = array<i32>} : memref<544xi32, #tpu.memory_space<vmem>>, vector<16xi32>,
      %slice3A_309 = vector.extract_strided_slice %get3A_308 {offsets = [0], sizes = [1], strides = [1]} : vector<16xi32> to vector<1xi32>
      %squeeze3A_310 = vector.extract %slice3A_309[0] : i32 from vector<1xi32>
      %shift_right_logical3A_311 = arith.constant 7 : i32
      %shift_right_logical3A_312 = arith.shrui %squeeze3A_310, %shift_right_logical3A_311 : i32
      %ne3A_313 = arith.constant 7812 : i32
      %ne3A_314 = arith.cmpi ne, %shift_right_logical3A_312, %ne3A_313 : i32
      %and3A_315 = arith.andi %lt3A_301, %ne3A_314 : i1
      %convert_element_type3A_316 = arith.extui %and3A_315 : i1 to i32
      %cond3A_317 = arith.constant 0 : i32
      %cond3A_318 = arith.cmpi ne, %convert_element_type3A_316, %cond3A_317 : i32
      scf.if %cond3A_318 {
        %mul3A_377 = arith.constant 128 : i32
        %mul3A_378 = arith.muli %shift_right_logical3A_312, %mul3A_377 : i32
        %multiple_of3A = tpu.assume_multiple %mul3A_378, 128 : i32
        %and3A_379 = arith.constant 7 : i32
        %and3A_380 = arith.andi %add3A_300, %and3A_379 : i32
        %dma_start3A = arith.constant 0 : i32
        %dma_start3A_381 = arith.constant 0 : i32
        %dma_start3A_382 = tpu.memref_slice %arg15[%and3A_380, %dma_start3A, %dma_start3A_381] : memref<9x64x128xf32, #tpu.memory_space<vmem>> -> memref<1x64x128xf32, #tpu.memory_space<vmem>>
        %dma_start3A_383 = tpu.memref_squeeze %dma_start3A_382 : memref<1x64x128xf32, #tpu.memory_space<vmem>> -> memref<64x128xf32, #tpu.memory_space<vmem>>
        %dma_start3A_384 = arith.constant 0 : i32
        %dma_start3A_385 = tpu.memref_slice %arg4[%dma_start3A_384, %multiple_of3A] : memref<64x1000000xf32, #tpu.memory_space<hbm>> -> memref<64x128xf32, #tpu.memory_space<hbm>>
        %dma_start3A_386 = arith.constant 0 : i32
        %dma_start3A_387 = arith.constant 0 : i32
        %dma_start3A_388 = tpu.memref_slice %arg15[%and3A_380, %dma_start3A_386, %dma_start3A_387] : memref<9x64x128xf32, #tpu.memory_space<vmem>> -> memref<1x64x128xf32, #tpu.memory_space<vmem>>
        %dma_start3A_389 = tpu.memref_squeeze %dma_start3A_388 : memref<1x64x128xf32, #tpu.memory_space<vmem>> -> memref<64x128xf32, #tpu.memory_space<vmem>>
        %dma_start3A_390 = arith.constant 0 : i32
        %dma_start3A_391 = tpu.memref_slice %arg4[%dma_start3A_390, %multiple_of3A] : memref<64x1000000xf32, #tpu.memory_space<hbm>> -> memref<64x128xf32, #tpu.memory_space<hbm>>
        tpu.enqueue_dma source(%dma_start3A_391 : memref<64x128xf32, #tpu.memory_space<hbm>>) target(%dma_start3A_389 : memref<64x128xf32, #tpu.memory_space<vmem>>) target_semaphore(%arg16 : memref<!tpu.dma_semaphore, #tpu.memory_space<semaphore_mem>>)
      } else {
      }
      %mul3A_319 = arith.constant 4 : i32
      %mul3A_320 = arith.muli %add3A_252, %mul3A_319 : i32
      %add3A_321 = arith.constant 3 : i32
      %add3A_322 = arith.addi %mul3A_320, %add3A_321 : i32
      %lt3A_323 = arith.cmpi slt, %add3A_322, %scan3A_22 : i32
      %min3A_324 = arith.minsi %add3A_322, %scan3A_22 : i32
      %get3A_325 = arith.index_cast %min3A_324 : i32 to index
      %get3A_326 = memref.load %arg7[%get3A_325] : memref<513xi32, #tpu.memory_space<smem>>
      %add3A_327 = arith.constant 16 : i32
      %add3A_328 = arith.addi %add3A_327, %get3A_326 : i32
      %get3A_329 = arith.index_cast %add3A_328 : i32 to index
      %get3A_330 = tpu.vector_load %arg10[%get3A_329] {strides = array<i32>} : memref<544xi32, #tpu.memory_space<vmem>>, vector<16xi32>,
      %slice3A_331 = vector.extract_strided_slice %get3A_330 {offsets = [0], sizes = [1], strides = [1]} : vector<16xi32> to vector<1xi32>
      %squeeze3A_332 = vector.extract %slice3A_331[0] : i32 from vector<1xi32>
      %shift_right_logical3A_333 = arith.constant 7 : i32
      %shift_right_logical3A_334 = arith.shrui %squeeze3A_332, %shift_right_logical3A_333 : i32
      %ne3A_335 = arith.constant 7812 : i32
      %ne3A_336 = arith.cmpi ne, %shift_right_logical3A_334, %ne3A_335 : i32
      %and3A_337 = arith.andi %lt3A_323, %ne3A_336 : i1
      %convert_element_type3A_338 = arith.extui %and3A_337 : i1 to i32
      %cond3A_339 = arith.constant 0 : i32
      %cond3A_340 = arith.cmpi ne, %convert_element_type3A_338, %cond3A_339 : i32
      scf.if %cond3A_340 {
        %mul3A_377 = arith.constant 128 : i32
        %mul3A_378 = arith.muli %shift_right_logical3A_334, %mul3A_377 : i32
        %multiple_of3A = tpu.assume_multiple %mul3A_378, 128 : i32
        %and3A_379 = arith.constant 7 : i32
        %and3A_380 = arith.andi %add3A_322, %and3A_379 : i32
        %dma_start3A = arith.constant 0 : i32
        %dma_start3A_381 = arith.constant 0 : i32
        %dma_start3A_382 = tpu.memref_slice %arg15[%and3A_380, %dma_start3A, %dma_start3A_381] : memref<9x64x128xf32, #tpu.memory_space<vmem>> -> memref<1x64x128xf32, #tpu.memory_space<vmem>>
        %dma_start3A_383 = tpu.memref_squeeze %dma_start3A_382 : memref<1x64x128xf32, #tpu.memory_space<vmem>> -> memref<64x128xf32, #tpu.memory_space<vmem>>
        %dma_start3A_384 = arith.constant 0 : i32
        %dma_start3A_385 = tpu.memref_slice %arg4[%dma_start3A_384, %multiple_of3A] : memref<64x1000000xf32, #tpu.memory_space<hbm>> -> memref<64x128xf32, #tpu.memory_space<hbm>>
        %dma_start3A_386 = arith.constant 0 : i32
        %dma_start3A_387 = arith.constant 0 : i32
        %dma_start3A_388 = tpu.memref_slice %arg15[%and3A_380, %dma_start3A_386, %dma_start3A_387] : memref<9x64x128xf32, #tpu.memory_space<vmem>> -> memref<1x64x128xf32, #tpu.memory_space<vmem>>
        %dma_start3A_389 = tpu.memref_squeeze %dma_start3A_388 : memref<1x64x128xf32, #tpu.memory_space<vmem>> -> memref<64x128xf32, #tpu.memory_space<vmem>>
        %dma_start3A_390 = arith.constant 0 : i32
        %dma_start3A_391 = tpu.memref_slice %arg4[%dma_start3A_390, %multiple_of3A] : memref<64x1000000xf32, #tpu.memory_space<hbm>> -> memref<64x128xf32, #tpu.memory_space<hbm>>
        tpu.enqueue_dma source(%dma_start3A_391 : memref<64x128xf32, #tpu.memory_space<hbm>>) target(%dma_start3A_389 : memref<64x128xf32, #tpu.memory_space<vmem>>) target_semaphore(%arg16 : memref<!tpu.dma_semaphore, #tpu.memory_space<semaphore_mem>>)
      } else {
      }
      %mul3A_341 = arith.constant 4 : i32
      %mul3A_342 = arith.muli %while3A_155, %mul3A_341 : i32
      %min3A_343 = arith.minsi %mul3A_342, %scan3A_22 : i32
      %get3A_344 = arith.index_cast %min3A_343 : i32 to index
      %get3A_345 = memref.load %arg7[%get3A_344] : memref<513xi32, #tpu.memory_space<smem>>
      %add3A_346 = arith.constant 1 : i32
      %add3A_347 = arith.addi %while3A_155, %add3A_346 : i32
      %mul3A_348 = arith.constant 4 : i32
      %mul3A_349 = arith.muli %add3A_347, %mul3A_348 : i32
      %min3A_350 = arith.minsi %mul3A_349, %scan3A_22 : i32
      %get3A_351 = arith.index_cast %min3A_350 : i32 to index
      %get3A_352 = memref.load %arg7[%get3A_351] : memref<513xi32, #tpu.memory_space<smem>>
      %shift_right_logical3A_353 = arith.constant 4 : i32
      %shift_right_logical3A_354 = arith.shrui %get3A_345, %shift_right_logical3A_353 : i32
      %add3A_355 = arith.constant 15 : i32
      %add3A_356 = arith.addi %get3A_352, %add3A_355 : i32
      %shift_right_logical3A_357 = arith.constant 4 : i32
      %shift_right_logical3A_358 = arith.shrui %add3A_356, %shift_right_logical3A_357 : i32
      %while3A_359 = arith.constant 0 : i32
      %while3A_360 = arith.subi %shift_right_logical3A_358, %shift_right_logical3A_354 : i32
      %while3A_361 = arith.addi %shift_right_logical3A_354, %while3A_360 : i32
      %while3A_362 = arith.constant 1 : i32
      %while3A_363 = arith.divsi %while3A_360, %while3A_362 : i32
      %while3A_364 = arith.muli %while3A_363, %while3A_362 : i32
      %while3A_365 = arith.addi %shift_right_logical3A_354, %while3A_364 : i32
      %while3A_366 = arith.constant 1 : i32
      scf.for %while3A_377 = %shift_right_logical3A_354 to %while3A_365 step %while3A_366  : i32 {
        %mul3A_378 = arith.constant 16 : i32
        %mul3A_379 = arith.muli %while3A_377, %mul3A_378 : i32
        %add3A_380 = vector.broadcast %mul3A_379 : i32 to vector<16xi32>
        %add3A_381 = arith.addi %add3A_380, %iota3A : vector<16xi32>
        %ge3A = vector.broadcast %get3A_345 : i32 to vector<16xi32>
        %ge3A_382 = arith.cmpi sge, %add3A_381, %ge3A : vector<16xi32>
        %lt3A_383 = vector.broadcast %get3A_352 : i32 to vector<16xi32>
        %lt3A_384 = arith.cmpi slt, %add3A_381, %lt3A_383 : vector<16xi32>
        %and3A_385 = arith.andi %ge3A_382, %lt3A_384 : vector<16xi1>
        %mul3A_386 = arith.constant 16 : i32
        %mul3A_387 = arith.muli %while3A_377, %mul3A_386 : i32
        %get3A_388 = arith.index_cast %mul3A_387 : i32 to index
        %get3A_389 = tpu.vector_load %arg12[%get3A_388] {strides = array<i32>} : memref<528xi32, #tpu.memory_space<vmem>>, vector<16xi32>,
        %mul3A_390 = arith.constant 16 : i32
        %mul3A_391 = arith.muli %while3A_377, %mul3A_390 : i32
        %get3A_392 = arith.index_cast %mul3A_391 : i32 to index
        %get3A_393 = tpu.vector_load %arg13[%get3A_392] {strides = array<i32>} : memref<528xi32, #tpu.memory_space<vmem>>, vector<16xi32>,
        %mul3A_394 = arith.constant 64 : i32
        %mul3A_395 = vector.broadcast %mul3A_394 : i32 to vector<16xi32>
        %mul3A_396 = arith.muli %add3A_381, %mul3A_395 : vector<16xi32>
        %broadcast_in_dim3A_397 = arith.constant 0 : i32
        %broadcast_in_dim3A_398 = vector.broadcast %broadcast_in_dim3A_397 : i32 to vector<16xi32>
        %gather3A = tpu.vector_load_idx %arg15[%get3A_389, %broadcast_in_dim3A_398, %get3A_393] : memref<9x64x128xf32, #tpu.memory_space<vmem>>[vector<16xi32>, vector<16xi32>, vector<16xi32>], vector<16xf32>,
        %add3A_399 = arith.constant 0 : i32
        %add3A_400 = vector.broadcast %add3A_399 : i32 to vector<16xi32>
        %add3A_401 = arith.addi %mul3A_396, %add3A_400 : vector<16xi32>
        tpu.vector_store_idx %arg14[%add3A_401], %gather3A masked %and3A_385 : memref<32768xf32, #tpu.memory_space<vmem>>[vector<16xi32>], vector<16xf32>, vector<16xi1>
        %broadcast_in_dim3A_402 = arith.constant 1 : i32
        %broadcast_in_dim3A_403 = vector.broadcast %broadcast_in_dim3A_402 : i32 to vector<16xi32>
        %gather3A_404 = tpu.vector_load_idx %arg15[%get3A_389, %broadcast_in_dim3A_403, %get3A_393] : memref<9x64x128xf32, #tpu.memory_space<vmem>>[vector<16xi32>, vector<16xi32>, vector<16xi32>], vector<16xf32>,
        %add3A_405 = arith.constant 1 : i32
        %add3A_406 = vector.broadcast %add3A_405 : i32 to vector<16xi32>
        %add3A_407 = arith.addi %mul3A_396, %add3A_406 : vector<16xi32>
        tpu.vector_store_idx %arg14[%add3A_407], %gather3A_404 masked %and3A_385 : memref<32768xf32, #tpu.memory_space<vmem>>[vector<16xi32>], vector<16xf32>, vector<16xi1>
        %broadcast_in_dim3A_408 = arith.constant 2 : i32
        %broadcast_in_dim3A_409 = vector.broadcast %broadcast_in_dim3A_408 : i32 to vector<16xi32>
        %gather3A_410 = tpu.vector_load_idx %arg15[%get3A_389, %broadcast_in_dim3A_409, %get3A_393] : memref<9x64x128xf32, #tpu.memory_space<vmem>>[vector<16xi32>, vector<16xi32>, vector<16xi32>], vector<16xf32>,
        %add3A_411 = arith.constant 2 : i32
        %add3A_412 = vector.broadcast %add3A_411 : i32 to vector<16xi32>
        %add3A_413 = arith.addi %mul3A_396, %add3A_412 : vector<16xi32>
        tpu.vector_store_idx %arg14[%add3A_413], %gather3A_410 masked %and3A_385 : memref<32768xf32, #tpu.memory_space<vmem>>[vector<16xi32>], vector<16xf32>, vector<16xi1>
        %broadcast_in_dim3A_414 = arith.constant 3 : i32
        %broadcast_in_dim3A_415 = vector.broadcast %broadcast_in_dim3A_414 : i32 to vector<16xi32>
        %gather3A_416 = tpu.vector_load_idx %arg15[%get3A_389, %broadcast_in_dim3A_415, %get3A_393] : memref<9x64x128xf32, #tpu.memory_space<vmem>>[vector<16xi32>, vector<16xi32>, vector<16xi32>], vector<16xf32>,
        %add3A_417 = arith.constant 3 : i32
        %add3A_418 = vector.broadcast %add3A_417 : i32 to vector<16xi32>
        %add3A_419 = arith.addi %mul3A_396, %add3A_418 : vector<16xi32>
        tpu.vector_store_idx %arg14[%add3A_419], %gather3A_416 masked %and3A_385 : memref<32768xf32, #tpu.memory_space<vmem>>[vector<16xi32>], vector<16xf32>, vector<16xi1>
        %broadcast_in_dim3A_420 = arith.constant 4 : i32
        %broadcast_in_dim3A_421 = vector.broadcast %broadcast_in_dim3A_420 : i32 to vector<16xi32>
        %gather3A_422 = tpu.vector_load_idx %arg15[%get3A_389, %broadcast_in_dim3A_421, %get3A_393] : memref<9x64x128xf32, #tpu.memory_space<vmem>>[vector<16xi32>, vector<16xi32>, vector<16xi32>], vector<16xf32>,
        %add3A_423 = arith.constant 4 : i32
        %add3A_424 = vector.broadcast %add3A_423 : i32 to vector<16xi32>
        %add3A_425 = arith.addi %mul3A_396, %add3A_424 : vector<16xi32>
        tpu.vector_store_idx %arg14[%add3A_425], %gather3A_422 masked %and3A_385 : memref<32768xf32, #tpu.memory_space<vmem>>[vector<16xi32>], vector<16xf32>, vector<16xi1>
        %broadcast_in_dim3A_426 = arith.constant 5 : i32
        %broadcast_in_dim3A_427 = vector.broadcast %broadcast_in_dim3A_426 : i32 to vector<16xi32>
        %gather3A_428 = tpu.vector_load_idx %arg15[%get3A_389, %broadcast_in_dim3A_427, %get3A_393] : memref<9x64x128xf32, #tpu.memory_space<vmem>>[vector<16xi32>, vector<16xi32>, vector<16xi32>], vector<16xf32>,
        %add3A_429 = arith.constant 5 : i32
        %add3A_430 = vector.broadcast %add3A_429 : i32 to vector<16xi32>
        %add3A_431 = arith.addi %mul3A_396, %add3A_430 : vector<16xi32>
        tpu.vector_store_idx %arg14[%add3A_431], %gather3A_428 masked %and3A_385 : memref<32768xf32, #tpu.memory_space<vmem>>[vector<16xi32>], vector<16xf32>, vector<16xi1>
        %broadcast_in_dim3A_432 = arith.constant 6 : i32
        %broadcast_in_dim3A_433 = vector.broadcast %broadcast_in_dim3A_432 : i32 to vector<16xi32>
        %gather3A_434 = tpu.vector_load_idx %arg15[%get3A_389, %broadcast_in_dim3A_433, %get3A_393] : memref<9x64x128xf32, #tpu.memory_space<vmem>>[vector<16xi32>, vector<16xi32>, vector<16xi32>], vector<16xf32>,
        %add3A_435 = arith.constant 6 : i32
        %add3A_436 = vector.broadcast %add3A_435 : i32 to vector<16xi32>
        %add3A_437 = arith.addi %mul3A_396, %add3A_436 : vector<16xi32>
        tpu.vector_store_idx %arg14[%add3A_437], %gather3A_434 masked %and3A_385 : memref<32768xf32, #tpu.memory_space<vmem>>[vector<16xi32>], vector<16xf32>, vector<16xi1>
        %broadcast_in_dim3A_438 = arith.constant 7 : i32
        %broadcast_in_dim3A_439 = vector.broadcast %broadcast_in_dim3A_438 : i32 to vector<16xi32>
        %gather3A_440 = tpu.vector_load_idx %arg15[%get3A_389, %broadcast_in_dim3A_439, %get3A_393] : memref<9x64x128xf32, #tpu.memory_space<vmem>>[vector<16xi32>, vector<16xi32>, vector<16xi32>], vector<16xf32>,
        %add3A_441 = arith.constant 7 : i32
        %add3A_442 = vector.broadcast %add3A_441 : i32 to vector<16xi32>
        %add3A_443 = arith.addi %mul3A_396, %add3A_442 : vector<16xi32>
        tpu.vector_store_idx %arg14[%add3A_443], %gather3A_440 masked %and3A_385 : memref<32768xf32, #tpu.memory_space<vmem>>[vector<16xi32>], vector<16xf32>, vector<16xi1>
        %broadcast_in_dim3A_444 = arith.constant 8 : i32
        %broadcast_in_dim3A_445 = vector.broadcast %broadcast_in_dim3A_444 : i32 to vector<16xi32>
        %gather3A_446 = tpu.vector_load_idx %arg15[%get3A_389, %broadcast_in_dim3A_445, %get3A_393] : memref<9x64x128xf32, #tpu.memory_space<vmem>>[vector<16xi32>, vector<16xi32>, vector<16xi32>], vector<16xf32>,
        %add3A_447 = arith.constant 8 : i32
        %add3A_448 = vector.broadcast %add3A_447 : i32 to vector<16xi32>
        %add3A_449 = arith.addi %mul3A_396, %add3A_448 : vector<16xi32>
        tpu.vector_store_idx %arg14[%add3A_449], %gather3A_446 masked %and3A_385 : memref<32768xf32, #tpu.memory_space<vmem>>[vector<16xi32>], vector<16xf32>, vector<16xi1>
        %broadcast_in_dim3A_450 = arith.constant 9 : i32
        %broadcast_in_dim3A_451 = vector.broadcast %broadcast_in_dim3A_450 : i32 to vector<16xi32>
        %gather3A_452 = tpu.vector_load_idx %arg15[%get3A_389, %broadcast_in_dim3A_451, %get3A_393] : memref<9x64x128xf32, #tpu.memory_space<vmem>>[vector<16xi32>, vector<16xi32>, vector<16xi32>], vector<16xf32>,
        %add3A_453 = arith.constant 9 : i32
        %add3A_454 = vector.broadcast %add3A_453 : i32 to vector<16xi32>
        %add3A_455 = arith.addi %mul3A_396, %add3A_454 : vector<16xi32>
        tpu.vector_store_idx %arg14[%add3A_455], %gather3A_452 masked %and3A_385 : memref<32768xf32, #tpu.memory_space<vmem>>[vector<16xi32>], vector<16xf32>, vector<16xi1>
        %broadcast_in_dim3A_456 = arith.constant 10 : i32
        %broadcast_in_dim3A_457 = vector.broadcast %broadcast_in_dim3A_456 : i32 to vector<16xi32>
        %gather3A_458 = tpu.vector_load_idx %arg15[%get3A_389, %broadcast_in_dim3A_457, %get3A_393] : memref<9x64x128xf32, #tpu.memory_space<vmem>>[vector<16xi32>, vector<16xi32>, vector<16xi32>], vector<16xf32>,
        %add3A_459 = arith.constant 10 : i32
        %add3A_460 = vector.broadcast %add3A_459 : i32 to vector<16xi32>
        %add3A_461 = arith.addi %mul3A_396, %add3A_460 : vector<16xi32>
        tpu.vector_store_idx %arg14[%add3A_461], %gather3A_458 masked %and3A_385 : memref<32768xf32, #tpu.memory_space<vmem>>[vector<16xi32>], vector<16xf32>, vector<16xi1>
        %broadcast_in_dim3A_462 = arith.constant 11 : i32
        %broadcast_in_dim3A_463 = vector.broadcast %broadcast_in_dim3A_462 : i32 to vector<16xi32>
        %gather3A_464 = tpu.vector_load_idx %arg15[%get3A_389, %broadcast_in_dim3A_463, %get3A_393] : memref<9x64x128xf32, #tpu.memory_space<vmem>>[vector<16xi32>, vector<16xi32>, vector<16xi32>], vector<16xf32>,
        %add3A_465 = arith.constant 11 : i32
        %add3A_466 = vector.broadcast %add3A_465 : i32 to vector<16xi32>
        %add3A_467 = arith.addi %mul3A_396, %add3A_466 : vector<16xi32>
        tpu.vector_store_idx %arg14[%add3A_467], %gather3A_464 masked %and3A_385 : memref<32768xf32, #tpu.memory_space<vmem>>[vector<16xi32>], vector<16xf32>, vector<16xi1>
        %broadcast_in_dim3A_468 = arith.constant 12 : i32
        %broadcast_in_dim3A_469 = vector.broadcast %broadcast_in_dim3A_468 : i32 to vector<16xi32>
        %gather3A_470 = tpu.vector_load_idx %arg15[%get3A_389, %broadcast_in_dim3A_469, %get3A_393] : memref<9x64x128xf32, #tpu.memory_space<vmem>>[vector<16xi32>, vector<16xi32>, vector<16xi32>], vector<16xf32>,
        %add3A_471 = arith.constant 12 : i32
        %add3A_472 = vector.broadcast %add3A_471 : i32 to vector<16xi32>
        %add3A_473 = arith.addi %mul3A_396, %add3A_472 : vector<16xi32>
        tpu.vector_store_idx %arg14[%add3A_473], %gather3A_470 masked %and3A_385 : memref<32768xf32, #tpu.memory_space<vmem>>[vector<16xi32>], vector<16xf32>, vector<16xi1>
        %broadcast_in_dim3A_474 = arith.constant 13 : i32
        %broadcast_in_dim3A_475 = vector.broadcast %broadcast_in_dim3A_474 : i32 to vector<16xi32>
        %gather3A_476 = tpu.vector_load_idx %arg15[%get3A_389, %broadcast_in_dim3A_475, %get3A_393] : memref<9x64x128xf32, #tpu.memory_space<vmem>>[vector<16xi32>, vector<16xi32>, vector<16xi32>], vector<16xf32>,
        %add3A_477 = arith.constant 13 : i32
        %add3A_478 = vector.broadcast %add3A_477 : i32 to vector<16xi32>
        %add3A_479 = arith.addi %mul3A_396, %add3A_478 : vector<16xi32>
        tpu.vector_store_idx %arg14[%add3A_479], %gather3A_476 masked %and3A_385 : memref<32768xf32, #tpu.memory_space<vmem>>[vector<16xi32>], vector<16xf32>, vector<16xi1>
        %broadcast_in_dim3A_480 = arith.constant 14 : i32
        %broadcast_in_dim3A_481 = vector.broadcast %broadcast_in_dim3A_480 : i32 to vector<16xi32>
        %gather3A_482 = tpu.vector_load_idx %arg15[%get3A_389, %broadcast_in_dim3A_481, %get3A_393] : memref<9x64x128xf32, #tpu.memory_space<vmem>>[vector<16xi32>, vector<16xi32>, vector<16xi32>], vector<16xf32>,
        %add3A_483 = arith.constant 14 : i32
        %add3A_484 = vector.broadcast %add3A_483 : i32 to vector<16xi32>
        %add3A_485 = arith.addi %mul3A_396, %add3A_484 : vector<16xi32>
        tpu.vector_store_idx %arg14[%add3A_485], %gather3A_482 masked %and3A_385 : memref<32768xf32, #tpu.memory_space<vmem>>[vector<16xi32>], vector<16xf32>, vector<16xi1>
        %broadcast_in_dim3A_486 = arith.constant 15 : i32
        %broadcast_in_dim3A_487 = vector.broadcast %broadcast_in_dim3A_486 : i32 to vector<16xi32>
        %gather3A_488 = tpu.vector_load_idx %arg15[%get3A_389, %broadcast_in_dim3A_487, %get3A_393] : memref<9x64x128xf32, #tpu.memory_space<vmem>>[vector<16xi32>, vector<16xi32>, vector<16xi32>], vector<16xf32>,
        %add3A_489 = arith.constant 15 : i32
        %add3A_490 = vector.broadcast %add3A_489 : i32 to vector<16xi32>
        %add3A_491 = arith.addi %mul3A_396, %add3A_490 : vector<16xi32>
        tpu.vector_store_idx %arg14[%add3A_491], %gather3A_488 masked %and3A_385 : memref<32768xf32, #tpu.memory_space<vmem>>[vector<16xi32>], vector<16xf32>, vector<16xi1>
        %broadcast_in_dim3A_492 = arith.constant 16 : i32
        %broadcast_in_dim3A_493 = vector.broadcast %broadcast_in_dim3A_492 : i32 to vector<16xi32>
        %gather3A_494 = tpu.vector_load_idx %arg15[%get3A_389, %broadcast_in_dim3A_493, %get3A_393] : memref<9x64x128xf32, #tpu.memory_space<vmem>>[vector<16xi32>, vector<16xi32>, vector<16xi32>], vector<16xf32>,
        %add3A_495 = arith.constant 16 : i32
        %add3A_496 = vector.broadcast %add3A_495 : i32 to vector<16xi32>
        %add3A_497 = arith.addi %mul3A_396, %add3A_496 : vector<16xi32>
        tpu.vector_store_idx %arg14[%add3A_497], %gather3A_494 masked %and3A_385 : memref<32768xf32, #tpu.memory_space<vmem>>[vector<16xi32>], vector<16xf32>, vector<16xi1>
        %broadcast_in_dim3A_498 = arith.constant 17 : i32
        %broadcast_in_dim3A_499 = vector.broadcast %broadcast_in_dim3A_498 : i32 to vector<16xi32>
        %gather3A_500 = tpu.vector_load_idx %arg15[%get3A_389, %broadcast_in_dim3A_499, %get3A_393] : memref<9x64x128xf32, #tpu.memory_space<vmem>>[vector<16xi32>, vector<16xi32>, vector<16xi32>], vector<16xf32>,
        %add3A_501 = arith.constant 17 : i32
        %add3A_502 = vector.broadcast %add3A_501 : i32 to vector<16xi32>
        %add3A_503 = arith.addi %mul3A_396, %add3A_502 : vector<16xi32>
        tpu.vector_store_idx %arg14[%add3A_503], %gather3A_500 masked %and3A_385 : memref<32768xf32, #tpu.memory_space<vmem>>[vector<16xi32>], vector<16xf32>, vector<16xi1>
        %broadcast_in_dim3A_504 = arith.constant 18 : i32
        %broadcast_in_dim3A_505 = vector.broadcast %broadcast_in_dim3A_504 : i32 to vector<16xi32>
        %gather3A_506 = tpu.vector_load_idx %arg15[%get3A_389, %broadcast_in_dim3A_505, %get3A_393] : memref<9x64x128xf32, #tpu.memory_space<vmem>>[vector<16xi32>, vector<16xi32>, vector<16xi32>], vector<16xf32>,
        %add3A_507 = arith.constant 18 : i32
        %add3A_508 = vector.broadcast %add3A_507 : i32 to vector<16xi32>
        %add3A_509 = arith.addi %mul3A_396, %add3A_508 : vector<16xi32>
        tpu.vector_store_idx %arg14[%add3A_509], %gather3A_506 masked %and3A_385 : memref<32768xf32, #tpu.memory_space<vmem>>[vector<16xi32>], vector<16xf32>, vector<16xi1>
        %broadcast_in_dim3A_510 = arith.constant 19 : i32
        %broadcast_in_dim3A_511 = vector.broadcast %broadcast_in_dim3A_510 : i32 to vector<16xi32>
        %gather3A_512 = tpu.vector_load_idx %arg15[%get3A_389, %broadcast_in_dim3A_511, %get3A_393] : memref<9x64x128xf32, #tpu.memory_space<vmem>>[vector<16xi32>, vector<16xi32>, vector<16xi32>], vector<16xf32>,
        %add3A_513 = arith.constant 19 : i32
        %add3A_514 = vector.broadcast %add3A_513 : i32 to vector<16xi32>
        %add3A_515 = arith.addi %mul3A_396, %add3A_514 : vector<16xi32>
        tpu.vector_store_idx %arg14[%add3A_515], %gather3A_512 masked %and3A_385 : memref<32768xf32, #tpu.memory_space<vmem>>[vector<16xi32>], vector<16xf32>, vector<16xi1>
        %broadcast_in_dim3A_516 = arith.constant 20 : i32
        %broadcast_in_dim3A_517 = vector.broadcast %broadcast_in_dim3A_516 : i32 to vector<16xi32>
        %gather3A_518 = tpu.vector_load_idx %arg15[%get3A_389, %broadcast_in_dim3A_517, %get3A_393] : memref<9x64x128xf32, #tpu.memory_space<vmem>>[vector<16xi32>, vector<16xi32>, vector<16xi32>], vector<16xf32>,
        %add3A_519 = arith.constant 20 : i32
        %add3A_520 = vector.broadcast %add3A_519 : i32 to vector<16xi32>
        %add3A_521 = arith.addi %mul3A_396, %add3A_520 : vector<16xi32>
        tpu.vector_store_idx %arg14[%add3A_521], %gather3A_518 masked %and3A_385 : memref<32768xf32, #tpu.memory_space<vmem>>[vector<16xi32>], vector<16xf32>, vector<16xi1>
        %broadcast_in_dim3A_522 = arith.constant 21 : i32
        %broadcast_in_dim3A_523 = vector.broadcast %broadcast_in_dim3A_522 : i32 to vector<16xi32>
        %gather3A_524 = tpu.vector_load_idx %arg15[%get3A_389, %broadcast_in_dim3A_523, %get3A_393] : memref<9x64x128xf32, #tpu.memory_space<vmem>>[vector<16xi32>, vector<16xi32>, vector<16xi32>], vector<16xf32>,
        %add3A_525 = arith.constant 21 : i32
        %add3A_526 = vector.broadcast %add3A_525 : i32 to vector<16xi32>
        %add3A_527 = arith.addi %mul3A_396, %add3A_526 : vector<16xi32>
        tpu.vector_store_idx %arg14[%add3A_527], %gather3A_524 masked %and3A_385 : memref<32768xf32, #tpu.memory_space<vmem>>[vector<16xi32>], vector<16xf32>, vector<16xi1>
        %broadcast_in_dim3A_528 = arith.constant 22 : i32
        %broadcast_in_dim3A_529 = vector.broadcast %broadcast_in_dim3A_528 : i32 to vector<16xi32>
        %gather3A_530 = tpu.vector_load_idx %arg15[%get3A_389, %broadcast_in_dim3A_529, %get3A_393] : memref<9x64x128xf32, #tpu.memory_space<vmem>>[vector<16xi32>, vector<16xi32>, vector<16xi32>], vector<16xf32>,
        %add3A_531 = arith.constant 22 : i32
        %add3A_532 = vector.broadcast %add3A_531 : i32 to vector<16xi32>
        %add3A_533 = arith.addi %mul3A_396, %add3A_532 : vector<16xi32>
        tpu.vector_store_idx %arg14[%add3A_533], %gather3A_530 masked %and3A_385 : memref<32768xf32, #tpu.memory_space<vmem>>[vector<16xi32>], vector<16xf32>, vector<16xi1>
        %broadcast_in_dim3A_534 = arith.constant 23 : i32
        %broadcast_in_dim3A_535 = vector.broadcast %broadcast_in_dim3A_534 : i32 to vector<16xi32>
        %gather3A_536 = tpu.vector_load_idx %arg15[%get3A_389, %broadcast_in_dim3A_535, %get3A_393] : memref<9x64x128xf32, #tpu.memory_space<vmem>>[vector<16xi32>, vector<16xi32>, vector<16xi32>], vector<16xf32>,
        %add3A_537 = arith.constant 23 : i32
        %add3A_538 = vector.broadcast %add3A_537 : i32 to vector<16xi32>
        %add3A_539 = arith.addi %mul3A_396, %add3A_538 : vector<16xi32>
        tpu.vector_store_idx %arg14[%add3A_539], %gather3A_536 masked %and3A_385 : memref<32768xf32, #tpu.memory_space<vmem>>[vector<16xi32>], vector<16xf32>, vector<16xi1>
        %broadcast_in_dim3A_540 = arith.constant 24 : i32
        %broadcast_in_dim3A_541 = vector.broadcast %broadcast_in_dim3A_540 : i32 to vector<16xi32>
        %gather3A_542 = tpu.vector_load_idx %arg15[%get3A_389, %broadcast_in_dim3A_541, %get3A_393] : memref<9x64x128xf32, #tpu.memory_space<vmem>>[vector<16xi32>, vector<16xi32>, vector<16xi32>], vector<16xf32>,
        %add3A_543 = arith.constant 24 : i32
        %add3A_544 = vector.broadcast %add3A_543 : i32 to vector<16xi32>
        %add3A_545 = arith.addi %mul3A_396, %add3A_544 : vector<16xi32>
        tpu.vector_store_idx %arg14[%add3A_545], %gather3A_542 masked %and3A_385 : memref<32768xf32, #tpu.memory_space<vmem>>[vector<16xi32>], vector<16xf32>, vector<16xi1>
        %broadcast_in_dim3A_546 = arith.constant 25 : i32
        %broadcast_in_dim3A_547 = vector.broadcast %broadcast_in_dim3A_546 : i32 to vector<16xi32>
        %gather3A_548 = tpu.vector_load_idx %arg15[%get3A_389, %broadcast_in_dim3A_547, %get3A_393] : memref<9x64x128xf32, #tpu.memory_space<vmem>>[vector<16xi32>, vector<16xi32>, vector<16xi32>], vector<16xf32>,
        %add3A_549 = arith.constant 25 : i32
        %add3A_550 = vector.broadcast %add3A_549 : i32 to vector<16xi32>
        %add3A_551 = arith.addi %mul3A_396, %add3A_550 : vector<16xi32>
        tpu.vector_store_idx %arg14[%add3A_551], %gather3A_548 masked %and3A_385 : memref<32768xf32, #tpu.memory_space<vmem>>[vector<16xi32>], vector<16xf32>, vector<16xi1>
        %broadcast_in_dim3A_552 = arith.constant 26 : i32
        %broadcast_in_dim3A_553 = vector.broadcast %broadcast_in_dim3A_552 : i32 to vector<16xi32>
        %gather3A_554 = tpu.vector_load_idx %arg15[%get3A_389, %broadcast_in_dim3A_553, %get3A_393] : memref<9x64x128xf32, #tpu.memory_space<vmem>>[vector<16xi32>, vector<16xi32>, vector<16xi32>], vector<16xf32>,
        %add3A_555 = arith.constant 26 : i32
        %add3A_556 = vector.broadcast %add3A_555 : i32 to vector<16xi32>
        %add3A_557 = arith.addi %mul3A_396, %add3A_556 : vector<16xi32>
        tpu.vector_store_idx %arg14[%add3A_557], %gather3A_554 masked %and3A_385 : memref<32768xf32, #tpu.memory_space<vmem>>[vector<16xi32>], vector<16xf32>, vector<16xi1>
        %broadcast_in_dim3A_558 = arith.constant 27 : i32
        %broadcast_in_dim3A_559 = vector.broadcast %broadcast_in_dim3A_558 : i32 to vector<16xi32>
        %gather3A_560 = tpu.vector_load_idx %arg15[%get3A_389, %broadcast_in_dim3A_559, %get3A_393] : memref<9x64x128xf32, #tpu.memory_space<vmem>>[vector<16xi32>, vector<16xi32>, vector<16xi32>], vector<16xf32>,
        %add3A_561 = arith.constant 27 : i32
        %add3A_562 = vector.broadcast %add3A_561 : i32 to vector<16xi32>
        %add3A_563 = arith.addi %mul3A_396, %add3A_562 : vector<16xi32>
        tpu.vector_store_idx %arg14[%add3A_563], %gather3A_560 masked %and3A_385 : memref<32768xf32, #tpu.memory_space<vmem>>[vector<16xi32>], vector<16xf32>, vector<16xi1>
        %broadcast_in_dim3A_564 = arith.constant 28 : i32
        %broadcast_in_dim3A_565 = vector.broadcast %broadcast_in_dim3A_564 : i32 to vector<16xi32>
        %gather3A_566 = tpu.vector_load_idx %arg15[%get3A_389, %broadcast_in_dim3A_565, %get3A_393] : memref<9x64x128xf32, #tpu.memory_space<vmem>>[vector<16xi32>, vector<16xi32>, vector<16xi32>], vector<16xf32>,
        %add3A_567 = arith.constant 28 : i32
        %add3A_568 = vector.broadcast %add3A_567 : i32 to vector<16xi32>
        %add3A_569 = arith.addi %mul3A_396, %add3A_568 : vector<16xi32>
        tpu.vector_store_idx %arg14[%add3A_569], %gather3A_566 masked %and3A_385 : memref<32768xf32, #tpu.memory_space<vmem>>[vector<16xi32>], vector<16xf32>, vector<16xi1>
        %broadcast_in_dim3A_570 = arith.constant 29 : i32
        %broadcast_in_dim3A_571 = vector.broadcast %broadcast_in_dim3A_570 : i32 to vector<16xi32>
        %gather3A_572 = tpu.vector_load_idx %arg15[%get3A_389, %broadcast_in_dim3A_571, %get3A_393] : memref<9x64x128xf32, #tpu.memory_space<vmem>>[vector<16xi32>, vector<16xi32>, vector<16xi32>], vector<16xf32>,
        %add3A_573 = arith.constant 29 : i32
        %add3A_574 = vector.broadcast %add3A_573 : i32 to vector<16xi32>
        %add3A_575 = arith.addi %mul3A_396, %add3A_574 : vector<16xi32>
        tpu.vector_store_idx %arg14[%add3A_575], %gather3A_572 masked %and3A_385 : memref<32768xf32, #tpu.memory_space<vmem>>[vector<16xi32>], vector<16xf32>, vector<16xi1>
        %broadcast_in_dim3A_576 = arith.constant 30 : i32
        %broadcast_in_dim3A_577 = vector.broadcast %broadcast_in_dim3A_576 : i32 to vector<16xi32>
        %gather3A_578 = tpu.vector_load_idx %arg15[%get3A_389, %broadcast_in_dim3A_577, %get3A_393] : memref<9x64x128xf32, #tpu.memory_space<vmem>>[vector<16xi32>, vector<16xi32>, vector<16xi32>], vector<16xf32>,
        %add3A_579 = arith.constant 30 : i32
        %add3A_580 = vector.broadcast %add3A_579 : i32 to vector<16xi32>
        %add3A_581 = arith.addi %mul3A_396, %add3A_580 : vector<16xi32>
        tpu.vector_store_idx %arg14[%add3A_581], %gather3A_578 masked %and3A_385 : memref<32768xf32, #tpu.memory_space<vmem>>[vector<16xi32>], vector<16xf32>, vector<16xi1>
        %broadcast_in_dim3A_582 = arith.constant 31 : i32
        %broadcast_in_dim3A_583 = vector.broadcast %broadcast_in_dim3A_582 : i32 to vector<16xi32>
        %gather3A_584 = tpu.vector_load_idx %arg15[%get3A_389, %broadcast_in_dim3A_583, %get3A_393] : memref<9x64x128xf32, #tpu.memory_space<vmem>>[vector<16xi32>, vector<16xi32>, vector<16xi32>], vector<16xf32>,
        %add3A_585 = arith.constant 31 : i32
        %add3A_586 = vector.broadcast %add3A_585 : i32 to vector<16xi32>
        %add3A_587 = arith.addi %mul3A_396, %add3A_586 : vector<16xi32>
        tpu.vector_store_idx %arg14[%add3A_587], %gather3A_584 masked %and3A_385 : memref<32768xf32, #tpu.memory_space<vmem>>[vector<16xi32>], vector<16xf32>, vector<16xi1>
        %broadcast_in_dim3A_588 = arith.constant 32 : i32
        %broadcast_in_dim3A_589 = vector.broadcast %broadcast_in_dim3A_588 : i32 to vector<16xi32>
        %gather3A_590 = tpu.vector_load_idx %arg15[%get3A_389, %broadcast_in_dim3A_589, %get3A_393] : memref<9x64x128xf32, #tpu.memory_space<vmem>>[vector<16xi32>, vector<16xi32>, vector<16xi32>], vector<16xf32>,
        %add3A_591 = arith.constant 32 : i32
        %add3A_592 = vector.broadcast %add3A_591 : i32 to vector<16xi32>
        %add3A_593 = arith.addi %mul3A_396, %add3A_592 : vector<16xi32>
        tpu.vector_store_idx %arg14[%add3A_593], %gather3A_590 masked %and3A_385 : memref<32768xf32, #tpu.memory_space<vmem>>[vector<16xi32>], vector<16xf32>, vector<16xi1>
        %broadcast_in_dim3A_594 = arith.constant 33 : i32
        %broadcast_in_dim3A_595 = vector.broadcast %broadcast_in_dim3A_594 : i32 to vector<16xi32>
        %gather3A_596 = tpu.vector_load_idx %arg15[%get3A_389, %broadcast_in_dim3A_595, %get3A_393] : memref<9x64x128xf32, #tpu.memory_space<vmem>>[vector<16xi32>, vector<16xi32>, vector<16xi32>], vector<16xf32>,
        %add3A_597 = arith.constant 33 : i32
        %add3A_598 = vector.broadcast %add3A_597 : i32 to vector<16xi32>
        %add3A_599 = arith.addi %mul3A_396, %add3A_598 : vector<16xi32>
        tpu.vector_store_idx %arg14[%add3A_599], %gather3A_596 masked %and3A_385 : memref<32768xf32, #tpu.memory_space<vmem>>[vector<16xi32>], vector<16xf32>, vector<16xi1>
        %broadcast_in_dim3A_600 = arith.constant 34 : i32
        %broadcast_in_dim3A_601 = vector.broadcast %broadcast_in_dim3A_600 : i32 to vector<16xi32>
        %gather3A_602 = tpu.vector_load_idx %arg15[%get3A_389, %broadcast_in_dim3A_601, %get3A_393] : memref<9x64x128xf32, #tpu.memory_space<vmem>>[vector<16xi32>, vector<16xi32>, vector<16xi32>], vector<16xf32>,
        %add3A_603 = arith.constant 34 : i32
        %add3A_604 = vector.broadcast %add3A_603 : i32 to vector<16xi32>
        %add3A_605 = arith.addi %mul3A_396, %add3A_604 : vector<16xi32>
        tpu.vector_store_idx %arg14[%add3A_605], %gather3A_602 masked %and3A_385 : memref<32768xf32, #tpu.memory_space<vmem>>[vector<16xi32>], vector<16xf32>, vector<16xi1>
        %broadcast_in_dim3A_606 = arith.constant 35 : i32
        %broadcast_in_dim3A_607 = vector.broadcast %broadcast_in_dim3A_606 : i32 to vector<16xi32>
        %gather3A_608 = tpu.vector_load_idx %arg15[%get3A_389, %broadcast_in_dim3A_607, %get3A_393] : memref<9x64x128xf32, #tpu.memory_space<vmem>>[vector<16xi32>, vector<16xi32>, vector<16xi32>], vector<16xf32>,
        %add3A_609 = arith.constant 35 : i32
        %add3A_610 = vector.broadcast %add3A_609 : i32 to vector<16xi32>
        %add3A_611 = arith.addi %mul3A_396, %add3A_610 : vector<16xi32>
        tpu.vector_store_idx %arg14[%add3A_611], %gather3A_608 masked %and3A_385 : memref<32768xf32, #tpu.memory_space<vmem>>[vector<16xi32>], vector<16xf32>, vector<16xi1>
        %broadcast_in_dim3A_612 = arith.constant 36 : i32
        %broadcast_in_dim3A_613 = vector.broadcast %broadcast_in_dim3A_612 : i32 to vector<16xi32>
        %gather3A_614 = tpu.vector_load_idx %arg15[%get3A_389, %broadcast_in_dim3A_613, %get3A_393] : memref<9x64x128xf32, #tpu.memory_space<vmem>>[vector<16xi32>, vector<16xi32>, vector<16xi32>], vector<16xf32>,
        %add3A_615 = arith.constant 36 : i32
        %add3A_616 = vector.broadcast %add3A_615 : i32 to vector<16xi32>
        %add3A_617 = arith.addi %mul3A_396, %add3A_616 : vector<16xi32>
        tpu.vector_store_idx %arg14[%add3A_617], %gather3A_614 masked %and3A_385 : memref<32768xf32, #tpu.memory_space<vmem>>[vector<16xi32>], vector<16xf32>, vector<16xi1>
        %broadcast_in_dim3A_618 = arith.constant 37 : i32
        %broadcast_in_dim3A_619 = vector.broadcast %broadcast_in_dim3A_618 : i32 to vector<16xi32>
        %gather3A_620 = tpu.vector_load_idx %arg15[%get3A_389, %broadcast_in_dim3A_619, %get3A_393] : memref<9x64x128xf32, #tpu.memory_space<vmem>>[vector<16xi32>, vector<16xi32>, vector<16xi32>], vector<16xf32>,
        %add3A_621 = arith.constant 37 : i32
        %add3A_622 = vector.broadcast %add3A_621 : i32 to vector<16xi32>
        %add3A_623 = arith.addi %mul3A_396, %add3A_622 : vector<16xi32>
        tpu.vector_store_idx %arg14[%add3A_623], %gather3A_620 masked %and3A_385 : memref<32768xf32, #tpu.memory_space<vmem>>[vector<16xi32>], vector<16xf32>, vector<16xi1>
        %broadcast_in_dim3A_624 = arith.constant 38 : i32
        %broadcast_in_dim3A_625 = vector.broadcast %broadcast_in_dim3A_624 : i32 to vector<16xi32>
        %gather3A_626 = tpu.vector_load_idx %arg15[%get3A_389, %broadcast_in_dim3A_625, %get3A_393] : memref<9x64x128xf32, #tpu.memory_space<vmem>>[vector<16xi32>, vector<16xi32>, vector<16xi32>], vector<16xf32>,
        %add3A_627 = arith.constant 38 : i32
        %add3A_628 = vector.broadcast %add3A_627 : i32 to vector<16xi32>
        %add3A_629 = arith.addi %mul3A_396, %add3A_628 : vector<16xi32>
        tpu.vector_store_idx %arg14[%add3A_629], %gather3A_626 masked %and3A_385 : memref<32768xf32, #tpu.memory_space<vmem>>[vector<16xi32>], vector<16xf32>, vector<16xi1>
        %broadcast_in_dim3A_630 = arith.constant 39 : i32
        %broadcast_in_dim3A_631 = vector.broadcast %broadcast_in_dim3A_630 : i32 to vector<16xi32>
        %gather3A_632 = tpu.vector_load_idx %arg15[%get3A_389, %broadcast_in_dim3A_631, %get3A_393] : memref<9x64x128xf32, #tpu.memory_space<vmem>>[vector<16xi32>, vector<16xi32>, vector<16xi32>], vector<16xf32>,
        %add3A_633 = arith.constant 39 : i32
        %add3A_634 = vector.broadcast %add3A_633 : i32 to vector<16xi32>
        %add3A_635 = arith.addi %mul3A_396, %add3A_634 : vector<16xi32>
        tpu.vector_store_idx %arg14[%add3A_635], %gather3A_632 masked %and3A_385 : memref<32768xf32, #tpu.memory_space<vmem>>[vector<16xi32>], vector<16xf32>, vector<16xi1>
        %broadcast_in_dim3A_636 = arith.constant 40 : i32
        %broadcast_in_dim3A_637 = vector.broadcast %broadcast_in_dim3A_636 : i32 to vector<16xi32>
        %gather3A_638 = tpu.vector_load_idx %arg15[%get3A_389, %broadcast_in_dim3A_637, %get3A_393] : memref<9x64x128xf32, #tpu.memory_space<vmem>>[vector<16xi32>, vector<16xi32>, vector<16xi32>], vector<16xf32>,
        %add3A_639 = arith.constant 40 : i32
        %add3A_640 = vector.broadcast %add3A_639 : i32 to vector<16xi32>
        %add3A_641 = arith.addi %mul3A_396, %add3A_640 : vector<16xi32>
        tpu.vector_store_idx %arg14[%add3A_641], %gather3A_638 masked %and3A_385 : memref<32768xf32, #tpu.memory_space<vmem>>[vector<16xi32>], vector<16xf32>, vector<16xi1>
        %broadcast_in_dim3A_642 = arith.constant 41 : i32
        %broadcast_in_dim3A_643 = vector.broadcast %broadcast_in_dim3A_642 : i32 to vector<16xi32>
        %gather3A_644 = tpu.vector_load_idx %arg15[%get3A_389, %broadcast_in_dim3A_643, %get3A_393] : memref<9x64x128xf32, #tpu.memory_space<vmem>>[vector<16xi32>, vector<16xi32>, vector<16xi32>], vector<16xf32>,
        %add3A_645 = arith.constant 41 : i32
        %add3A_646 = vector.broadcast %add3A_645 : i32 to vector<16xi32>
        %add3A_647 = arith.addi %mul3A_396, %add3A_646 : vector<16xi32>
        tpu.vector_store_idx %arg14[%add3A_647], %gather3A_644 masked %and3A_385 : memref<32768xf32, #tpu.memory_space<vmem>>[vector<16xi32>], vector<16xf32>, vector<16xi1>
        %broadcast_in_dim3A_648 = arith.constant 42 : i32
        %broadcast_in_dim3A_649 = vector.broadcast %broadcast_in_dim3A_648 : i32 to vector<16xi32>
        %gather3A_650 = tpu.vector_load_idx %arg15[%get3A_389, %broadcast_in_dim3A_649, %get3A_393] : memref<9x64x128xf32, #tpu.memory_space<vmem>>[vector<16xi32>, vector<16xi32>, vector<16xi32>], vector<16xf32>,
        %add3A_651 = arith.constant 42 : i32
        %add3A_652 = vector.broadcast %add3A_651 : i32 to vector<16xi32>
        %add3A_653 = arith.addi %mul3A_396, %add3A_652 : vector<16xi32>
        tpu.vector_store_idx %arg14[%add3A_653], %gather3A_650 masked %and3A_385 : memref<32768xf32, #tpu.memory_space<vmem>>[vector<16xi32>], vector<16xf32>, vector<16xi1>
        %broadcast_in_dim3A_654 = arith.constant 43 : i32
        %broadcast_in_dim3A_655 = vector.broadcast %broadcast_in_dim3A_654 : i32 to vector<16xi32>
        %gather3A_656 = tpu.vector_load_idx %arg15[%get3A_389, %broadcast_in_dim3A_655, %get3A_393] : memref<9x64x128xf32, #tpu.memory_space<vmem>>[vector<16xi32>, vector<16xi32>, vector<16xi32>], vector<16xf32>,
        %add3A_657 = arith.constant 43 : i32
        %add3A_658 = vector.broadcast %add3A_657 : i32 to vector<16xi32>
        %add3A_659 = arith.addi %mul3A_396, %add3A_658 : vector<16xi32>
        tpu.vector_store_idx %arg14[%add3A_659], %gather3A_656 masked %and3A_385 : memref<32768xf32, #tpu.memory_space<vmem>>[vector<16xi32>], vector<16xf32>, vector<16xi1>
        %broadcast_in_dim3A_660 = arith.constant 44 : i32
        %broadcast_in_dim3A_661 = vector.broadcast %broadcast_in_dim3A_660 : i32 to vector<16xi32>
        %gather3A_662 = tpu.vector_load_idx %arg15[%get3A_389, %broadcast_in_dim3A_661, %get3A_393] : memref<9x64x128xf32, #tpu.memory_space<vmem>>[vector<16xi32>, vector<16xi32>, vector<16xi32>], vector<16xf32>,
        %add3A_663 = arith.constant 44 : i32
        %add3A_664 = vector.broadcast %add3A_663 : i32 to vector<16xi32>
        %add3A_665 = arith.addi %mul3A_396, %add3A_664 : vector<16xi32>
        tpu.vector_store_idx %arg14[%add3A_665], %gather3A_662 masked %and3A_385 : memref<32768xf32, #tpu.memory_space<vmem>>[vector<16xi32>], vector<16xf32>, vector<16xi1>
        %broadcast_in_dim3A_666 = arith.constant 45 : i32
        %broadcast_in_dim3A_667 = vector.broadcast %broadcast_in_dim3A_666 : i32 to vector<16xi32>
        %gather3A_668 = tpu.vector_load_idx %arg15[%get3A_389, %broadcast_in_dim3A_667, %get3A_393] : memref<9x64x128xf32, #tpu.memory_space<vmem>>[vector<16xi32>, vector<16xi32>, vector<16xi32>], vector<16xf32>,
        %add3A_669 = arith.constant 45 : i32
        %add3A_670 = vector.broadcast %add3A_669 : i32 to vector<16xi32>
        %add3A_671 = arith.addi %mul3A_396, %add3A_670 : vector<16xi32>
        tpu.vector_store_idx %arg14[%add3A_671], %gather3A_668 masked %and3A_385 : memref<32768xf32, #tpu.memory_space<vmem>>[vector<16xi32>], vector<16xf32>, vector<16xi1>
        %broadcast_in_dim3A_672 = arith.constant 46 : i32
        %broadcast_in_dim3A_673 = vector.broadcast %broadcast_in_dim3A_672 : i32 to vector<16xi32>
        %gather3A_674 = tpu.vector_load_idx %arg15[%get3A_389, %broadcast_in_dim3A_673, %get3A_393] : memref<9x64x128xf32, #tpu.memory_space<vmem>>[vector<16xi32>, vector<16xi32>, vector<16xi32>], vector<16xf32>,
        %add3A_675 = arith.constant 46 : i32
        %add3A_676 = vector.broadcast %add3A_675 : i32 to vector<16xi32>
        %add3A_677 = arith.addi %mul3A_396, %add3A_676 : vector<16xi32>
        tpu.vector_store_idx %arg14[%add3A_677], %gather3A_674 masked %and3A_385 : memref<32768xf32, #tpu.memory_space<vmem>>[vector<16xi32>], vector<16xf32>, vector<16xi1>
        %broadcast_in_dim3A_678 = arith.constant 47 : i32
        %broadcast_in_dim3A_679 = vector.broadcast %broadcast_in_dim3A_678 : i32 to vector<16xi32>
        %gather3A_680 = tpu.vector_load_idx %arg15[%get3A_389, %broadcast_in_dim3A_679, %get3A_393] : memref<9x64x128xf32, #tpu.memory_space<vmem>>[vector<16xi32>, vector<16xi32>, vector<16xi32>], vector<16xf32>,
        %add3A_681 = arith.constant 47 : i32
        %add3A_682 = vector.broadcast %add3A_681 : i32 to vector<16xi32>
        %add3A_683 = arith.addi %mul3A_396, %add3A_682 : vector<16xi32>
        tpu.vector_store_idx %arg14[%add3A_683], %gather3A_680 masked %and3A_385 : memref<32768xf32, #tpu.memory_space<vmem>>[vector<16xi32>], vector<16xf32>, vector<16xi1>
        %broadcast_in_dim3A_684 = arith.constant 48 : i32
        %broadcast_in_dim3A_685 = vector.broadcast %broadcast_in_dim3A_684 : i32 to vector<16xi32>
        %gather3A_686 = tpu.vector_load_idx %arg15[%get3A_389, %broadcast_in_dim3A_685, %get3A_393] : memref<9x64x128xf32, #tpu.memory_space<vmem>>[vector<16xi32>, vector<16xi32>, vector<16xi32>], vector<16xf32>,
        %add3A_687 = arith.constant 48 : i32
        %add3A_688 = vector.broadcast %add3A_687 : i32 to vector<16xi32>
        %add3A_689 = arith.addi %mul3A_396, %add3A_688 : vector<16xi32>
        tpu.vector_store_idx %arg14[%add3A_689], %gather3A_686 masked %and3A_385 : memref<32768xf32, #tpu.memory_space<vmem>>[vector<16xi32>], vector<16xf32>, vector<16xi1>
        %broadcast_in_dim3A_690 = arith.constant 49 : i32
        %broadcast_in_dim3A_691 = vector.broadcast %broadcast_in_dim3A_690 : i32 to vector<16xi32>
        %gather3A_692 = tpu.vector_load_idx %arg15[%get3A_389, %broadcast_in_dim3A_691, %get3A_393] : memref<9x64x128xf32, #tpu.memory_space<vmem>>[vector<16xi32>, vector<16xi32>, vector<16xi32>], vector<16xf32>,
        %add3A_693 = arith.constant 49 : i32
        %add3A_694 = vector.broadcast %add3A_693 : i32 to vector<16xi32>
        %add3A_695 = arith.addi %mul3A_396, %add3A_694 : vector<16xi32>
        tpu.vector_store_idx %arg14[%add3A_695], %gather3A_692 masked %and3A_385 : memref<32768xf32, #tpu.memory_space<vmem>>[vector<16xi32>], vector<16xf32>, vector<16xi1>
        %broadcast_in_dim3A_696 = arith.constant 50 : i32
        %broadcast_in_dim3A_697 = vector.broadcast %broadcast_in_dim3A_696 : i32 to vector<16xi32>
        %gather3A_698 = tpu.vector_load_idx %arg15[%get3A_389, %broadcast_in_dim3A_697, %get3A_393] : memref<9x64x128xf32, #tpu.memory_space<vmem>>[vector<16xi32>, vector<16xi32>, vector<16xi32>], vector<16xf32>,
        %add3A_699 = arith.constant 50 : i32
        %add3A_700 = vector.broadcast %add3A_699 : i32 to vector<16xi32>
        %add3A_701 = arith.addi %mul3A_396, %add3A_700 : vector<16xi32>
        tpu.vector_store_idx %arg14[%add3A_701], %gather3A_698 masked %and3A_385 : memref<32768xf32, #tpu.memory_space<vmem>>[vector<16xi32>], vector<16xf32>, vector<16xi1>
        %broadcast_in_dim3A_702 = arith.constant 51 : i32
        %broadcast_in_dim3A_703 = vector.broadcast %broadcast_in_dim3A_702 : i32 to vector<16xi32>
        %gather3A_704 = tpu.vector_load_idx %arg15[%get3A_389, %broadcast_in_dim3A_703, %get3A_393] : memref<9x64x128xf32, #tpu.memory_space<vmem>>[vector<16xi32>, vector<16xi32>, vector<16xi32>], vector<16xf32>,
        %add3A_705 = arith.constant 51 : i32
        %add3A_706 = vector.broadcast %add3A_705 : i32 to vector<16xi32>
        %add3A_707 = arith.addi %mul3A_396, %add3A_706 : vector<16xi32>
        tpu.vector_store_idx %arg14[%add3A_707], %gather3A_704 masked %and3A_385 : memref<32768xf32, #tpu.memory_space<vmem>>[vector<16xi32>], vector<16xf32>, vector<16xi1>
        %broadcast_in_dim3A_708 = arith.constant 52 : i32
        %broadcast_in_dim3A_709 = vector.broadcast %broadcast_in_dim3A_708 : i32 to vector<16xi32>
        %gather3A_710 = tpu.vector_load_idx %arg15[%get3A_389, %broadcast_in_dim3A_709, %get3A_393] : memref<9x64x128xf32, #tpu.memory_space<vmem>>[vector<16xi32>, vector<16xi32>, vector<16xi32>], vector<16xf32>,
        %add3A_711 = arith.constant 52 : i32
        %add3A_712 = vector.broadcast %add3A_711 : i32 to vector<16xi32>
        %add3A_713 = arith.addi %mul3A_396, %add3A_712 : vector<16xi32>
        tpu.vector_store_idx %arg14[%add3A_713], %gather3A_710 masked %and3A_385 : memref<32768xf32, #tpu.memory_space<vmem>>[vector<16xi32>], vector<16xf32>, vector<16xi1>
        %broadcast_in_dim3A_714 = arith.constant 53 : i32
        %broadcast_in_dim3A_715 = vector.broadcast %broadcast_in_dim3A_714 : i32 to vector<16xi32>
        %gather3A_716 = tpu.vector_load_idx %arg15[%get3A_389, %broadcast_in_dim3A_715, %get3A_393] : memref<9x64x128xf32, #tpu.memory_space<vmem>>[vector<16xi32>, vector<16xi32>, vector<16xi32>], vector<16xf32>,
        %add3A_717 = arith.constant 53 : i32
        %add3A_718 = vector.broadcast %add3A_717 : i32 to vector<16xi32>
        %add3A_719 = arith.addi %mul3A_396, %add3A_718 : vector<16xi32>
        tpu.vector_store_idx %arg14[%add3A_719], %gather3A_716 masked %and3A_385 : memref<32768xf32, #tpu.memory_space<vmem>>[vector<16xi32>], vector<16xf32>, vector<16xi1>
        %broadcast_in_dim3A_720 = arith.constant 54 : i32
        %broadcast_in_dim3A_721 = vector.broadcast %broadcast_in_dim3A_720 : i32 to vector<16xi32>
        %gather3A_722 = tpu.vector_load_idx %arg15[%get3A_389, %broadcast_in_dim3A_721, %get3A_393] : memref<9x64x128xf32, #tpu.memory_space<vmem>>[vector<16xi32>, vector<16xi32>, vector<16xi32>], vector<16xf32>,
        %add3A_723 = arith.constant 54 : i32
        %add3A_724 = vector.broadcast %add3A_723 : i32 to vector<16xi32>
        %add3A_725 = arith.addi %mul3A_396, %add3A_724 : vector<16xi32>
        tpu.vector_store_idx %arg14[%add3A_725], %gather3A_722 masked %and3A_385 : memref<32768xf32, #tpu.memory_space<vmem>>[vector<16xi32>], vector<16xf32>, vector<16xi1>
        %broadcast_in_dim3A_726 = arith.constant 55 : i32
        %broadcast_in_dim3A_727 = vector.broadcast %broadcast_in_dim3A_726 : i32 to vector<16xi32>
        %gather3A_728 = tpu.vector_load_idx %arg15[%get3A_389, %broadcast_in_dim3A_727, %get3A_393] : memref<9x64x128xf32, #tpu.memory_space<vmem>>[vector<16xi32>, vector<16xi32>, vector<16xi32>], vector<16xf32>,
        %add3A_729 = arith.constant 55 : i32
        %add3A_730 = vector.broadcast %add3A_729 : i32 to vector<16xi32>
        %add3A_731 = arith.addi %mul3A_396, %add3A_730 : vector<16xi32>
        tpu.vector_store_idx %arg14[%add3A_731], %gather3A_728 masked %and3A_385 : memref<32768xf32, #tpu.memory_space<vmem>>[vector<16xi32>], vector<16xf32>, vector<16xi1>
        %broadcast_in_dim3A_732 = arith.constant 56 : i32
        %broadcast_in_dim3A_733 = vector.broadcast %broadcast_in_dim3A_732 : i32 to vector<16xi32>
        %gather3A_734 = tpu.vector_load_idx %arg15[%get3A_389, %broadcast_in_dim3A_733, %get3A_393] : memref<9x64x128xf32, #tpu.memory_space<vmem>>[vector<16xi32>, vector<16xi32>, vector<16xi32>], vector<16xf32>,
        %add3A_735 = arith.constant 56 : i32
        %add3A_736 = vector.broadcast %add3A_735 : i32 to vector<16xi32>
        %add3A_737 = arith.addi %mul3A_396, %add3A_736 : vector<16xi32>
        tpu.vector_store_idx %arg14[%add3A_737], %gather3A_734 masked %and3A_385 : memref<32768xf32, #tpu.memory_space<vmem>>[vector<16xi32>], vector<16xf32>, vector<16xi1>
        %broadcast_in_dim3A_738 = arith.constant 57 : i32
        %broadcast_in_dim3A_739 = vector.broadcast %broadcast_in_dim3A_738 : i32 to vector<16xi32>
        %gather3A_740 = tpu.vector_load_idx %arg15[%get3A_389, %broadcast_in_dim3A_739, %get3A_393] : memref<9x64x128xf32, #tpu.memory_space<vmem>>[vector<16xi32>, vector<16xi32>, vector<16xi32>], vector<16xf32>,
        %add3A_741 = arith.constant 57 : i32
        %add3A_742 = vector.broadcast %add3A_741 : i32 to vector<16xi32>
        %add3A_743 = arith.addi %mul3A_396, %add3A_742 : vector<16xi32>
        tpu.vector_store_idx %arg14[%add3A_743], %gather3A_740 masked %and3A_385 : memref<32768xf32, #tpu.memory_space<vmem>>[vector<16xi32>], vector<16xf32>, vector<16xi1>
        %broadcast_in_dim3A_744 = arith.constant 58 : i32
        %broadcast_in_dim3A_745 = vector.broadcast %broadcast_in_dim3A_744 : i32 to vector<16xi32>
        %gather3A_746 = tpu.vector_load_idx %arg15[%get3A_389, %broadcast_in_dim3A_745, %get3A_393] : memref<9x64x128xf32, #tpu.memory_space<vmem>>[vector<16xi32>, vector<16xi32>, vector<16xi32>], vector<16xf32>,
        %add3A_747 = arith.constant 58 : i32
        %add3A_748 = vector.broadcast %add3A_747 : i32 to vector<16xi32>
        %add3A_749 = arith.addi %mul3A_396, %add3A_748 : vector<16xi32>
        tpu.vector_store_idx %arg14[%add3A_749], %gather3A_746 masked %and3A_385 : memref<32768xf32, #tpu.memory_space<vmem>>[vector<16xi32>], vector<16xf32>, vector<16xi1>
        %broadcast_in_dim3A_750 = arith.constant 59 : i32
        %broadcast_in_dim3A_751 = vector.broadcast %broadcast_in_dim3A_750 : i32 to vector<16xi32>
        %gather3A_752 = tpu.vector_load_idx %arg15[%get3A_389, %broadcast_in_dim3A_751, %get3A_393] : memref<9x64x128xf32, #tpu.memory_space<vmem>>[vector<16xi32>, vector<16xi32>, vector<16xi32>], vector<16xf32>,
        %add3A_753 = arith.constant 59 : i32
        %add3A_754 = vector.broadcast %add3A_753 : i32 to vector<16xi32>
        %add3A_755 = arith.addi %mul3A_396, %add3A_754 : vector<16xi32>
        tpu.vector_store_idx %arg14[%add3A_755], %gather3A_752 masked %and3A_385 : memref<32768xf32, #tpu.memory_space<vmem>>[vector<16xi32>], vector<16xf32>, vector<16xi1>
        %broadcast_in_dim3A_756 = arith.constant 60 : i32
        %broadcast_in_dim3A_757 = vector.broadcast %broadcast_in_dim3A_756 : i32 to vector<16xi32>
        %gather3A_758 = tpu.vector_load_idx %arg15[%get3A_389, %broadcast_in_dim3A_757, %get3A_393] : memref<9x64x128xf32, #tpu.memory_space<vmem>>[vector<16xi32>, vector<16xi32>, vector<16xi32>], vector<16xf32>,
        %add3A_759 = arith.constant 60 : i32
        %add3A_760 = vector.broadcast %add3A_759 : i32 to vector<16xi32>
        %add3A_761 = arith.addi %mul3A_396, %add3A_760 : vector<16xi32>
        tpu.vector_store_idx %arg14[%add3A_761], %gather3A_758 masked %and3A_385 : memref<32768xf32, #tpu.memory_space<vmem>>[vector<16xi32>], vector<16xf32>, vector<16xi1>
        %broadcast_in_dim3A_762 = arith.constant 61 : i32
        %broadcast_in_dim3A_763 = vector.broadcast %broadcast_in_dim3A_762 : i32 to vector<16xi32>
        %gather3A_764 = tpu.vector_load_idx %arg15[%get3A_389, %broadcast_in_dim3A_763, %get3A_393] : memref<9x64x128xf32, #tpu.memory_space<vmem>>[vector<16xi32>, vector<16xi32>, vector<16xi32>], vector<16xf32>,
        %add3A_765 = arith.constant 61 : i32
        %add3A_766 = vector.broadcast %add3A_765 : i32 to vector<16xi32>
        %add3A_767 = arith.addi %mul3A_396, %add3A_766 : vector<16xi32>
        tpu.vector_store_idx %arg14[%add3A_767], %gather3A_764 masked %and3A_385 : memref<32768xf32, #tpu.memory_space<vmem>>[vector<16xi32>], vector<16xf32>, vector<16xi1>
        %broadcast_in_dim3A_768 = arith.constant 62 : i32
        %broadcast_in_dim3A_769 = vector.broadcast %broadcast_in_dim3A_768 : i32 to vector<16xi32>
        %gather3A_770 = tpu.vector_load_idx %arg15[%get3A_389, %broadcast_in_dim3A_769, %get3A_393] : memref<9x64x128xf32, #tpu.memory_space<vmem>>[vector<16xi32>, vector<16xi32>, vector<16xi32>], vector<16xf32>,
        %add3A_771 = arith.constant 62 : i32
        %add3A_772 = vector.broadcast %add3A_771 : i32 to vector<16xi32>
        %add3A_773 = arith.addi %mul3A_396, %add3A_772 : vector<16xi32>
        tpu.vector_store_idx %arg14[%add3A_773], %gather3A_770 masked %and3A_385 : memref<32768xf32, #tpu.memory_space<vmem>>[vector<16xi32>], vector<16xf32>, vector<16xi1>
        %broadcast_in_dim3A_774 = arith.constant 63 : i32
        %broadcast_in_dim3A_775 = vector.broadcast %broadcast_in_dim3A_774 : i32 to vector<16xi32>
        %gather3A_776 = tpu.vector_load_idx %arg15[%get3A_389, %broadcast_in_dim3A_775, %get3A_393] : memref<9x64x128xf32, #tpu.memory_space<vmem>>[vector<16xi32>, vector<16xi32>, vector<16xi32>], vector<16xf32>,
        %add3A_777 = arith.constant 63 : i32
        %add3A_778 = vector.broadcast %add3A_777 : i32 to vector<16xi32>
        %add3A_779 = arith.addi %mul3A_396, %add3A_778 : vector<16xi32>
        tpu.vector_store_idx %arg14[%add3A_779], %gather3A_776 masked %and3A_385 : memref<32768xf32, #tpu.memory_space<vmem>>[vector<16xi32>], vector<16xf32>, vector<16xi1>
      }
      %while3A_367 = arith.constant 1 : i32
      scf.for %while3A_377 = %while3A_365 to %while3A_361 step %while3A_367  : i32 {
        %mul3A_378 = arith.constant 16 : i32
        %mul3A_379 = arith.muli %while3A_377, %mul3A_378 : i32
        %add3A_380 = vector.broadcast %mul3A_379 : i32 to vector<16xi32>
        %add3A_381 = arith.addi %add3A_380, %iota3A : vector<16xi32>
        %ge3A = vector.broadcast %get3A_345 : i32 to vector<16xi32>
        %ge3A_382 = arith.cmpi sge, %add3A_381, %ge3A : vector<16xi32>
        %lt3A_383 = vector.broadcast %get3A_352 : i32 to vector<16xi32>
        %lt3A_384 = arith.cmpi slt, %add3A_381, %lt3A_383 : vector<16xi32>
        %and3A_385 = arith.andi %ge3A_382, %lt3A_384 : vector<16xi1>
        %mul3A_386 = arith.constant 16 : i32
        %mul3A_387 = arith.muli %while3A_377, %mul3A_386 : i32
        %get3A_388 = arith.index_cast %mul3A_387 : i32 to index
        %get3A_389 = tpu.vector_load %arg12[%get3A_388] {strides = array<i32>} : memref<528xi32, #tpu.memory_space<vmem>>, vector<16xi32>,
        %mul3A_390 = arith.constant 16 : i32
        %mul3A_391 = arith.muli %while3A_377, %mul3A_390 : i32
        %get3A_392 = arith.index_cast %mul3A_391 : i32 to index
        %get3A_393 = tpu.vector_load %arg13[%get3A_392] {strides = array<i32>} : memref<528xi32, #tpu.memory_space<vmem>>, vector<16xi32>,
        %mul3A_394 = arith.constant 64 : i32
        %mul3A_395 = vector.broadcast %mul3A_394 : i32 to vector<16xi32>
        %mul3A_396 = arith.muli %add3A_381, %mul3A_395 : vector<16xi32>
        %broadcast_in_dim3A_397 = arith.constant 0 : i32
        %broadcast_in_dim3A_398 = vector.broadcast %broadcast_in_dim3A_397 : i32 to vector<16xi32>
        %gather3A = tpu.vector_load_idx %arg15[%get3A_389, %broadcast_in_dim3A_398, %get3A_393] : memref<9x64x128xf32, #tpu.memory_space<vmem>>[vector<16xi32>, vector<16xi32>, vector<16xi32>], vector<16xf32>,
        %add3A_399 = arith.constant 0 : i32
        %add3A_400 = vector.broadcast %add3A_399 : i32 to vector<16xi32>
        %add3A_401 = arith.addi %mul3A_396, %add3A_400 : vector<16xi32>
        tpu.vector_store_idx %arg14[%add3A_401], %gather3A masked %and3A_385 : memref<32768xf32, #tpu.memory_space<vmem>>[vector<16xi32>], vector<16xf32>, vector<16xi1>
        %broadcast_in_dim3A_402 = arith.constant 1 : i32
        %broadcast_in_dim3A_403 = vector.broadcast %broadcast_in_dim3A_402 : i32 to vector<16xi32>
        %gather3A_404 = tpu.vector_load_idx %arg15[%get3A_389, %broadcast_in_dim3A_403, %get3A_393] : memref<9x64x128xf32, #tpu.memory_space<vmem>>[vector<16xi32>, vector<16xi32>, vector<16xi32>], vector<16xf32>,
        %add3A_405 = arith.constant 1 : i32
        %add3A_406 = vector.broadcast %add3A_405 : i32 to vector<16xi32>
        %add3A_407 = arith.addi %mul3A_396, %add3A_406 : vector<16xi32>
        tpu.vector_store_idx %arg14[%add3A_407], %gather3A_404 masked %and3A_385 : memref<32768xf32, #tpu.memory_space<vmem>>[vector<16xi32>], vector<16xf32>, vector<16xi1>
        %broadcast_in_dim3A_408 = arith.constant 2 : i32
        %broadcast_in_dim3A_409 = vector.broadcast %broadcast_in_dim3A_408 : i32 to vector<16xi32>
        %gather3A_410 = tpu.vector_load_idx %arg15[%get3A_389, %broadcast_in_dim3A_409, %get3A_393] : memref<9x64x128xf32, #tpu.memory_space<vmem>>[vector<16xi32>, vector<16xi32>, vector<16xi32>], vector<16xf32>,
        %add3A_411 = arith.constant 2 : i32
        %add3A_412 = vector.broadcast %add3A_411 : i32 to vector<16xi32>
        %add3A_413 = arith.addi %mul3A_396, %add3A_412 : vector<16xi32>
        tpu.vector_store_idx %arg14[%add3A_413], %gather3A_410 masked %and3A_385 : memref<32768xf32, #tpu.memory_space<vmem>>[vector<16xi32>], vector<16xf32>, vector<16xi1>
        %broadcast_in_dim3A_414 = arith.constant 3 : i32
        %broadcast_in_dim3A_415 = vector.broadcast %broadcast_in_dim3A_414 : i32 to vector<16xi32>
        %gather3A_416 = tpu.vector_load_idx %arg15[%get3A_389, %broadcast_in_dim3A_415, %get3A_393] : memref<9x64x128xf32, #tpu.memory_space<vmem>>[vector<16xi32>, vector<16xi32>, vector<16xi32>], vector<16xf32>,
        %add3A_417 = arith.constant 3 : i32
        %add3A_418 = vector.broadcast %add3A_417 : i32 to vector<16xi32>
        %add3A_419 = arith.addi %mul3A_396, %add3A_418 : vector<16xi32>
        tpu.vector_store_idx %arg14[%add3A_419], %gather3A_416 masked %and3A_385 : memref<32768xf32, #tpu.memory_space<vmem>>[vector<16xi32>], vector<16xf32>, vector<16xi1>
        %broadcast_in_dim3A_420 = arith.constant 4 : i32
        %broadcast_in_dim3A_421 = vector.broadcast %broadcast_in_dim3A_420 : i32 to vector<16xi32>
        %gather3A_422 = tpu.vector_load_idx %arg15[%get3A_389, %broadcast_in_dim3A_421, %get3A_393] : memref<9x64x128xf32, #tpu.memory_space<vmem>>[vector<16xi32>, vector<16xi32>, vector<16xi32>], vector<16xf32>,
        %add3A_423 = arith.constant 4 : i32
        %add3A_424 = vector.broadcast %add3A_423 : i32 to vector<16xi32>
        %add3A_425 = arith.addi %mul3A_396, %add3A_424 : vector<16xi32>
        tpu.vector_store_idx %arg14[%add3A_425], %gather3A_422 masked %and3A_385 : memref<32768xf32, #tpu.memory_space<vmem>>[vector<16xi32>], vector<16xf32>, vector<16xi1>
        %broadcast_in_dim3A_426 = arith.constant 5 : i32
        %broadcast_in_dim3A_427 = vector.broadcast %broadcast_in_dim3A_426 : i32 to vector<16xi32>
        %gather3A_428 = tpu.vector_load_idx %arg15[%get3A_389, %broadcast_in_dim3A_427, %get3A_393] : memref<9x64x128xf32, #tpu.memory_space<vmem>>[vector<16xi32>, vector<16xi32>, vector<16xi32>], vector<16xf32>,
        %add3A_429 = arith.constant 5 : i32
        %add3A_430 = vector.broadcast %add3A_429 : i32 to vector<16xi32>
        %add3A_431 = arith.addi %mul3A_396, %add3A_430 : vector<16xi32>
        tpu.vector_store_idx %arg14[%add3A_431], %gather3A_428 masked %and3A_385 : memref<32768xf32, #tpu.memory_space<vmem>>[vector<16xi32>], vector<16xf32>, vector<16xi1>
        %broadcast_in_dim3A_432 = arith.constant 6 : i32
        %broadcast_in_dim3A_433 = vector.broadcast %broadcast_in_dim3A_432 : i32 to vector<16xi32>
        %gather3A_434 = tpu.vector_load_idx %arg15[%get3A_389, %broadcast_in_dim3A_433, %get3A_393] : memref<9x64x128xf32, #tpu.memory_space<vmem>>[vector<16xi32>, vector<16xi32>, vector<16xi32>], vector<16xf32>,
        %add3A_435 = arith.constant 6 : i32
        %add3A_436 = vector.broadcast %add3A_435 : i32 to vector<16xi32>
        %add3A_437 = arith.addi %mul3A_396, %add3A_436 : vector<16xi32>
        tpu.vector_store_idx %arg14[%add3A_437], %gather3A_434 masked %and3A_385 : memref<32768xf32, #tpu.memory_space<vmem>>[vector<16xi32>], vector<16xf32>, vector<16xi1>
        %broadcast_in_dim3A_438 = arith.constant 7 : i32
        %broadcast_in_dim3A_439 = vector.broadcast %broadcast_in_dim3A_438 : i32 to vector<16xi32>
        %gather3A_440 = tpu.vector_load_idx %arg15[%get3A_389, %broadcast_in_dim3A_439, %get3A_393] : memref<9x64x128xf32, #tpu.memory_space<vmem>>[vector<16xi32>, vector<16xi32>, vector<16xi32>], vector<16xf32>,
        %add3A_441 = arith.constant 7 : i32
        %add3A_442 = vector.broadcast %add3A_441 : i32 to vector<16xi32>
        %add3A_443 = arith.addi %mul3A_396, %add3A_442 : vector<16xi32>
        tpu.vector_store_idx %arg14[%add3A_443], %gather3A_440 masked %and3A_385 : memref<32768xf32, #tpu.memory_space<vmem>>[vector<16xi32>], vector<16xf32>, vector<16xi1>
        %broadcast_in_dim3A_444 = arith.constant 8 : i32
        %broadcast_in_dim3A_445 = vector.broadcast %broadcast_in_dim3A_444 : i32 to vector<16xi32>
        %gather3A_446 = tpu.vector_load_idx %arg15[%get3A_389, %broadcast_in_dim3A_445, %get3A_393] : memref<9x64x128xf32, #tpu.memory_space<vmem>>[vector<16xi32>, vector<16xi32>, vector<16xi32>], vector<16xf32>,
        %add3A_447 = arith.constant 8 : i32
        %add3A_448 = vector.broadcast %add3A_447 : i32 to vector<16xi32>
        %add3A_449 = arith.addi %mul3A_396, %add3A_448 : vector<16xi32>
        tpu.vector_store_idx %arg14[%add3A_449], %gather3A_446 masked %and3A_385 : memref<32768xf32, #tpu.memory_space<vmem>>[vector<16xi32>], vector<16xf32>, vector<16xi1>
        %broadcast_in_dim3A_450 = arith.constant 9 : i32
        %broadcast_in_dim3A_451 = vector.broadcast %broadcast_in_dim3A_450 : i32 to vector<16xi32>
        %gather3A_452 = tpu.vector_load_idx %arg15[%get3A_389, %broadcast_in_dim3A_451, %get3A_393] : memref<9x64x128xf32, #tpu.memory_space<vmem>>[vector<16xi32>, vector<16xi32>, vector<16xi32>], vector<16xf32>,
        %add3A_453 = arith.constant 9 : i32
        %add3A_454 = vector.broadcast %add3A_453 : i32 to vector<16xi32>
        %add3A_455 = arith.addi %mul3A_396, %add3A_454 : vector<16xi32>
        tpu.vector_store_idx %arg14[%add3A_455], %gather3A_452 masked %and3A_385 : memref<32768xf32, #tpu.memory_space<vmem>>[vector<16xi32>], vector<16xf32>, vector<16xi1>
        %broadcast_in_dim3A_456 = arith.constant 10 : i32
        %broadcast_in_dim3A_457 = vector.broadcast %broadcast_in_dim3A_456 : i32 to vector<16xi32>
        %gather3A_458 = tpu.vector_load_idx %arg15[%get3A_389, %broadcast_in_dim3A_457, %get3A_393] : memref<9x64x128xf32, #tpu.memory_space<vmem>>[vector<16xi32>, vector<16xi32>, vector<16xi32>], vector<16xf32>,
        %add3A_459 = arith.constant 10 : i32
        %add3A_460 = vector.broadcast %add3A_459 : i32 to vector<16xi32>
        %add3A_461 = arith.addi %mul3A_396, %add3A_460 : vector<16xi32>
        tpu.vector_store_idx %arg14[%add3A_461], %gather3A_458 masked %and3A_385 : memref<32768xf32, #tpu.memory_space<vmem>>[vector<16xi32>], vector<16xf32>, vector<16xi1>
        %broadcast_in_dim3A_462 = arith.constant 11 : i32
        %broadcast_in_dim3A_463 = vector.broadcast %broadcast_in_dim3A_462 : i32 to vector<16xi32>
        %gather3A_464 = tpu.vector_load_idx %arg15[%get3A_389, %broadcast_in_dim3A_463, %get3A_393] : memref<9x64x128xf32, #tpu.memory_space<vmem>>[vector<16xi32>, vector<16xi32>, vector<16xi32>], vector<16xf32>,
        %add3A_465 = arith.constant 11 : i32
        %add3A_466 = vector.broadcast %add3A_465 : i32 to vector<16xi32>
        %add3A_467 = arith.addi %mul3A_396, %add3A_466 : vector<16xi32>
        tpu.vector_store_idx %arg14[%add3A_467], %gather3A_464 masked %and3A_385 : memref<32768xf32, #tpu.memory_space<vmem>>[vector<16xi32>], vector<16xf32>, vector<16xi1>
        %broadcast_in_dim3A_468 = arith.constant 12 : i32
        %broadcast_in_dim3A_469 = vector.broadcast %broadcast_in_dim3A_468 : i32 to vector<16xi32>
        %gather3A_470 = tpu.vector_load_idx %arg15[%get3A_389, %broadcast_in_dim3A_469, %get3A_393] : memref<9x64x128xf32, #tpu.memory_space<vmem>>[vector<16xi32>, vector<16xi32>, vector<16xi32>], vector<16xf32>,
        %add3A_471 = arith.constant 12 : i32
        %add3A_472 = vector.broadcast %add3A_471 : i32 to vector<16xi32>
        %add3A_473 = arith.addi %mul3A_396, %add3A_472 : vector<16xi32>
        tpu.vector_store_idx %arg14[%add3A_473], %gather3A_470 masked %and3A_385 : memref<32768xf32, #tpu.memory_space<vmem>>[vector<16xi32>], vector<16xf32>, vector<16xi1>
        %broadcast_in_dim3A_474 = arith.constant 13 : i32
        %broadcast_in_dim3A_475 = vector.broadcast %broadcast_in_dim3A_474 : i32 to vector<16xi32>
        %gather3A_476 = tpu.vector_load_idx %arg15[%get3A_389, %broadcast_in_dim3A_475, %get3A_393] : memref<9x64x128xf32, #tpu.memory_space<vmem>>[vector<16xi32>, vector<16xi32>, vector<16xi32>], vector<16xf32>,
        %add3A_477 = arith.constant 13 : i32
        %add3A_478 = vector.broadcast %add3A_477 : i32 to vector<16xi32>
        %add3A_479 = arith.addi %mul3A_396, %add3A_478 : vector<16xi32>
        tpu.vector_store_idx %arg14[%add3A_479], %gather3A_476 masked %and3A_385 : memref<32768xf32, #tpu.memory_space<vmem>>[vector<16xi32>], vector<16xf32>, vector<16xi1>
        %broadcast_in_dim3A_480 = arith.constant 14 : i32
        %broadcast_in_dim3A_481 = vector.broadcast %broadcast_in_dim3A_480 : i32 to vector<16xi32>
        %gather3A_482 = tpu.vector_load_idx %arg15[%get3A_389, %broadcast_in_dim3A_481, %get3A_393] : memref<9x64x128xf32, #tpu.memory_space<vmem>>[vector<16xi32>, vector<16xi32>, vector<16xi32>], vector<16xf32>,
        %add3A_483 = arith.constant 14 : i32
        %add3A_484 = vector.broadcast %add3A_483 : i32 to vector<16xi32>
        %add3A_485 = arith.addi %mul3A_396, %add3A_484 : vector<16xi32>
        tpu.vector_store_idx %arg14[%add3A_485], %gather3A_482 masked %and3A_385 : memref<32768xf32, #tpu.memory_space<vmem>>[vector<16xi32>], vector<16xf32>, vector<16xi1>
        %broadcast_in_dim3A_486 = arith.constant 15 : i32
        %broadcast_in_dim3A_487 = vector.broadcast %broadcast_in_dim3A_486 : i32 to vector<16xi32>
        %gather3A_488 = tpu.vector_load_idx %arg15[%get3A_389, %broadcast_in_dim3A_487, %get3A_393] : memref<9x64x128xf32, #tpu.memory_space<vmem>>[vector<16xi32>, vector<16xi32>, vector<16xi32>], vector<16xf32>,
        %add3A_489 = arith.constant 15 : i32
        %add3A_490 = vector.broadcast %add3A_489 : i32 to vector<16xi32>
        %add3A_491 = arith.addi %mul3A_396, %add3A_490 : vector<16xi32>
        tpu.vector_store_idx %arg14[%add3A_491], %gather3A_488 masked %and3A_385 : memref<32768xf32, #tpu.memory_space<vmem>>[vector<16xi32>], vector<16xf32>, vector<16xi1>
        %broadcast_in_dim3A_492 = arith.constant 16 : i32
        %broadcast_in_dim3A_493 = vector.broadcast %broadcast_in_dim3A_492 : i32 to vector<16xi32>
        %gather3A_494 = tpu.vector_load_idx %arg15[%get3A_389, %broadcast_in_dim3A_493, %get3A_393] : memref<9x64x128xf32, #tpu.memory_space<vmem>>[vector<16xi32>, vector<16xi32>, vector<16xi32>], vector<16xf32>,
        %add3A_495 = arith.constant 16 : i32
        %add3A_496 = vector.broadcast %add3A_495 : i32 to vector<16xi32>
        %add3A_497 = arith.addi %mul3A_396, %add3A_496 : vector<16xi32>
        tpu.vector_store_idx %arg14[%add3A_497], %gather3A_494 masked %and3A_385 : memref<32768xf32, #tpu.memory_space<vmem>>[vector<16xi32>], vector<16xf32>, vector<16xi1>
        %broadcast_in_dim3A_498 = arith.constant 17 : i32
        %broadcast_in_dim3A_499 = vector.broadcast %broadcast_in_dim3A_498 : i32 to vector<16xi32>
        %gather3A_500 = tpu.vector_load_idx %arg15[%get3A_389, %broadcast_in_dim3A_499, %get3A_393] : memref<9x64x128xf32, #tpu.memory_space<vmem>>[vector<16xi32>, vector<16xi32>, vector<16xi32>], vector<16xf32>,
        %add3A_501 = arith.constant 17 : i32
        %add3A_502 = vector.broadcast %add3A_501 : i32 to vector<16xi32>
        %add3A_503 = arith.addi %mul3A_396, %add3A_502 : vector<16xi32>
        tpu.vector_store_idx %arg14[%add3A_503], %gather3A_500 masked %and3A_385 : memref<32768xf32, #tpu.memory_space<vmem>>[vector<16xi32>], vector<16xf32>, vector<16xi1>
        %broadcast_in_dim3A_504 = arith.constant 18 : i32
        %broadcast_in_dim3A_505 = vector.broadcast %broadcast_in_dim3A_504 : i32 to vector<16xi32>
        %gather3A_506 = tpu.vector_load_idx %arg15[%get3A_389, %broadcast_in_dim3A_505, %get3A_393] : memref<9x64x128xf32, #tpu.memory_space<vmem>>[vector<16xi32>, vector<16xi32>, vector<16xi32>], vector<16xf32>,
        %add3A_507 = arith.constant 18 : i32
        %add3A_508 = vector.broadcast %add3A_507 : i32 to vector<16xi32>
        %add3A_509 = arith.addi %mul3A_396, %add3A_508 : vector<16xi32>
        tpu.vector_store_idx %arg14[%add3A_509], %gather3A_506 masked %and3A_385 : memref<32768xf32, #tpu.memory_space<vmem>>[vector<16xi32>], vector<16xf32>, vector<16xi1>
        %broadcast_in_dim3A_510 = arith.constant 19 : i32
        %broadcast_in_dim3A_511 = vector.broadcast %broadcast_in_dim3A_510 : i32 to vector<16xi32>
        %gather3A_512 = tpu.vector_load_idx %arg15[%get3A_389, %broadcast_in_dim3A_511, %get3A_393] : memref<9x64x128xf32, #tpu.memory_space<vmem>>[vector<16xi32>, vector<16xi32>, vector<16xi32>], vector<16xf32>,
        %add3A_513 = arith.constant 19 : i32
        %add3A_514 = vector.broadcast %add3A_513 : i32 to vector<16xi32>
        %add3A_515 = arith.addi %mul3A_396, %add3A_514 : vector<16xi32>
        tpu.vector_store_idx %arg14[%add3A_515], %gather3A_512 masked %and3A_385 : memref<32768xf32, #tpu.memory_space<vmem>>[vector<16xi32>], vector<16xf32>, vector<16xi1>
        %broadcast_in_dim3A_516 = arith.constant 20 : i32
        %broadcast_in_dim3A_517 = vector.broadcast %broadcast_in_dim3A_516 : i32 to vector<16xi32>
        %gather3A_518 = tpu.vector_load_idx %arg15[%get3A_389, %broadcast_in_dim3A_517, %get3A_393] : memref<9x64x128xf32, #tpu.memory_space<vmem>>[vector<16xi32>, vector<16xi32>, vector<16xi32>], vector<16xf32>,
        %add3A_519 = arith.constant 20 : i32
        %add3A_520 = vector.broadcast %add3A_519 : i32 to vector<16xi32>
        %add3A_521 = arith.addi %mul3A_396, %add3A_520 : vector<16xi32>
        tpu.vector_store_idx %arg14[%add3A_521], %gather3A_518 masked %and3A_385 : memref<32768xf32, #tpu.memory_space<vmem>>[vector<16xi32>], vector<16xf32>, vector<16xi1>
        %broadcast_in_dim3A_522 = arith.constant 21 : i32
        %broadcast_in_dim3A_523 = vector.broadcast %broadcast_in_dim3A_522 : i32 to vector<16xi32>
        %gather3A_524 = tpu.vector_load_idx %arg15[%get3A_389, %broadcast_in_dim3A_523, %get3A_393] : memref<9x64x128xf32, #tpu.memory_space<vmem>>[vector<16xi32>, vector<16xi32>, vector<16xi32>], vector<16xf32>,
        %add3A_525 = arith.constant 21 : i32
        %add3A_526 = vector.broadcast %add3A_525 : i32 to vector<16xi32>
        %add3A_527 = arith.addi %mul3A_396, %add3A_526 : vector<16xi32>
        tpu.vector_store_idx %arg14[%add3A_527], %gather3A_524 masked %and3A_385 : memref<32768xf32, #tpu.memory_space<vmem>>[vector<16xi32>], vector<16xf32>, vector<16xi1>
        %broadcast_in_dim3A_528 = arith.constant 22 : i32
        %broadcast_in_dim3A_529 = vector.broadcast %broadcast_in_dim3A_528 : i32 to vector<16xi32>
        %gather3A_530 = tpu.vector_load_idx %arg15[%get3A_389, %broadcast_in_dim3A_529, %get3A_393] : memref<9x64x128xf32, #tpu.memory_space<vmem>>[vector<16xi32>, vector<16xi32>, vector<16xi32>], vector<16xf32>,
        %add3A_531 = arith.constant 22 : i32
        %add3A_532 = vector.broadcast %add3A_531 : i32 to vector<16xi32>
        %add3A_533 = arith.addi %mul3A_396, %add3A_532 : vector<16xi32>
        tpu.vector_store_idx %arg14[%add3A_533], %gather3A_530 masked %and3A_385 : memref<32768xf32, #tpu.memory_space<vmem>>[vector<16xi32>], vector<16xf32>, vector<16xi1>
        %broadcast_in_dim3A_534 = arith.constant 23 : i32
        %broadcast_in_dim3A_535 = vector.broadcast %broadcast_in_dim3A_534 : i32 to vector<16xi32>
        %gather3A_536 = tpu.vector_load_idx %arg15[%get3A_389, %broadcast_in_dim3A_535, %get3A_393] : memref<9x64x128xf32, #tpu.memory_space<vmem>>[vector<16xi32>, vector<16xi32>, vector<16xi32>], vector<16xf32>,
        %add3A_537 = arith.constant 23 : i32
        %add3A_538 = vector.broadcast %add3A_537 : i32 to vector<16xi32>
        %add3A_539 = arith.addi %mul3A_396, %add3A_538 : vector<16xi32>
        tpu.vector_store_idx %arg14[%add3A_539], %gather3A_536 masked %and3A_385 : memref<32768xf32, #tpu.memory_space<vmem>>[vector<16xi32>], vector<16xf32>, vector<16xi1>
        %broadcast_in_dim3A_540 = arith.constant 24 : i32
        %broadcast_in_dim3A_541 = vector.broadcast %broadcast_in_dim3A_540 : i32 to vector<16xi32>
        %gather3A_542 = tpu.vector_load_idx %arg15[%get3A_389, %broadcast_in_dim3A_541, %get3A_393] : memref<9x64x128xf32, #tpu.memory_space<vmem>>[vector<16xi32>, vector<16xi32>, vector<16xi32>], vector<16xf32>,
        %add3A_543 = arith.constant 24 : i32
        %add3A_544 = vector.broadcast %add3A_543 : i32 to vector<16xi32>
        %add3A_545 = arith.addi %mul3A_396, %add3A_544 : vector<16xi32>
        tpu.vector_store_idx %arg14[%add3A_545], %gather3A_542 masked %and3A_385 : memref<32768xf32, #tpu.memory_space<vmem>>[vector<16xi32>], vector<16xf32>, vector<16xi1>
        %broadcast_in_dim3A_546 = arith.constant 25 : i32
        %broadcast_in_dim3A_547 = vector.broadcast %broadcast_in_dim3A_546 : i32 to vector<16xi32>
        %gather3A_548 = tpu.vector_load_idx %arg15[%get3A_389, %broadcast_in_dim3A_547, %get3A_393] : memref<9x64x128xf32, #tpu.memory_space<vmem>>[vector<16xi32>, vector<16xi32>, vector<16xi32>], vector<16xf32>,
        %add3A_549 = arith.constant 25 : i32
        %add3A_550 = vector.broadcast %add3A_549 : i32 to vector<16xi32>
        %add3A_551 = arith.addi %mul3A_396, %add3A_550 : vector<16xi32>
        tpu.vector_store_idx %arg14[%add3A_551], %gather3A_548 masked %and3A_385 : memref<32768xf32, #tpu.memory_space<vmem>>[vector<16xi32>], vector<16xf32>, vector<16xi1>
        %broadcast_in_dim3A_552 = arith.constant 26 : i32
        %broadcast_in_dim3A_553 = vector.broadcast %broadcast_in_dim3A_552 : i32 to vector<16xi32>
        %gather3A_554 = tpu.vector_load_idx %arg15[%get3A_389, %broadcast_in_dim3A_553, %get3A_393] : memref<9x64x128xf32, #tpu.memory_space<vmem>>[vector<16xi32>, vector<16xi32>, vector<16xi32>], vector<16xf32>,
        %add3A_555 = arith.constant 26 : i32
        %add3A_556 = vector.broadcast %add3A_555 : i32 to vector<16xi32>
        %add3A_557 = arith.addi %mul3A_396, %add3A_556 : vector<16xi32>
        tpu.vector_store_idx %arg14[%add3A_557], %gather3A_554 masked %and3A_385 : memref<32768xf32, #tpu.memory_space<vmem>>[vector<16xi32>], vector<16xf32>, vector<16xi1>
        %broadcast_in_dim3A_558 = arith.constant 27 : i32
        %broadcast_in_dim3A_559 = vector.broadcast %broadcast_in_dim3A_558 : i32 to vector<16xi32>
        %gather3A_560 = tpu.vector_load_idx %arg15[%get3A_389, %broadcast_in_dim3A_559, %get3A_393] : memref<9x64x128xf32, #tpu.memory_space<vmem>>[vector<16xi32>, vector<16xi32>, vector<16xi32>], vector<16xf32>,
        %add3A_561 = arith.constant 27 : i32
        %add3A_562 = vector.broadcast %add3A_561 : i32 to vector<16xi32>
        %add3A_563 = arith.addi %mul3A_396, %add3A_562 : vector<16xi32>
        tpu.vector_store_idx %arg14[%add3A_563], %gather3A_560 masked %and3A_385 : memref<32768xf32, #tpu.memory_space<vmem>>[vector<16xi32>], vector<16xf32>, vector<16xi1>
        %broadcast_in_dim3A_564 = arith.constant 28 : i32
        %broadcast_in_dim3A_565 = vector.broadcast %broadcast_in_dim3A_564 : i32 to vector<16xi32>
        %gather3A_566 = tpu.vector_load_idx %arg15[%get3A_389, %broadcast_in_dim3A_565, %get3A_393] : memref<9x64x128xf32, #tpu.memory_space<vmem>>[vector<16xi32>, vector<16xi32>, vector<16xi32>], vector<16xf32>,
        %add3A_567 = arith.constant 28 : i32
        %add3A_568 = vector.broadcast %add3A_567 : i32 to vector<16xi32>
        %add3A_569 = arith.addi %mul3A_396, %add3A_568 : vector<16xi32>
        tpu.vector_store_idx %arg14[%add3A_569], %gather3A_566 masked %and3A_385 : memref<32768xf32, #tpu.memory_space<vmem>>[vector<16xi32>], vector<16xf32>, vector<16xi1>
        %broadcast_in_dim3A_570 = arith.constant 29 : i32
        %broadcast_in_dim3A_571 = vector.broadcast %broadcast_in_dim3A_570 : i32 to vector<16xi32>
        %gather3A_572 = tpu.vector_load_idx %arg15[%get3A_389, %broadcast_in_dim3A_571, %get3A_393] : memref<9x64x128xf32, #tpu.memory_space<vmem>>[vector<16xi32>, vector<16xi32>, vector<16xi32>], vector<16xf32>,
        %add3A_573 = arith.constant 29 : i32
        %add3A_574 = vector.broadcast %add3A_573 : i32 to vector<16xi32>
        %add3A_575 = arith.addi %mul3A_396, %add3A_574 : vector<16xi32>
        tpu.vector_store_idx %arg14[%add3A_575], %gather3A_572 masked %and3A_385 : memref<32768xf32, #tpu.memory_space<vmem>>[vector<16xi32>], vector<16xf32>, vector<16xi1>
        %broadcast_in_dim3A_576 = arith.constant 30 : i32
        %broadcast_in_dim3A_577 = vector.broadcast %broadcast_in_dim3A_576 : i32 to vector<16xi32>
        %gather3A_578 = tpu.vector_load_idx %arg15[%get3A_389, %broadcast_in_dim3A_577, %get3A_393] : memref<9x64x128xf32, #tpu.memory_space<vmem>>[vector<16xi32>, vector<16xi32>, vector<16xi32>], vector<16xf32>,
        %add3A_579 = arith.constant 30 : i32
        %add3A_580 = vector.broadcast %add3A_579 : i32 to vector<16xi32>
        %add3A_581 = arith.addi %mul3A_396, %add3A_580 : vector<16xi32>
        tpu.vector_store_idx %arg14[%add3A_581], %gather3A_578 masked %and3A_385 : memref<32768xf32, #tpu.memory_space<vmem>>[vector<16xi32>], vector<16xf32>, vector<16xi1>
        %broadcast_in_dim3A_582 = arith.constant 31 : i32
        %broadcast_in_dim3A_583 = vector.broadcast %broadcast_in_dim3A_582 : i32 to vector<16xi32>
        %gather3A_584 = tpu.vector_load_idx %arg15[%get3A_389, %broadcast_in_dim3A_583, %get3A_393] : memref<9x64x128xf32, #tpu.memory_space<vmem>>[vector<16xi32>, vector<16xi32>, vector<16xi32>], vector<16xf32>,
        %add3A_585 = arith.constant 31 : i32
        %add3A_586 = vector.broadcast %add3A_585 : i32 to vector<16xi32>
        %add3A_587 = arith.addi %mul3A_396, %add3A_586 : vector<16xi32>
        tpu.vector_store_idx %arg14[%add3A_587], %gather3A_584 masked %and3A_385 : memref<32768xf32, #tpu.memory_space<vmem>>[vector<16xi32>], vector<16xf32>, vector<16xi1>
        %broadcast_in_dim3A_588 = arith.constant 32 : i32
        %broadcast_in_dim3A_589 = vector.broadcast %broadcast_in_dim3A_588 : i32 to vector<16xi32>
        %gather3A_590 = tpu.vector_load_idx %arg15[%get3A_389, %broadcast_in_dim3A_589, %get3A_393] : memref<9x64x128xf32, #tpu.memory_space<vmem>>[vector<16xi32>, vector<16xi32>, vector<16xi32>], vector<16xf32>,
        %add3A_591 = arith.constant 32 : i32
        %add3A_592 = vector.broadcast %add3A_591 : i32 to vector<16xi32>
        %add3A_593 = arith.addi %mul3A_396, %add3A_592 : vector<16xi32>
        tpu.vector_store_idx %arg14[%add3A_593], %gather3A_590 masked %and3A_385 : memref<32768xf32, #tpu.memory_space<vmem>>[vector<16xi32>], vector<16xf32>, vector<16xi1>
        %broadcast_in_dim3A_594 = arith.constant 33 : i32
        %broadcast_in_dim3A_595 = vector.broadcast %broadcast_in_dim3A_594 : i32 to vector<16xi32>
        %gather3A_596 = tpu.vector_load_idx %arg15[%get3A_389, %broadcast_in_dim3A_595, %get3A_393] : memref<9x64x128xf32, #tpu.memory_space<vmem>>[vector<16xi32>, vector<16xi32>, vector<16xi32>], vector<16xf32>,
        %add3A_597 = arith.constant 33 : i32
        %add3A_598 = vector.broadcast %add3A_597 : i32 to vector<16xi32>
        %add3A_599 = arith.addi %mul3A_396, %add3A_598 : vector<16xi32>
        tpu.vector_store_idx %arg14[%add3A_599], %gather3A_596 masked %and3A_385 : memref<32768xf32, #tpu.memory_space<vmem>>[vector<16xi32>], vector<16xf32>, vector<16xi1>
        %broadcast_in_dim3A_600 = arith.constant 34 : i32
        %broadcast_in_dim3A_601 = vector.broadcast %broadcast_in_dim3A_600 : i32 to vector<16xi32>
        %gather3A_602 = tpu.vector_load_idx %arg15[%get3A_389, %broadcast_in_dim3A_601, %get3A_393] : memref<9x64x128xf32, #tpu.memory_space<vmem>>[vector<16xi32>, vector<16xi32>, vector<16xi32>], vector<16xf32>,
        %add3A_603 = arith.constant 34 : i32
        %add3A_604 = vector.broadcast %add3A_603 : i32 to vector<16xi32>
        %add3A_605 = arith.addi %mul3A_396, %add3A_604 : vector<16xi32>
        tpu.vector_store_idx %arg14[%add3A_605], %gather3A_602 masked %and3A_385 : memref<32768xf32, #tpu.memory_space<vmem>>[vector<16xi32>], vector<16xf32>, vector<16xi1>
        %broadcast_in_dim3A_606 = arith.constant 35 : i32
        %broadcast_in_dim3A_607 = vector.broadcast %broadcast_in_dim3A_606 : i32 to vector<16xi32>
        %gather3A_608 = tpu.vector_load_idx %arg15[%get3A_389, %broadcast_in_dim3A_607, %get3A_393] : memref<9x64x128xf32, #tpu.memory_space<vmem>>[vector<16xi32>, vector<16xi32>, vector<16xi32>], vector<16xf32>,
        %add3A_609 = arith.constant 35 : i32
        %add3A_610 = vector.broadcast %add3A_609 : i32 to vector<16xi32>
        %add3A_611 = arith.addi %mul3A_396, %add3A_610 : vector<16xi32>
        tpu.vector_store_idx %arg14[%add3A_611], %gather3A_608 masked %and3A_385 : memref<32768xf32, #tpu.memory_space<vmem>>[vector<16xi32>], vector<16xf32>, vector<16xi1>
        %broadcast_in_dim3A_612 = arith.constant 36 : i32
        %broadcast_in_dim3A_613 = vector.broadcast %broadcast_in_dim3A_612 : i32 to vector<16xi32>
        %gather3A_614 = tpu.vector_load_idx %arg15[%get3A_389, %broadcast_in_dim3A_613, %get3A_393] : memref<9x64x128xf32, #tpu.memory_space<vmem>>[vector<16xi32>, vector<16xi32>, vector<16xi32>], vector<16xf32>,
        %add3A_615 = arith.constant 36 : i32
        %add3A_616 = vector.broadcast %add3A_615 : i32 to vector<16xi32>
        %add3A_617 = arith.addi %mul3A_396, %add3A_616 : vector<16xi32>
        tpu.vector_store_idx %arg14[%add3A_617], %gather3A_614 masked %and3A_385 : memref<32768xf32, #tpu.memory_space<vmem>>[vector<16xi32>], vector<16xf32>, vector<16xi1>
        %broadcast_in_dim3A_618 = arith.constant 37 : i32
        %broadcast_in_dim3A_619 = vector.broadcast %broadcast_in_dim3A_618 : i32 to vector<16xi32>
        %gather3A_620 = tpu.vector_load_idx %arg15[%get3A_389, %broadcast_in_dim3A_619, %get3A_393] : memref<9x64x128xf32, #tpu.memory_space<vmem>>[vector<16xi32>, vector<16xi32>, vector<16xi32>], vector<16xf32>,
        %add3A_621 = arith.constant 37 : i32
        %add3A_622 = vector.broadcast %add3A_621 : i32 to vector<16xi32>
        %add3A_623 = arith.addi %mul3A_396, %add3A_622 : vector<16xi32>
        tpu.vector_store_idx %arg14[%add3A_623], %gather3A_620 masked %and3A_385 : memref<32768xf32, #tpu.memory_space<vmem>>[vector<16xi32>], vector<16xf32>, vector<16xi1>
        %broadcast_in_dim3A_624 = arith.constant 38 : i32
        %broadcast_in_dim3A_625 = vector.broadcast %broadcast_in_dim3A_624 : i32 to vector<16xi32>
        %gather3A_626 = tpu.vector_load_idx %arg15[%get3A_389, %broadcast_in_dim3A_625, %get3A_393] : memref<9x64x128xf32, #tpu.memory_space<vmem>>[vector<16xi32>, vector<16xi32>, vector<16xi32>], vector<16xf32>,
        %add3A_627 = arith.constant 38 : i32
        %add3A_628 = vector.broadcast %add3A_627 : i32 to vector<16xi32>
        %add3A_629 = arith.addi %mul3A_396, %add3A_628 : vector<16xi32>
        tpu.vector_store_idx %arg14[%add3A_629], %gather3A_626 masked %and3A_385 : memref<32768xf32, #tpu.memory_space<vmem>>[vector<16xi32>], vector<16xf32>, vector<16xi1>
        %broadcast_in_dim3A_630 = arith.constant 39 : i32
        %broadcast_in_dim3A_631 = vector.broadcast %broadcast_in_dim3A_630 : i32 to vector<16xi32>
        %gather3A_632 = tpu.vector_load_idx %arg15[%get3A_389, %broadcast_in_dim3A_631, %get3A_393] : memref<9x64x128xf32, #tpu.memory_space<vmem>>[vector<16xi32>, vector<16xi32>, vector<16xi32>], vector<16xf32>,
        %add3A_633 = arith.constant 39 : i32
        %add3A_634 = vector.broadcast %add3A_633 : i32 to vector<16xi32>
        %add3A_635 = arith.addi %mul3A_396, %add3A_634 : vector<16xi32>
        tpu.vector_store_idx %arg14[%add3A_635], %gather3A_632 masked %and3A_385 : memref<32768xf32, #tpu.memory_space<vmem>>[vector<16xi32>], vector<16xf32>, vector<16xi1>
        %broadcast_in_dim3A_636 = arith.constant 40 : i32
        %broadcast_in_dim3A_637 = vector.broadcast %broadcast_in_dim3A_636 : i32 to vector<16xi32>
        %gather3A_638 = tpu.vector_load_idx %arg15[%get3A_389, %broadcast_in_dim3A_637, %get3A_393] : memref<9x64x128xf32, #tpu.memory_space<vmem>>[vector<16xi32>, vector<16xi32>, vector<16xi32>], vector<16xf32>,
        %add3A_639 = arith.constant 40 : i32
        %add3A_640 = vector.broadcast %add3A_639 : i32 to vector<16xi32>
        %add3A_641 = arith.addi %mul3A_396, %add3A_640 : vector<16xi32>
        tpu.vector_store_idx %arg14[%add3A_641], %gather3A_638 masked %and3A_385 : memref<32768xf32, #tpu.memory_space<vmem>>[vector<16xi32>], vector<16xf32>, vector<16xi1>
        %broadcast_in_dim3A_642 = arith.constant 41 : i32
        %broadcast_in_dim3A_643 = vector.broadcast %broadcast_in_dim3A_642 : i32 to vector<16xi32>
        %gather3A_644 = tpu.vector_load_idx %arg15[%get3A_389, %broadcast_in_dim3A_643, %get3A_393] : memref<9x64x128xf32, #tpu.memory_space<vmem>>[vector<16xi32>, vector<16xi32>, vector<16xi32>], vector<16xf32>,
        %add3A_645 = arith.constant 41 : i32
        %add3A_646 = vector.broadcast %add3A_645 : i32 to vector<16xi32>
        %add3A_647 = arith.addi %mul3A_396, %add3A_646 : vector<16xi32>
        tpu.vector_store_idx %arg14[%add3A_647], %gather3A_644 masked %and3A_385 : memref<32768xf32, #tpu.memory_space<vmem>>[vector<16xi32>], vector<16xf32>, vector<16xi1>
        %broadcast_in_dim3A_648 = arith.constant 42 : i32
        %broadcast_in_dim3A_649 = vector.broadcast %broadcast_in_dim3A_648 : i32 to vector<16xi32>
        %gather3A_650 = tpu.vector_load_idx %arg15[%get3A_389, %broadcast_in_dim3A_649, %get3A_393] : memref<9x64x128xf32, #tpu.memory_space<vmem>>[vector<16xi32>, vector<16xi32>, vector<16xi32>], vector<16xf32>,
        %add3A_651 = arith.constant 42 : i32
        %add3A_652 = vector.broadcast %add3A_651 : i32 to vector<16xi32>
        %add3A_653 = arith.addi %mul3A_396, %add3A_652 : vector<16xi32>
        tpu.vector_store_idx %arg14[%add3A_653], %gather3A_650 masked %and3A_385 : memref<32768xf32, #tpu.memory_space<vmem>>[vector<16xi32>], vector<16xf32>, vector<16xi1>
        %broadcast_in_dim3A_654 = arith.constant 43 : i32
        %broadcast_in_dim3A_655 = vector.broadcast %broadcast_in_dim3A_654 : i32 to vector<16xi32>
        %gather3A_656 = tpu.vector_load_idx %arg15[%get3A_389, %broadcast_in_dim3A_655, %get3A_393] : memref<9x64x128xf32, #tpu.memory_space<vmem>>[vector<16xi32>, vector<16xi32>, vector<16xi32>], vector<16xf32>,
        %add3A_657 = arith.constant 43 : i32
        %add3A_658 = vector.broadcast %add3A_657 : i32 to vector<16xi32>
        %add3A_659 = arith.addi %mul3A_396, %add3A_658 : vector<16xi32>
        tpu.vector_store_idx %arg14[%add3A_659], %gather3A_656 masked %and3A_385 : memref<32768xf32, #tpu.memory_space<vmem>>[vector<16xi32>], vector<16xf32>, vector<16xi1>
        %broadcast_in_dim3A_660 = arith.constant 44 : i32
        %broadcast_in_dim3A_661 = vector.broadcast %broadcast_in_dim3A_660 : i32 to vector<16xi32>
        %gather3A_662 = tpu.vector_load_idx %arg15[%get3A_389, %broadcast_in_dim3A_661, %get3A_393] : memref<9x64x128xf32, #tpu.memory_space<vmem>>[vector<16xi32>, vector<16xi32>, vector<16xi32>], vector<16xf32>,
        %add3A_663 = arith.constant 44 : i32
        %add3A_664 = vector.broadcast %add3A_663 : i32 to vector<16xi32>
        %add3A_665 = arith.addi %mul3A_396, %add3A_664 : vector<16xi32>
        tpu.vector_store_idx %arg14[%add3A_665], %gather3A_662 masked %and3A_385 : memref<32768xf32, #tpu.memory_space<vmem>>[vector<16xi32>], vector<16xf32>, vector<16xi1>
        %broadcast_in_dim3A_666 = arith.constant 45 : i32
        %broadcast_in_dim3A_667 = vector.broadcast %broadcast_in_dim3A_666 : i32 to vector<16xi32>
        %gather3A_668 = tpu.vector_load_idx %arg15[%get3A_389, %broadcast_in_dim3A_667, %get3A_393] : memref<9x64x128xf32, #tpu.memory_space<vmem>>[vector<16xi32>, vector<16xi32>, vector<16xi32>], vector<16xf32>,
        %add3A_669 = arith.constant 45 : i32
        %add3A_670 = vector.broadcast %add3A_669 : i32 to vector<16xi32>
        %add3A_671 = arith.addi %mul3A_396, %add3A_670 : vector<16xi32>
        tpu.vector_store_idx %arg14[%add3A_671], %gather3A_668 masked %and3A_385 : memref<32768xf32, #tpu.memory_space<vmem>>[vector<16xi32>], vector<16xf32>, vector<16xi1>
        %broadcast_in_dim3A_672 = arith.constant 46 : i32
        %broadcast_in_dim3A_673 = vector.broadcast %broadcast_in_dim3A_672 : i32 to vector<16xi32>
        %gather3A_674 = tpu.vector_load_idx %arg15[%get3A_389, %broadcast_in_dim3A_673, %get3A_393] : memref<9x64x128xf32, #tpu.memory_space<vmem>>[vector<16xi32>, vector<16xi32>, vector<16xi32>], vector<16xf32>,
        %add3A_675 = arith.constant 46 : i32
        %add3A_676 = vector.broadcast %add3A_675 : i32 to vector<16xi32>
        %add3A_677 = arith.addi %mul3A_396, %add3A_676 : vector<16xi32>
        tpu.vector_store_idx %arg14[%add3A_677], %gather3A_674 masked %and3A_385 : memref<32768xf32, #tpu.memory_space<vmem>>[vector<16xi32>], vector<16xf32>, vector<16xi1>
        %broadcast_in_dim3A_678 = arith.constant 47 : i32
        %broadcast_in_dim3A_679 = vector.broadcast %broadcast_in_dim3A_678 : i32 to vector<16xi32>
        %gather3A_680 = tpu.vector_load_idx %arg15[%get3A_389, %broadcast_in_dim3A_679, %get3A_393] : memref<9x64x128xf32, #tpu.memory_space<vmem>>[vector<16xi32>, vector<16xi32>, vector<16xi32>], vector<16xf32>,
        %add3A_681 = arith.constant 47 : i32
        %add3A_682 = vector.broadcast %add3A_681 : i32 to vector<16xi32>
        %add3A_683 = arith.addi %mul3A_396, %add3A_682 : vector<16xi32>
        tpu.vector_store_idx %arg14[%add3A_683], %gather3A_680 masked %and3A_385 : memref<32768xf32, #tpu.memory_space<vmem>>[vector<16xi32>], vector<16xf32>, vector<16xi1>
        %broadcast_in_dim3A_684 = arith.constant 48 : i32
        %broadcast_in_dim3A_685 = vector.broadcast %broadcast_in_dim3A_684 : i32 to vector<16xi32>
        %gather3A_686 = tpu.vector_load_idx %arg15[%get3A_389, %broadcast_in_dim3A_685, %get3A_393] : memref<9x64x128xf32, #tpu.memory_space<vmem>>[vector<16xi32>, vector<16xi32>, vector<16xi32>], vector<16xf32>,
        %add3A_687 = arith.constant 48 : i32
        %add3A_688 = vector.broadcast %add3A_687 : i32 to vector<16xi32>
        %add3A_689 = arith.addi %mul3A_396, %add3A_688 : vector<16xi32>
        tpu.vector_store_idx %arg14[%add3A_689], %gather3A_686 masked %and3A_385 : memref<32768xf32, #tpu.memory_space<vmem>>[vector<16xi32>], vector<16xf32>, vector<16xi1>
        %broadcast_in_dim3A_690 = arith.constant 49 : i32
        %broadcast_in_dim3A_691 = vector.broadcast %broadcast_in_dim3A_690 : i32 to vector<16xi32>
        %gather3A_692 = tpu.vector_load_idx %arg15[%get3A_389, %broadcast_in_dim3A_691, %get3A_393] : memref<9x64x128xf32, #tpu.memory_space<vmem>>[vector<16xi32>, vector<16xi32>, vector<16xi32>], vector<16xf32>,
        %add3A_693 = arith.constant 49 : i32
        %add3A_694 = vector.broadcast %add3A_693 : i32 to vector<16xi32>
        %add3A_695 = arith.addi %mul3A_396, %add3A_694 : vector<16xi32>
        tpu.vector_store_idx %arg14[%add3A_695], %gather3A_692 masked %and3A_385 : memref<32768xf32, #tpu.memory_space<vmem>>[vector<16xi32>], vector<16xf32>, vector<16xi1>
        %broadcast_in_dim3A_696 = arith.constant 50 : i32
        %broadcast_in_dim3A_697 = vector.broadcast %broadcast_in_dim3A_696 : i32 to vector<16xi32>
        %gather3A_698 = tpu.vector_load_idx %arg15[%get3A_389, %broadcast_in_dim3A_697, %get3A_393] : memref<9x64x128xf32, #tpu.memory_space<vmem>>[vector<16xi32>, vector<16xi32>, vector<16xi32>], vector<16xf32>,
        %add3A_699 = arith.constant 50 : i32
        %add3A_700 = vector.broadcast %add3A_699 : i32 to vector<16xi32>
        %add3A_701 = arith.addi %mul3A_396, %add3A_700 : vector<16xi32>
        tpu.vector_store_idx %arg14[%add3A_701], %gather3A_698 masked %and3A_385 : memref<32768xf32, #tpu.memory_space<vmem>>[vector<16xi32>], vector<16xf32>, vector<16xi1>
        %broadcast_in_dim3A_702 = arith.constant 51 : i32
        %broadcast_in_dim3A_703 = vector.broadcast %broadcast_in_dim3A_702 : i32 to vector<16xi32>
        %gather3A_704 = tpu.vector_load_idx %arg15[%get3A_389, %broadcast_in_dim3A_703, %get3A_393] : memref<9x64x128xf32, #tpu.memory_space<vmem>>[vector<16xi32>, vector<16xi32>, vector<16xi32>], vector<16xf32>,
        %add3A_705 = arith.constant 51 : i32
        %add3A_706 = vector.broadcast %add3A_705 : i32 to vector<16xi32>
        %add3A_707 = arith.addi %mul3A_396, %add3A_706 : vector<16xi32>
        tpu.vector_store_idx %arg14[%add3A_707], %gather3A_704 masked %and3A_385 : memref<32768xf32, #tpu.memory_space<vmem>>[vector<16xi32>], vector<16xf32>, vector<16xi1>
        %broadcast_in_dim3A_708 = arith.constant 52 : i32
        %broadcast_in_dim3A_709 = vector.broadcast %broadcast_in_dim3A_708 : i32 to vector<16xi32>
        %gather3A_710 = tpu.vector_load_idx %arg15[%get3A_389, %broadcast_in_dim3A_709, %get3A_393] : memref<9x64x128xf32, #tpu.memory_space<vmem>>[vector<16xi32>, vector<16xi32>, vector<16xi32>], vector<16xf32>,
        %add3A_711 = arith.constant 52 : i32
        %add3A_712 = vector.broadcast %add3A_711 : i32 to vector<16xi32>
        %add3A_713 = arith.addi %mul3A_396, %add3A_712 : vector<16xi32>
        tpu.vector_store_idx %arg14[%add3A_713], %gather3A_710 masked %and3A_385 : memref<32768xf32, #tpu.memory_space<vmem>>[vector<16xi32>], vector<16xf32>, vector<16xi1>
        %broadcast_in_dim3A_714 = arith.constant 53 : i32
        %broadcast_in_dim3A_715 = vector.broadcast %broadcast_in_dim3A_714 : i32 to vector<16xi32>
        %gather3A_716 = tpu.vector_load_idx %arg15[%get3A_389, %broadcast_in_dim3A_715, %get3A_393] : memref<9x64x128xf32, #tpu.memory_space<vmem>>[vector<16xi32>, vector<16xi32>, vector<16xi32>], vector<16xf32>,
        %add3A_717 = arith.constant 53 : i32
        %add3A_718 = vector.broadcast %add3A_717 : i32 to vector<16xi32>
        %add3A_719 = arith.addi %mul3A_396, %add3A_718 : vector<16xi32>
        tpu.vector_store_idx %arg14[%add3A_719], %gather3A_716 masked %and3A_385 : memref<32768xf32, #tpu.memory_space<vmem>>[vector<16xi32>], vector<16xf32>, vector<16xi1>
        %broadcast_in_dim3A_720 = arith.constant 54 : i32
        %broadcast_in_dim3A_721 = vector.broadcast %broadcast_in_dim3A_720 : i32 to vector<16xi32>
        %gather3A_722 = tpu.vector_load_idx %arg15[%get3A_389, %broadcast_in_dim3A_721, %get3A_393] : memref<9x64x128xf32, #tpu.memory_space<vmem>>[vector<16xi32>, vector<16xi32>, vector<16xi32>], vector<16xf32>,
        %add3A_723 = arith.constant 54 : i32
        %add3A_724 = vector.broadcast %add3A_723 : i32 to vector<16xi32>
        %add3A_725 = arith.addi %mul3A_396, %add3A_724 : vector<16xi32>
        tpu.vector_store_idx %arg14[%add3A_725], %gather3A_722 masked %and3A_385 : memref<32768xf32, #tpu.memory_space<vmem>>[vector<16xi32>], vector<16xf32>, vector<16xi1>
        %broadcast_in_dim3A_726 = arith.constant 55 : i32
        %broadcast_in_dim3A_727 = vector.broadcast %broadcast_in_dim3A_726 : i32 to vector<16xi32>
        %gather3A_728 = tpu.vector_load_idx %arg15[%get3A_389, %broadcast_in_dim3A_727, %get3A_393] : memref<9x64x128xf32, #tpu.memory_space<vmem>>[vector<16xi32>, vector<16xi32>, vector<16xi32>], vector<16xf32>,
        %add3A_729 = arith.constant 55 : i32
        %add3A_730 = vector.broadcast %add3A_729 : i32 to vector<16xi32>
        %add3A_731 = arith.addi %mul3A_396, %add3A_730 : vector<16xi32>
        tpu.vector_store_idx %arg14[%add3A_731], %gather3A_728 masked %and3A_385 : memref<32768xf32, #tpu.memory_space<vmem>>[vector<16xi32>], vector<16xf32>, vector<16xi1>
        %broadcast_in_dim3A_732 = arith.constant 56 : i32
        %broadcast_in_dim3A_733 = vector.broadcast %broadcast_in_dim3A_732 : i32 to vector<16xi32>
        %gather3A_734 = tpu.vector_load_idx %arg15[%get3A_389, %broadcast_in_dim3A_733, %get3A_393] : memref<9x64x128xf32, #tpu.memory_space<vmem>>[vector<16xi32>, vector<16xi32>, vector<16xi32>], vector<16xf32>,
        %add3A_735 = arith.constant 56 : i32
        %add3A_736 = vector.broadcast %add3A_735 : i32 to vector<16xi32>
        %add3A_737 = arith.addi %mul3A_396, %add3A_736 : vector<16xi32>
        tpu.vector_store_idx %arg14[%add3A_737], %gather3A_734 masked %and3A_385 : memref<32768xf32, #tpu.memory_space<vmem>>[vector<16xi32>], vector<16xf32>, vector<16xi1>
        %broadcast_in_dim3A_738 = arith.constant 57 : i32
        %broadcast_in_dim3A_739 = vector.broadcast %broadcast_in_dim3A_738 : i32 to vector<16xi32>
        %gather3A_740 = tpu.vector_load_idx %arg15[%get3A_389, %broadcast_in_dim3A_739, %get3A_393] : memref<9x64x128xf32, #tpu.memory_space<vmem>>[vector<16xi32>, vector<16xi32>, vector<16xi32>], vector<16xf32>,
        %add3A_741 = arith.constant 57 : i32
        %add3A_742 = vector.broadcast %add3A_741 : i32 to vector<16xi32>
        %add3A_743 = arith.addi %mul3A_396, %add3A_742 : vector<16xi32>
        tpu.vector_store_idx %arg14[%add3A_743], %gather3A_740 masked %and3A_385 : memref<32768xf32, #tpu.memory_space<vmem>>[vector<16xi32>], vector<16xf32>, vector<16xi1>
        %broadcast_in_dim3A_744 = arith.constant 58 : i32
        %broadcast_in_dim3A_745 = vector.broadcast %broadcast_in_dim3A_744 : i32 to vector<16xi32>
        %gather3A_746 = tpu.vector_load_idx %arg15[%get3A_389, %broadcast_in_dim3A_745, %get3A_393] : memref<9x64x128xf32, #tpu.memory_space<vmem>>[vector<16xi32>, vector<16xi32>, vector<16xi32>], vector<16xf32>,
        %add3A_747 = arith.constant 58 : i32
        %add3A_748 = vector.broadcast %add3A_747 : i32 to vector<16xi32>
        %add3A_749 = arith.addi %mul3A_396, %add3A_748 : vector<16xi32>
        tpu.vector_store_idx %arg14[%add3A_749], %gather3A_746 masked %and3A_385 : memref<32768xf32, #tpu.memory_space<vmem>>[vector<16xi32>], vector<16xf32>, vector<16xi1>
        %broadcast_in_dim3A_750 = arith.constant 59 : i32
        %broadcast_in_dim3A_751 = vector.broadcast %broadcast_in_dim3A_750 : i32 to vector<16xi32>
        %gather3A_752 = tpu.vector_load_idx %arg15[%get3A_389, %broadcast_in_dim3A_751, %get3A_393] : memref<9x64x128xf32, #tpu.memory_space<vmem>>[vector<16xi32>, vector<16xi32>, vector<16xi32>], vector<16xf32>,
        %add3A_753 = arith.constant 59 : i32
        %add3A_754 = vector.broadcast %add3A_753 : i32 to vector<16xi32>
        %add3A_755 = arith.addi %mul3A_396, %add3A_754 : vector<16xi32>
        tpu.vector_store_idx %arg14[%add3A_755], %gather3A_752 masked %and3A_385 : memref<32768xf32, #tpu.memory_space<vmem>>[vector<16xi32>], vector<16xf32>, vector<16xi1>
        %broadcast_in_dim3A_756 = arith.constant 60 : i32
        %broadcast_in_dim3A_757 = vector.broadcast %broadcast_in_dim3A_756 : i32 to vector<16xi32>
        %gather3A_758 = tpu.vector_load_idx %arg15[%get3A_389, %broadcast_in_dim3A_757, %get3A_393] : memref<9x64x128xf32, #tpu.memory_space<vmem>>[vector<16xi32>, vector<16xi32>, vector<16xi32>], vector<16xf32>,
        %add3A_759 = arith.constant 60 : i32
        %add3A_760 = vector.broadcast %add3A_759 : i32 to vector<16xi32>
        %add3A_761 = arith.addi %mul3A_396, %add3A_760 : vector<16xi32>
        tpu.vector_store_idx %arg14[%add3A_761], %gather3A_758 masked %and3A_385 : memref<32768xf32, #tpu.memory_space<vmem>>[vector<16xi32>], vector<16xf32>, vector<16xi1>
        %broadcast_in_dim3A_762 = arith.constant 61 : i32
        %broadcast_in_dim3A_763 = vector.broadcast %broadcast_in_dim3A_762 : i32 to vector<16xi32>
        %gather3A_764 = tpu.vector_load_idx %arg15[%get3A_389, %broadcast_in_dim3A_763, %get3A_393] : memref<9x64x128xf32, #tpu.memory_space<vmem>>[vector<16xi32>, vector<16xi32>, vector<16xi32>], vector<16xf32>,
        %add3A_765 = arith.constant 61 : i32
        %add3A_766 = vector.broadcast %add3A_765 : i32 to vector<16xi32>
        %add3A_767 = arith.addi %mul3A_396, %add3A_766 : vector<16xi32>
        tpu.vector_store_idx %arg14[%add3A_767], %gather3A_764 masked %and3A_385 : memref<32768xf32, #tpu.memory_space<vmem>>[vector<16xi32>], vector<16xf32>, vector<16xi1>
        %broadcast_in_dim3A_768 = arith.constant 62 : i32
        %broadcast_in_dim3A_769 = vector.broadcast %broadcast_in_dim3A_768 : i32 to vector<16xi32>
        %gather3A_770 = tpu.vector_load_idx %arg15[%get3A_389, %broadcast_in_dim3A_769, %get3A_393] : memref<9x64x128xf32, #tpu.memory_space<vmem>>[vector<16xi32>, vector<16xi32>, vector<16xi32>], vector<16xf32>,
        %add3A_771 = arith.constant 62 : i32
        %add3A_772 = vector.broadcast %add3A_771 : i32 to vector<16xi32>
        %add3A_773 = arith.addi %mul3A_396, %add3A_772 : vector<16xi32>
        tpu.vector_store_idx %arg14[%add3A_773], %gather3A_770 masked %and3A_385 : memref<32768xf32, #tpu.memory_space<vmem>>[vector<16xi32>], vector<16xf32>, vector<16xi1>
        %broadcast_in_dim3A_774 = arith.constant 63 : i32
        %broadcast_in_dim3A_775 = vector.broadcast %broadcast_in_dim3A_774 : i32 to vector<16xi32>
        %gather3A_776 = tpu.vector_load_idx %arg15[%get3A_389, %broadcast_in_dim3A_775, %get3A_393] : memref<9x64x128xf32, #tpu.memory_space<vmem>>[vector<16xi32>, vector<16xi32>, vector<16xi32>], vector<16xf32>,
        %add3A_777 = arith.constant 63 : i32
        %add3A_778 = vector.broadcast %add3A_777 : i32 to vector<16xi32>
        %add3A_779 = arith.addi %mul3A_396, %add3A_778 : vector<16xi32>
        tpu.vector_store_idx %arg14[%add3A_779], %gather3A_776 masked %and3A_385 : memref<32768xf32, #tpu.memory_space<vmem>>[vector<16xi32>], vector<16xf32>, vector<16xi1>
      }
      %while3A_368 = arith.constant 0 : i32
      %while3A_369 = arith.subi %get3A_352, %get3A_345 : i32
      %while3A_370 = arith.addi %get3A_345, %while3A_369 : i32
      %while3A_371 = arith.constant 1 : i32
      %while3A_372 = arith.divsi %while3A_369, %while3A_371 : i32
      %while3A_373 = arith.muli %while3A_372, %while3A_371 : i32
      %while3A_374 = arith.addi %get3A_345, %while3A_373 : i32
      %while3A_375 = arith.constant 1 : i32
      scf.for %while3A_377 = %get3A_345 to %while3A_374 step %while3A_375  : i32 {
        %get3A_378 = arith.index_cast %while3A_377 : i32 to index
        %get3A_379 = tpu.vector_load %arg11[%get3A_378] {strides = array<i32>} : memref<528xi32, #tpu.memory_space<vmem>>, vector<16xi32>,
        %slice3A_380 = vector.extract_strided_slice %get3A_379 {offsets = [0], sizes = [1], strides = [1]} : vector<16xi32> to vector<1xi32>
        %squeeze3A_381 = vector.extract %slice3A_380[0] : i32 from vector<1xi32>
        %mul3A_382 = arith.constant 64 : i32
        %mul3A_383 = arith.muli %while3A_377, %mul3A_382 : i32
        %multiple_of3A = tpu.assume_multiple %mul3A_383, 64 : i32
        %mul3A_384 = arith.constant 64 : i32
        %mul3A_385 = arith.muli %squeeze3A_381, %mul3A_384 : i32
        %multiple_of3A_386 = tpu.assume_multiple %mul3A_385, 64 : i32
        %dma_start3A = tpu.memref_slice %arg14[%multiple_of3A] : memref<32768xf32, #tpu.memory_space<vmem>> -> memref<64xf32, #tpu.memory_space<vmem>>
        %dma_start3A_387 = tpu.memref_slice %arg6[%multiple_of3A_386] : memref<1048576xf32, #tpu.memory_space<hbm>> -> memref<64xf32, #tpu.memory_space<hbm>>
        %dma_start3A_388 = tpu.memref_slice %arg6[%multiple_of3A_386] : memref<1048576xf32, #tpu.memory_space<hbm>> -> memref<64xf32, #tpu.memory_space<hbm>>
        %dma_start3A_389 = tpu.memref_slice %arg14[%multiple_of3A] : memref<32768xf32, #tpu.memory_space<vmem>> -> memref<64xf32, #tpu.memory_space<vmem>>
        tpu.enqueue_dma source(%dma_start3A_389 : memref<64xf32, #tpu.memory_space<vmem>>) target(%dma_start3A_388 : memref<64xf32, #tpu.memory_space<hbm>>) target_semaphore(%arg17 : memref<!tpu.dma_semaphore, #tpu.memory_space<semaphore_mem>>)
      }
      %while3A_376 = arith.constant 1 : i32
      scf.for %while3A_377 = %while3A_374 to %while3A_370 step %while3A_376  : i32 {
        %get3A_378 = arith.index_cast %while3A_377 : i32 to index
        %get3A_379 = tpu.vector_load %arg11[%get3A_378] {strides = array<i32>} : memref<528xi32, #tpu.memory_space<vmem>>, vector<16xi32>,
        %slice3A_380 = vector.extract_strided_slice %get3A_379 {offsets = [0], sizes = [1], strides = [1]} : vector<16xi32> to vector<1xi32>
        %squeeze3A_381 = vector.extract %slice3A_380[0] : i32 from vector<1xi32>
        %mul3A_382 = arith.constant 64 : i32
        %mul3A_383 = arith.muli %while3A_377, %mul3A_382 : i32
        %multiple_of3A = tpu.assume_multiple %mul3A_383, 64 : i32
        %mul3A_384 = arith.constant 64 : i32
        %mul3A_385 = arith.muli %squeeze3A_381, %mul3A_384 : i32
        %multiple_of3A_386 = tpu.assume_multiple %mul3A_385, 64 : i32
        %dma_start3A = tpu.memref_slice %arg14[%multiple_of3A] : memref<32768xf32, #tpu.memory_space<vmem>> -> memref<64xf32, #tpu.memory_space<vmem>>
        %dma_start3A_387 = tpu.memref_slice %arg6[%multiple_of3A_386] : memref<1048576xf32, #tpu.memory_space<hbm>> -> memref<64xf32, #tpu.memory_space<hbm>>
        %dma_start3A_388 = tpu.memref_slice %arg6[%multiple_of3A_386] : memref<1048576xf32, #tpu.memory_space<hbm>> -> memref<64xf32, #tpu.memory_space<hbm>>
        %dma_start3A_389 = tpu.memref_slice %arg14[%multiple_of3A] : memref<32768xf32, #tpu.memory_space<vmem>> -> memref<64xf32, #tpu.memory_space<vmem>>
        tpu.enqueue_dma source(%dma_start3A_389 : memref<64xf32, #tpu.memory_space<vmem>>) target(%dma_start3A_388 : memref<64xf32, #tpu.memory_space<hbm>>) target_semaphore(%arg17 : memref<!tpu.dma_semaphore, #tpu.memory_space<semaphore_mem>>)
      }
    }
    %while3A_151 = arith.constant 1 : i32
    scf.for %while3A_155 = %while3A_149 to %while3A_145 step %while3A_151  : i32 {
      %mul3A_156 = arith.constant 4 : i32
      %mul3A_157 = arith.muli %while3A_155, %mul3A_156 : i32
      %add3A_158 = arith.constant 0 : i32
      %add3A_159 = arith.addi %mul3A_157, %add3A_158 : i32
      %lt3A_160 = arith.cmpi slt, %add3A_159, %scan3A_22 : i32
      %min3A_161 = arith.minsi %add3A_159, %scan3A_22 : i32
      %get3A_162 = arith.index_cast %min3A_161 : i32 to index
      %get3A_163 = memref.load %arg7[%get3A_162] : memref<513xi32, #tpu.memory_space<smem>>
      %add3A_164 = arith.constant 16 : i32
      %add3A_165 = arith.addi %add3A_164, %get3A_163 : i32
      %get3A_166 = arith.index_cast %add3A_165 : i32 to index
      %get3A_167 = tpu.vector_load %arg10[%get3A_166] {strides = array<i32>} : memref<544xi32, #tpu.memory_space<vmem>>, vector<16xi32>,
      %slice3A_168 = vector.extract_strided_slice %get3A_167 {offsets = [0], sizes = [1], strides = [1]} : vector<16xi32> to vector<1xi32>
      %squeeze3A_169 = vector.extract %slice3A_168[0] : i32 from vector<1xi32>
      %shift_right_logical3A_170 = arith.constant 7 : i32
      %shift_right_logical3A_171 = arith.shrui %squeeze3A_169, %shift_right_logical3A_170 : i32
      %ne3A_172 = arith.constant 7812 : i32
      %ne3A_173 = arith.cmpi ne, %shift_right_logical3A_171, %ne3A_172 : i32
      %and3A_174 = arith.andi %lt3A_160, %ne3A_173 : i1
      %convert_element_type3A_175 = arith.extui %and3A_174 : i1 to i32
      %add3A_176 = arith.constant 0 : i32
      %add3A_177 = arith.addi %add3A_176, %convert_element_type3A_175 : i32
      %mul3A_178 = arith.constant 4 : i32
      %mul3A_179 = arith.muli %while3A_155, %mul3A_178 : i32
      %add3A_180 = arith.constant 1 : i32
      %add3A_181 = arith.addi %mul3A_179, %add3A_180 : i32
      %lt3A_182 = arith.cmpi slt, %add3A_181, %scan3A_22 : i32
      %min3A_183 = arith.minsi %add3A_181, %scan3A_22 : i32
      %get3A_184 = arith.index_cast %min3A_183 : i32 to index
      %get3A_185 = memref.load %arg7[%get3A_184] : memref<513xi32, #tpu.memory_space<smem>>
      %add3A_186 = arith.constant 16 : i32
      %add3A_187 = arith.addi %add3A_186, %get3A_185 : i32
      %get3A_188 = arith.index_cast %add3A_187 : i32 to index
      %get3A_189 = tpu.vector_load %arg10[%get3A_188] {strides = array<i32>} : memref<544xi32, #tpu.memory_space<vmem>>, vector<16xi32>,
      %slice3A_190 = vector.extract_strided_slice %get3A_189 {offsets = [0], sizes = [1], strides = [1]} : vector<16xi32> to vector<1xi32>
      %squeeze3A_191 = vector.extract %slice3A_190[0] : i32 from vector<1xi32>
      %shift_right_logical3A_192 = arith.constant 7 : i32
      %shift_right_logical3A_193 = arith.shrui %squeeze3A_191, %shift_right_logical3A_192 : i32
      %ne3A_194 = arith.constant 7812 : i32
      %ne3A_195 = arith.cmpi ne, %shift_right_logical3A_193, %ne3A_194 : i32
      %and3A_196 = arith.andi %lt3A_182, %ne3A_195 : i1
      %convert_element_type3A_197 = arith.extui %and3A_196 : i1 to i32
      %add3A_198 = arith.addi %add3A_177, %convert_element_type3A_197 : i32
      %mul3A_199 = arith.constant 4 : i32
      %mul3A_200 = arith.muli %while3A_155, %mul3A_199 : i32
      %add3A_201 = arith.constant 2 : i32
      %add3A_202 = arith.addi %mul3A_200, %add3A_201 : i32
      %lt3A_203 = arith.cmpi slt, %add3A_202, %scan3A_22 : i32
      %min3A_204 = arith.minsi %add3A_202, %scan3A_22 : i32
      %get3A_205 = arith.index_cast %min3A_204 : i32 to index
      %get3A_206 = memref.load %arg7[%get3A_205] : memref<513xi32, #tpu.memory_space<smem>>
      %add3A_207 = arith.constant 16 : i32
      %add3A_208 = arith.addi %add3A_207, %get3A_206 : i32
      %get3A_209 = arith.index_cast %add3A_208 : i32 to index
      %get3A_210 = tpu.vector_load %arg10[%get3A_209] {strides = array<i32>} : memref<544xi32, #tpu.memory_space<vmem>>, vector<16xi32>,
      %slice3A_211 = vector.extract_strided_slice %get3A_210 {offsets = [0], sizes = [1], strides = [1]} : vector<16xi32> to vector<1xi32>
      %squeeze3A_212 = vector.extract %slice3A_211[0] : i32 from vector<1xi32>
      %shift_right_logical3A_213 = arith.constant 7 : i32
      %shift_right_logical3A_214 = arith.shrui %squeeze3A_212, %shift_right_logical3A_213 : i32
      %ne3A_215 = arith.constant 7812 : i32
      %ne3A_216 = arith.cmpi ne, %shift_right_logical3A_214, %ne3A_215 : i32
      %and3A_217 = arith.andi %lt3A_203, %ne3A_216 : i1
      %convert_element_type3A_218 = arith.extui %and3A_217 : i1 to i32
      %add3A_219 = arith.addi %add3A_198, %convert_element_type3A_218 : i32
      %mul3A_220 = arith.constant 4 : i32
      %mul3A_221 = arith.muli %while3A_155, %mul3A_220 : i32
      %add3A_222 = arith.constant 3 : i32
      %add3A_223 = arith.addi %mul3A_221, %add3A_222 : i32
      %lt3A_224 = arith.cmpi slt, %add3A_223, %scan3A_22 : i32
      %min3A_225 = arith.minsi %add3A_223, %scan3A_22 : i32
      %get3A_226 = arith.index_cast %min3A_225 : i32 to index
      %get3A_227 = memref.load %arg7[%get3A_226] : memref<513xi32, #tpu.memory_space<smem>>
      %add3A_228 = arith.constant 16 : i32
      %add3A_229 = arith.addi %add3A_228, %get3A_227 : i32
      %get3A_230 = arith.index_cast %add3A_229 : i32 to index
      %get3A_231 = tpu.vector_load %arg10[%get3A_230] {strides = array<i32>} : memref<544xi32, #tpu.memory_space<vmem>>, vector<16xi32>,
      %slice3A_232 = vector.extract_strided_slice %get3A_231 {offsets = [0], sizes = [1], strides = [1]} : vector<16xi32> to vector<1xi32>
      %squeeze3A_233 = vector.extract %slice3A_232[0] : i32 from vector<1xi32>
      %shift_right_logical3A_234 = arith.constant 7 : i32
      %shift_right_logical3A_235 = arith.shrui %squeeze3A_233, %shift_right_logical3A_234 : i32
      %ne3A_236 = arith.constant 7812 : i32
      %ne3A_237 = arith.cmpi ne, %shift_right_logical3A_235, %ne3A_236 : i32
      %and3A_238 = arith.andi %lt3A_224, %ne3A_237 : i1
      %convert_element_type3A_239 = arith.extui %and3A_238 : i1 to i32
      %add3A_240 = arith.addi %add3A_219, %convert_element_type3A_239 : i32
      %while3A_241 = arith.constant 0 : i32
      %while3A_242 = arith.constant 0 : i32
      %while3A_243 = arith.subi %add3A_240, %while3A_242 : i32
      %while3A_244 = arith.addi %while3A_242, %while3A_243 : i32
      %while3A_245 = arith.constant 1 : i32
      %while3A_246 = arith.divsi %while3A_243, %while3A_245 : i32
      %while3A_247 = arith.muli %while3A_246, %while3A_245 : i32
      %while3A_248 = arith.addi %while3A_242, %while3A_247 : i32
      %while3A_249 = arith.constant 1 : i32
      scf.for %while3A_377 = %while3A_242 to %while3A_248 step %while3A_249  : i32 {
        %dma_wait3A_378 = arith.constant 0 : i32
        %dma_wait3A_379 = arith.constant 0 : i32
        %dma_wait3A_380 = arith.constant 0 : i32
        %dma_wait3A_381 = tpu.memref_slice %arg15[%dma_wait3A_378, %dma_wait3A_379, %dma_wait3A_380] : memref<9x64x128xf32, #tpu.memory_space<vmem>> -> memref<1x64x128xf32, #tpu.memory_space<vmem>>
        %dma_wait3A_382 = tpu.memref_squeeze %dma_wait3A_381 : memref<1x64x128xf32, #tpu.memory_space<vmem>> -> memref<64x128xf32, #tpu.memory_space<vmem>>
        %dma_wait3A_383 = arith.constant 0 : i32
        %dma_wait3A_384 = arith.constant 0 : i32
        %dma_wait3A_385 = tpu.memref_slice %arg4[%dma_wait3A_383, %dma_wait3A_384] : memref<64x1000000xf32, #tpu.memory_space<hbm>> -> memref<64x128xf32, #tpu.memory_space<hbm>>
        %dma_wait3A_386 = arith.constant 0 : i32
        %dma_wait3A_387 = arith.constant 0 : i32
        %dma_wait3A_388 = tpu.memref_slice %arg15[%dma_wait3A_378, %dma_wait3A_386, %dma_wait3A_387] : memref<9x64x128xf32, #tpu.memory_space<vmem>> -> memref<1x64x128xf32, #tpu.memory_space<vmem>>
        %dma_wait3A_389 = tpu.memref_squeeze %dma_wait3A_388 : memref<1x64x128xf32, #tpu.memory_space<vmem>> -> memref<64x128xf32, #tpu.memory_space<vmem>>
        %dma_wait3A_390 = arith.constant 0 : i32
        %dma_wait3A_391 = arith.constant 0 : i32
        %dma_wait3A_392 = tpu.memref_slice %arg4[%dma_wait3A_390, %dma_wait3A_391] : memref<64x1000000xf32, #tpu.memory_space<hbm>> -> memref<64x128xf32, #tpu.memory_space<hbm>>
        tpu.wait_dma2 semaphore(%arg16 : memref<!tpu.dma_semaphore, #tpu.memory_space<semaphore_mem>>) src(%dma_wait3A_392 : memref<64x128xf32, #tpu.memory_space<hbm>>) dst(%dma_wait3A_389 : memref<64x128xf32, #tpu.memory_space<vmem>>)
      }
      %while3A_250 = arith.constant 1 : i32
      scf.for %while3A_377 = %while3A_248 to %while3A_244 step %while3A_250  : i32 {
        %dma_wait3A_378 = arith.constant 0 : i32
        %dma_wait3A_379 = arith.constant 0 : i32
        %dma_wait3A_380 = arith.constant 0 : i32
        %dma_wait3A_381 = tpu.memref_slice %arg15[%dma_wait3A_378, %dma_wait3A_379, %dma_wait3A_380] : memref<9x64x128xf32, #tpu.memory_space<vmem>> -> memref<1x64x128xf32, #tpu.memory_space<vmem>>
        %dma_wait3A_382 = tpu.memref_squeeze %dma_wait3A_381 : memref<1x64x128xf32, #tpu.memory_space<vmem>> -> memref<64x128xf32, #tpu.memory_space<vmem>>
        %dma_wait3A_383 = arith.constant 0 : i32
        %dma_wait3A_384 = arith.constant 0 : i32
        %dma_wait3A_385 = tpu.memref_slice %arg4[%dma_wait3A_383, %dma_wait3A_384] : memref<64x1000000xf32, #tpu.memory_space<hbm>> -> memref<64x128xf32, #tpu.memory_space<hbm>>
        %dma_wait3A_386 = arith.constant 0 : i32
        %dma_wait3A_387 = arith.constant 0 : i32
        %dma_wait3A_388 = tpu.memref_slice %arg15[%dma_wait3A_378, %dma_wait3A_386, %dma_wait3A_387] : memref<9x64x128xf32, #tpu.memory_space<vmem>> -> memref<1x64x128xf32, #tpu.memory_space<vmem>>
        %dma_wait3A_389 = tpu.memref_squeeze %dma_wait3A_388 : memref<1x64x128xf32, #tpu.memory_space<vmem>> -> memref<64x128xf32, #tpu.memory_space<vmem>>
        %dma_wait3A_390 = arith.constant 0 : i32
        %dma_wait3A_391 = arith.constant 0 : i32
        %dma_wait3A_392 = tpu.memref_slice %arg4[%dma_wait3A_390, %dma_wait3A_391] : memref<64x1000000xf32, #tpu.memory_space<hbm>> -> memref<64x128xf32, #tpu.memory_space<hbm>>
        tpu.wait_dma2 semaphore(%arg16 : memref<!tpu.dma_semaphore, #tpu.memory_space<semaphore_mem>>) src(%dma_wait3A_392 : memref<64x128xf32, #tpu.memory_space<hbm>>) dst(%dma_wait3A_389 : memref<64x128xf32, #tpu.memory_space<vmem>>)
      }
      %add3A_251 = arith.constant 1 : i32
      %add3A_252 = arith.addi %while3A_155, %add3A_251 : i32
      %mul3A_253 = arith.constant 4 : i32
      %mul3A_254 = arith.muli %add3A_252, %mul3A_253 : i32
      %add3A_255 = arith.constant 0 : i32
      %add3A_256 = arith.addi %mul3A_254, %add3A_255 : i32
      %lt3A_257 = arith.cmpi slt, %add3A_256, %scan3A_22 : i32
      %min3A_258 = arith.minsi %add3A_256, %scan3A_22 : i32
      %get3A_259 = arith.index_cast %min3A_258 : i32 to index
      %get3A_260 = memref.load %arg7[%get3A_259] : memref<513xi32, #tpu.memory_space<smem>>
      %add3A_261 = arith.constant 16 : i32
      %add3A_262 = arith.addi %add3A_261, %get3A_260 : i32
      %get3A_263 = arith.index_cast %add3A_262 : i32 to index
      %get3A_264 = tpu.vector_load %arg10[%get3A_263] {strides = array<i32>} : memref<544xi32, #tpu.memory_space<vmem>>, vector<16xi32>,
      %slice3A_265 = vector.extract_strided_slice %get3A_264 {offsets = [0], sizes = [1], strides = [1]} : vector<16xi32> to vector<1xi32>
      %squeeze3A_266 = vector.extract %slice3A_265[0] : i32 from vector<1xi32>
      %shift_right_logical3A_267 = arith.constant 7 : i32
      %shift_right_logical3A_268 = arith.shrui %squeeze3A_266, %shift_right_logical3A_267 : i32
      %ne3A_269 = arith.constant 7812 : i32
      %ne3A_270 = arith.cmpi ne, %shift_right_logical3A_268, %ne3A_269 : i32
      %and3A_271 = arith.andi %lt3A_257, %ne3A_270 : i1
      %convert_element_type3A_272 = arith.extui %and3A_271 : i1 to i32
      %cond3A_273 = arith.constant 0 : i32
      %cond3A_274 = arith.cmpi ne, %convert_element_type3A_272, %cond3A_273 : i32
      scf.if %cond3A_274 {
        %mul3A_377 = arith.constant 128 : i32
        %mul3A_378 = arith.muli %shift_right_logical3A_268, %mul3A_377 : i32
        %multiple_of3A = tpu.assume_multiple %mul3A_378, 128 : i32
        %and3A_379 = arith.constant 7 : i32
        %and3A_380 = arith.andi %add3A_256, %and3A_379 : i32
        %dma_start3A = arith.constant 0 : i32
        %dma_start3A_381 = arith.constant 0 : i32
        %dma_start3A_382 = tpu.memref_slice %arg15[%and3A_380, %dma_start3A, %dma_start3A_381] : memref<9x64x128xf32, #tpu.memory_space<vmem>> -> memref<1x64x128xf32, #tpu.memory_space<vmem>>
        %dma_start3A_383 = tpu.memref_squeeze %dma_start3A_382 : memref<1x64x128xf32, #tpu.memory_space<vmem>> -> memref<64x128xf32, #tpu.memory_space<vmem>>
        %dma_start3A_384 = arith.constant 0 : i32
        %dma_start3A_385 = tpu.memref_slice %arg4[%dma_start3A_384, %multiple_of3A] : memref<64x1000000xf32, #tpu.memory_space<hbm>> -> memref<64x128xf32, #tpu.memory_space<hbm>>
        %dma_start3A_386 = arith.constant 0 : i32
        %dma_start3A_387 = arith.constant 0 : i32
        %dma_start3A_388 = tpu.memref_slice %arg15[%and3A_380, %dma_start3A_386, %dma_start3A_387] : memref<9x64x128xf32, #tpu.memory_space<vmem>> -> memref<1x64x128xf32, #tpu.memory_space<vmem>>
        %dma_start3A_389 = tpu.memref_squeeze %dma_start3A_388 : memref<1x64x128xf32, #tpu.memory_space<vmem>> -> memref<64x128xf32, #tpu.memory_space<vmem>>
        %dma_start3A_390 = arith.constant 0 : i32
        %dma_start3A_391 = tpu.memref_slice %arg4[%dma_start3A_390, %multiple_of3A] : memref<64x1000000xf32, #tpu.memory_space<hbm>> -> memref<64x128xf32, #tpu.memory_space<hbm>>
        tpu.enqueue_dma source(%dma_start3A_391 : memref<64x128xf32, #tpu.memory_space<hbm>>) target(%dma_start3A_389 : memref<64x128xf32, #tpu.memory_space<vmem>>) target_semaphore(%arg16 : memref<!tpu.dma_semaphore, #tpu.memory_space<semaphore_mem>>)
      } else {
      }
      %mul3A_275 = arith.constant 4 : i32
      %mul3A_276 = arith.muli %add3A_252, %mul3A_275 : i32
      %add3A_277 = arith.constant 1 : i32
      %add3A_278 = arith.addi %mul3A_276, %add3A_277 : i32
      %lt3A_279 = arith.cmpi slt, %add3A_278, %scan3A_22 : i32
      %min3A_280 = arith.minsi %add3A_278, %scan3A_22 : i32
      %get3A_281 = arith.index_cast %min3A_280 : i32 to index
      %get3A_282 = memref.load %arg7[%get3A_281] : memref<513xi32, #tpu.memory_space<smem>>
      %add3A_283 = arith.constant 16 : i32
      %add3A_284 = arith.addi %add3A_283, %get3A_282 : i32
      %get3A_285 = arith.index_cast %add3A_284 : i32 to index
      %get3A_286 = tpu.vector_load %arg10[%get3A_285] {strides = array<i32>} : memref<544xi32, #tpu.memory_space<vmem>>, vector<16xi32>,
      %slice3A_287 = vector.extract_strided_slice %get3A_286 {offsets = [0], sizes = [1], strides = [1]} : vector<16xi32> to vector<1xi32>
      %squeeze3A_288 = vector.extract %slice3A_287[0] : i32 from vector<1xi32>
      %shift_right_logical3A_289 = arith.constant 7 : i32
      %shift_right_logical3A_290 = arith.shrui %squeeze3A_288, %shift_right_logical3A_289 : i32
      %ne3A_291 = arith.constant 7812 : i32
      %ne3A_292 = arith.cmpi ne, %shift_right_logical3A_290, %ne3A_291 : i32
      %and3A_293 = arith.andi %lt3A_279, %ne3A_292 : i1
      %convert_element_type3A_294 = arith.extui %and3A_293 : i1 to i32
      %cond3A_295 = arith.constant 0 : i32
      %cond3A_296 = arith.cmpi ne, %convert_element_type3A_294, %cond3A_295 : i32
      scf.if %cond3A_296 {
        %mul3A_377 = arith.constant 128 : i32
        %mul3A_378 = arith.muli %shift_right_logical3A_290, %mul3A_377 : i32
        %multiple_of3A = tpu.assume_multiple %mul3A_378, 128 : i32
        %and3A_379 = arith.constant 7 : i32
        %and3A_380 = arith.andi %add3A_278, %and3A_379 : i32
        %dma_start3A = arith.constant 0 : i32
        %dma_start3A_381 = arith.constant 0 : i32
        %dma_start3A_382 = tpu.memref_slice %arg15[%and3A_380, %dma_start3A, %dma_start3A_381] : memref<9x64x128xf32, #tpu.memory_space<vmem>> -> memref<1x64x128xf32, #tpu.memory_space<vmem>>
        %dma_start3A_383 = tpu.memref_squeeze %dma_start3A_382 : memref<1x64x128xf32, #tpu.memory_space<vmem>> -> memref<64x128xf32, #tpu.memory_space<vmem>>
        %dma_start3A_384 = arith.constant 0 : i32
        %dma_start3A_385 = tpu.memref_slice %arg4[%dma_start3A_384, %multiple_of3A] : memref<64x1000000xf32, #tpu.memory_space<hbm>> -> memref<64x128xf32, #tpu.memory_space<hbm>>
        %dma_start3A_386 = arith.constant 0 : i32
        %dma_start3A_387 = arith.constant 0 : i32
        %dma_start3A_388 = tpu.memref_slice %arg15[%and3A_380, %dma_start3A_386, %dma_start3A_387] : memref<9x64x128xf32, #tpu.memory_space<vmem>> -> memref<1x64x128xf32, #tpu.memory_space<vmem>>
        %dma_start3A_389 = tpu.memref_squeeze %dma_start3A_388 : memref<1x64x128xf32, #tpu.memory_space<vmem>> -> memref<64x128xf32, #tpu.memory_space<vmem>>
        %dma_start3A_390 = arith.constant 0 : i32
        %dma_start3A_391 = tpu.memref_slice %arg4[%dma_start3A_390, %multiple_of3A] : memref<64x1000000xf32, #tpu.memory_space<hbm>> -> memref<64x128xf32, #tpu.memory_space<hbm>>
        tpu.enqueue_dma source(%dma_start3A_391 : memref<64x128xf32, #tpu.memory_space<hbm>>) target(%dma_start3A_389 : memref<64x128xf32, #tpu.memory_space<vmem>>) target_semaphore(%arg16 : memref<!tpu.dma_semaphore, #tpu.memory_space<semaphore_mem>>)
      } else {
      }
      %mul3A_297 = arith.constant 4 : i32
      %mul3A_298 = arith.muli %add3A_252, %mul3A_297 : i32
      %add3A_299 = arith.constant 2 : i32
      %add3A_300 = arith.addi %mul3A_298, %add3A_299 : i32
      %lt3A_301 = arith.cmpi slt, %add3A_300, %scan3A_22 : i32
      %min3A_302 = arith.minsi %add3A_300, %scan3A_22 : i32
      %get3A_303 = arith.index_cast %min3A_302 : i32 to index
      %get3A_304 = memref.load %arg7[%get3A_303] : memref<513xi32, #tpu.memory_space<smem>>
      %add3A_305 = arith.constant 16 : i32
      %add3A_306 = arith.addi %add3A_305, %get3A_304 : i32
      %get3A_307 = arith.index_cast %add3A_306 : i32 to index
      %get3A_308 = tpu.vector_load %arg10[%get3A_307] {strides = array<i32>} : memref<544xi32, #tpu.memory_space<vmem>>, vector<16xi32>,
      %slice3A_309 = vector.extract_strided_slice %get3A_308 {offsets = [0], sizes = [1], strides = [1]} : vector<16xi32> to vector<1xi32>
      %squeeze3A_310 = vector.extract %slice3A_309[0] : i32 from vector<1xi32>
      %shift_right_logical3A_311 = arith.constant 7 : i32
      %shift_right_logical3A_312 = arith.shrui %squeeze3A_310, %shift_right_logical3A_311 : i32
      %ne3A_313 = arith.constant 7812 : i32
      %ne3A_314 = arith.cmpi ne, %shift_right_logical3A_312, %ne3A_313 : i32
      %and3A_315 = arith.andi %lt3A_301, %ne3A_314 : i1
      %convert_element_type3A_316 = arith.extui %and3A_315 : i1 to i32
      %cond3A_317 = arith.constant 0 : i32
      %cond3A_318 = arith.cmpi ne, %convert_element_type3A_316, %cond3A_317 : i32
      scf.if %cond3A_318 {
        %mul3A_377 = arith.constant 128 : i32
        %mul3A_378 = arith.muli %shift_right_logical3A_312, %mul3A_377 : i32
        %multiple_of3A = tpu.assume_multiple %mul3A_378, 128 : i32
        %and3A_379 = arith.constant 7 : i32
        %and3A_380 = arith.andi %add3A_300, %and3A_379 : i32
        %dma_start3A = arith.constant 0 : i32
        %dma_start3A_381 = arith.constant 0 : i32
        %dma_start3A_382 = tpu.memref_slice %arg15[%and3A_380, %dma_start3A, %dma_start3A_381] : memref<9x64x128xf32, #tpu.memory_space<vmem>> -> memref<1x64x128xf32, #tpu.memory_space<vmem>>
        %dma_start3A_383 = tpu.memref_squeeze %dma_start3A_382 : memref<1x64x128xf32, #tpu.memory_space<vmem>> -> memref<64x128xf32, #tpu.memory_space<vmem>>
        %dma_start3A_384 = arith.constant 0 : i32
        %dma_start3A_385 = tpu.memref_slice %arg4[%dma_start3A_384, %multiple_of3A] : memref<64x1000000xf32, #tpu.memory_space<hbm>> -> memref<64x128xf32, #tpu.memory_space<hbm>>
        %dma_start3A_386 = arith.constant 0 : i32
        %dma_start3A_387 = arith.constant 0 : i32
        %dma_start3A_388 = tpu.memref_slice %arg15[%and3A_380, %dma_start3A_386, %dma_start3A_387] : memref<9x64x128xf32, #tpu.memory_space<vmem>> -> memref<1x64x128xf32, #tpu.memory_space<vmem>>
        %dma_start3A_389 = tpu.memref_squeeze %dma_start3A_388 : memref<1x64x128xf32, #tpu.memory_space<vmem>> -> memref<64x128xf32, #tpu.memory_space<vmem>>
        %dma_start3A_390 = arith.constant 0 : i32
        %dma_start3A_391 = tpu.memref_slice %arg4[%dma_start3A_390, %multiple_of3A] : memref<64x1000000xf32, #tpu.memory_space<hbm>> -> memref<64x128xf32, #tpu.memory_space<hbm>>
        tpu.enqueue_dma source(%dma_start3A_391 : memref<64x128xf32, #tpu.memory_space<hbm>>) target(%dma_start3A_389 : memref<64x128xf32, #tpu.memory_space<vmem>>) target_semaphore(%arg16 : memref<!tpu.dma_semaphore, #tpu.memory_space<semaphore_mem>>)
      } else {
      }
      %mul3A_319 = arith.constant 4 : i32
      %mul3A_320 = arith.muli %add3A_252, %mul3A_319 : i32
      %add3A_321 = arith.constant 3 : i32
      %add3A_322 = arith.addi %mul3A_320, %add3A_321 : i32
      %lt3A_323 = arith.cmpi slt, %add3A_322, %scan3A_22 : i32
      %min3A_324 = arith.minsi %add3A_322, %scan3A_22 : i32
      %get3A_325 = arith.index_cast %min3A_324 : i32 to index
      %get3A_326 = memref.load %arg7[%get3A_325] : memref<513xi32, #tpu.memory_space<smem>>
      %add3A_327 = arith.constant 16 : i32
      %add3A_328 = arith.addi %add3A_327, %get3A_326 : i32
      %get3A_329 = arith.index_cast %add3A_328 : i32 to index
      %get3A_330 = tpu.vector_load %arg10[%get3A_329] {strides = array<i32>} : memref<544xi32, #tpu.memory_space<vmem>>, vector<16xi32>,
      %slice3A_331 = vector.extract_strided_slice %get3A_330 {offsets = [0], sizes = [1], strides = [1]} : vector<16xi32> to vector<1xi32>
      %squeeze3A_332 = vector.extract %slice3A_331[0] : i32 from vector<1xi32>
      %shift_right_logical3A_333 = arith.constant 7 : i32
      %shift_right_logical3A_334 = arith.shrui %squeeze3A_332, %shift_right_logical3A_333 : i32
      %ne3A_335 = arith.constant 7812 : i32
      %ne3A_336 = arith.cmpi ne, %shift_right_logical3A_334, %ne3A_335 : i32
      %and3A_337 = arith.andi %lt3A_323, %ne3A_336 : i1
      %convert_element_type3A_338 = arith.extui %and3A_337 : i1 to i32
      %cond3A_339 = arith.constant 0 : i32
      %cond3A_340 = arith.cmpi ne, %convert_element_type3A_338, %cond3A_339 : i32
      scf.if %cond3A_340 {
        %mul3A_377 = arith.constant 128 : i32
        %mul3A_378 = arith.muli %shift_right_logical3A_334, %mul3A_377 : i32
        %multiple_of3A = tpu.assume_multiple %mul3A_378, 128 : i32
        %and3A_379 = arith.constant 7 : i32
        %and3A_380 = arith.andi %add3A_322, %and3A_379 : i32
        %dma_start3A = arith.constant 0 : i32
        %dma_start3A_381 = arith.constant 0 : i32
        %dma_start3A_382 = tpu.memref_slice %arg15[%and3A_380, %dma_start3A, %dma_start3A_381] : memref<9x64x128xf32, #tpu.memory_space<vmem>> -> memref<1x64x128xf32, #tpu.memory_space<vmem>>
        %dma_start3A_383 = tpu.memref_squeeze %dma_start3A_382 : memref<1x64x128xf32, #tpu.memory_space<vmem>> -> memref<64x128xf32, #tpu.memory_space<vmem>>
        %dma_start3A_384 = arith.constant 0 : i32
        %dma_start3A_385 = tpu.memref_slice %arg4[%dma_start3A_384, %multiple_of3A] : memref<64x1000000xf32, #tpu.memory_space<hbm>> -> memref<64x128xf32, #tpu.memory_space<hbm>>
        %dma_start3A_386 = arith.constant 0 : i32
        %dma_start3A_387 = arith.constant 0 : i32
        %dma_start3A_388 = tpu.memref_slice %arg15[%and3A_380, %dma_start3A_386, %dma_start3A_387] : memref<9x64x128xf32, #tpu.memory_space<vmem>> -> memref<1x64x128xf32, #tpu.memory_space<vmem>>
        %dma_start3A_389 = tpu.memref_squeeze %dma_start3A_388 : memref<1x64x128xf32, #tpu.memory_space<vmem>> -> memref<64x128xf32, #tpu.memory_space<vmem>>
        %dma_start3A_390 = arith.constant 0 : i32
        %dma_start3A_391 = tpu.memref_slice %arg4[%dma_start3A_390, %multiple_of3A] : memref<64x1000000xf32, #tpu.memory_space<hbm>> -> memref<64x128xf32, #tpu.memory_space<hbm>>
        tpu.enqueue_dma source(%dma_start3A_391 : memref<64x128xf32, #tpu.memory_space<hbm>>) target(%dma_start3A_389 : memref<64x128xf32, #tpu.memory_space<vmem>>) target_semaphore(%arg16 : memref<!tpu.dma_semaphore, #tpu.memory_space<semaphore_mem>>)
      } else {
      }
      %mul3A_341 = arith.constant 4 : i32
      %mul3A_342 = arith.muli %while3A_155, %mul3A_341 : i32
      %min3A_343 = arith.minsi %mul3A_342, %scan3A_22 : i32
      %get3A_344 = arith.index_cast %min3A_343 : i32 to index
      %get3A_345 = memref.load %arg7[%get3A_344] : memref<513xi32, #tpu.memory_space<smem>>
      %add3A_346 = arith.constant 1 : i32
      %add3A_347 = arith.addi %while3A_155, %add3A_346 : i32
      %mul3A_348 = arith.constant 4 : i32
      %mul3A_349 = arith.muli %add3A_347, %mul3A_348 : i32
      %min3A_350 = arith.minsi %mul3A_349, %scan3A_22 : i32
      %get3A_351 = arith.index_cast %min3A_350 : i32 to index
      %get3A_352 = memref.load %arg7[%get3A_351] : memref<513xi32, #tpu.memory_space<smem>>
      %shift_right_logical3A_353 = arith.constant 4 : i32
      %shift_right_logical3A_354 = arith.shrui %get3A_345, %shift_right_logical3A_353 : i32
      %add3A_355 = arith.constant 15 : i32
      %add3A_356 = arith.addi %get3A_352, %add3A_355 : i32
      %shift_right_logical3A_357 = arith.constant 4 : i32
      %shift_right_logical3A_358 = arith.shrui %add3A_356, %shift_right_logical3A_357 : i32
      %while3A_359 = arith.constant 0 : i32
      %while3A_360 = arith.subi %shift_right_logical3A_358, %shift_right_logical3A_354 : i32
      %while3A_361 = arith.addi %shift_right_logical3A_354, %while3A_360 : i32
      %while3A_362 = arith.constant 1 : i32
      %while3A_363 = arith.divsi %while3A_360, %while3A_362 : i32
      %while3A_364 = arith.muli %while3A_363, %while3A_362 : i32
      %while3A_365 = arith.addi %shift_right_logical3A_354, %while3A_364 : i32
      %while3A_366 = arith.constant 1 : i32
      scf.for %while3A_377 = %shift_right_logical3A_354 to %while3A_365 step %while3A_366  : i32 {
        %mul3A_378 = arith.constant 16 : i32
        %mul3A_379 = arith.muli %while3A_377, %mul3A_378 : i32
        %add3A_380 = vector.broadcast %mul3A_379 : i32 to vector<16xi32>
        %add3A_381 = arith.addi %add3A_380, %iota3A : vector<16xi32>
        %ge3A = vector.broadcast %get3A_345 : i32 to vector<16xi32>
        %ge3A_382 = arith.cmpi sge, %add3A_381, %ge3A : vector<16xi32>
        %lt3A_383 = vector.broadcast %get3A_352 : i32 to vector<16xi32>
        %lt3A_384 = arith.cmpi slt, %add3A_381, %lt3A_383 : vector<16xi32>
        %and3A_385 = arith.andi %ge3A_382, %lt3A_384 : vector<16xi1>
        %mul3A_386 = arith.constant 16 : i32
        %mul3A_387 = arith.muli %while3A_377, %mul3A_386 : i32
        %get3A_388 = arith.index_cast %mul3A_387 : i32 to index
        %get3A_389 = tpu.vector_load %arg12[%get3A_388] {strides = array<i32>} : memref<528xi32, #tpu.memory_space<vmem>>, vector<16xi32>,
        %mul3A_390 = arith.constant 16 : i32
        %mul3A_391 = arith.muli %while3A_377, %mul3A_390 : i32
        %get3A_392 = arith.index_cast %mul3A_391 : i32 to index
        %get3A_393 = tpu.vector_load %arg13[%get3A_392] {strides = array<i32>} : memref<528xi32, #tpu.memory_space<vmem>>, vector<16xi32>,
        %mul3A_394 = arith.constant 64 : i32
        %mul3A_395 = vector.broadcast %mul3A_394 : i32 to vector<16xi32>
        %mul3A_396 = arith.muli %add3A_381, %mul3A_395 : vector<16xi32>
        %broadcast_in_dim3A_397 = arith.constant 0 : i32
        %broadcast_in_dim3A_398 = vector.broadcast %broadcast_in_dim3A_397 : i32 to vector<16xi32>
        %gather3A = tpu.vector_load_idx %arg15[%get3A_389, %broadcast_in_dim3A_398, %get3A_393] : memref<9x64x128xf32, #tpu.memory_space<vmem>>[vector<16xi32>, vector<16xi32>, vector<16xi32>], vector<16xf32>,
        %add3A_399 = arith.constant 0 : i32
        %add3A_400 = vector.broadcast %add3A_399 : i32 to vector<16xi32>
        %add3A_401 = arith.addi %mul3A_396, %add3A_400 : vector<16xi32>
        tpu.vector_store_idx %arg14[%add3A_401], %gather3A masked %and3A_385 : memref<32768xf32, #tpu.memory_space<vmem>>[vector<16xi32>], vector<16xf32>, vector<16xi1>
        %broadcast_in_dim3A_402 = arith.constant 1 : i32
        %broadcast_in_dim3A_403 = vector.broadcast %broadcast_in_dim3A_402 : i32 to vector<16xi32>
        %gather3A_404 = tpu.vector_load_idx %arg15[%get3A_389, %broadcast_in_dim3A_403, %get3A_393] : memref<9x64x128xf32, #tpu.memory_space<vmem>>[vector<16xi32>, vector<16xi32>, vector<16xi32>], vector<16xf32>,
        %add3A_405 = arith.constant 1 : i32
        %add3A_406 = vector.broadcast %add3A_405 : i32 to vector<16xi32>
        %add3A_407 = arith.addi %mul3A_396, %add3A_406 : vector<16xi32>
        tpu.vector_store_idx %arg14[%add3A_407], %gather3A_404 masked %and3A_385 : memref<32768xf32, #tpu.memory_space<vmem>>[vector<16xi32>], vector<16xf32>, vector<16xi1>
        %broadcast_in_dim3A_408 = arith.constant 2 : i32
        %broadcast_in_dim3A_409 = vector.broadcast %broadcast_in_dim3A_408 : i32 to vector<16xi32>
        %gather3A_410 = tpu.vector_load_idx %arg15[%get3A_389, %broadcast_in_dim3A_409, %get3A_393] : memref<9x64x128xf32, #tpu.memory_space<vmem>>[vector<16xi32>, vector<16xi32>, vector<16xi32>], vector<16xf32>,
        %add3A_411 = arith.constant 2 : i32
        %add3A_412 = vector.broadcast %add3A_411 : i32 to vector<16xi32>
        %add3A_413 = arith.addi %mul3A_396, %add3A_412 : vector<16xi32>
        tpu.vector_store_idx %arg14[%add3A_413], %gather3A_410 masked %and3A_385 : memref<32768xf32, #tpu.memory_space<vmem>>[vector<16xi32>], vector<16xf32>, vector<16xi1>
        %broadcast_in_dim3A_414 = arith.constant 3 : i32
        %broadcast_in_dim3A_415 = vector.broadcast %broadcast_in_dim3A_414 : i32 to vector<16xi32>
        %gather3A_416 = tpu.vector_load_idx %arg15[%get3A_389, %broadcast_in_dim3A_415, %get3A_393] : memref<9x64x128xf32, #tpu.memory_space<vmem>>[vector<16xi32>, vector<16xi32>, vector<16xi32>], vector<16xf32>,
        %add3A_417 = arith.constant 3 : i32
        %add3A_418 = vector.broadcast %add3A_417 : i32 to vector<16xi32>
        %add3A_419 = arith.addi %mul3A_396, %add3A_418 : vector<16xi32>
        tpu.vector_store_idx %arg14[%add3A_419], %gather3A_416 masked %and3A_385 : memref<32768xf32, #tpu.memory_space<vmem>>[vector<16xi32>], vector<16xf32>, vector<16xi1>
        %broadcast_in_dim3A_420 = arith.constant 4 : i32
        %broadcast_in_dim3A_421 = vector.broadcast %broadcast_in_dim3A_420 : i32 to vector<16xi32>
        %gather3A_422 = tpu.vector_load_idx %arg15[%get3A_389, %broadcast_in_dim3A_421, %get3A_393] : memref<9x64x128xf32, #tpu.memory_space<vmem>>[vector<16xi32>, vector<16xi32>, vector<16xi32>], vector<16xf32>,
        %add3A_423 = arith.constant 4 : i32
        %add3A_424 = vector.broadcast %add3A_423 : i32 to vector<16xi32>
        %add3A_425 = arith.addi %mul3A_396, %add3A_424 : vector<16xi32>
        tpu.vector_store_idx %arg14[%add3A_425], %gather3A_422 masked %and3A_385 : memref<32768xf32, #tpu.memory_space<vmem>>[vector<16xi32>], vector<16xf32>, vector<16xi1>
        %broadcast_in_dim3A_426 = arith.constant 5 : i32
        %broadcast_in_dim3A_427 = vector.broadcast %broadcast_in_dim3A_426 : i32 to vector<16xi32>
        %gather3A_428 = tpu.vector_load_idx %arg15[%get3A_389, %broadcast_in_dim3A_427, %get3A_393] : memref<9x64x128xf32, #tpu.memory_space<vmem>>[vector<16xi32>, vector<16xi32>, vector<16xi32>], vector<16xf32>,
        %add3A_429 = arith.constant 5 : i32
        %add3A_430 = vector.broadcast %add3A_429 : i32 to vector<16xi32>
        %add3A_431 = arith.addi %mul3A_396, %add3A_430 : vector<16xi32>
        tpu.vector_store_idx %arg14[%add3A_431], %gather3A_428 masked %and3A_385 : memref<32768xf32, #tpu.memory_space<vmem>>[vector<16xi32>], vector<16xf32>, vector<16xi1>
        %broadcast_in_dim3A_432 = arith.constant 6 : i32
        %broadcast_in_dim3A_433 = vector.broadcast %broadcast_in_dim3A_432 : i32 to vector<16xi32>
        %gather3A_434 = tpu.vector_load_idx %arg15[%get3A_389, %broadcast_in_dim3A_433, %get3A_393] : memref<9x64x128xf32, #tpu.memory_space<vmem>>[vector<16xi32>, vector<16xi32>, vector<16xi32>], vector<16xf32>,
        %add3A_435 = arith.constant 6 : i32
        %add3A_436 = vector.broadcast %add3A_435 : i32 to vector<16xi32>
        %add3A_437 = arith.addi %mul3A_396, %add3A_436 : vector<16xi32>
        tpu.vector_store_idx %arg14[%add3A_437], %gather3A_434 masked %and3A_385 : memref<32768xf32, #tpu.memory_space<vmem>>[vector<16xi32>], vector<16xf32>, vector<16xi1>
        %broadcast_in_dim3A_438 = arith.constant 7 : i32
        %broadcast_in_dim3A_439 = vector.broadcast %broadcast_in_dim3A_438 : i32 to vector<16xi32>
        %gather3A_440 = tpu.vector_load_idx %arg15[%get3A_389, %broadcast_in_dim3A_439, %get3A_393] : memref<9x64x128xf32, #tpu.memory_space<vmem>>[vector<16xi32>, vector<16xi32>, vector<16xi32>], vector<16xf32>,
        %add3A_441 = arith.constant 7 : i32
        %add3A_442 = vector.broadcast %add3A_441 : i32 to vector<16xi32>
        %add3A_443 = arith.addi %mul3A_396, %add3A_442 : vector<16xi32>
        tpu.vector_store_idx %arg14[%add3A_443], %gather3A_440 masked %and3A_385 : memref<32768xf32, #tpu.memory_space<vmem>>[vector<16xi32>], vector<16xf32>, vector<16xi1>
        %broadcast_in_dim3A_444 = arith.constant 8 : i32
        %broadcast_in_dim3A_445 = vector.broadcast %broadcast_in_dim3A_444 : i32 to vector<16xi32>
        %gather3A_446 = tpu.vector_load_idx %arg15[%get3A_389, %broadcast_in_dim3A_445, %get3A_393] : memref<9x64x128xf32, #tpu.memory_space<vmem>>[vector<16xi32>, vector<16xi32>, vector<16xi32>], vector<16xf32>,
        %add3A_447 = arith.constant 8 : i32
        %add3A_448 = vector.broadcast %add3A_447 : i32 to vector<16xi32>
        %add3A_449 = arith.addi %mul3A_396, %add3A_448 : vector<16xi32>
        tpu.vector_store_idx %arg14[%add3A_449], %gather3A_446 masked %and3A_385 : memref<32768xf32, #tpu.memory_space<vmem>>[vector<16xi32>], vector<16xf32>, vector<16xi1>
        %broadcast_in_dim3A_450 = arith.constant 9 : i32
        %broadcast_in_dim3A_451 = vector.broadcast %broadcast_in_dim3A_450 : i32 to vector<16xi32>
        %gather3A_452 = tpu.vector_load_idx %arg15[%get3A_389, %broadcast_in_dim3A_451, %get3A_393] : memref<9x64x128xf32, #tpu.memory_space<vmem>>[vector<16xi32>, vector<16xi32>, vector<16xi32>], vector<16xf32>,
        %add3A_453 = arith.constant 9 : i32
        %add3A_454 = vector.broadcast %add3A_453 : i32 to vector<16xi32>
        %add3A_455 = arith.addi %mul3A_396, %add3A_454 : vector<16xi32>
        tpu.vector_store_idx %arg14[%add3A_455], %gather3A_452 masked %and3A_385 : memref<32768xf32, #tpu.memory_space<vmem>>[vector<16xi32>], vector<16xf32>, vector<16xi1>
        %broadcast_in_dim3A_456 = arith.constant 10 : i32
        %broadcast_in_dim3A_457 = vector.broadcast %broadcast_in_dim3A_456 : i32 to vector<16xi32>
        %gather3A_458 = tpu.vector_load_idx %arg15[%get3A_389, %broadcast_in_dim3A_457, %get3A_393] : memref<9x64x128xf32, #tpu.memory_space<vmem>>[vector<16xi32>, vector<16xi32>, vector<16xi32>], vector<16xf32>,
        %add3A_459 = arith.constant 10 : i32
        %add3A_460 = vector.broadcast %add3A_459 : i32 to vector<16xi32>
        %add3A_461 = arith.addi %mul3A_396, %add3A_460 : vector<16xi32>
        tpu.vector_store_idx %arg14[%add3A_461], %gather3A_458 masked %and3A_385 : memref<32768xf32, #tpu.memory_space<vmem>>[vector<16xi32>], vector<16xf32>, vector<16xi1>
        %broadcast_in_dim3A_462 = arith.constant 11 : i32
        %broadcast_in_dim3A_463 = vector.broadcast %broadcast_in_dim3A_462 : i32 to vector<16xi32>
        %gather3A_464 = tpu.vector_load_idx %arg15[%get3A_389, %broadcast_in_dim3A_463, %get3A_393] : memref<9x64x128xf32, #tpu.memory_space<vmem>>[vector<16xi32>, vector<16xi32>, vector<16xi32>], vector<16xf32>,
        %add3A_465 = arith.constant 11 : i32
        %add3A_466 = vector.broadcast %add3A_465 : i32 to vector<16xi32>
        %add3A_467 = arith.addi %mul3A_396, %add3A_466 : vector<16xi32>
        tpu.vector_store_idx %arg14[%add3A_467], %gather3A_464 masked %and3A_385 : memref<32768xf32, #tpu.memory_space<vmem>>[vector<16xi32>], vector<16xf32>, vector<16xi1>
        %broadcast_in_dim3A_468 = arith.constant 12 : i32
        %broadcast_in_dim3A_469 = vector.broadcast %broadcast_in_dim3A_468 : i32 to vector<16xi32>
        %gather3A_470 = tpu.vector_load_idx %arg15[%get3A_389, %broadcast_in_dim3A_469, %get3A_393] : memref<9x64x128xf32, #tpu.memory_space<vmem>>[vector<16xi32>, vector<16xi32>, vector<16xi32>], vector<16xf32>,
        %add3A_471 = arith.constant 12 : i32
        %add3A_472 = vector.broadcast %add3A_471 : i32 to vector<16xi32>
        %add3A_473 = arith.addi %mul3A_396, %add3A_472 : vector<16xi32>
        tpu.vector_store_idx %arg14[%add3A_473], %gather3A_470 masked %and3A_385 : memref<32768xf32, #tpu.memory_space<vmem>>[vector<16xi32>], vector<16xf32>, vector<16xi1>
        %broadcast_in_dim3A_474 = arith.constant 13 : i32
        %broadcast_in_dim3A_475 = vector.broadcast %broadcast_in_dim3A_474 : i32 to vector<16xi32>
        %gather3A_476 = tpu.vector_load_idx %arg15[%get3A_389, %broadcast_in_dim3A_475, %get3A_393] : memref<9x64x128xf32, #tpu.memory_space<vmem>>[vector<16xi32>, vector<16xi32>, vector<16xi32>], vector<16xf32>,
        %add3A_477 = arith.constant 13 : i32
        %add3A_478 = vector.broadcast %add3A_477 : i32 to vector<16xi32>
        %add3A_479 = arith.addi %mul3A_396, %add3A_478 : vector<16xi32>
        tpu.vector_store_idx %arg14[%add3A_479], %gather3A_476 masked %and3A_385 : memref<32768xf32, #tpu.memory_space<vmem>>[vector<16xi32>], vector<16xf32>, vector<16xi1>
        %broadcast_in_dim3A_480 = arith.constant 14 : i32
        %broadcast_in_dim3A_481 = vector.broadcast %broadcast_in_dim3A_480 : i32 to vector<16xi32>
        %gather3A_482 = tpu.vector_load_idx %arg15[%get3A_389, %broadcast_in_dim3A_481, %get3A_393] : memref<9x64x128xf32, #tpu.memory_space<vmem>>[vector<16xi32>, vector<16xi32>, vector<16xi32>], vector<16xf32>,
        %add3A_483 = arith.constant 14 : i32
        %add3A_484 = vector.broadcast %add3A_483 : i32 to vector<16xi32>
        %add3A_485 = arith.addi %mul3A_396, %add3A_484 : vector<16xi32>
        tpu.vector_store_idx %arg14[%add3A_485], %gather3A_482 masked %and3A_385 : memref<32768xf32, #tpu.memory_space<vmem>>[vector<16xi32>], vector<16xf32>, vector<16xi1>
        %broadcast_in_dim3A_486 = arith.constant 15 : i32
        %broadcast_in_dim3A_487 = vector.broadcast %broadcast_in_dim3A_486 : i32 to vector<16xi32>
        %gather3A_488 = tpu.vector_load_idx %arg15[%get3A_389, %broadcast_in_dim3A_487, %get3A_393] : memref<9x64x128xf32, #tpu.memory_space<vmem>>[vector<16xi32>, vector<16xi32>, vector<16xi32>], vector<16xf32>,
        %add3A_489 = arith.constant 15 : i32
        %add3A_490 = vector.broadcast %add3A_489 : i32 to vector<16xi32>
        %add3A_491 = arith.addi %mul3A_396, %add3A_490 : vector<16xi32>
        tpu.vector_store_idx %arg14[%add3A_491], %gather3A_488 masked %and3A_385 : memref<32768xf32, #tpu.memory_space<vmem>>[vector<16xi32>], vector<16xf32>, vector<16xi1>
        %broadcast_in_dim3A_492 = arith.constant 16 : i32
        %broadcast_in_dim3A_493 = vector.broadcast %broadcast_in_dim3A_492 : i32 to vector<16xi32>
        %gather3A_494 = tpu.vector_load_idx %arg15[%get3A_389, %broadcast_in_dim3A_493, %get3A_393] : memref<9x64x128xf32, #tpu.memory_space<vmem>>[vector<16xi32>, vector<16xi32>, vector<16xi32>], vector<16xf32>,
        %add3A_495 = arith.constant 16 : i32
        %add3A_496 = vector.broadcast %add3A_495 : i32 to vector<16xi32>
        %add3A_497 = arith.addi %mul3A_396, %add3A_496 : vector<16xi32>
        tpu.vector_store_idx %arg14[%add3A_497], %gather3A_494 masked %and3A_385 : memref<32768xf32, #tpu.memory_space<vmem>>[vector<16xi32>], vector<16xf32>, vector<16xi1>
        %broadcast_in_dim3A_498 = arith.constant 17 : i32
        %broadcast_in_dim3A_499 = vector.broadcast %broadcast_in_dim3A_498 : i32 to vector<16xi32>
        %gather3A_500 = tpu.vector_load_idx %arg15[%get3A_389, %broadcast_in_dim3A_499, %get3A_393] : memref<9x64x128xf32, #tpu.memory_space<vmem>>[vector<16xi32>, vector<16xi32>, vector<16xi32>], vector<16xf32>,
        %add3A_501 = arith.constant 17 : i32
        %add3A_502 = vector.broadcast %add3A_501 : i32 to vector<16xi32>
        %add3A_503 = arith.addi %mul3A_396, %add3A_502 : vector<16xi32>
        tpu.vector_store_idx %arg14[%add3A_503], %gather3A_500 masked %and3A_385 : memref<32768xf32, #tpu.memory_space<vmem>>[vector<16xi32>], vector<16xf32>, vector<16xi1>
        %broadcast_in_dim3A_504 = arith.constant 18 : i32
        %broadcast_in_dim3A_505 = vector.broadcast %broadcast_in_dim3A_504 : i32 to vector<16xi32>
        %gather3A_506 = tpu.vector_load_idx %arg15[%get3A_389, %broadcast_in_dim3A_505, %get3A_393] : memref<9x64x128xf32, #tpu.memory_space<vmem>>[vector<16xi32>, vector<16xi32>, vector<16xi32>], vector<16xf32>,
        %add3A_507 = arith.constant 18 : i32
        %add3A_508 = vector.broadcast %add3A_507 : i32 to vector<16xi32>
        %add3A_509 = arith.addi %mul3A_396, %add3A_508 : vector<16xi32>
        tpu.vector_store_idx %arg14[%add3A_509], %gather3A_506 masked %and3A_385 : memref<32768xf32, #tpu.memory_space<vmem>>[vector<16xi32>], vector<16xf32>, vector<16xi1>
        %broadcast_in_dim3A_510 = arith.constant 19 : i32
        %broadcast_in_dim3A_511 = vector.broadcast %broadcast_in_dim3A_510 : i32 to vector<16xi32>
        %gather3A_512 = tpu.vector_load_idx %arg15[%get3A_389, %broadcast_in_dim3A_511, %get3A_393] : memref<9x64x128xf32, #tpu.memory_space<vmem>>[vector<16xi32>, vector<16xi32>, vector<16xi32>], vector<16xf32>,
        %add3A_513 = arith.constant 19 : i32
        %add3A_514 = vector.broadcast %add3A_513 : i32 to vector<16xi32>
        %add3A_515 = arith.addi %mul3A_396, %add3A_514 : vector<16xi32>
        tpu.vector_store_idx %arg14[%add3A_515], %gather3A_512 masked %and3A_385 : memref<32768xf32, #tpu.memory_space<vmem>>[vector<16xi32>], vector<16xf32>, vector<16xi1>
        %broadcast_in_dim3A_516 = arith.constant 20 : i32
        %broadcast_in_dim3A_517 = vector.broadcast %broadcast_in_dim3A_516 : i32 to vector<16xi32>
        %gather3A_518 = tpu.vector_load_idx %arg15[%get3A_389, %broadcast_in_dim3A_517, %get3A_393] : memref<9x64x128xf32, #tpu.memory_space<vmem>>[vector<16xi32>, vector<16xi32>, vector<16xi32>], vector<16xf32>,
        %add3A_519 = arith.constant 20 : i32
        %add3A_520 = vector.broadcast %add3A_519 : i32 to vector<16xi32>
        %add3A_521 = arith.addi %mul3A_396, %add3A_520 : vector<16xi32>
        tpu.vector_store_idx %arg14[%add3A_521], %gather3A_518 masked %and3A_385 : memref<32768xf32, #tpu.memory_space<vmem>>[vector<16xi32>], vector<16xf32>, vector<16xi1>
        %broadcast_in_dim3A_522 = arith.constant 21 : i32
        %broadcast_in_dim3A_523 = vector.broadcast %broadcast_in_dim3A_522 : i32 to vector<16xi32>
        %gather3A_524 = tpu.vector_load_idx %arg15[%get3A_389, %broadcast_in_dim3A_523, %get3A_393] : memref<9x64x128xf32, #tpu.memory_space<vmem>>[vector<16xi32>, vector<16xi32>, vector<16xi32>], vector<16xf32>,
        %add3A_525 = arith.constant 21 : i32
        %add3A_526 = vector.broadcast %add3A_525 : i32 to vector<16xi32>
        %add3A_527 = arith.addi %mul3A_396, %add3A_526 : vector<16xi32>
        tpu.vector_store_idx %arg14[%add3A_527], %gather3A_524 masked %and3A_385 : memref<32768xf32, #tpu.memory_space<vmem>>[vector<16xi32>], vector<16xf32>, vector<16xi1>
        %broadcast_in_dim3A_528 = arith.constant 22 : i32
        %broadcast_in_dim3A_529 = vector.broadcast %broadcast_in_dim3A_528 : i32 to vector<16xi32>
        %gather3A_530 = tpu.vector_load_idx %arg15[%get3A_389, %broadcast_in_dim3A_529, %get3A_393] : memref<9x64x128xf32, #tpu.memory_space<vmem>>[vector<16xi32>, vector<16xi32>, vector<16xi32>], vector<16xf32>,
        %add3A_531 = arith.constant 22 : i32
        %add3A_532 = vector.broadcast %add3A_531 : i32 to vector<16xi32>
        %add3A_533 = arith.addi %mul3A_396, %add3A_532 : vector<16xi32>
        tpu.vector_store_idx %arg14[%add3A_533], %gather3A_530 masked %and3A_385 : memref<32768xf32, #tpu.memory_space<vmem>>[vector<16xi32>], vector<16xf32>, vector<16xi1>
        %broadcast_in_dim3A_534 = arith.constant 23 : i32
        %broadcast_in_dim3A_535 = vector.broadcast %broadcast_in_dim3A_534 : i32 to vector<16xi32>
        %gather3A_536 = tpu.vector_load_idx %arg15[%get3A_389, %broadcast_in_dim3A_535, %get3A_393] : memref<9x64x128xf32, #tpu.memory_space<vmem>>[vector<16xi32>, vector<16xi32>, vector<16xi32>], vector<16xf32>,
        %add3A_537 = arith.constant 23 : i32
        %add3A_538 = vector.broadcast %add3A_537 : i32 to vector<16xi32>
        %add3A_539 = arith.addi %mul3A_396, %add3A_538 : vector<16xi32>
        tpu.vector_store_idx %arg14[%add3A_539], %gather3A_536 masked %and3A_385 : memref<32768xf32, #tpu.memory_space<vmem>>[vector<16xi32>], vector<16xf32>, vector<16xi1>
        %broadcast_in_dim3A_540 = arith.constant 24 : i32
        %broadcast_in_dim3A_541 = vector.broadcast %broadcast_in_dim3A_540 : i32 to vector<16xi32>
        %gather3A_542 = tpu.vector_load_idx %arg15[%get3A_389, %broadcast_in_dim3A_541, %get3A_393] : memref<9x64x128xf32, #tpu.memory_space<vmem>>[vector<16xi32>, vector<16xi32>, vector<16xi32>], vector<16xf32>,
        %add3A_543 = arith.constant 24 : i32
        %add3A_544 = vector.broadcast %add3A_543 : i32 to vector<16xi32>
        %add3A_545 = arith.addi %mul3A_396, %add3A_544 : vector<16xi32>
        tpu.vector_store_idx %arg14[%add3A_545], %gather3A_542 masked %and3A_385 : memref<32768xf32, #tpu.memory_space<vmem>>[vector<16xi32>], vector<16xf32>, vector<16xi1>
        %broadcast_in_dim3A_546 = arith.constant 25 : i32
        %broadcast_in_dim3A_547 = vector.broadcast %broadcast_in_dim3A_546 : i32 to vector<16xi32>
        %gather3A_548 = tpu.vector_load_idx %arg15[%get3A_389, %broadcast_in_dim3A_547, %get3A_393] : memref<9x64x128xf32, #tpu.memory_space<vmem>>[vector<16xi32>, vector<16xi32>, vector<16xi32>], vector<16xf32>,
        %add3A_549 = arith.constant 25 : i32
        %add3A_550 = vector.broadcast %add3A_549 : i32 to vector<16xi32>
        %add3A_551 = arith.addi %mul3A_396, %add3A_550 : vector<16xi32>
        tpu.vector_store_idx %arg14[%add3A_551], %gather3A_548 masked %and3A_385 : memref<32768xf32, #tpu.memory_space<vmem>>[vector<16xi32>], vector<16xf32>, vector<16xi1>
        %broadcast_in_dim3A_552 = arith.constant 26 : i32
        %broadcast_in_dim3A_553 = vector.broadcast %broadcast_in_dim3A_552 : i32 to vector<16xi32>
        %gather3A_554 = tpu.vector_load_idx %arg15[%get3A_389, %broadcast_in_dim3A_553, %get3A_393] : memref<9x64x128xf32, #tpu.memory_space<vmem>>[vector<16xi32>, vector<16xi32>, vector<16xi32>], vector<16xf32>,
        %add3A_555 = arith.constant 26 : i32
        %add3A_556 = vector.broadcast %add3A_555 : i32 to vector<16xi32>
        %add3A_557 = arith.addi %mul3A_396, %add3A_556 : vector<16xi32>
        tpu.vector_store_idx %arg14[%add3A_557], %gather3A_554 masked %and3A_385 : memref<32768xf32, #tpu.memory_space<vmem>>[vector<16xi32>], vector<16xf32>, vector<16xi1>
        %broadcast_in_dim3A_558 = arith.constant 27 : i32
        %broadcast_in_dim3A_559 = vector.broadcast %broadcast_in_dim3A_558 : i32 to vector<16xi32>
        %gather3A_560 = tpu.vector_load_idx %arg15[%get3A_389, %broadcast_in_dim3A_559, %get3A_393] : memref<9x64x128xf32, #tpu.memory_space<vmem>>[vector<16xi32>, vector<16xi32>, vector<16xi32>], vector<16xf32>,
        %add3A_561 = arith.constant 27 : i32
        %add3A_562 = vector.broadcast %add3A_561 : i32 to vector<16xi32>
        %add3A_563 = arith.addi %mul3A_396, %add3A_562 : vector<16xi32>
        tpu.vector_store_idx %arg14[%add3A_563], %gather3A_560 masked %and3A_385 : memref<32768xf32, #tpu.memory_space<vmem>>[vector<16xi32>], vector<16xf32>, vector<16xi1>
        %broadcast_in_dim3A_564 = arith.constant 28 : i32
        %broadcast_in_dim3A_565 = vector.broadcast %broadcast_in_dim3A_564 : i32 to vector<16xi32>
        %gather3A_566 = tpu.vector_load_idx %arg15[%get3A_389, %broadcast_in_dim3A_565, %get3A_393] : memref<9x64x128xf32, #tpu.memory_space<vmem>>[vector<16xi32>, vector<16xi32>, vector<16xi32>], vector<16xf32>,
        %add3A_567 = arith.constant 28 : i32
        %add3A_568 = vector.broadcast %add3A_567 : i32 to vector<16xi32>
        %add3A_569 = arith.addi %mul3A_396, %add3A_568 : vector<16xi32>
        tpu.vector_store_idx %arg14[%add3A_569], %gather3A_566 masked %and3A_385 : memref<32768xf32, #tpu.memory_space<vmem>>[vector<16xi32>], vector<16xf32>, vector<16xi1>
        %broadcast_in_dim3A_570 = arith.constant 29 : i32
        %broadcast_in_dim3A_571 = vector.broadcast %broadcast_in_dim3A_570 : i32 to vector<16xi32>
        %gather3A_572 = tpu.vector_load_idx %arg15[%get3A_389, %broadcast_in_dim3A_571, %get3A_393] : memref<9x64x128xf32, #tpu.memory_space<vmem>>[vector<16xi32>, vector<16xi32>, vector<16xi32>], vector<16xf32>,
        %add3A_573 = arith.constant 29 : i32
        %add3A_574 = vector.broadcast %add3A_573 : i32 to vector<16xi32>
        %add3A_575 = arith.addi %mul3A_396, %add3A_574 : vector<16xi32>
        tpu.vector_store_idx %arg14[%add3A_575], %gather3A_572 masked %and3A_385 : memref<32768xf32, #tpu.memory_space<vmem>>[vector<16xi32>], vector<16xf32>, vector<16xi1>
        %broadcast_in_dim3A_576 = arith.constant 30 : i32
        %broadcast_in_dim3A_577 = vector.broadcast %broadcast_in_dim3A_576 : i32 to vector<16xi32>
        %gather3A_578 = tpu.vector_load_idx %arg15[%get3A_389, %broadcast_in_dim3A_577, %get3A_393] : memref<9x64x128xf32, #tpu.memory_space<vmem>>[vector<16xi32>, vector<16xi32>, vector<16xi32>], vector<16xf32>,
        %add3A_579 = arith.constant 30 : i32
        %add3A_580 = vector.broadcast %add3A_579 : i32 to vector<16xi32>
        %add3A_581 = arith.addi %mul3A_396, %add3A_580 : vector<16xi32>
        tpu.vector_store_idx %arg14[%add3A_581], %gather3A_578 masked %and3A_385 : memref<32768xf32, #tpu.memory_space<vmem>>[vector<16xi32>], vector<16xf32>, vector<16xi1>
        %broadcast_in_dim3A_582 = arith.constant 31 : i32
        %broadcast_in_dim3A_583 = vector.broadcast %broadcast_in_dim3A_582 : i32 to vector<16xi32>
        %gather3A_584 = tpu.vector_load_idx %arg15[%get3A_389, %broadcast_in_dim3A_583, %get3A_393] : memref<9x64x128xf32, #tpu.memory_space<vmem>>[vector<16xi32>, vector<16xi32>, vector<16xi32>], vector<16xf32>,
        %add3A_585 = arith.constant 31 : i32
        %add3A_586 = vector.broadcast %add3A_585 : i32 to vector<16xi32>
        %add3A_587 = arith.addi %mul3A_396, %add3A_586 : vector<16xi32>
        tpu.vector_store_idx %arg14[%add3A_587], %gather3A_584 masked %and3A_385 : memref<32768xf32, #tpu.memory_space<vmem>>[vector<16xi32>], vector<16xf32>, vector<16xi1>
        %broadcast_in_dim3A_588 = arith.constant 32 : i32
        %broadcast_in_dim3A_589 = vector.broadcast %broadcast_in_dim3A_588 : i32 to vector<16xi32>
        %gather3A_590 = tpu.vector_load_idx %arg15[%get3A_389, %broadcast_in_dim3A_589, %get3A_393] : memref<9x64x128xf32, #tpu.memory_space<vmem>>[vector<16xi32>, vector<16xi32>, vector<16xi32>], vector<16xf32>,
        %add3A_591 = arith.constant 32 : i32
        %add3A_592 = vector.broadcast %add3A_591 : i32 to vector<16xi32>
        %add3A_593 = arith.addi %mul3A_396, %add3A_592 : vector<16xi32>
        tpu.vector_store_idx %arg14[%add3A_593], %gather3A_590 masked %and3A_385 : memref<32768xf32, #tpu.memory_space<vmem>>[vector<16xi32>], vector<16xf32>, vector<16xi1>
        %broadcast_in_dim3A_594 = arith.constant 33 : i32
        %broadcast_in_dim3A_595 = vector.broadcast %broadcast_in_dim3A_594 : i32 to vector<16xi32>
        %gather3A_596 = tpu.vector_load_idx %arg15[%get3A_389, %broadcast_in_dim3A_595, %get3A_393] : memref<9x64x128xf32, #tpu.memory_space<vmem>>[vector<16xi32>, vector<16xi32>, vector<16xi32>], vector<16xf32>,
        %add3A_597 = arith.constant 33 : i32
        %add3A_598 = vector.broadcast %add3A_597 : i32 to vector<16xi32>
        %add3A_599 = arith.addi %mul3A_396, %add3A_598 : vector<16xi32>
        tpu.vector_store_idx %arg14[%add3A_599], %gather3A_596 masked %and3A_385 : memref<32768xf32, #tpu.memory_space<vmem>>[vector<16xi32>], vector<16xf32>, vector<16xi1>
        %broadcast_in_dim3A_600 = arith.constant 34 : i32
        %broadcast_in_dim3A_601 = vector.broadcast %broadcast_in_dim3A_600 : i32 to vector<16xi32>
        %gather3A_602 = tpu.vector_load_idx %arg15[%get3A_389, %broadcast_in_dim3A_601, %get3A_393] : memref<9x64x128xf32, #tpu.memory_space<vmem>>[vector<16xi32>, vector<16xi32>, vector<16xi32>], vector<16xf32>,
        %add3A_603 = arith.constant 34 : i32
        %add3A_604 = vector.broadcast %add3A_603 : i32 to vector<16xi32>
        %add3A_605 = arith.addi %mul3A_396, %add3A_604 : vector<16xi32>
        tpu.vector_store_idx %arg14[%add3A_605], %gather3A_602 masked %and3A_385 : memref<32768xf32, #tpu.memory_space<vmem>>[vector<16xi32>], vector<16xf32>, vector<16xi1>
        %broadcast_in_dim3A_606 = arith.constant 35 : i32
        %broadcast_in_dim3A_607 = vector.broadcast %broadcast_in_dim3A_606 : i32 to vector<16xi32>
        %gather3A_608 = tpu.vector_load_idx %arg15[%get3A_389, %broadcast_in_dim3A_607, %get3A_393] : memref<9x64x128xf32, #tpu.memory_space<vmem>>[vector<16xi32>, vector<16xi32>, vector<16xi32>], vector<16xf32>,
        %add3A_609 = arith.constant 35 : i32
        %add3A_610 = vector.broadcast %add3A_609 : i32 to vector<16xi32>
        %add3A_611 = arith.addi %mul3A_396, %add3A_610 : vector<16xi32>
        tpu.vector_store_idx %arg14[%add3A_611], %gather3A_608 masked %and3A_385 : memref<32768xf32, #tpu.memory_space<vmem>>[vector<16xi32>], vector<16xf32>, vector<16xi1>
        %broadcast_in_dim3A_612 = arith.constant 36 : i32
        %broadcast_in_dim3A_613 = vector.broadcast %broadcast_in_dim3A_612 : i32 to vector<16xi32>
        %gather3A_614 = tpu.vector_load_idx %arg15[%get3A_389, %broadcast_in_dim3A_613, %get3A_393] : memref<9x64x128xf32, #tpu.memory_space<vmem>>[vector<16xi32>, vector<16xi32>, vector<16xi32>], vector<16xf32>,
        %add3A_615 = arith.constant 36 : i32
        %add3A_616 = vector.broadcast %add3A_615 : i32 to vector<16xi32>
        %add3A_617 = arith.addi %mul3A_396, %add3A_616 : vector<16xi32>
        tpu.vector_store_idx %arg14[%add3A_617], %gather3A_614 masked %and3A_385 : memref<32768xf32, #tpu.memory_space<vmem>>[vector<16xi32>], vector<16xf32>, vector<16xi1>
        %broadcast_in_dim3A_618 = arith.constant 37 : i32
        %broadcast_in_dim3A_619 = vector.broadcast %broadcast_in_dim3A_618 : i32 to vector<16xi32>
        %gather3A_620 = tpu.vector_load_idx %arg15[%get3A_389, %broadcast_in_dim3A_619, %get3A_393] : memref<9x64x128xf32, #tpu.memory_space<vmem>>[vector<16xi32>, vector<16xi32>, vector<16xi32>], vector<16xf32>,
        %add3A_621 = arith.constant 37 : i32
        %add3A_622 = vector.broadcast %add3A_621 : i32 to vector<16xi32>
        %add3A_623 = arith.addi %mul3A_396, %add3A_622 : vector<16xi32>
        tpu.vector_store_idx %arg14[%add3A_623], %gather3A_620 masked %and3A_385 : memref<32768xf32, #tpu.memory_space<vmem>>[vector<16xi32>], vector<16xf32>, vector<16xi1>
        %broadcast_in_dim3A_624 = arith.constant 38 : i32
        %broadcast_in_dim3A_625 = vector.broadcast %broadcast_in_dim3A_624 : i32 to vector<16xi32>
        %gather3A_626 = tpu.vector_load_idx %arg15[%get3A_389, %broadcast_in_dim3A_625, %get3A_393] : memref<9x64x128xf32, #tpu.memory_space<vmem>>[vector<16xi32>, vector<16xi32>, vector<16xi32>], vector<16xf32>,
        %add3A_627 = arith.constant 38 : i32
        %add3A_628 = vector.broadcast %add3A_627 : i32 to vector<16xi32>
        %add3A_629 = arith.addi %mul3A_396, %add3A_628 : vector<16xi32>
        tpu.vector_store_idx %arg14[%add3A_629], %gather3A_626 masked %and3A_385 : memref<32768xf32, #tpu.memory_space<vmem>>[vector<16xi32>], vector<16xf32>, vector<16xi1>
        %broadcast_in_dim3A_630 = arith.constant 39 : i32
        %broadcast_in_dim3A_631 = vector.broadcast %broadcast_in_dim3A_630 : i32 to vector<16xi32>
        %gather3A_632 = tpu.vector_load_idx %arg15[%get3A_389, %broadcast_in_dim3A_631, %get3A_393] : memref<9x64x128xf32, #tpu.memory_space<vmem>>[vector<16xi32>, vector<16xi32>, vector<16xi32>], vector<16xf32>,
        %add3A_633 = arith.constant 39 : i32
        %add3A_634 = vector.broadcast %add3A_633 : i32 to vector<16xi32>
        %add3A_635 = arith.addi %mul3A_396, %add3A_634 : vector<16xi32>
        tpu.vector_store_idx %arg14[%add3A_635], %gather3A_632 masked %and3A_385 : memref<32768xf32, #tpu.memory_space<vmem>>[vector<16xi32>], vector<16xf32>, vector<16xi1>
        %broadcast_in_dim3A_636 = arith.constant 40 : i32
        %broadcast_in_dim3A_637 = vector.broadcast %broadcast_in_dim3A_636 : i32 to vector<16xi32>
        %gather3A_638 = tpu.vector_load_idx %arg15[%get3A_389, %broadcast_in_dim3A_637, %get3A_393] : memref<9x64x128xf32, #tpu.memory_space<vmem>>[vector<16xi32>, vector<16xi32>, vector<16xi32>], vector<16xf32>,
        %add3A_639 = arith.constant 40 : i32
        %add3A_640 = vector.broadcast %add3A_639 : i32 to vector<16xi32>
        %add3A_641 = arith.addi %mul3A_396, %add3A_640 : vector<16xi32>
        tpu.vector_store_idx %arg14[%add3A_641], %gather3A_638 masked %and3A_385 : memref<32768xf32, #tpu.memory_space<vmem>>[vector<16xi32>], vector<16xf32>, vector<16xi1>
        %broadcast_in_dim3A_642 = arith.constant 41 : i32
        %broadcast_in_dim3A_643 = vector.broadcast %broadcast_in_dim3A_642 : i32 to vector<16xi32>
        %gather3A_644 = tpu.vector_load_idx %arg15[%get3A_389, %broadcast_in_dim3A_643, %get3A_393] : memref<9x64x128xf32, #tpu.memory_space<vmem>>[vector<16xi32>, vector<16xi32>, vector<16xi32>], vector<16xf32>,
        %add3A_645 = arith.constant 41 : i32
        %add3A_646 = vector.broadcast %add3A_645 : i32 to vector<16xi32>
        %add3A_647 = arith.addi %mul3A_396, %add3A_646 : vector<16xi32>
        tpu.vector_store_idx %arg14[%add3A_647], %gather3A_644 masked %and3A_385 : memref<32768xf32, #tpu.memory_space<vmem>>[vector<16xi32>], vector<16xf32>, vector<16xi1>
        %broadcast_in_dim3A_648 = arith.constant 42 : i32
        %broadcast_in_dim3A_649 = vector.broadcast %broadcast_in_dim3A_648 : i32 to vector<16xi32>
        %gather3A_650 = tpu.vector_load_idx %arg15[%get3A_389, %broadcast_in_dim3A_649, %get3A_393] : memref<9x64x128xf32, #tpu.memory_space<vmem>>[vector<16xi32>, vector<16xi32>, vector<16xi32>], vector<16xf32>,
        %add3A_651 = arith.constant 42 : i32
        %add3A_652 = vector.broadcast %add3A_651 : i32 to vector<16xi32>
        %add3A_653 = arith.addi %mul3A_396, %add3A_652 : vector<16xi32>
        tpu.vector_store_idx %arg14[%add3A_653], %gather3A_650 masked %and3A_385 : memref<32768xf32, #tpu.memory_space<vmem>>[vector<16xi32>], vector<16xf32>, vector<16xi1>
        %broadcast_in_dim3A_654 = arith.constant 43 : i32
        %broadcast_in_dim3A_655 = vector.broadcast %broadcast_in_dim3A_654 : i32 to vector<16xi32>
        %gather3A_656 = tpu.vector_load_idx %arg15[%get3A_389, %broadcast_in_dim3A_655, %get3A_393] : memref<9x64x128xf32, #tpu.memory_space<vmem>>[vector<16xi32>, vector<16xi32>, vector<16xi32>], vector<16xf32>,
        %add3A_657 = arith.constant 43 : i32
        %add3A_658 = vector.broadcast %add3A_657 : i32 to vector<16xi32>
        %add3A_659 = arith.addi %mul3A_396, %add3A_658 : vector<16xi32>
        tpu.vector_store_idx %arg14[%add3A_659], %gather3A_656 masked %and3A_385 : memref<32768xf32, #tpu.memory_space<vmem>>[vector<16xi32>], vector<16xf32>, vector<16xi1>
        %broadcast_in_dim3A_660 = arith.constant 44 : i32
        %broadcast_in_dim3A_661 = vector.broadcast %broadcast_in_dim3A_660 : i32 to vector<16xi32>
        %gather3A_662 = tpu.vector_load_idx %arg15[%get3A_389, %broadcast_in_dim3A_661, %get3A_393] : memref<9x64x128xf32, #tpu.memory_space<vmem>>[vector<16xi32>, vector<16xi32>, vector<16xi32>], vector<16xf32>,
        %add3A_663 = arith.constant 44 : i32
        %add3A_664 = vector.broadcast %add3A_663 : i32 to vector<16xi32>
        %add3A_665 = arith.addi %mul3A_396, %add3A_664 : vector<16xi32>
        tpu.vector_store_idx %arg14[%add3A_665], %gather3A_662 masked %and3A_385 : memref<32768xf32, #tpu.memory_space<vmem>>[vector<16xi32>], vector<16xf32>, vector<16xi1>
        %broadcast_in_dim3A_666 = arith.constant 45 : i32
        %broadcast_in_dim3A_667 = vector.broadcast %broadcast_in_dim3A_666 : i32 to vector<16xi32>
        %gather3A_668 = tpu.vector_load_idx %arg15[%get3A_389, %broadcast_in_dim3A_667, %get3A_393] : memref<9x64x128xf32, #tpu.memory_space<vmem>>[vector<16xi32>, vector<16xi32>, vector<16xi32>], vector<16xf32>,
        %add3A_669 = arith.constant 45 : i32
        %add3A_670 = vector.broadcast %add3A_669 : i32 to vector<16xi32>
        %add3A_671 = arith.addi %mul3A_396, %add3A_670 : vector<16xi32>
        tpu.vector_store_idx %arg14[%add3A_671], %gather3A_668 masked %and3A_385 : memref<32768xf32, #tpu.memory_space<vmem>>[vector<16xi32>], vector<16xf32>, vector<16xi1>
        %broadcast_in_dim3A_672 = arith.constant 46 : i32
        %broadcast_in_dim3A_673 = vector.broadcast %broadcast_in_dim3A_672 : i32 to vector<16xi32>
        %gather3A_674 = tpu.vector_load_idx %arg15[%get3A_389, %broadcast_in_dim3A_673, %get3A_393] : memref<9x64x128xf32, #tpu.memory_space<vmem>>[vector<16xi32>, vector<16xi32>, vector<16xi32>], vector<16xf32>,
        %add3A_675 = arith.constant 46 : i32
        %add3A_676 = vector.broadcast %add3A_675 : i32 to vector<16xi32>
        %add3A_677 = arith.addi %mul3A_396, %add3A_676 : vector<16xi32>
        tpu.vector_store_idx %arg14[%add3A_677], %gather3A_674 masked %and3A_385 : memref<32768xf32, #tpu.memory_space<vmem>>[vector<16xi32>], vector<16xf32>, vector<16xi1>
        %broadcast_in_dim3A_678 = arith.constant 47 : i32
        %broadcast_in_dim3A_679 = vector.broadcast %broadcast_in_dim3A_678 : i32 to vector<16xi32>
        %gather3A_680 = tpu.vector_load_idx %arg15[%get3A_389, %broadcast_in_dim3A_679, %get3A_393] : memref<9x64x128xf32, #tpu.memory_space<vmem>>[vector<16xi32>, vector<16xi32>, vector<16xi32>], vector<16xf32>,
        %add3A_681 = arith.constant 47 : i32
        %add3A_682 = vector.broadcast %add3A_681 : i32 to vector<16xi32>
        %add3A_683 = arith.addi %mul3A_396, %add3A_682 : vector<16xi32>
        tpu.vector_store_idx %arg14[%add3A_683], %gather3A_680 masked %and3A_385 : memref<32768xf32, #tpu.memory_space<vmem>>[vector<16xi32>], vector<16xf32>, vector<16xi1>
        %broadcast_in_dim3A_684 = arith.constant 48 : i32
        %broadcast_in_dim3A_685 = vector.broadcast %broadcast_in_dim3A_684 : i32 to vector<16xi32>
        %gather3A_686 = tpu.vector_load_idx %arg15[%get3A_389, %broadcast_in_dim3A_685, %get3A_393] : memref<9x64x128xf32, #tpu.memory_space<vmem>>[vector<16xi32>, vector<16xi32>, vector<16xi32>], vector<16xf32>,
        %add3A_687 = arith.constant 48 : i32
        %add3A_688 = vector.broadcast %add3A_687 : i32 to vector<16xi32>
        %add3A_689 = arith.addi %mul3A_396, %add3A_688 : vector<16xi32>
        tpu.vector_store_idx %arg14[%add3A_689], %gather3A_686 masked %and3A_385 : memref<32768xf32, #tpu.memory_space<vmem>>[vector<16xi32>], vector<16xf32>, vector<16xi1>
        %broadcast_in_dim3A_690 = arith.constant 49 : i32
        %broadcast_in_dim3A_691 = vector.broadcast %broadcast_in_dim3A_690 : i32 to vector<16xi32>
        %gather3A_692 = tpu.vector_load_idx %arg15[%get3A_389, %broadcast_in_dim3A_691, %get3A_393] : memref<9x64x128xf32, #tpu.memory_space<vmem>>[vector<16xi32>, vector<16xi32>, vector<16xi32>], vector<16xf32>,
        %add3A_693 = arith.constant 49 : i32
        %add3A_694 = vector.broadcast %add3A_693 : i32 to vector<16xi32>
        %add3A_695 = arith.addi %mul3A_396, %add3A_694 : vector<16xi32>
        tpu.vector_store_idx %arg14[%add3A_695], %gather3A_692 masked %and3A_385 : memref<32768xf32, #tpu.memory_space<vmem>>[vector<16xi32>], vector<16xf32>, vector<16xi1>
        %broadcast_in_dim3A_696 = arith.constant 50 : i32
        %broadcast_in_dim3A_697 = vector.broadcast %broadcast_in_dim3A_696 : i32 to vector<16xi32>
        %gather3A_698 = tpu.vector_load_idx %arg15[%get3A_389, %broadcast_in_dim3A_697, %get3A_393] : memref<9x64x128xf32, #tpu.memory_space<vmem>>[vector<16xi32>, vector<16xi32>, vector<16xi32>], vector<16xf32>,
        %add3A_699 = arith.constant 50 : i32
        %add3A_700 = vector.broadcast %add3A_699 : i32 to vector<16xi32>
        %add3A_701 = arith.addi %mul3A_396, %add3A_700 : vector<16xi32>
        tpu.vector_store_idx %arg14[%add3A_701], %gather3A_698 masked %and3A_385 : memref<32768xf32, #tpu.memory_space<vmem>>[vector<16xi32>], vector<16xf32>, vector<16xi1>
        %broadcast_in_dim3A_702 = arith.constant 51 : i32
        %broadcast_in_dim3A_703 = vector.broadcast %broadcast_in_dim3A_702 : i32 to vector<16xi32>
        %gather3A_704 = tpu.vector_load_idx %arg15[%get3A_389, %broadcast_in_dim3A_703, %get3A_393] : memref<9x64x128xf32, #tpu.memory_space<vmem>>[vector<16xi32>, vector<16xi32>, vector<16xi32>], vector<16xf32>,
        %add3A_705 = arith.constant 51 : i32
        %add3A_706 = vector.broadcast %add3A_705 : i32 to vector<16xi32>
        %add3A_707 = arith.addi %mul3A_396, %add3A_706 : vector<16xi32>
        tpu.vector_store_idx %arg14[%add3A_707], %gather3A_704 masked %and3A_385 : memref<32768xf32, #tpu.memory_space<vmem>>[vector<16xi32>], vector<16xf32>, vector<16xi1>
        %broadcast_in_dim3A_708 = arith.constant 52 : i32
        %broadcast_in_dim3A_709 = vector.broadcast %broadcast_in_dim3A_708 : i32 to vector<16xi32>
        %gather3A_710 = tpu.vector_load_idx %arg15[%get3A_389, %broadcast_in_dim3A_709, %get3A_393] : memref<9x64x128xf32, #tpu.memory_space<vmem>>[vector<16xi32>, vector<16xi32>, vector<16xi32>], vector<16xf32>,
        %add3A_711 = arith.constant 52 : i32
        %add3A_712 = vector.broadcast %add3A_711 : i32 to vector<16xi32>
        %add3A_713 = arith.addi %mul3A_396, %add3A_712 : vector<16xi32>
        tpu.vector_store_idx %arg14[%add3A_713], %gather3A_710 masked %and3A_385 : memref<32768xf32, #tpu.memory_space<vmem>>[vector<16xi32>], vector<16xf32>, vector<16xi1>
        %broadcast_in_dim3A_714 = arith.constant 53 : i32
        %broadcast_in_dim3A_715 = vector.broadcast %broadcast_in_dim3A_714 : i32 to vector<16xi32>
        %gather3A_716 = tpu.vector_load_idx %arg15[%get3A_389, %broadcast_in_dim3A_715, %get3A_393] : memref<9x64x128xf32, #tpu.memory_space<vmem>>[vector<16xi32>, vector<16xi32>, vector<16xi32>], vector<16xf32>,
        %add3A_717 = arith.constant 53 : i32
        %add3A_718 = vector.broadcast %add3A_717 : i32 to vector<16xi32>
        %add3A_719 = arith.addi %mul3A_396, %add3A_718 : vector<16xi32>
        tpu.vector_store_idx %arg14[%add3A_719], %gather3A_716 masked %and3A_385 : memref<32768xf32, #tpu.memory_space<vmem>>[vector<16xi32>], vector<16xf32>, vector<16xi1>
        %broadcast_in_dim3A_720 = arith.constant 54 : i32
        %broadcast_in_dim3A_721 = vector.broadcast %broadcast_in_dim3A_720 : i32 to vector<16xi32>
        %gather3A_722 = tpu.vector_load_idx %arg15[%get3A_389, %broadcast_in_dim3A_721, %get3A_393] : memref<9x64x128xf32, #tpu.memory_space<vmem>>[vector<16xi32>, vector<16xi32>, vector<16xi32>], vector<16xf32>,
        %add3A_723 = arith.constant 54 : i32
        %add3A_724 = vector.broadcast %add3A_723 : i32 to vector<16xi32>
        %add3A_725 = arith.addi %mul3A_396, %add3A_724 : vector<16xi32>
        tpu.vector_store_idx %arg14[%add3A_725], %gather3A_722 masked %and3A_385 : memref<32768xf32, #tpu.memory_space<vmem>>[vector<16xi32>], vector<16xf32>, vector<16xi1>
        %broadcast_in_dim3A_726 = arith.constant 55 : i32
        %broadcast_in_dim3A_727 = vector.broadcast %broadcast_in_dim3A_726 : i32 to vector<16xi32>
        %gather3A_728 = tpu.vector_load_idx %arg15[%get3A_389, %broadcast_in_dim3A_727, %get3A_393] : memref<9x64x128xf32, #tpu.memory_space<vmem>>[vector<16xi32>, vector<16xi32>, vector<16xi32>], vector<16xf32>,
        %add3A_729 = arith.constant 55 : i32
        %add3A_730 = vector.broadcast %add3A_729 : i32 to vector<16xi32>
        %add3A_731 = arith.addi %mul3A_396, %add3A_730 : vector<16xi32>
        tpu.vector_store_idx %arg14[%add3A_731], %gather3A_728 masked %and3A_385 : memref<32768xf32, #tpu.memory_space<vmem>>[vector<16xi32>], vector<16xf32>, vector<16xi1>
        %broadcast_in_dim3A_732 = arith.constant 56 : i32
        %broadcast_in_dim3A_733 = vector.broadcast %broadcast_in_dim3A_732 : i32 to vector<16xi32>
        %gather3A_734 = tpu.vector_load_idx %arg15[%get3A_389, %broadcast_in_dim3A_733, %get3A_393] : memref<9x64x128xf32, #tpu.memory_space<vmem>>[vector<16xi32>, vector<16xi32>, vector<16xi32>], vector<16xf32>,
        %add3A_735 = arith.constant 56 : i32
        %add3A_736 = vector.broadcast %add3A_735 : i32 to vector<16xi32>
        %add3A_737 = arith.addi %mul3A_396, %add3A_736 : vector<16xi32>
        tpu.vector_store_idx %arg14[%add3A_737], %gather3A_734 masked %and3A_385 : memref<32768xf32, #tpu.memory_space<vmem>>[vector<16xi32>], vector<16xf32>, vector<16xi1>
        %broadcast_in_dim3A_738 = arith.constant 57 : i32
        %broadcast_in_dim3A_739 = vector.broadcast %broadcast_in_dim3A_738 : i32 to vector<16xi32>
        %gather3A_740 = tpu.vector_load_idx %arg15[%get3A_389, %broadcast_in_dim3A_739, %get3A_393] : memref<9x64x128xf32, #tpu.memory_space<vmem>>[vector<16xi32>, vector<16xi32>, vector<16xi32>], vector<16xf32>,
        %add3A_741 = arith.constant 57 : i32
        %add3A_742 = vector.broadcast %add3A_741 : i32 to vector<16xi32>
        %add3A_743 = arith.addi %mul3A_396, %add3A_742 : vector<16xi32>
        tpu.vector_store_idx %arg14[%add3A_743], %gather3A_740 masked %and3A_385 : memref<32768xf32, #tpu.memory_space<vmem>>[vector<16xi32>], vector<16xf32>, vector<16xi1>
        %broadcast_in_dim3A_744 = arith.constant 58 : i32
        %broadcast_in_dim3A_745 = vector.broadcast %broadcast_in_dim3A_744 : i32 to vector<16xi32>
        %gather3A_746 = tpu.vector_load_idx %arg15[%get3A_389, %broadcast_in_dim3A_745, %get3A_393] : memref<9x64x128xf32, #tpu.memory_space<vmem>>[vector<16xi32>, vector<16xi32>, vector<16xi32>], vector<16xf32>,
        %add3A_747 = arith.constant 58 : i32
        %add3A_748 = vector.broadcast %add3A_747 : i32 to vector<16xi32>
        %add3A_749 = arith.addi %mul3A_396, %add3A_748 : vector<16xi32>
        tpu.vector_store_idx %arg14[%add3A_749], %gather3A_746 masked %and3A_385 : memref<32768xf32, #tpu.memory_space<vmem>>[vector<16xi32>], vector<16xf32>, vector<16xi1>
        %broadcast_in_dim3A_750 = arith.constant 59 : i32
        %broadcast_in_dim3A_751 = vector.broadcast %broadcast_in_dim3A_750 : i32 to vector<16xi32>
        %gather3A_752 = tpu.vector_load_idx %arg15[%get3A_389, %broadcast_in_dim3A_751, %get3A_393] : memref<9x64x128xf32, #tpu.memory_space<vmem>>[vector<16xi32>, vector<16xi32>, vector<16xi32>], vector<16xf32>,
        %add3A_753 = arith.constant 59 : i32
        %add3A_754 = vector.broadcast %add3A_753 : i32 to vector<16xi32>
        %add3A_755 = arith.addi %mul3A_396, %add3A_754 : vector<16xi32>
        tpu.vector_store_idx %arg14[%add3A_755], %gather3A_752 masked %and3A_385 : memref<32768xf32, #tpu.memory_space<vmem>>[vector<16xi32>], vector<16xf32>, vector<16xi1>
        %broadcast_in_dim3A_756 = arith.constant 60 : i32
        %broadcast_in_dim3A_757 = vector.broadcast %broadcast_in_dim3A_756 : i32 to vector<16xi32>
        %gather3A_758 = tpu.vector_load_idx %arg15[%get3A_389, %broadcast_in_dim3A_757, %get3A_393] : memref<9x64x128xf32, #tpu.memory_space<vmem>>[vector<16xi32>, vector<16xi32>, vector<16xi32>], vector<16xf32>,
        %add3A_759 = arith.constant 60 : i32
        %add3A_760 = vector.broadcast %add3A_759 : i32 to vector<16xi32>
        %add3A_761 = arith.addi %mul3A_396, %add3A_760 : vector<16xi32>
        tpu.vector_store_idx %arg14[%add3A_761], %gather3A_758 masked %and3A_385 : memref<32768xf32, #tpu.memory_space<vmem>>[vector<16xi32>], vector<16xf32>, vector<16xi1>
        %broadcast_in_dim3A_762 = arith.constant 61 : i32
        %broadcast_in_dim3A_763 = vector.broadcast %broadcast_in_dim3A_762 : i32 to vector<16xi32>
        %gather3A_764 = tpu.vector_load_idx %arg15[%get3A_389, %broadcast_in_dim3A_763, %get3A_393] : memref<9x64x128xf32, #tpu.memory_space<vmem>>[vector<16xi32>, vector<16xi32>, vector<16xi32>], vector<16xf32>,
        %add3A_765 = arith.constant 61 : i32
        %add3A_766 = vector.broadcast %add3A_765 : i32 to vector<16xi32>
        %add3A_767 = arith.addi %mul3A_396, %add3A_766 : vector<16xi32>
        tpu.vector_store_idx %arg14[%add3A_767], %gather3A_764 masked %and3A_385 : memref<32768xf32, #tpu.memory_space<vmem>>[vector<16xi32>], vector<16xf32>, vector<16xi1>
        %broadcast_in_dim3A_768 = arith.constant 62 : i32
        %broadcast_in_dim3A_769 = vector.broadcast %broadcast_in_dim3A_768 : i32 to vector<16xi32>
        %gather3A_770 = tpu.vector_load_idx %arg15[%get3A_389, %broadcast_in_dim3A_769, %get3A_393] : memref<9x64x128xf32, #tpu.memory_space<vmem>>[vector<16xi32>, vector<16xi32>, vector<16xi32>], vector<16xf32>,
        %add3A_771 = arith.constant 62 : i32
        %add3A_772 = vector.broadcast %add3A_771 : i32 to vector<16xi32>
        %add3A_773 = arith.addi %mul3A_396, %add3A_772 : vector<16xi32>
        tpu.vector_store_idx %arg14[%add3A_773], %gather3A_770 masked %and3A_385 : memref<32768xf32, #tpu.memory_space<vmem>>[vector<16xi32>], vector<16xf32>, vector<16xi1>
        %broadcast_in_dim3A_774 = arith.constant 63 : i32
        %broadcast_in_dim3A_775 = vector.broadcast %broadcast_in_dim3A_774 : i32 to vector<16xi32>
        %gather3A_776 = tpu.vector_load_idx %arg15[%get3A_389, %broadcast_in_dim3A_775, %get3A_393] : memref<9x64x128xf32, #tpu.memory_space<vmem>>[vector<16xi32>, vector<16xi32>, vector<16xi32>], vector<16xf32>,
        %add3A_777 = arith.constant 63 : i32
        %add3A_778 = vector.broadcast %add3A_777 : i32 to vector<16xi32>
        %add3A_779 = arith.addi %mul3A_396, %add3A_778 : vector<16xi32>
        tpu.vector_store_idx %arg14[%add3A_779], %gather3A_776 masked %and3A_385 : memref<32768xf32, #tpu.memory_space<vmem>>[vector<16xi32>], vector<16xf32>, vector<16xi1>
      }
      %while3A_367 = arith.constant 1 : i32
      scf.for %while3A_377 = %while3A_365 to %while3A_361 step %while3A_367  : i32 {
        %mul3A_378 = arith.constant 16 : i32
        %mul3A_379 = arith.muli %while3A_377, %mul3A_378 : i32
        %add3A_380 = vector.broadcast %mul3A_379 : i32 to vector<16xi32>
        %add3A_381 = arith.addi %add3A_380, %iota3A : vector<16xi32>
        %ge3A = vector.broadcast %get3A_345 : i32 to vector<16xi32>
        %ge3A_382 = arith.cmpi sge, %add3A_381, %ge3A : vector<16xi32>
        %lt3A_383 = vector.broadcast %get3A_352 : i32 to vector<16xi32>
        %lt3A_384 = arith.cmpi slt, %add3A_381, %lt3A_383 : vector<16xi32>
        %and3A_385 = arith.andi %ge3A_382, %lt3A_384 : vector<16xi1>
        %mul3A_386 = arith.constant 16 : i32
        %mul3A_387 = arith.muli %while3A_377, %mul3A_386 : i32
        %get3A_388 = arith.index_cast %mul3A_387 : i32 to index
        %get3A_389 = tpu.vector_load %arg12[%get3A_388] {strides = array<i32>} : memref<528xi32, #tpu.memory_space<vmem>>, vector<16xi32>,
        %mul3A_390 = arith.constant 16 : i32
        %mul3A_391 = arith.muli %while3A_377, %mul3A_390 : i32
        %get3A_392 = arith.index_cast %mul3A_391 : i32 to index
        %get3A_393 = tpu.vector_load %arg13[%get3A_392] {strides = array<i32>} : memref<528xi32, #tpu.memory_space<vmem>>, vector<16xi32>,
        %mul3A_394 = arith.constant 64 : i32
        %mul3A_395 = vector.broadcast %mul3A_394 : i32 to vector<16xi32>
        %mul3A_396 = arith.muli %add3A_381, %mul3A_395 : vector<16xi32>
        %broadcast_in_dim3A_397 = arith.constant 0 : i32
        %broadcast_in_dim3A_398 = vector.broadcast %broadcast_in_dim3A_397 : i32 to vector<16xi32>
        %gather3A = tpu.vector_load_idx %arg15[%get3A_389, %broadcast_in_dim3A_398, %get3A_393] : memref<9x64x128xf32, #tpu.memory_space<vmem>>[vector<16xi32>, vector<16xi32>, vector<16xi32>], vector<16xf32>,
        %add3A_399 = arith.constant 0 : i32
        %add3A_400 = vector.broadcast %add3A_399 : i32 to vector<16xi32>
        %add3A_401 = arith.addi %mul3A_396, %add3A_400 : vector<16xi32>
        tpu.vector_store_idx %arg14[%add3A_401], %gather3A masked %and3A_385 : memref<32768xf32, #tpu.memory_space<vmem>>[vector<16xi32>], vector<16xf32>, vector<16xi1>
        %broadcast_in_dim3A_402 = arith.constant 1 : i32
        %broadcast_in_dim3A_403 = vector.broadcast %broadcast_in_dim3A_402 : i32 to vector<16xi32>
        %gather3A_404 = tpu.vector_load_idx %arg15[%get3A_389, %broadcast_in_dim3A_403, %get3A_393] : memref<9x64x128xf32, #tpu.memory_space<vmem>>[vector<16xi32>, vector<16xi32>, vector<16xi32>], vector<16xf32>,
        %add3A_405 = arith.constant 1 : i32
        %add3A_406 = vector.broadcast %add3A_405 : i32 to vector<16xi32>
        %add3A_407 = arith.addi %mul3A_396, %add3A_406 : vector<16xi32>
        tpu.vector_store_idx %arg14[%add3A_407], %gather3A_404 masked %and3A_385 : memref<32768xf32, #tpu.memory_space<vmem>>[vector<16xi32>], vector<16xf32>, vector<16xi1>
        %broadcast_in_dim3A_408 = arith.constant 2 : i32
        %broadcast_in_dim3A_409 = vector.broadcast %broadcast_in_dim3A_408 : i32 to vector<16xi32>
        %gather3A_410 = tpu.vector_load_idx %arg15[%get3A_389, %broadcast_in_dim3A_409, %get3A_393] : memref<9x64x128xf32, #tpu.memory_space<vmem>>[vector<16xi32>, vector<16xi32>, vector<16xi32>], vector<16xf32>,
        %add3A_411 = arith.constant 2 : i32
        %add3A_412 = vector.broadcast %add3A_411 : i32 to vector<16xi32>
        %add3A_413 = arith.addi %mul3A_396, %add3A_412 : vector<16xi32>
        tpu.vector_store_idx %arg14[%add3A_413], %gather3A_410 masked %and3A_385 : memref<32768xf32, #tpu.memory_space<vmem>>[vector<16xi32>], vector<16xf32>, vector<16xi1>
        %broadcast_in_dim3A_414 = arith.constant 3 : i32
        %broadcast_in_dim3A_415 = vector.broadcast %broadcast_in_dim3A_414 : i32 to vector<16xi32>
        %gather3A_416 = tpu.vector_load_idx %arg15[%get3A_389, %broadcast_in_dim3A_415, %get3A_393] : memref<9x64x128xf32, #tpu.memory_space<vmem>>[vector<16xi32>, vector<16xi32>, vector<16xi32>], vector<16xf32>,
        %add3A_417 = arith.constant 3 : i32
        %add3A_418 = vector.broadcast %add3A_417 : i32 to vector<16xi32>
        %add3A_419 = arith.addi %mul3A_396, %add3A_418 : vector<16xi32>
        tpu.vector_store_idx %arg14[%add3A_419], %gather3A_416 masked %and3A_385 : memref<32768xf32, #tpu.memory_space<vmem>>[vector<16xi32>], vector<16xf32>, vector<16xi1>
        %broadcast_in_dim3A_420 = arith.constant 4 : i32
        %broadcast_in_dim3A_421 = vector.broadcast %broadcast_in_dim3A_420 : i32 to vector<16xi32>
        %gather3A_422 = tpu.vector_load_idx %arg15[%get3A_389, %broadcast_in_dim3A_421, %get3A_393] : memref<9x64x128xf32, #tpu.memory_space<vmem>>[vector<16xi32>, vector<16xi32>, vector<16xi32>], vector<16xf32>,
        %add3A_423 = arith.constant 4 : i32
        %add3A_424 = vector.broadcast %add3A_423 : i32 to vector<16xi32>
        %add3A_425 = arith.addi %mul3A_396, %add3A_424 : vector<16xi32>
        tpu.vector_store_idx %arg14[%add3A_425], %gather3A_422 masked %and3A_385 : memref<32768xf32, #tpu.memory_space<vmem>>[vector<16xi32>], vector<16xf32>, vector<16xi1>
        %broadcast_in_dim3A_426 = arith.constant 5 : i32
        %broadcast_in_dim3A_427 = vector.broadcast %broadcast_in_dim3A_426 : i32 to vector<16xi32>
        %gather3A_428 = tpu.vector_load_idx %arg15[%get3A_389, %broadcast_in_dim3A_427, %get3A_393] : memref<9x64x128xf32, #tpu.memory_space<vmem>>[vector<16xi32>, vector<16xi32>, vector<16xi32>], vector<16xf32>,
        %add3A_429 = arith.constant 5 : i32
        %add3A_430 = vector.broadcast %add3A_429 : i32 to vector<16xi32>
        %add3A_431 = arith.addi %mul3A_396, %add3A_430 : vector<16xi32>
        tpu.vector_store_idx %arg14[%add3A_431], %gather3A_428 masked %and3A_385 : memref<32768xf32, #tpu.memory_space<vmem>>[vector<16xi32>], vector<16xf32>, vector<16xi1>
        %broadcast_in_dim3A_432 = arith.constant 6 : i32
        %broadcast_in_dim3A_433 = vector.broadcast %broadcast_in_dim3A_432 : i32 to vector<16xi32>
        %gather3A_434 = tpu.vector_load_idx %arg15[%get3A_389, %broadcast_in_dim3A_433, %get3A_393] : memref<9x64x128xf32, #tpu.memory_space<vmem>>[vector<16xi32>, vector<16xi32>, vector<16xi32>], vector<16xf32>,
        %add3A_435 = arith.constant 6 : i32
        %add3A_436 = vector.broadcast %add3A_435 : i32 to vector<16xi32>
        %add3A_437 = arith.addi %mul3A_396, %add3A_436 : vector<16xi32>
        tpu.vector_store_idx %arg14[%add3A_437], %gather3A_434 masked %and3A_385 : memref<32768xf32, #tpu.memory_space<vmem>>[vector<16xi32>], vector<16xf32>, vector<16xi1>
        %broadcast_in_dim3A_438 = arith.constant 7 : i32
        %broadcast_in_dim3A_439 = vector.broadcast %broadcast_in_dim3A_438 : i32 to vector<16xi32>
        %gather3A_440 = tpu.vector_load_idx %arg15[%get3A_389, %broadcast_in_dim3A_439, %get3A_393] : memref<9x64x128xf32, #tpu.memory_space<vmem>>[vector<16xi32>, vector<16xi32>, vector<16xi32>], vector<16xf32>,
        %add3A_441 = arith.constant 7 : i32
        %add3A_442 = vector.broadcast %add3A_441 : i32 to vector<16xi32>
        %add3A_443 = arith.addi %mul3A_396, %add3A_442 : vector<16xi32>
        tpu.vector_store_idx %arg14[%add3A_443], %gather3A_440 masked %and3A_385 : memref<32768xf32, #tpu.memory_space<vmem>>[vector<16xi32>], vector<16xf32>, vector<16xi1>
        %broadcast_in_dim3A_444 = arith.constant 8 : i32
        %broadcast_in_dim3A_445 = vector.broadcast %broadcast_in_dim3A_444 : i32 to vector<16xi32>
        %gather3A_446 = tpu.vector_load_idx %arg15[%get3A_389, %broadcast_in_dim3A_445, %get3A_393] : memref<9x64x128xf32, #tpu.memory_space<vmem>>[vector<16xi32>, vector<16xi32>, vector<16xi32>], vector<16xf32>,
        %add3A_447 = arith.constant 8 : i32
        %add3A_448 = vector.broadcast %add3A_447 : i32 to vector<16xi32>
        %add3A_449 = arith.addi %mul3A_396, %add3A_448 : vector<16xi32>
        tpu.vector_store_idx %arg14[%add3A_449], %gather3A_446 masked %and3A_385 : memref<32768xf32, #tpu.memory_space<vmem>>[vector<16xi32>], vector<16xf32>, vector<16xi1>
        %broadcast_in_dim3A_450 = arith.constant 9 : i32
        %broadcast_in_dim3A_451 = vector.broadcast %broadcast_in_dim3A_450 : i32 to vector<16xi32>
        %gather3A_452 = tpu.vector_load_idx %arg15[%get3A_389, %broadcast_in_dim3A_451, %get3A_393] : memref<9x64x128xf32, #tpu.memory_space<vmem>>[vector<16xi32>, vector<16xi32>, vector<16xi32>], vector<16xf32>,
        %add3A_453 = arith.constant 9 : i32
        %add3A_454 = vector.broadcast %add3A_453 : i32 to vector<16xi32>
        %add3A_455 = arith.addi %mul3A_396, %add3A_454 : vector<16xi32>
        tpu.vector_store_idx %arg14[%add3A_455], %gather3A_452 masked %and3A_385 : memref<32768xf32, #tpu.memory_space<vmem>>[vector<16xi32>], vector<16xf32>, vector<16xi1>
        %broadcast_in_dim3A_456 = arith.constant 10 : i32
        %broadcast_in_dim3A_457 = vector.broadcast %broadcast_in_dim3A_456 : i32 to vector<16xi32>
        %gather3A_458 = tpu.vector_load_idx %arg15[%get3A_389, %broadcast_in_dim3A_457, %get3A_393] : memref<9x64x128xf32, #tpu.memory_space<vmem>>[vector<16xi32>, vector<16xi32>, vector<16xi32>], vector<16xf32>,
        %add3A_459 = arith.constant 10 : i32
        %add3A_460 = vector.broadcast %add3A_459 : i32 to vector<16xi32>
        %add3A_461 = arith.addi %mul3A_396, %add3A_460 : vector<16xi32>
        tpu.vector_store_idx %arg14[%add3A_461], %gather3A_458 masked %and3A_385 : memref<32768xf32, #tpu.memory_space<vmem>>[vector<16xi32>], vector<16xf32>, vector<16xi1>
        %broadcast_in_dim3A_462 = arith.constant 11 : i32
        %broadcast_in_dim3A_463 = vector.broadcast %broadcast_in_dim3A_462 : i32 to vector<16xi32>
        %gather3A_464 = tpu.vector_load_idx %arg15[%get3A_389, %broadcast_in_dim3A_463, %get3A_393] : memref<9x64x128xf32, #tpu.memory_space<vmem>>[vector<16xi32>, vector<16xi32>, vector<16xi32>], vector<16xf32>,
        %add3A_465 = arith.constant 11 : i32
        %add3A_466 = vector.broadcast %add3A_465 : i32 to vector<16xi32>
        %add3A_467 = arith.addi %mul3A_396, %add3A_466 : vector<16xi32>
        tpu.vector_store_idx %arg14[%add3A_467], %gather3A_464 masked %and3A_385 : memref<32768xf32, #tpu.memory_space<vmem>>[vector<16xi32>], vector<16xf32>, vector<16xi1>
        %broadcast_in_dim3A_468 = arith.constant 12 : i32
        %broadcast_in_dim3A_469 = vector.broadcast %broadcast_in_dim3A_468 : i32 to vector<16xi32>
        %gather3A_470 = tpu.vector_load_idx %arg15[%get3A_389, %broadcast_in_dim3A_469, %get3A_393] : memref<9x64x128xf32, #tpu.memory_space<vmem>>[vector<16xi32>, vector<16xi32>, vector<16xi32>], vector<16xf32>,
        %add3A_471 = arith.constant 12 : i32
        %add3A_472 = vector.broadcast %add3A_471 : i32 to vector<16xi32>
        %add3A_473 = arith.addi %mul3A_396, %add3A_472 : vector<16xi32>
        tpu.vector_store_idx %arg14[%add3A_473], %gather3A_470 masked %and3A_385 : memref<32768xf32, #tpu.memory_space<vmem>>[vector<16xi32>], vector<16xf32>, vector<16xi1>
        %broadcast_in_dim3A_474 = arith.constant 13 : i32
        %broadcast_in_dim3A_475 = vector.broadcast %broadcast_in_dim3A_474 : i32 to vector<16xi32>
        %gather3A_476 = tpu.vector_load_idx %arg15[%get3A_389, %broadcast_in_dim3A_475, %get3A_393] : memref<9x64x128xf32, #tpu.memory_space<vmem>>[vector<16xi32>, vector<16xi32>, vector<16xi32>], vector<16xf32>,
        %add3A_477 = arith.constant 13 : i32
        %add3A_478 = vector.broadcast %add3A_477 : i32 to vector<16xi32>
        %add3A_479 = arith.addi %mul3A_396, %add3A_478 : vector<16xi32>
        tpu.vector_store_idx %arg14[%add3A_479], %gather3A_476 masked %and3A_385 : memref<32768xf32, #tpu.memory_space<vmem>>[vector<16xi32>], vector<16xf32>, vector<16xi1>
        %broadcast_in_dim3A_480 = arith.constant 14 : i32
        %broadcast_in_dim3A_481 = vector.broadcast %broadcast_in_dim3A_480 : i32 to vector<16xi32>
        %gather3A_482 = tpu.vector_load_idx %arg15[%get3A_389, %broadcast_in_dim3A_481, %get3A_393] : memref<9x64x128xf32, #tpu.memory_space<vmem>>[vector<16xi32>, vector<16xi32>, vector<16xi32>], vector<16xf32>,
        %add3A_483 = arith.constant 14 : i32
        %add3A_484 = vector.broadcast %add3A_483 : i32 to vector<16xi32>
        %add3A_485 = arith.addi %mul3A_396, %add3A_484 : vector<16xi32>
        tpu.vector_store_idx %arg14[%add3A_485], %gather3A_482 masked %and3A_385 : memref<32768xf32, #tpu.memory_space<vmem>>[vector<16xi32>], vector<16xf32>, vector<16xi1>
        %broadcast_in_dim3A_486 = arith.constant 15 : i32
        %broadcast_in_dim3A_487 = vector.broadcast %broadcast_in_dim3A_486 : i32 to vector<16xi32>
        %gather3A_488 = tpu.vector_load_idx %arg15[%get3A_389, %broadcast_in_dim3A_487, %get3A_393] : memref<9x64x128xf32, #tpu.memory_space<vmem>>[vector<16xi32>, vector<16xi32>, vector<16xi32>], vector<16xf32>,
        %add3A_489 = arith.constant 15 : i32
        %add3A_490 = vector.broadcast %add3A_489 : i32 to vector<16xi32>
        %add3A_491 = arith.addi %mul3A_396, %add3A_490 : vector<16xi32>
        tpu.vector_store_idx %arg14[%add3A_491], %gather3A_488 masked %and3A_385 : memref<32768xf32, #tpu.memory_space<vmem>>[vector<16xi32>], vector<16xf32>, vector<16xi1>
        %broadcast_in_dim3A_492 = arith.constant 16 : i32
        %broadcast_in_dim3A_493 = vector.broadcast %broadcast_in_dim3A_492 : i32 to vector<16xi32>
        %gather3A_494 = tpu.vector_load_idx %arg15[%get3A_389, %broadcast_in_dim3A_493, %get3A_393] : memref<9x64x128xf32, #tpu.memory_space<vmem>>[vector<16xi32>, vector<16xi32>, vector<16xi32>], vector<16xf32>,
        %add3A_495 = arith.constant 16 : i32
        %add3A_496 = vector.broadcast %add3A_495 : i32 to vector<16xi32>
        %add3A_497 = arith.addi %mul3A_396, %add3A_496 : vector<16xi32>
        tpu.vector_store_idx %arg14[%add3A_497], %gather3A_494 masked %and3A_385 : memref<32768xf32, #tpu.memory_space<vmem>>[vector<16xi32>], vector<16xf32>, vector<16xi1>
        %broadcast_in_dim3A_498 = arith.constant 17 : i32
        %broadcast_in_dim3A_499 = vector.broadcast %broadcast_in_dim3A_498 : i32 to vector<16xi32>
        %gather3A_500 = tpu.vector_load_idx %arg15[%get3A_389, %broadcast_in_dim3A_499, %get3A_393] : memref<9x64x128xf32, #tpu.memory_space<vmem>>[vector<16xi32>, vector<16xi32>, vector<16xi32>], vector<16xf32>,
        %add3A_501 = arith.constant 17 : i32
        %add3A_502 = vector.broadcast %add3A_501 : i32 to vector<16xi32>
        %add3A_503 = arith.addi %mul3A_396, %add3A_502 : vector<16xi32>
        tpu.vector_store_idx %arg14[%add3A_503], %gather3A_500 masked %and3A_385 : memref<32768xf32, #tpu.memory_space<vmem>>[vector<16xi32>], vector<16xf32>, vector<16xi1>
        %broadcast_in_dim3A_504 = arith.constant 18 : i32
        %broadcast_in_dim3A_505 = vector.broadcast %broadcast_in_dim3A_504 : i32 to vector<16xi32>
        %gather3A_506 = tpu.vector_load_idx %arg15[%get3A_389, %broadcast_in_dim3A_505, %get3A_393] : memref<9x64x128xf32, #tpu.memory_space<vmem>>[vector<16xi32>, vector<16xi32>, vector<16xi32>], vector<16xf32>,
        %add3A_507 = arith.constant 18 : i32
        %add3A_508 = vector.broadcast %add3A_507 : i32 to vector<16xi32>
        %add3A_509 = arith.addi %mul3A_396, %add3A_508 : vector<16xi32>
        tpu.vector_store_idx %arg14[%add3A_509], %gather3A_506 masked %and3A_385 : memref<32768xf32, #tpu.memory_space<vmem>>[vector<16xi32>], vector<16xf32>, vector<16xi1>
        %broadcast_in_dim3A_510 = arith.constant 19 : i32
        %broadcast_in_dim3A_511 = vector.broadcast %broadcast_in_dim3A_510 : i32 to vector<16xi32>
        %gather3A_512 = tpu.vector_load_idx %arg15[%get3A_389, %broadcast_in_dim3A_511, %get3A_393] : memref<9x64x128xf32, #tpu.memory_space<vmem>>[vector<16xi32>, vector<16xi32>, vector<16xi32>], vector<16xf32>,
        %add3A_513 = arith.constant 19 : i32
        %add3A_514 = vector.broadcast %add3A_513 : i32 to vector<16xi32>
        %add3A_515 = arith.addi %mul3A_396, %add3A_514 : vector<16xi32>
        tpu.vector_store_idx %arg14[%add3A_515], %gather3A_512 masked %and3A_385 : memref<32768xf32, #tpu.memory_space<vmem>>[vector<16xi32>], vector<16xf32>, vector<16xi1>
        %broadcast_in_dim3A_516 = arith.constant 20 : i32
        %broadcast_in_dim3A_517 = vector.broadcast %broadcast_in_dim3A_516 : i32 to vector<16xi32>
        %gather3A_518 = tpu.vector_load_idx %arg15[%get3A_389, %broadcast_in_dim3A_517, %get3A_393] : memref<9x64x128xf32, #tpu.memory_space<vmem>>[vector<16xi32>, vector<16xi32>, vector<16xi32>], vector<16xf32>,
        %add3A_519 = arith.constant 20 : i32
        %add3A_520 = vector.broadcast %add3A_519 : i32 to vector<16xi32>
        %add3A_521 = arith.addi %mul3A_396, %add3A_520 : vector<16xi32>
        tpu.vector_store_idx %arg14[%add3A_521], %gather3A_518 masked %and3A_385 : memref<32768xf32, #tpu.memory_space<vmem>>[vector<16xi32>], vector<16xf32>, vector<16xi1>
        %broadcast_in_dim3A_522 = arith.constant 21 : i32
        %broadcast_in_dim3A_523 = vector.broadcast %broadcast_in_dim3A_522 : i32 to vector<16xi32>
        %gather3A_524 = tpu.vector_load_idx %arg15[%get3A_389, %broadcast_in_dim3A_523, %get3A_393] : memref<9x64x128xf32, #tpu.memory_space<vmem>>[vector<16xi32>, vector<16xi32>, vector<16xi32>], vector<16xf32>,
        %add3A_525 = arith.constant 21 : i32
        %add3A_526 = vector.broadcast %add3A_525 : i32 to vector<16xi32>
        %add3A_527 = arith.addi %mul3A_396, %add3A_526 : vector<16xi32>
        tpu.vector_store_idx %arg14[%add3A_527], %gather3A_524 masked %and3A_385 : memref<32768xf32, #tpu.memory_space<vmem>>[vector<16xi32>], vector<16xf32>, vector<16xi1>
        %broadcast_in_dim3A_528 = arith.constant 22 : i32
        %broadcast_in_dim3A_529 = vector.broadcast %broadcast_in_dim3A_528 : i32 to vector<16xi32>
        %gather3A_530 = tpu.vector_load_idx %arg15[%get3A_389, %broadcast_in_dim3A_529, %get3A_393] : memref<9x64x128xf32, #tpu.memory_space<vmem>>[vector<16xi32>, vector<16xi32>, vector<16xi32>], vector<16xf32>,
        %add3A_531 = arith.constant 22 : i32
        %add3A_532 = vector.broadcast %add3A_531 : i32 to vector<16xi32>
        %add3A_533 = arith.addi %mul3A_396, %add3A_532 : vector<16xi32>
        tpu.vector_store_idx %arg14[%add3A_533], %gather3A_530 masked %and3A_385 : memref<32768xf32, #tpu.memory_space<vmem>>[vector<16xi32>], vector<16xf32>, vector<16xi1>
        %broadcast_in_dim3A_534 = arith.constant 23 : i32
        %broadcast_in_dim3A_535 = vector.broadcast %broadcast_in_dim3A_534 : i32 to vector<16xi32>
        %gather3A_536 = tpu.vector_load_idx %arg15[%get3A_389, %broadcast_in_dim3A_535, %get3A_393] : memref<9x64x128xf32, #tpu.memory_space<vmem>>[vector<16xi32>, vector<16xi32>, vector<16xi32>], vector<16xf32>,
        %add3A_537 = arith.constant 23 : i32
        %add3A_538 = vector.broadcast %add3A_537 : i32 to vector<16xi32>
        %add3A_539 = arith.addi %mul3A_396, %add3A_538 : vector<16xi32>
        tpu.vector_store_idx %arg14[%add3A_539], %gather3A_536 masked %and3A_385 : memref<32768xf32, #tpu.memory_space<vmem>>[vector<16xi32>], vector<16xf32>, vector<16xi1>
        %broadcast_in_dim3A_540 = arith.constant 24 : i32
        %broadcast_in_dim3A_541 = vector.broadcast %broadcast_in_dim3A_540 : i32 to vector<16xi32>
        %gather3A_542 = tpu.vector_load_idx %arg15[%get3A_389, %broadcast_in_dim3A_541, %get3A_393] : memref<9x64x128xf32, #tpu.memory_space<vmem>>[vector<16xi32>, vector<16xi32>, vector<16xi32>], vector<16xf32>,
        %add3A_543 = arith.constant 24 : i32
        %add3A_544 = vector.broadcast %add3A_543 : i32 to vector<16xi32>
        %add3A_545 = arith.addi %mul3A_396, %add3A_544 : vector<16xi32>
        tpu.vector_store_idx %arg14[%add3A_545], %gather3A_542 masked %and3A_385 : memref<32768xf32, #tpu.memory_space<vmem>>[vector<16xi32>], vector<16xf32>, vector<16xi1>
        %broadcast_in_dim3A_546 = arith.constant 25 : i32
        %broadcast_in_dim3A_547 = vector.broadcast %broadcast_in_dim3A_546 : i32 to vector<16xi32>
        %gather3A_548 = tpu.vector_load_idx %arg15[%get3A_389, %broadcast_in_dim3A_547, %get3A_393] : memref<9x64x128xf32, #tpu.memory_space<vmem>>[vector<16xi32>, vector<16xi32>, vector<16xi32>], vector<16xf32>,
        %add3A_549 = arith.constant 25 : i32
        %add3A_550 = vector.broadcast %add3A_549 : i32 to vector<16xi32>
        %add3A_551 = arith.addi %mul3A_396, %add3A_550 : vector<16xi32>
        tpu.vector_store_idx %arg14[%add3A_551], %gather3A_548 masked %and3A_385 : memref<32768xf32, #tpu.memory_space<vmem>>[vector<16xi32>], vector<16xf32>, vector<16xi1>
        %broadcast_in_dim3A_552 = arith.constant 26 : i32
        %broadcast_in_dim3A_553 = vector.broadcast %broadcast_in_dim3A_552 : i32 to vector<16xi32>
        %gather3A_554 = tpu.vector_load_idx %arg15[%get3A_389, %broadcast_in_dim3A_553, %get3A_393] : memref<9x64x128xf32, #tpu.memory_space<vmem>>[vector<16xi32>, vector<16xi32>, vector<16xi32>], vector<16xf32>,
        %add3A_555 = arith.constant 26 : i32
        %add3A_556 = vector.broadcast %add3A_555 : i32 to vector<16xi32>
        %add3A_557 = arith.addi %mul3A_396, %add3A_556 : vector<16xi32>
        tpu.vector_store_idx %arg14[%add3A_557], %gather3A_554 masked %and3A_385 : memref<32768xf32, #tpu.memory_space<vmem>>[vector<16xi32>], vector<16xf32>, vector<16xi1>
        %broadcast_in_dim3A_558 = arith.constant 27 : i32
        %broadcast_in_dim3A_559 = vector.broadcast %broadcast_in_dim3A_558 : i32 to vector<16xi32>
        %gather3A_560 = tpu.vector_load_idx %arg15[%get3A_389, %broadcast_in_dim3A_559, %get3A_393] : memref<9x64x128xf32, #tpu.memory_space<vmem>>[vector<16xi32>, vector<16xi32>, vector<16xi32>], vector<16xf32>,
        %add3A_561 = arith.constant 27 : i32
        %add3A_562 = vector.broadcast %add3A_561 : i32 to vector<16xi32>
        %add3A_563 = arith.addi %mul3A_396, %add3A_562 : vector<16xi32>
        tpu.vector_store_idx %arg14[%add3A_563], %gather3A_560 masked %and3A_385 : memref<32768xf32, #tpu.memory_space<vmem>>[vector<16xi32>], vector<16xf32>, vector<16xi1>
        %broadcast_in_dim3A_564 = arith.constant 28 : i32
        %broadcast_in_dim3A_565 = vector.broadcast %broadcast_in_dim3A_564 : i32 to vector<16xi32>
        %gather3A_566 = tpu.vector_load_idx %arg15[%get3A_389, %broadcast_in_dim3A_565, %get3A_393] : memref<9x64x128xf32, #tpu.memory_space<vmem>>[vector<16xi32>, vector<16xi32>, vector<16xi32>], vector<16xf32>,
        %add3A_567 = arith.constant 28 : i32
        %add3A_568 = vector.broadcast %add3A_567 : i32 to vector<16xi32>
        %add3A_569 = arith.addi %mul3A_396, %add3A_568 : vector<16xi32>
        tpu.vector_store_idx %arg14[%add3A_569], %gather3A_566 masked %and3A_385 : memref<32768xf32, #tpu.memory_space<vmem>>[vector<16xi32>], vector<16xf32>, vector<16xi1>
        %broadcast_in_dim3A_570 = arith.constant 29 : i32
        %broadcast_in_dim3A_571 = vector.broadcast %broadcast_in_dim3A_570 : i32 to vector<16xi32>
        %gather3A_572 = tpu.vector_load_idx %arg15[%get3A_389, %broadcast_in_dim3A_571, %get3A_393] : memref<9x64x128xf32, #tpu.memory_space<vmem>>[vector<16xi32>, vector<16xi32>, vector<16xi32>], vector<16xf32>,
        %add3A_573 = arith.constant 29 : i32
        %add3A_574 = vector.broadcast %add3A_573 : i32 to vector<16xi32>
        %add3A_575 = arith.addi %mul3A_396, %add3A_574 : vector<16xi32>
        tpu.vector_store_idx %arg14[%add3A_575], %gather3A_572 masked %and3A_385 : memref<32768xf32, #tpu.memory_space<vmem>>[vector<16xi32>], vector<16xf32>, vector<16xi1>
        %broadcast_in_dim3A_576 = arith.constant 30 : i32
        %broadcast_in_dim3A_577 = vector.broadcast %broadcast_in_dim3A_576 : i32 to vector<16xi32>
        %gather3A_578 = tpu.vector_load_idx %arg15[%get3A_389, %broadcast_in_dim3A_577, %get3A_393] : memref<9x64x128xf32, #tpu.memory_space<vmem>>[vector<16xi32>, vector<16xi32>, vector<16xi32>], vector<16xf32>,
        %add3A_579 = arith.constant 30 : i32
        %add3A_580 = vector.broadcast %add3A_579 : i32 to vector<16xi32>
        %add3A_581 = arith.addi %mul3A_396, %add3A_580 : vector<16xi32>
        tpu.vector_store_idx %arg14[%add3A_581], %gather3A_578 masked %and3A_385 : memref<32768xf32, #tpu.memory_space<vmem>>[vector<16xi32>], vector<16xf32>, vector<16xi1>
        %broadcast_in_dim3A_582 = arith.constant 31 : i32
        %broadcast_in_dim3A_583 = vector.broadcast %broadcast_in_dim3A_582 : i32 to vector<16xi32>
        %gather3A_584 = tpu.vector_load_idx %arg15[%get3A_389, %broadcast_in_dim3A_583, %get3A_393] : memref<9x64x128xf32, #tpu.memory_space<vmem>>[vector<16xi32>, vector<16xi32>, vector<16xi32>], vector<16xf32>,
        %add3A_585 = arith.constant 31 : i32
        %add3A_586 = vector.broadcast %add3A_585 : i32 to vector<16xi32>
        %add3A_587 = arith.addi %mul3A_396, %add3A_586 : vector<16xi32>
        tpu.vector_store_idx %arg14[%add3A_587], %gather3A_584 masked %and3A_385 : memref<32768xf32, #tpu.memory_space<vmem>>[vector<16xi32>], vector<16xf32>, vector<16xi1>
        %broadcast_in_dim3A_588 = arith.constant 32 : i32
        %broadcast_in_dim3A_589 = vector.broadcast %broadcast_in_dim3A_588 : i32 to vector<16xi32>
        %gather3A_590 = tpu.vector_load_idx %arg15[%get3A_389, %broadcast_in_dim3A_589, %get3A_393] : memref<9x64x128xf32, #tpu.memory_space<vmem>>[vector<16xi32>, vector<16xi32>, vector<16xi32>], vector<16xf32>,
        %add3A_591 = arith.constant 32 : i32
        %add3A_592 = vector.broadcast %add3A_591 : i32 to vector<16xi32>
        %add3A_593 = arith.addi %mul3A_396, %add3A_592 : vector<16xi32>
        tpu.vector_store_idx %arg14[%add3A_593], %gather3A_590 masked %and3A_385 : memref<32768xf32, #tpu.memory_space<vmem>>[vector<16xi32>], vector<16xf32>, vector<16xi1>
        %broadcast_in_dim3A_594 = arith.constant 33 : i32
        %broadcast_in_dim3A_595 = vector.broadcast %broadcast_in_dim3A_594 : i32 to vector<16xi32>
        %gather3A_596 = tpu.vector_load_idx %arg15[%get3A_389, %broadcast_in_dim3A_595, %get3A_393] : memref<9x64x128xf32, #tpu.memory_space<vmem>>[vector<16xi32>, vector<16xi32>, vector<16xi32>], vector<16xf32>,
        %add3A_597 = arith.constant 33 : i32
        %add3A_598 = vector.broadcast %add3A_597 : i32 to vector<16xi32>
        %add3A_599 = arith.addi %mul3A_396, %add3A_598 : vector<16xi32>
        tpu.vector_store_idx %arg14[%add3A_599], %gather3A_596 masked %and3A_385 : memref<32768xf32, #tpu.memory_space<vmem>>[vector<16xi32>], vector<16xf32>, vector<16xi1>
        %broadcast_in_dim3A_600 = arith.constant 34 : i32
        %broadcast_in_dim3A_601 = vector.broadcast %broadcast_in_dim3A_600 : i32 to vector<16xi32>
        %gather3A_602 = tpu.vector_load_idx %arg15[%get3A_389, %broadcast_in_dim3A_601, %get3A_393] : memref<9x64x128xf32, #tpu.memory_space<vmem>>[vector<16xi32>, vector<16xi32>, vector<16xi32>], vector<16xf32>,
        %add3A_603 = arith.constant 34 : i32
        %add3A_604 = vector.broadcast %add3A_603 : i32 to vector<16xi32>
        %add3A_605 = arith.addi %mul3A_396, %add3A_604 : vector<16xi32>
        tpu.vector_store_idx %arg14[%add3A_605], %gather3A_602 masked %and3A_385 : memref<32768xf32, #tpu.memory_space<vmem>>[vector<16xi32>], vector<16xf32>, vector<16xi1>
        %broadcast_in_dim3A_606 = arith.constant 35 : i32
        %broadcast_in_dim3A_607 = vector.broadcast %broadcast_in_dim3A_606 : i32 to vector<16xi32>
        %gather3A_608 = tpu.vector_load_idx %arg15[%get3A_389, %broadcast_in_dim3A_607, %get3A_393] : memref<9x64x128xf32, #tpu.memory_space<vmem>>[vector<16xi32>, vector<16xi32>, vector<16xi32>], vector<16xf32>,
        %add3A_609 = arith.constant 35 : i32
        %add3A_610 = vector.broadcast %add3A_609 : i32 to vector<16xi32>
        %add3A_611 = arith.addi %mul3A_396, %add3A_610 : vector<16xi32>
        tpu.vector_store_idx %arg14[%add3A_611], %gather3A_608 masked %and3A_385 : memref<32768xf32, #tpu.memory_space<vmem>>[vector<16xi32>], vector<16xf32>, vector<16xi1>
        %broadcast_in_dim3A_612 = arith.constant 36 : i32
        %broadcast_in_dim3A_613 = vector.broadcast %broadcast_in_dim3A_612 : i32 to vector<16xi32>
        %gather3A_614 = tpu.vector_load_idx %arg15[%get3A_389, %broadcast_in_dim3A_613, %get3A_393] : memref<9x64x128xf32, #tpu.memory_space<vmem>>[vector<16xi32>, vector<16xi32>, vector<16xi32>], vector<16xf32>,
        %add3A_615 = arith.constant 36 : i32
        %add3A_616 = vector.broadcast %add3A_615 : i32 to vector<16xi32>
        %add3A_617 = arith.addi %mul3A_396, %add3A_616 : vector<16xi32>
        tpu.vector_store_idx %arg14[%add3A_617], %gather3A_614 masked %and3A_385 : memref<32768xf32, #tpu.memory_space<vmem>>[vector<16xi32>], vector<16xf32>, vector<16xi1>
        %broadcast_in_dim3A_618 = arith.constant 37 : i32
        %broadcast_in_dim3A_619 = vector.broadcast %broadcast_in_dim3A_618 : i32 to vector<16xi32>
        %gather3A_620 = tpu.vector_load_idx %arg15[%get3A_389, %broadcast_in_dim3A_619, %get3A_393] : memref<9x64x128xf32, #tpu.memory_space<vmem>>[vector<16xi32>, vector<16xi32>, vector<16xi32>], vector<16xf32>,
        %add3A_621 = arith.constant 37 : i32
        %add3A_622 = vector.broadcast %add3A_621 : i32 to vector<16xi32>
        %add3A_623 = arith.addi %mul3A_396, %add3A_622 : vector<16xi32>
        tpu.vector_store_idx %arg14[%add3A_623], %gather3A_620 masked %and3A_385 : memref<32768xf32, #tpu.memory_space<vmem>>[vector<16xi32>], vector<16xf32>, vector<16xi1>
        %broadcast_in_dim3A_624 = arith.constant 38 : i32
        %broadcast_in_dim3A_625 = vector.broadcast %broadcast_in_dim3A_624 : i32 to vector<16xi32>
        %gather3A_626 = tpu.vector_load_idx %arg15[%get3A_389, %broadcast_in_dim3A_625, %get3A_393] : memref<9x64x128xf32, #tpu.memory_space<vmem>>[vector<16xi32>, vector<16xi32>, vector<16xi32>], vector<16xf32>,
        %add3A_627 = arith.constant 38 : i32
        %add3A_628 = vector.broadcast %add3A_627 : i32 to vector<16xi32>
        %add3A_629 = arith.addi %mul3A_396, %add3A_628 : vector<16xi32>
        tpu.vector_store_idx %arg14[%add3A_629], %gather3A_626 masked %and3A_385 : memref<32768xf32, #tpu.memory_space<vmem>>[vector<16xi32>], vector<16xf32>, vector<16xi1>
        %broadcast_in_dim3A_630 = arith.constant 39 : i32
        %broadcast_in_dim3A_631 = vector.broadcast %broadcast_in_dim3A_630 : i32 to vector<16xi32>
        %gather3A_632 = tpu.vector_load_idx %arg15[%get3A_389, %broadcast_in_dim3A_631, %get3A_393] : memref<9x64x128xf32, #tpu.memory_space<vmem>>[vector<16xi32>, vector<16xi32>, vector<16xi32>], vector<16xf32>,
        %add3A_633 = arith.constant 39 : i32
        %add3A_634 = vector.broadcast %add3A_633 : i32 to vector<16xi32>
        %add3A_635 = arith.addi %mul3A_396, %add3A_634 : vector<16xi32>
        tpu.vector_store_idx %arg14[%add3A_635], %gather3A_632 masked %and3A_385 : memref<32768xf32, #tpu.memory_space<vmem>>[vector<16xi32>], vector<16xf32>, vector<16xi1>
        %broadcast_in_dim3A_636 = arith.constant 40 : i32
        %broadcast_in_dim3A_637 = vector.broadcast %broadcast_in_dim3A_636 : i32 to vector<16xi32>
        %gather3A_638 = tpu.vector_load_idx %arg15[%get3A_389, %broadcast_in_dim3A_637, %get3A_393] : memref<9x64x128xf32, #tpu.memory_space<vmem>>[vector<16xi32>, vector<16xi32>, vector<16xi32>], vector<16xf32>,
        %add3A_639 = arith.constant 40 : i32
        %add3A_640 = vector.broadcast %add3A_639 : i32 to vector<16xi32>
        %add3A_641 = arith.addi %mul3A_396, %add3A_640 : vector<16xi32>
        tpu.vector_store_idx %arg14[%add3A_641], %gather3A_638 masked %and3A_385 : memref<32768xf32, #tpu.memory_space<vmem>>[vector<16xi32>], vector<16xf32>, vector<16xi1>
        %broadcast_in_dim3A_642 = arith.constant 41 : i32
        %broadcast_in_dim3A_643 = vector.broadcast %broadcast_in_dim3A_642 : i32 to vector<16xi32>
        %gather3A_644 = tpu.vector_load_idx %arg15[%get3A_389, %broadcast_in_dim3A_643, %get3A_393] : memref<9x64x128xf32, #tpu.memory_space<vmem>>[vector<16xi32>, vector<16xi32>, vector<16xi32>], vector<16xf32>,
        %add3A_645 = arith.constant 41 : i32
        %add3A_646 = vector.broadcast %add3A_645 : i32 to vector<16xi32>
        %add3A_647 = arith.addi %mul3A_396, %add3A_646 : vector<16xi32>
        tpu.vector_store_idx %arg14[%add3A_647], %gather3A_644 masked %and3A_385 : memref<32768xf32, #tpu.memory_space<vmem>>[vector<16xi32>], vector<16xf32>, vector<16xi1>
        %broadcast_in_dim3A_648 = arith.constant 42 : i32
        %broadcast_in_dim3A_649 = vector.broadcast %broadcast_in_dim3A_648 : i32 to vector<16xi32>
        %gather3A_650 = tpu.vector_load_idx %arg15[%get3A_389, %broadcast_in_dim3A_649, %get3A_393] : memref<9x64x128xf32, #tpu.memory_space<vmem>>[vector<16xi32>, vector<16xi32>, vector<16xi32>], vector<16xf32>,
        %add3A_651 = arith.constant 42 : i32
        %add3A_652 = vector.broadcast %add3A_651 : i32 to vector<16xi32>
        %add3A_653 = arith.addi %mul3A_396, %add3A_652 : vector<16xi32>
        tpu.vector_store_idx %arg14[%add3A_653], %gather3A_650 masked %and3A_385 : memref<32768xf32, #tpu.memory_space<vmem>>[vector<16xi32>], vector<16xf32>, vector<16xi1>
        %broadcast_in_dim3A_654 = arith.constant 43 : i32
        %broadcast_in_dim3A_655 = vector.broadcast %broadcast_in_dim3A_654 : i32 to vector<16xi32>
        %gather3A_656 = tpu.vector_load_idx %arg15[%get3A_389, %broadcast_in_dim3A_655, %get3A_393] : memref<9x64x128xf32, #tpu.memory_space<vmem>>[vector<16xi32>, vector<16xi32>, vector<16xi32>], vector<16xf32>,
        %add3A_657 = arith.constant 43 : i32
        %add3A_658 = vector.broadcast %add3A_657 : i32 to vector<16xi32>
        %add3A_659 = arith.addi %mul3A_396, %add3A_658 : vector<16xi32>
        tpu.vector_store_idx %arg14[%add3A_659], %gather3A_656 masked %and3A_385 : memref<32768xf32, #tpu.memory_space<vmem>>[vector<16xi32>], vector<16xf32>, vector<16xi1>
        %broadcast_in_dim3A_660 = arith.constant 44 : i32
        %broadcast_in_dim3A_661 = vector.broadcast %broadcast_in_dim3A_660 : i32 to vector<16xi32>
        %gather3A_662 = tpu.vector_load_idx %arg15[%get3A_389, %broadcast_in_dim3A_661, %get3A_393] : memref<9x64x128xf32, #tpu.memory_space<vmem>>[vector<16xi32>, vector<16xi32>, vector<16xi32>], vector<16xf32>,
        %add3A_663 = arith.constant 44 : i32
        %add3A_664 = vector.broadcast %add3A_663 : i32 to vector<16xi32>
        %add3A_665 = arith.addi %mul3A_396, %add3A_664 : vector<16xi32>
        tpu.vector_store_idx %arg14[%add3A_665], %gather3A_662 masked %and3A_385 : memref<32768xf32, #tpu.memory_space<vmem>>[vector<16xi32>], vector<16xf32>, vector<16xi1>
        %broadcast_in_dim3A_666 = arith.constant 45 : i32
        %broadcast_in_dim3A_667 = vector.broadcast %broadcast_in_dim3A_666 : i32 to vector<16xi32>
        %gather3A_668 = tpu.vector_load_idx %arg15[%get3A_389, %broadcast_in_dim3A_667, %get3A_393] : memref<9x64x128xf32, #tpu.memory_space<vmem>>[vector<16xi32>, vector<16xi32>, vector<16xi32>], vector<16xf32>,
        %add3A_669 = arith.constant 45 : i32
        %add3A_670 = vector.broadcast %add3A_669 : i32 to vector<16xi32>
        %add3A_671 = arith.addi %mul3A_396, %add3A_670 : vector<16xi32>
        tpu.vector_store_idx %arg14[%add3A_671], %gather3A_668 masked %and3A_385 : memref<32768xf32, #tpu.memory_space<vmem>>[vector<16xi32>], vector<16xf32>, vector<16xi1>
        %broadcast_in_dim3A_672 = arith.constant 46 : i32
        %broadcast_in_dim3A_673 = vector.broadcast %broadcast_in_dim3A_672 : i32 to vector<16xi32>
        %gather3A_674 = tpu.vector_load_idx %arg15[%get3A_389, %broadcast_in_dim3A_673, %get3A_393] : memref<9x64x128xf32, #tpu.memory_space<vmem>>[vector<16xi32>, vector<16xi32>, vector<16xi32>], vector<16xf32>,
        %add3A_675 = arith.constant 46 : i32
        %add3A_676 = vector.broadcast %add3A_675 : i32 to vector<16xi32>
        %add3A_677 = arith.addi %mul3A_396, %add3A_676 : vector<16xi32>
        tpu.vector_store_idx %arg14[%add3A_677], %gather3A_674 masked %and3A_385 : memref<32768xf32, #tpu.memory_space<vmem>>[vector<16xi32>], vector<16xf32>, vector<16xi1>
        %broadcast_in_dim3A_678 = arith.constant 47 : i32
        %broadcast_in_dim3A_679 = vector.broadcast %broadcast_in_dim3A_678 : i32 to vector<16xi32>
        %gather3A_680 = tpu.vector_load_idx %arg15[%get3A_389, %broadcast_in_dim3A_679, %get3A_393] : memref<9x64x128xf32, #tpu.memory_space<vmem>>[vector<16xi32>, vector<16xi32>, vector<16xi32>], vector<16xf32>,
        %add3A_681 = arith.constant 47 : i32
        %add3A_682 = vector.broadcast %add3A_681 : i32 to vector<16xi32>
        %add3A_683 = arith.addi %mul3A_396, %add3A_682 : vector<16xi32>
        tpu.vector_store_idx %arg14[%add3A_683], %gather3A_680 masked %and3A_385 : memref<32768xf32, #tpu.memory_space<vmem>>[vector<16xi32>], vector<16xf32>, vector<16xi1>
        %broadcast_in_dim3A_684 = arith.constant 48 : i32
        %broadcast_in_dim3A_685 = vector.broadcast %broadcast_in_dim3A_684 : i32 to vector<16xi32>
        %gather3A_686 = tpu.vector_load_idx %arg15[%get3A_389, %broadcast_in_dim3A_685, %get3A_393] : memref<9x64x128xf32, #tpu.memory_space<vmem>>[vector<16xi32>, vector<16xi32>, vector<16xi32>], vector<16xf32>,
        %add3A_687 = arith.constant 48 : i32
        %add3A_688 = vector.broadcast %add3A_687 : i32 to vector<16xi32>
        %add3A_689 = arith.addi %mul3A_396, %add3A_688 : vector<16xi32>
        tpu.vector_store_idx %arg14[%add3A_689], %gather3A_686 masked %and3A_385 : memref<32768xf32, #tpu.memory_space<vmem>>[vector<16xi32>], vector<16xf32>, vector<16xi1>
        %broadcast_in_dim3A_690 = arith.constant 49 : i32
        %broadcast_in_dim3A_691 = vector.broadcast %broadcast_in_dim3A_690 : i32 to vector<16xi32>
        %gather3A_692 = tpu.vector_load_idx %arg15[%get3A_389, %broadcast_in_dim3A_691, %get3A_393] : memref<9x64x128xf32, #tpu.memory_space<vmem>>[vector<16xi32>, vector<16xi32>, vector<16xi32>], vector<16xf32>,
        %add3A_693 = arith.constant 49 : i32
        %add3A_694 = vector.broadcast %add3A_693 : i32 to vector<16xi32>
        %add3A_695 = arith.addi %mul3A_396, %add3A_694 : vector<16xi32>
        tpu.vector_store_idx %arg14[%add3A_695], %gather3A_692 masked %and3A_385 : memref<32768xf32, #tpu.memory_space<vmem>>[vector<16xi32>], vector<16xf32>, vector<16xi1>
        %broadcast_in_dim3A_696 = arith.constant 50 : i32
        %broadcast_in_dim3A_697 = vector.broadcast %broadcast_in_dim3A_696 : i32 to vector<16xi32>
        %gather3A_698 = tpu.vector_load_idx %arg15[%get3A_389, %broadcast_in_dim3A_697, %get3A_393] : memref<9x64x128xf32, #tpu.memory_space<vmem>>[vector<16xi32>, vector<16xi32>, vector<16xi32>], vector<16xf32>,
        %add3A_699 = arith.constant 50 : i32
        %add3A_700 = vector.broadcast %add3A_699 : i32 to vector<16xi32>
        %add3A_701 = arith.addi %mul3A_396, %add3A_700 : vector<16xi32>
        tpu.vector_store_idx %arg14[%add3A_701], %gather3A_698 masked %and3A_385 : memref<32768xf32, #tpu.memory_space<vmem>>[vector<16xi32>], vector<16xf32>, vector<16xi1>
        %broadcast_in_dim3A_702 = arith.constant 51 : i32
        %broadcast_in_dim3A_703 = vector.broadcast %broadcast_in_dim3A_702 : i32 to vector<16xi32>
        %gather3A_704 = tpu.vector_load_idx %arg15[%get3A_389, %broadcast_in_dim3A_703, %get3A_393] : memref<9x64x128xf32, #tpu.memory_space<vmem>>[vector<16xi32>, vector<16xi32>, vector<16xi32>], vector<16xf32>,
        %add3A_705 = arith.constant 51 : i32
        %add3A_706 = vector.broadcast %add3A_705 : i32 to vector<16xi32>
        %add3A_707 = arith.addi %mul3A_396, %add3A_706 : vector<16xi32>
        tpu.vector_store_idx %arg14[%add3A_707], %gather3A_704 masked %and3A_385 : memref<32768xf32, #tpu.memory_space<vmem>>[vector<16xi32>], vector<16xf32>, vector<16xi1>
        %broadcast_in_dim3A_708 = arith.constant 52 : i32
        %broadcast_in_dim3A_709 = vector.broadcast %broadcast_in_dim3A_708 : i32 to vector<16xi32>
        %gather3A_710 = tpu.vector_load_idx %arg15[%get3A_389, %broadcast_in_dim3A_709, %get3A_393] : memref<9x64x128xf32, #tpu.memory_space<vmem>>[vector<16xi32>, vector<16xi32>, vector<16xi32>], vector<16xf32>,
        %add3A_711 = arith.constant 52 : i32
        %add3A_712 = vector.broadcast %add3A_711 : i32 to vector<16xi32>
        %add3A_713 = arith.addi %mul3A_396, %add3A_712 : vector<16xi32>
        tpu.vector_store_idx %arg14[%add3A_713], %gather3A_710 masked %and3A_385 : memref<32768xf32, #tpu.memory_space<vmem>>[vector<16xi32>], vector<16xf32>, vector<16xi1>
        %broadcast_in_dim3A_714 = arith.constant 53 : i32
        %broadcast_in_dim3A_715 = vector.broadcast %broadcast_in_dim3A_714 : i32 to vector<16xi32>
        %gather3A_716 = tpu.vector_load_idx %arg15[%get3A_389, %broadcast_in_dim3A_715, %get3A_393] : memref<9x64x128xf32, #tpu.memory_space<vmem>>[vector<16xi32>, vector<16xi32>, vector<16xi32>], vector<16xf32>,
        %add3A_717 = arith.constant 53 : i32
        %add3A_718 = vector.broadcast %add3A_717 : i32 to vector<16xi32>
        %add3A_719 = arith.addi %mul3A_396, %add3A_718 : vector<16xi32>
        tpu.vector_store_idx %arg14[%add3A_719], %gather3A_716 masked %and3A_385 : memref<32768xf32, #tpu.memory_space<vmem>>[vector<16xi32>], vector<16xf32>, vector<16xi1>
        %broadcast_in_dim3A_720 = arith.constant 54 : i32
        %broadcast_in_dim3A_721 = vector.broadcast %broadcast_in_dim3A_720 : i32 to vector<16xi32>
        %gather3A_722 = tpu.vector_load_idx %arg15[%get3A_389, %broadcast_in_dim3A_721, %get3A_393] : memref<9x64x128xf32, #tpu.memory_space<vmem>>[vector<16xi32>, vector<16xi32>, vector<16xi32>], vector<16xf32>,
        %add3A_723 = arith.constant 54 : i32
        %add3A_724 = vector.broadcast %add3A_723 : i32 to vector<16xi32>
        %add3A_725 = arith.addi %mul3A_396, %add3A_724 : vector<16xi32>
        tpu.vector_store_idx %arg14[%add3A_725], %gather3A_722 masked %and3A_385 : memref<32768xf32, #tpu.memory_space<vmem>>[vector<16xi32>], vector<16xf32>, vector<16xi1>
        %broadcast_in_dim3A_726 = arith.constant 55 : i32
        %broadcast_in_dim3A_727 = vector.broadcast %broadcast_in_dim3A_726 : i32 to vector<16xi32>
        %gather3A_728 = tpu.vector_load_idx %arg15[%get3A_389, %broadcast_in_dim3A_727, %get3A_393] : memref<9x64x128xf32, #tpu.memory_space<vmem>>[vector<16xi32>, vector<16xi32>, vector<16xi32>], vector<16xf32>,
        %add3A_729 = arith.constant 55 : i32
        %add3A_730 = vector.broadcast %add3A_729 : i32 to vector<16xi32>
        %add3A_731 = arith.addi %mul3A_396, %add3A_730 : vector<16xi32>
        tpu.vector_store_idx %arg14[%add3A_731], %gather3A_728 masked %and3A_385 : memref<32768xf32, #tpu.memory_space<vmem>>[vector<16xi32>], vector<16xf32>, vector<16xi1>
        %broadcast_in_dim3A_732 = arith.constant 56 : i32
        %broadcast_in_dim3A_733 = vector.broadcast %broadcast_in_dim3A_732 : i32 to vector<16xi32>
        %gather3A_734 = tpu.vector_load_idx %arg15[%get3A_389, %broadcast_in_dim3A_733, %get3A_393] : memref<9x64x128xf32, #tpu.memory_space<vmem>>[vector<16xi32>, vector<16xi32>, vector<16xi32>], vector<16xf32>,
        %add3A_735 = arith.constant 56 : i32
        %add3A_736 = vector.broadcast %add3A_735 : i32 to vector<16xi32>
        %add3A_737 = arith.addi %mul3A_396, %add3A_736 : vector<16xi32>
        tpu.vector_store_idx %arg14[%add3A_737], %gather3A_734 masked %and3A_385 : memref<32768xf32, #tpu.memory_space<vmem>>[vector<16xi32>], vector<16xf32>, vector<16xi1>
        %broadcast_in_dim3A_738 = arith.constant 57 : i32
        %broadcast_in_dim3A_739 = vector.broadcast %broadcast_in_dim3A_738 : i32 to vector<16xi32>
        %gather3A_740 = tpu.vector_load_idx %arg15[%get3A_389, %broadcast_in_dim3A_739, %get3A_393] : memref<9x64x128xf32, #tpu.memory_space<vmem>>[vector<16xi32>, vector<16xi32>, vector<16xi32>], vector<16xf32>,
        %add3A_741 = arith.constant 57 : i32
        %add3A_742 = vector.broadcast %add3A_741 : i32 to vector<16xi32>
        %add3A_743 = arith.addi %mul3A_396, %add3A_742 : vector<16xi32>
        tpu.vector_store_idx %arg14[%add3A_743], %gather3A_740 masked %and3A_385 : memref<32768xf32, #tpu.memory_space<vmem>>[vector<16xi32>], vector<16xf32>, vector<16xi1>
        %broadcast_in_dim3A_744 = arith.constant 58 : i32
        %broadcast_in_dim3A_745 = vector.broadcast %broadcast_in_dim3A_744 : i32 to vector<16xi32>
        %gather3A_746 = tpu.vector_load_idx %arg15[%get3A_389, %broadcast_in_dim3A_745, %get3A_393] : memref<9x64x128xf32, #tpu.memory_space<vmem>>[vector<16xi32>, vector<16xi32>, vector<16xi32>], vector<16xf32>,
        %add3A_747 = arith.constant 58 : i32
        %add3A_748 = vector.broadcast %add3A_747 : i32 to vector<16xi32>
        %add3A_749 = arith.addi %mul3A_396, %add3A_748 : vector<16xi32>
        tpu.vector_store_idx %arg14[%add3A_749], %gather3A_746 masked %and3A_385 : memref<32768xf32, #tpu.memory_space<vmem>>[vector<16xi32>], vector<16xf32>, vector<16xi1>
        %broadcast_in_dim3A_750 = arith.constant 59 : i32
        %broadcast_in_dim3A_751 = vector.broadcast %broadcast_in_dim3A_750 : i32 to vector<16xi32>
        %gather3A_752 = tpu.vector_load_idx %arg15[%get3A_389, %broadcast_in_dim3A_751, %get3A_393] : memref<9x64x128xf32, #tpu.memory_space<vmem>>[vector<16xi32>, vector<16xi32>, vector<16xi32>], vector<16xf32>,
        %add3A_753 = arith.constant 59 : i32
        %add3A_754 = vector.broadcast %add3A_753 : i32 to vector<16xi32>
        %add3A_755 = arith.addi %mul3A_396, %add3A_754 : vector<16xi32>
        tpu.vector_store_idx %arg14[%add3A_755], %gather3A_752 masked %and3A_385 : memref<32768xf32, #tpu.memory_space<vmem>>[vector<16xi32>], vector<16xf32>, vector<16xi1>
        %broadcast_in_dim3A_756 = arith.constant 60 : i32
        %broadcast_in_dim3A_757 = vector.broadcast %broadcast_in_dim3A_756 : i32 to vector<16xi32>
        %gather3A_758 = tpu.vector_load_idx %arg15[%get3A_389, %broadcast_in_dim3A_757, %get3A_393] : memref<9x64x128xf32, #tpu.memory_space<vmem>>[vector<16xi32>, vector<16xi32>, vector<16xi32>], vector<16xf32>,
        %add3A_759 = arith.constant 60 : i32
        %add3A_760 = vector.broadcast %add3A_759 : i32 to vector<16xi32>
        %add3A_761 = arith.addi %mul3A_396, %add3A_760 : vector<16xi32>
        tpu.vector_store_idx %arg14[%add3A_761], %gather3A_758 masked %and3A_385 : memref<32768xf32, #tpu.memory_space<vmem>>[vector<16xi32>], vector<16xf32>, vector<16xi1>
        %broadcast_in_dim3A_762 = arith.constant 61 : i32
        %broadcast_in_dim3A_763 = vector.broadcast %broadcast_in_dim3A_762 : i32 to vector<16xi32>
        %gather3A_764 = tpu.vector_load_idx %arg15[%get3A_389, %broadcast_in_dim3A_763, %get3A_393] : memref<9x64x128xf32, #tpu.memory_space<vmem>>[vector<16xi32>, vector<16xi32>, vector<16xi32>], vector<16xf32>,
        %add3A_765 = arith.constant 61 : i32
        %add3A_766 = vector.broadcast %add3A_765 : i32 to vector<16xi32>
        %add3A_767 = arith.addi %mul3A_396, %add3A_766 : vector<16xi32>
        tpu.vector_store_idx %arg14[%add3A_767], %gather3A_764 masked %and3A_385 : memref<32768xf32, #tpu.memory_space<vmem>>[vector<16xi32>], vector<16xf32>, vector<16xi1>
        %broadcast_in_dim3A_768 = arith.constant 62 : i32
        %broadcast_in_dim3A_769 = vector.broadcast %broadcast_in_dim3A_768 : i32 to vector<16xi32>
        %gather3A_770 = tpu.vector_load_idx %arg15[%get3A_389, %broadcast_in_dim3A_769, %get3A_393] : memref<9x64x128xf32, #tpu.memory_space<vmem>>[vector<16xi32>, vector<16xi32>, vector<16xi32>], vector<16xf32>,
        %add3A_771 = arith.constant 62 : i32
        %add3A_772 = vector.broadcast %add3A_771 : i32 to vector<16xi32>
        %add3A_773 = arith.addi %mul3A_396, %add3A_772 : vector<16xi32>
        tpu.vector_store_idx %arg14[%add3A_773], %gather3A_770 masked %and3A_385 : memref<32768xf32, #tpu.memory_space<vmem>>[vector<16xi32>], vector<16xf32>, vector<16xi1>
        %broadcast_in_dim3A_774 = arith.constant 63 : i32
        %broadcast_in_dim3A_775 = vector.broadcast %broadcast_in_dim3A_774 : i32 to vector<16xi32>
        %gather3A_776 = tpu.vector_load_idx %arg15[%get3A_389, %broadcast_in_dim3A_775, %get3A_393] : memref<9x64x128xf32, #tpu.memory_space<vmem>>[vector<16xi32>, vector<16xi32>, vector<16xi32>], vector<16xf32>,
        %add3A_777 = arith.constant 63 : i32
        %add3A_778 = vector.broadcast %add3A_777 : i32 to vector<16xi32>
        %add3A_779 = arith.addi %mul3A_396, %add3A_778 : vector<16xi32>
        tpu.vector_store_idx %arg14[%add3A_779], %gather3A_776 masked %and3A_385 : memref<32768xf32, #tpu.memory_space<vmem>>[vector<16xi32>], vector<16xf32>, vector<16xi1>
      }
      %while3A_368 = arith.constant 0 : i32
      %while3A_369 = arith.subi %get3A_352, %get3A_345 : i32
      %while3A_370 = arith.addi %get3A_345, %while3A_369 : i32
      %while3A_371 = arith.constant 1 : i32
      %while3A_372 = arith.divsi %while3A_369, %while3A_371 : i32
      %while3A_373 = arith.muli %while3A_372, %while3A_371 : i32
      %while3A_374 = arith.addi %get3A_345, %while3A_373 : i32
      %while3A_375 = arith.constant 1 : i32
      scf.for %while3A_377 = %get3A_345 to %while3A_374 step %while3A_375  : i32 {
        %get3A_378 = arith.index_cast %while3A_377 : i32 to index
        %get3A_379 = tpu.vector_load %arg11[%get3A_378] {strides = array<i32>} : memref<528xi32, #tpu.memory_space<vmem>>, vector<16xi32>,
        %slice3A_380 = vector.extract_strided_slice %get3A_379 {offsets = [0], sizes = [1], strides = [1]} : vector<16xi32> to vector<1xi32>
        %squeeze3A_381 = vector.extract %slice3A_380[0] : i32 from vector<1xi32>
        %mul3A_382 = arith.constant 64 : i32
        %mul3A_383 = arith.muli %while3A_377, %mul3A_382 : i32
        %multiple_of3A = tpu.assume_multiple %mul3A_383, 64 : i32
        %mul3A_384 = arith.constant 64 : i32
        %mul3A_385 = arith.muli %squeeze3A_381, %mul3A_384 : i32
        %multiple_of3A_386 = tpu.assume_multiple %mul3A_385, 64 : i32
        %dma_start3A = tpu.memref_slice %arg14[%multiple_of3A] : memref<32768xf32, #tpu.memory_space<vmem>> -> memref<64xf32, #tpu.memory_space<vmem>>
        %dma_start3A_387 = tpu.memref_slice %arg6[%multiple_of3A_386] : memref<1048576xf32, #tpu.memory_space<hbm>> -> memref<64xf32, #tpu.memory_space<hbm>>
        %dma_start3A_388 = tpu.memref_slice %arg6[%multiple_of3A_386] : memref<1048576xf32, #tpu.memory_space<hbm>> -> memref<64xf32, #tpu.memory_space<hbm>>
        %dma_start3A_389 = tpu.memref_slice %arg14[%multiple_of3A] : memref<32768xf32, #tpu.memory_space<vmem>> -> memref<64xf32, #tpu.memory_space<vmem>>
        tpu.enqueue_dma source(%dma_start3A_389 : memref<64xf32, #tpu.memory_space<vmem>>) target(%dma_start3A_388 : memref<64xf32, #tpu.memory_space<hbm>>) target_semaphore(%arg17 : memref<!tpu.dma_semaphore, #tpu.memory_space<semaphore_mem>>)
      }
      %while3A_376 = arith.constant 1 : i32
      scf.for %while3A_377 = %while3A_374 to %while3A_370 step %while3A_376  : i32 {
        %get3A_378 = arith.index_cast %while3A_377 : i32 to index
        %get3A_379 = tpu.vector_load %arg11[%get3A_378] {strides = array<i32>} : memref<528xi32, #tpu.memory_space<vmem>>, vector<16xi32>,
        %slice3A_380 = vector.extract_strided_slice %get3A_379 {offsets = [0], sizes = [1], strides = [1]} : vector<16xi32> to vector<1xi32>
        %squeeze3A_381 = vector.extract %slice3A_380[0] : i32 from vector<1xi32>
        %mul3A_382 = arith.constant 64 : i32
        %mul3A_383 = arith.muli %while3A_377, %mul3A_382 : i32
        %multiple_of3A = tpu.assume_multiple %mul3A_383, 64 : i32
        %mul3A_384 = arith.constant 64 : i32
        %mul3A_385 = arith.muli %squeeze3A_381, %mul3A_384 : i32
        %multiple_of3A_386 = tpu.assume_multiple %mul3A_385, 64 : i32
        %dma_start3A = tpu.memref_slice %arg14[%multiple_of3A] : memref<32768xf32, #tpu.memory_space<vmem>> -> memref<64xf32, #tpu.memory_space<vmem>>
        %dma_start3A_387 = tpu.memref_slice %arg6[%multiple_of3A_386] : memref<1048576xf32, #tpu.memory_space<hbm>> -> memref<64xf32, #tpu.memory_space<hbm>>
        %dma_start3A_388 = tpu.memref_slice %arg6[%multiple_of3A_386] : memref<1048576xf32, #tpu.memory_space<hbm>> -> memref<64xf32, #tpu.memory_space<hbm>>
        %dma_start3A_389 = tpu.memref_slice %arg14[%multiple_of3A] : memref<32768xf32, #tpu.memory_space<vmem>> -> memref<64xf32, #tpu.memory_space<vmem>>
        tpu.enqueue_dma source(%dma_start3A_389 : memref<64xf32, #tpu.memory_space<vmem>>) target(%dma_start3A_388 : memref<64xf32, #tpu.memory_space<hbm>>) target_semaphore(%arg17 : memref<!tpu.dma_semaphore, #tpu.memory_space<semaphore_mem>>)
      }
    }
    %dma_wait3A = arith.constant 0 : i32
    %dma_wait3A_152 = tpu.memref_slice %arg6[%dma_wait3A] : memref<1048576xf32, #tpu.memory_space<hbm>> -> memref<32768xf32, #tpu.memory_space<hbm>>
    %dma_wait3A_153 = arith.constant 0 : i32
    %dma_wait3A_154 = tpu.memref_slice %arg6[%dma_wait3A_153] : memref<1048576xf32, #tpu.memory_space<hbm>> -> memref<32768xf32, #tpu.memory_space<hbm>>
    tpu.wait_dma2 semaphore(%arg17 : memref<!tpu.dma_semaphore, #tpu.memory_space<semaphore_mem>>) src(%arg14 : memref<32768xf32, #tpu.memory_space<vmem>>) dst(%dma_wait3A_154 : memref<32768xf32, #tpu.memory_space<hbm>>)
    return
  }
}

#map = affine_map<(d0, d1) -> (0, 0)>
#map1 = affine_map<(d0, d1) -> (0)>
module attributes {stable_mosaic.version = 14 : i64} {
  func.func @_content_kernel(%arg0: i32, %arg1: i32, %arg2: memref<128x128xi32, #tpu.memory_space<hbm>>, %arg3: memref<100000x64xf32, #tpu.memory_space<hbm>>, %arg4: memref<1048576xf32, #tpu.memory_space<hbm>>, %arg5: memref<16384xf32, #tpu.memory_space<hbm>>, %arg6: memref<4x128xi32, #tpu.memory_space<vmem>>, %arg7: memref<512x64xf32, #tpu.memory_space<vmem>>, %arg8: memref<32768xf32, #tpu.memory_space<vmem>>, %arg9: memref<512xf32, #tpu.memory_space<vmem>>, %arg10: memref<!tpu.dma_semaphore, #tpu.memory_space<semaphore_mem>>, %arg11: memref<!tpu.dma_semaphore, #tpu.memory_space<semaphore_mem>>) attributes {dimension_semantics = [#tpu.dimension_semantics<core_parallel>, #tpu.dimension_semantics<subcore_parallel>], iteration_bounds = array<i64: 2, 16>, scalar_prefetch = 0 : i64, scratch_operands = 6 : i64, tpu.core_type = #tpu.core_type<sc_vector_subcore>, window_params = [{transform_indices = #map}, {transform_indices = #map}, {transform_indices = #map1}, {transform_indices = #map1}]} {
    %mul3A = arith.constant 2 : i32
    %mul3A_0 = arith.muli %arg1, %mul3A : i32
    %add3A = arith.addi %mul3A_0, %arg0 : i32
    %mul3A_1 = arith.constant 512 : i32
    %mul3A_2 = arith.muli %add3A, %mul3A_1 : i32
    %iota3A = tpu.iota {dimensions = array<i32: 0>} : vector<16xi32>
    %mul3A_3 = arith.constant 4 : i32
    %mul3A_4 = arith.muli %add3A, %mul3A_3 : i32
    "tpu.region"() ({
      %run_scoped3A = tpu.sem_alloc : memref<!tpu.dma_semaphore, #tpu.memory_space<semaphore_mem>>
      %dma_start3A_94 = arith.constant 0 : i32
      %dma_start3A_95 = tpu.memref_slice %arg2[%mul3A_4, %dma_start3A_94] : memref<128x128xi32, #tpu.memory_space<hbm>> -> memref<4x128xi32, #tpu.memory_space<hbm>>
      %dma_start3A_96 = arith.constant 0 : i32
      %dma_start3A_97 = tpu.memref_slice %arg2[%mul3A_4, %dma_start3A_96] : memref<128x128xi32, #tpu.memory_space<hbm>> -> memref<4x128xi32, #tpu.memory_space<hbm>>
      tpu.enqueue_dma source(%dma_start3A_97 : memref<4x128xi32, #tpu.memory_space<hbm>>) target(%arg6 : memref<4x128xi32, #tpu.memory_space<vmem>>) target_semaphore(%run_scoped3A : memref<!tpu.dma_semaphore, #tpu.memory_space<semaphore_mem>>)
      %dma_wait3A_98 = arith.constant 0 : i32
      %dma_wait3A_99 = tpu.memref_slice %arg2[%mul3A_4, %dma_wait3A_98] : memref<128x128xi32, #tpu.memory_space<hbm>> -> memref<4x128xi32, #tpu.memory_space<hbm>>
      %dma_wait3A_100 = arith.constant 0 : i32
      %dma_wait3A_101 = tpu.memref_slice %arg2[%mul3A_4, %dma_wait3A_100] : memref<128x128xi32, #tpu.memory_space<hbm>> -> memref<4x128xi32, #tpu.memory_space<hbm>>
      tpu.wait_dma2 semaphore(%run_scoped3A : memref<!tpu.dma_semaphore, #tpu.memory_space<semaphore_mem>>) src(%dma_wait3A_101 : memref<4x128xi32, #tpu.memory_space<hbm>>) dst(%arg6 : memref<4x128xi32, #tpu.memory_space<vmem>>)
      tpu.yield
    }) : () -> ()
    %mul3A_5 = arith.constant 64 : i32
    %mul3A_6 = arith.muli %mul3A_2, %mul3A_5 : i32
    %dma_start3A = tpu.memref_slice %arg4[%mul3A_6] : memref<1048576xf32, #tpu.memory_space<hbm>> -> memref<32768xf32, #tpu.memory_space<hbm>>
    %dma_start3A_7 = tpu.memref_slice %arg4[%mul3A_6] : memref<1048576xf32, #tpu.memory_space<hbm>> -> memref<32768xf32, #tpu.memory_space<hbm>>
    tpu.enqueue_dma source(%dma_start3A_7 : memref<32768xf32, #tpu.memory_space<hbm>>) target(%arg8 : memref<32768xf32, #tpu.memory_space<vmem>>) target_semaphore(%arg11 : memref<!tpu.dma_semaphore, #tpu.memory_space<semaphore_mem>>)
    %dma_start3A_8 = arith.constant 0 : i32
    %dma_start3A_9 = arith.constant 0 : i32
    %dma_start3A_10 = arith.constant 0 : i32
    %dma_start3A_11 = tpu.memref_slice %arg7[%dma_start3A_9, %dma_start3A_10] : memref<512x64xf32, #tpu.memory_space<vmem>> -> memref<128x64xf32, #tpu.memory_space<vmem>>
    %dma_start3A_12 = arith.constant 0 : i32
    %dma_start3A_13 = tpu.memref_slice %arg6[%dma_start3A_8, %dma_start3A_12] : memref<4x128xi32, #tpu.memory_space<vmem>> -> memref<1x128xi32, #tpu.memory_space<vmem>>
    %dma_start3A_14 = tpu.memref_squeeze %dma_start3A_13 : memref<1x128xi32, #tpu.memory_space<vmem>> -> memref<128xi32, #tpu.memory_space<vmem>>
    %dma_start3A_15 = arith.constant 0 : i32
    %dma_start3A_16 = arith.constant 0 : i32
    %dma_start3A_17 = tpu.memref_slice %arg3[%dma_start3A_15, %dma_start3A_16] : memref<100000x64xf32, #tpu.memory_space<hbm>> -> memref<100000x64xf32, #tpu.memory_space<hbm>>
    tpu.enqueue_indirect_dma source(%dma_start3A_17 : memref<100000x64xf32, #tpu.memory_space<hbm>>) target(%dma_start3A_11 : memref<128x64xf32, #tpu.memory_space<vmem>>) offsets(%dma_start3A_14 : memref<128xi32, #tpu.memory_space<vmem>>) semaphore(%arg10 : memref<!tpu.dma_semaphore, #tpu.memory_space<semaphore_mem>>)
    %dma_start3A_18 = arith.constant 1 : i32
    %dma_start3A_19 = arith.constant 128 : i32
    %dma_start3A_20 = arith.constant 0 : i32
    %dma_start3A_21 = tpu.memref_slice %arg7[%dma_start3A_19, %dma_start3A_20] : memref<512x64xf32, #tpu.memory_space<vmem>> -> memref<128x64xf32, #tpu.memory_space<vmem>>
    %dma_start3A_22 = arith.constant 0 : i32
    %dma_start3A_23 = tpu.memref_slice %arg6[%dma_start3A_18, %dma_start3A_22] : memref<4x128xi32, #tpu.memory_space<vmem>> -> memref<1x128xi32, #tpu.memory_space<vmem>>
    %dma_start3A_24 = tpu.memref_squeeze %dma_start3A_23 : memref<1x128xi32, #tpu.memory_space<vmem>> -> memref<128xi32, #tpu.memory_space<vmem>>
    %dma_start3A_25 = arith.constant 0 : i32
    %dma_start3A_26 = arith.constant 0 : i32
    %dma_start3A_27 = tpu.memref_slice %arg3[%dma_start3A_25, %dma_start3A_26] : memref<100000x64xf32, #tpu.memory_space<hbm>> -> memref<100000x64xf32, #tpu.memory_space<hbm>>
    tpu.enqueue_indirect_dma source(%dma_start3A_27 : memref<100000x64xf32, #tpu.memory_space<hbm>>) target(%dma_start3A_21 : memref<128x64xf32, #tpu.memory_space<vmem>>) offsets(%dma_start3A_24 : memref<128xi32, #tpu.memory_space<vmem>>) semaphore(%arg10 : memref<!tpu.dma_semaphore, #tpu.memory_space<semaphore_mem>>)
    %dma_start3A_28 = arith.constant 2 : i32
    %dma_start3A_29 = arith.constant 256 : i32
    %dma_start3A_30 = arith.constant 0 : i32
    %dma_start3A_31 = tpu.memref_slice %arg7[%dma_start3A_29, %dma_start3A_30] : memref<512x64xf32, #tpu.memory_space<vmem>> -> memref<128x64xf32, #tpu.memory_space<vmem>>
    %dma_start3A_32 = arith.constant 0 : i32
    %dma_start3A_33 = tpu.memref_slice %arg6[%dma_start3A_28, %dma_start3A_32] : memref<4x128xi32, #tpu.memory_space<vmem>> -> memref<1x128xi32, #tpu.memory_space<vmem>>
    %dma_start3A_34 = tpu.memref_squeeze %dma_start3A_33 : memref<1x128xi32, #tpu.memory_space<vmem>> -> memref<128xi32, #tpu.memory_space<vmem>>
    %dma_start3A_35 = arith.constant 0 : i32
    %dma_start3A_36 = arith.constant 0 : i32
    %dma_start3A_37 = tpu.memref_slice %arg3[%dma_start3A_35, %dma_start3A_36] : memref<100000x64xf32, #tpu.memory_space<hbm>> -> memref<100000x64xf32, #tpu.memory_space<hbm>>
    tpu.enqueue_indirect_dma source(%dma_start3A_37 : memref<100000x64xf32, #tpu.memory_space<hbm>>) target(%dma_start3A_31 : memref<128x64xf32, #tpu.memory_space<vmem>>) offsets(%dma_start3A_34 : memref<128xi32, #tpu.memory_space<vmem>>) semaphore(%arg10 : memref<!tpu.dma_semaphore, #tpu.memory_space<semaphore_mem>>)
    %dma_start3A_38 = arith.constant 3 : i32
    %dma_start3A_39 = arith.constant 384 : i32
    %dma_start3A_40 = arith.constant 0 : i32
    %dma_start3A_41 = tpu.memref_slice %arg7[%dma_start3A_39, %dma_start3A_40] : memref<512x64xf32, #tpu.memory_space<vmem>> -> memref<128x64xf32, #tpu.memory_space<vmem>>
    %dma_start3A_42 = arith.constant 0 : i32
    %dma_start3A_43 = tpu.memref_slice %arg6[%dma_start3A_38, %dma_start3A_42] : memref<4x128xi32, #tpu.memory_space<vmem>> -> memref<1x128xi32, #tpu.memory_space<vmem>>
    %dma_start3A_44 = tpu.memref_squeeze %dma_start3A_43 : memref<1x128xi32, #tpu.memory_space<vmem>> -> memref<128xi32, #tpu.memory_space<vmem>>
    %dma_start3A_45 = arith.constant 0 : i32
    %dma_start3A_46 = arith.constant 0 : i32
    %dma_start3A_47 = tpu.memref_slice %arg3[%dma_start3A_45, %dma_start3A_46] : memref<100000x64xf32, #tpu.memory_space<hbm>> -> memref<100000x64xf32, #tpu.memory_space<hbm>>
    tpu.enqueue_indirect_dma source(%dma_start3A_47 : memref<100000x64xf32, #tpu.memory_space<hbm>>) target(%dma_start3A_41 : memref<128x64xf32, #tpu.memory_space<vmem>>) offsets(%dma_start3A_44 : memref<128xi32, #tpu.memory_space<vmem>>) semaphore(%arg10 : memref<!tpu.dma_semaphore, #tpu.memory_space<semaphore_mem>>)
    %dma_wait3A = arith.constant 0 : i32
    %dma_wait3A_48 = arith.constant 0 : i32
    %dma_wait3A_49 = arith.constant 0 : i32
    %dma_wait3A_50 = tpu.memref_slice %arg7[%dma_wait3A_48, %dma_wait3A_49] : memref<512x64xf32, #tpu.memory_space<vmem>> -> memref<128x64xf32, #tpu.memory_space<vmem>>
    %dma_wait3A_51 = arith.constant 0 : i32
    %dma_wait3A_52 = tpu.memref_slice %arg6[%dma_wait3A, %dma_wait3A_51] : memref<4x128xi32, #tpu.memory_space<vmem>> -> memref<1x128xi32, #tpu.memory_space<vmem>>
    %dma_wait3A_53 = tpu.memref_squeeze %dma_wait3A_52 : memref<1x128xi32, #tpu.memory_space<vmem>> -> memref<128xi32, #tpu.memory_space<vmem>>
    %dma_wait3A_54 = arith.constant 0 : i32
    %dma_wait3A_55 = arith.constant 0 : i32
    %dma_wait3A_56 = tpu.memref_slice %arg3[%dma_wait3A_54, %dma_wait3A_55] : memref<100000x64xf32, #tpu.memory_space<hbm>> -> memref<100000x64xf32, #tpu.memory_space<hbm>>
    tpu.wait_indirect_dma semaphore(%arg10 : memref<!tpu.dma_semaphore, #tpu.memory_space<semaphore_mem>>) src(%dma_wait3A_56 : memref<100000x64xf32, #tpu.memory_space<hbm>>) dst(%dma_wait3A_50 : memref<128x64xf32, #tpu.memory_space<vmem>>)
    %dma_wait3A_57 = arith.constant 1 : i32
    %dma_wait3A_58 = arith.constant 128 : i32
    %dma_wait3A_59 = arith.constant 0 : i32
    %dma_wait3A_60 = tpu.memref_slice %arg7[%dma_wait3A_58, %dma_wait3A_59] : memref<512x64xf32, #tpu.memory_space<vmem>> -> memref<128x64xf32, #tpu.memory_space<vmem>>
    %dma_wait3A_61 = arith.constant 0 : i32
    %dma_wait3A_62 = tpu.memref_slice %arg6[%dma_wait3A_57, %dma_wait3A_61] : memref<4x128xi32, #tpu.memory_space<vmem>> -> memref<1x128xi32, #tpu.memory_space<vmem>>
    %dma_wait3A_63 = tpu.memref_squeeze %dma_wait3A_62 : memref<1x128xi32, #tpu.memory_space<vmem>> -> memref<128xi32, #tpu.memory_space<vmem>>
    %dma_wait3A_64 = arith.constant 0 : i32
    %dma_wait3A_65 = arith.constant 0 : i32
    %dma_wait3A_66 = tpu.memref_slice %arg3[%dma_wait3A_64, %dma_wait3A_65] : memref<100000x64xf32, #tpu.memory_space<hbm>> -> memref<100000x64xf32, #tpu.memory_space<hbm>>
    tpu.wait_indirect_dma semaphore(%arg10 : memref<!tpu.dma_semaphore, #tpu.memory_space<semaphore_mem>>) src(%dma_wait3A_66 : memref<100000x64xf32, #tpu.memory_space<hbm>>) dst(%dma_wait3A_60 : memref<128x64xf32, #tpu.memory_space<vmem>>)
    %dma_wait3A_67 = arith.constant 2 : i32
    %dma_wait3A_68 = arith.constant 256 : i32
    %dma_wait3A_69 = arith.constant 0 : i32
    %dma_wait3A_70 = tpu.memref_slice %arg7[%dma_wait3A_68, %dma_wait3A_69] : memref<512x64xf32, #tpu.memory_space<vmem>> -> memref<128x64xf32, #tpu.memory_space<vmem>>
    %dma_wait3A_71 = arith.constant 0 : i32
    %dma_wait3A_72 = tpu.memref_slice %arg6[%dma_wait3A_67, %dma_wait3A_71] : memref<4x128xi32, #tpu.memory_space<vmem>> -> memref<1x128xi32, #tpu.memory_space<vmem>>
    %dma_wait3A_73 = tpu.memref_squeeze %dma_wait3A_72 : memref<1x128xi32, #tpu.memory_space<vmem>> -> memref<128xi32, #tpu.memory_space<vmem>>
    %dma_wait3A_74 = arith.constant 0 : i32
    %dma_wait3A_75 = arith.constant 0 : i32
    %dma_wait3A_76 = tpu.memref_slice %arg3[%dma_wait3A_74, %dma_wait3A_75] : memref<100000x64xf32, #tpu.memory_space<hbm>> -> memref<100000x64xf32, #tpu.memory_space<hbm>>
    tpu.wait_indirect_dma semaphore(%arg10 : memref<!tpu.dma_semaphore, #tpu.memory_space<semaphore_mem>>) src(%dma_wait3A_76 : memref<100000x64xf32, #tpu.memory_space<hbm>>) dst(%dma_wait3A_70 : memref<128x64xf32, #tpu.memory_space<vmem>>)
    %dma_wait3A_77 = arith.constant 3 : i32
    %dma_wait3A_78 = arith.constant 384 : i32
    %dma_wait3A_79 = arith.constant 0 : i32
    %dma_wait3A_80 = tpu.memref_slice %arg7[%dma_wait3A_78, %dma_wait3A_79] : memref<512x64xf32, #tpu.memory_space<vmem>> -> memref<128x64xf32, #tpu.memory_space<vmem>>
    %dma_wait3A_81 = arith.constant 0 : i32
    %dma_wait3A_82 = tpu.memref_slice %arg6[%dma_wait3A_77, %dma_wait3A_81] : memref<4x128xi32, #tpu.memory_space<vmem>> -> memref<1x128xi32, #tpu.memory_space<vmem>>
    %dma_wait3A_83 = tpu.memref_squeeze %dma_wait3A_82 : memref<1x128xi32, #tpu.memory_space<vmem>> -> memref<128xi32, #tpu.memory_space<vmem>>
    %dma_wait3A_84 = arith.constant 0 : i32
    %dma_wait3A_85 = arith.constant 0 : i32
    %dma_wait3A_86 = tpu.memref_slice %arg3[%dma_wait3A_84, %dma_wait3A_85] : memref<100000x64xf32, #tpu.memory_space<hbm>> -> memref<100000x64xf32, #tpu.memory_space<hbm>>
    tpu.wait_indirect_dma semaphore(%arg10 : memref<!tpu.dma_semaphore, #tpu.memory_space<semaphore_mem>>) src(%dma_wait3A_86 : memref<100000x64xf32, #tpu.memory_space<hbm>>) dst(%dma_wait3A_80 : memref<128x64xf32, #tpu.memory_space<vmem>>)
    %dma_wait3A_87 = tpu.memref_slice %arg4[%mul3A_6] : memref<1048576xf32, #tpu.memory_space<hbm>> -> memref<32768xf32, #tpu.memory_space<hbm>>
    %dma_wait3A_88 = tpu.memref_slice %arg4[%mul3A_6] : memref<1048576xf32, #tpu.memory_space<hbm>> -> memref<32768xf32, #tpu.memory_space<hbm>>
    tpu.wait_dma2 semaphore(%arg11 : memref<!tpu.dma_semaphore, #tpu.memory_space<semaphore_mem>>) src(%dma_wait3A_88 : memref<32768xf32, #tpu.memory_space<hbm>>) dst(%arg8 : memref<32768xf32, #tpu.memory_space<vmem>>)
    %scan3A = arith.constant 0 : i32
    %scan3A_89 = arith.constant 0 : i32
    %scan3A_90 = arith.constant 32 : i32
    %scan3A_91 = arith.addi %scan3A_89, %scan3A_90 : i32
    %scan3A_92 = arith.constant 1 : i32
    scf.for %scan3A_94 = %scan3A_89 to %scan3A_91 step %scan3A_92  : i32 {
      %mul3A_95 = arith.constant 16 : i32
      %mul3A_96 = arith.muli %scan3A_94, %mul3A_95 : i32
      %add3A_97 = vector.broadcast %mul3A_96 : i32 to vector<16xi32>
      %add3A_98 = arith.addi %iota3A, %add3A_97 : vector<16xi32>
      %mul3A_99 = arith.constant 64 : i32
      %mul3A_100 = vector.broadcast %mul3A_99 : i32 to vector<16xi32>
      %mul3A_101 = arith.muli %add3A_98, %mul3A_100 : vector<16xi32>
      %broadcast_in_dim3A = arith.constant 0.000000e+00 : f32
      %broadcast_in_dim3A_102 = vector.broadcast %broadcast_in_dim3A : f32 to vector<16xf32>
      %broadcast_in_dim3A_103 = arith.constant 0.000000e+00 : f32
      %broadcast_in_dim3A_104 = vector.broadcast %broadcast_in_dim3A_103 : f32 to vector<16xf32>
      %broadcast_in_dim3A_105 = arith.constant 0 : i32
      %broadcast_in_dim3A_106 = vector.broadcast %broadcast_in_dim3A_105 : i32 to vector<16xi32>
      %broadcast_in_dim3A_107 = arith.constant 1 : i32
      %broadcast_in_dim3A_108 = vector.broadcast %broadcast_in_dim3A_107 : i32 to vector<16xi32>
      %add3A_109 = arith.constant 0 : i32
      %add3A_110 = vector.broadcast %add3A_109 : i32 to vector<16xi32>
      %add3A_111 = arith.addi %mul3A_101, %add3A_110 : vector<16xi32>
      %gather3A = tpu.vector_load_idx %arg8[%add3A_111] : memref<32768xf32, #tpu.memory_space<vmem>>[vector<16xi32>], vector<16xf32>,
      %gather3A_112 = tpu.vector_load_idx %arg7[%add3A_98, %broadcast_in_dim3A_106] : memref<512x64xf32, #tpu.memory_space<vmem>>[vector<16xi32>, vector<16xi32>], vector<16xf32>,
      %mul3A_113 = arith.mulf %gather3A, %gather3A_112 : vector<16xf32>
      %add3A_114 = arith.addf %broadcast_in_dim3A_102, %mul3A_113 : vector<16xf32>
      %add3A_115 = arith.constant 1 : i32
      %add3A_116 = vector.broadcast %add3A_115 : i32 to vector<16xi32>
      %add3A_117 = arith.addi %mul3A_101, %add3A_116 : vector<16xi32>
      %gather3A_118 = tpu.vector_load_idx %arg8[%add3A_117] : memref<32768xf32, #tpu.memory_space<vmem>>[vector<16xi32>], vector<16xf32>,
      %gather3A_119 = tpu.vector_load_idx %arg7[%add3A_98, %broadcast_in_dim3A_108] : memref<512x64xf32, #tpu.memory_space<vmem>>[vector<16xi32>, vector<16xi32>], vector<16xf32>,
      %mul3A_120 = arith.mulf %gather3A_118, %gather3A_119 : vector<16xf32>
      %add3A_121 = arith.addf %broadcast_in_dim3A_104, %mul3A_120 : vector<16xf32>
      %broadcast_in_dim3A_122 = arith.constant 2 : i32
      %broadcast_in_dim3A_123 = vector.broadcast %broadcast_in_dim3A_122 : i32 to vector<16xi32>
      %broadcast_in_dim3A_124 = arith.constant 3 : i32
      %broadcast_in_dim3A_125 = vector.broadcast %broadcast_in_dim3A_124 : i32 to vector<16xi32>
      %add3A_126 = arith.constant 2 : i32
      %add3A_127 = vector.broadcast %add3A_126 : i32 to vector<16xi32>
      %add3A_128 = arith.addi %mul3A_101, %add3A_127 : vector<16xi32>
      %gather3A_129 = tpu.vector_load_idx %arg8[%add3A_128] : memref<32768xf32, #tpu.memory_space<vmem>>[vector<16xi32>], vector<16xf32>,
      %gather3A_130 = tpu.vector_load_idx %arg7[%add3A_98, %broadcast_in_dim3A_123] : memref<512x64xf32, #tpu.memory_space<vmem>>[vector<16xi32>, vector<16xi32>], vector<16xf32>,
      %mul3A_131 = arith.mulf %gather3A_129, %gather3A_130 : vector<16xf32>
      %add3A_132 = arith.addf %add3A_114, %mul3A_131 : vector<16xf32>
      %add3A_133 = arith.constant 3 : i32
      %add3A_134 = vector.broadcast %add3A_133 : i32 to vector<16xi32>
      %add3A_135 = arith.addi %mul3A_101, %add3A_134 : vector<16xi32>
      %gather3A_136 = tpu.vector_load_idx %arg8[%add3A_135] : memref<32768xf32, #tpu.memory_space<vmem>>[vector<16xi32>], vector<16xf32>,
      %gather3A_137 = tpu.vector_load_idx %arg7[%add3A_98, %broadcast_in_dim3A_125] : memref<512x64xf32, #tpu.memory_space<vmem>>[vector<16xi32>, vector<16xi32>], vector<16xf32>,
      %mul3A_138 = arith.mulf %gather3A_136, %gather3A_137 : vector<16xf32>
      %add3A_139 = arith.addf %add3A_121, %mul3A_138 : vector<16xf32>
      %broadcast_in_dim3A_140 = arith.constant 4 : i32
      %broadcast_in_dim3A_141 = vector.broadcast %broadcast_in_dim3A_140 : i32 to vector<16xi32>
      %broadcast_in_dim3A_142 = arith.constant 5 : i32
      %broadcast_in_dim3A_143 = vector.broadcast %broadcast_in_dim3A_142 : i32 to vector<16xi32>
      %add3A_144 = arith.constant 4 : i32
      %add3A_145 = vector.broadcast %add3A_144 : i32 to vector<16xi32>
      %add3A_146 = arith.addi %mul3A_101, %add3A_145 : vector<16xi32>
      %gather3A_147 = tpu.vector_load_idx %arg8[%add3A_146] : memref<32768xf32, #tpu.memory_space<vmem>>[vector<16xi32>], vector<16xf32>,
      %gather3A_148 = tpu.vector_load_idx %arg7[%add3A_98, %broadcast_in_dim3A_141] : memref<512x64xf32, #tpu.memory_space<vmem>>[vector<16xi32>, vector<16xi32>], vector<16xf32>,
      %mul3A_149 = arith.mulf %gather3A_147, %gather3A_148 : vector<16xf32>
      %add3A_150 = arith.addf %add3A_132, %mul3A_149 : vector<16xf32>
      %add3A_151 = arith.constant 5 : i32
      %add3A_152 = vector.broadcast %add3A_151 : i32 to vector<16xi32>
      %add3A_153 = arith.addi %mul3A_101, %add3A_152 : vector<16xi32>
      %gather3A_154 = tpu.vector_load_idx %arg8[%add3A_153] : memref<32768xf32, #tpu.memory_space<vmem>>[vector<16xi32>], vector<16xf32>,
      %gather3A_155 = tpu.vector_load_idx %arg7[%add3A_98, %broadcast_in_dim3A_143] : memref<512x64xf32, #tpu.memory_space<vmem>>[vector<16xi32>, vector<16xi32>], vector<16xf32>,
      %mul3A_156 = arith.mulf %gather3A_154, %gather3A_155 : vector<16xf32>
      %add3A_157 = arith.addf %add3A_139, %mul3A_156 : vector<16xf32>
      %broadcast_in_dim3A_158 = arith.constant 6 : i32
      %broadcast_in_dim3A_159 = vector.broadcast %broadcast_in_dim3A_158 : i32 to vector<16xi32>
      %broadcast_in_dim3A_160 = arith.constant 7 : i32
      %broadcast_in_dim3A_161 = vector.broadcast %broadcast_in_dim3A_160 : i32 to vector<16xi32>
      %add3A_162 = arith.constant 6 : i32
      %add3A_163 = vector.broadcast %add3A_162 : i32 to vector<16xi32>
      %add3A_164 = arith.addi %mul3A_101, %add3A_163 : vector<16xi32>
      %gather3A_165 = tpu.vector_load_idx %arg8[%add3A_164] : memref<32768xf32, #tpu.memory_space<vmem>>[vector<16xi32>], vector<16xf32>,
      %gather3A_166 = tpu.vector_load_idx %arg7[%add3A_98, %broadcast_in_dim3A_159] : memref<512x64xf32, #tpu.memory_space<vmem>>[vector<16xi32>, vector<16xi32>], vector<16xf32>,
      %mul3A_167 = arith.mulf %gather3A_165, %gather3A_166 : vector<16xf32>
      %add3A_168 = arith.addf %add3A_150, %mul3A_167 : vector<16xf32>
      %add3A_169 = arith.constant 7 : i32
      %add3A_170 = vector.broadcast %add3A_169 : i32 to vector<16xi32>
      %add3A_171 = arith.addi %mul3A_101, %add3A_170 : vector<16xi32>
      %gather3A_172 = tpu.vector_load_idx %arg8[%add3A_171] : memref<32768xf32, #tpu.memory_space<vmem>>[vector<16xi32>], vector<16xf32>,
      %gather3A_173 = tpu.vector_load_idx %arg7[%add3A_98, %broadcast_in_dim3A_161] : memref<512x64xf32, #tpu.memory_space<vmem>>[vector<16xi32>, vector<16xi32>], vector<16xf32>,
      %mul3A_174 = arith.mulf %gather3A_172, %gather3A_173 : vector<16xf32>
      %add3A_175 = arith.addf %add3A_157, %mul3A_174 : vector<16xf32>
      %broadcast_in_dim3A_176 = arith.constant 8 : i32
      %broadcast_in_dim3A_177 = vector.broadcast %broadcast_in_dim3A_176 : i32 to vector<16xi32>
      %broadcast_in_dim3A_178 = arith.constant 9 : i32
      %broadcast_in_dim3A_179 = vector.broadcast %broadcast_in_dim3A_178 : i32 to vector<16xi32>
      %add3A_180 = arith.constant 8 : i32
      %add3A_181 = vector.broadcast %add3A_180 : i32 to vector<16xi32>
      %add3A_182 = arith.addi %mul3A_101, %add3A_181 : vector<16xi32>
      %gather3A_183 = tpu.vector_load_idx %arg8[%add3A_182] : memref<32768xf32, #tpu.memory_space<vmem>>[vector<16xi32>], vector<16xf32>,
      %gather3A_184 = tpu.vector_load_idx %arg7[%add3A_98, %broadcast_in_dim3A_177] : memref<512x64xf32, #tpu.memory_space<vmem>>[vector<16xi32>, vector<16xi32>], vector<16xf32>,
      %mul3A_185 = arith.mulf %gather3A_183, %gather3A_184 : vector<16xf32>
      %add3A_186 = arith.addf %add3A_168, %mul3A_185 : vector<16xf32>
      %add3A_187 = arith.constant 9 : i32
      %add3A_188 = vector.broadcast %add3A_187 : i32 to vector<16xi32>
      %add3A_189 = arith.addi %mul3A_101, %add3A_188 : vector<16xi32>
      %gather3A_190 = tpu.vector_load_idx %arg8[%add3A_189] : memref<32768xf32, #tpu.memory_space<vmem>>[vector<16xi32>], vector<16xf32>,
      %gather3A_191 = tpu.vector_load_idx %arg7[%add3A_98, %broadcast_in_dim3A_179] : memref<512x64xf32, #tpu.memory_space<vmem>>[vector<16xi32>, vector<16xi32>], vector<16xf32>,
      %mul3A_192 = arith.mulf %gather3A_190, %gather3A_191 : vector<16xf32>
      %add3A_193 = arith.addf %add3A_175, %mul3A_192 : vector<16xf32>
      %broadcast_in_dim3A_194 = arith.constant 10 : i32
      %broadcast_in_dim3A_195 = vector.broadcast %broadcast_in_dim3A_194 : i32 to vector<16xi32>
      %broadcast_in_dim3A_196 = arith.constant 11 : i32
      %broadcast_in_dim3A_197 = vector.broadcast %broadcast_in_dim3A_196 : i32 to vector<16xi32>
      %add3A_198 = arith.constant 10 : i32
      %add3A_199 = vector.broadcast %add3A_198 : i32 to vector<16xi32>
      %add3A_200 = arith.addi %mul3A_101, %add3A_199 : vector<16xi32>
      %gather3A_201 = tpu.vector_load_idx %arg8[%add3A_200] : memref<32768xf32, #tpu.memory_space<vmem>>[vector<16xi32>], vector<16xf32>,
      %gather3A_202 = tpu.vector_load_idx %arg7[%add3A_98, %broadcast_in_dim3A_195] : memref<512x64xf32, #tpu.memory_space<vmem>>[vector<16xi32>, vector<16xi32>], vector<16xf32>,
      %mul3A_203 = arith.mulf %gather3A_201, %gather3A_202 : vector<16xf32>
      %add3A_204 = arith.addf %add3A_186, %mul3A_203 : vector<16xf32>
      %add3A_205 = arith.constant 11 : i32
      %add3A_206 = vector.broadcast %add3A_205 : i32 to vector<16xi32>
      %add3A_207 = arith.addi %mul3A_101, %add3A_206 : vector<16xi32>
      %gather3A_208 = tpu.vector_load_idx %arg8[%add3A_207] : memref<32768xf32, #tpu.memory_space<vmem>>[vector<16xi32>], vector<16xf32>,
      %gather3A_209 = tpu.vector_load_idx %arg7[%add3A_98, %broadcast_in_dim3A_197] : memref<512x64xf32, #tpu.memory_space<vmem>>[vector<16xi32>, vector<16xi32>], vector<16xf32>,
      %mul3A_210 = arith.mulf %gather3A_208, %gather3A_209 : vector<16xf32>
      %add3A_211 = arith.addf %add3A_193, %mul3A_210 : vector<16xf32>
      %broadcast_in_dim3A_212 = arith.constant 12 : i32
      %broadcast_in_dim3A_213 = vector.broadcast %broadcast_in_dim3A_212 : i32 to vector<16xi32>
      %broadcast_in_dim3A_214 = arith.constant 13 : i32
      %broadcast_in_dim3A_215 = vector.broadcast %broadcast_in_dim3A_214 : i32 to vector<16xi32>
      %add3A_216 = arith.constant 12 : i32
      %add3A_217 = vector.broadcast %add3A_216 : i32 to vector<16xi32>
      %add3A_218 = arith.addi %mul3A_101, %add3A_217 : vector<16xi32>
      %gather3A_219 = tpu.vector_load_idx %arg8[%add3A_218] : memref<32768xf32, #tpu.memory_space<vmem>>[vector<16xi32>], vector<16xf32>,
      %gather3A_220 = tpu.vector_load_idx %arg7[%add3A_98, %broadcast_in_dim3A_213] : memref<512x64xf32, #tpu.memory_space<vmem>>[vector<16xi32>, vector<16xi32>], vector<16xf32>,
      %mul3A_221 = arith.mulf %gather3A_219, %gather3A_220 : vector<16xf32>
      %add3A_222 = arith.addf %add3A_204, %mul3A_221 : vector<16xf32>
      %add3A_223 = arith.constant 13 : i32
      %add3A_224 = vector.broadcast %add3A_223 : i32 to vector<16xi32>
      %add3A_225 = arith.addi %mul3A_101, %add3A_224 : vector<16xi32>
      %gather3A_226 = tpu.vector_load_idx %arg8[%add3A_225] : memref<32768xf32, #tpu.memory_space<vmem>>[vector<16xi32>], vector<16xf32>,
      %gather3A_227 = tpu.vector_load_idx %arg7[%add3A_98, %broadcast_in_dim3A_215] : memref<512x64xf32, #tpu.memory_space<vmem>>[vector<16xi32>, vector<16xi32>], vector<16xf32>,
      %mul3A_228 = arith.mulf %gather3A_226, %gather3A_227 : vector<16xf32>
      %add3A_229 = arith.addf %add3A_211, %mul3A_228 : vector<16xf32>
      %broadcast_in_dim3A_230 = arith.constant 14 : i32
      %broadcast_in_dim3A_231 = vector.broadcast %broadcast_in_dim3A_230 : i32 to vector<16xi32>
      %broadcast_in_dim3A_232 = arith.constant 15 : i32
      %broadcast_in_dim3A_233 = vector.broadcast %broadcast_in_dim3A_232 : i32 to vector<16xi32>
      %add3A_234 = arith.constant 14 : i32
      %add3A_235 = vector.broadcast %add3A_234 : i32 to vector<16xi32>
      %add3A_236 = arith.addi %mul3A_101, %add3A_235 : vector<16xi32>
      %gather3A_237 = tpu.vector_load_idx %arg8[%add3A_236] : memref<32768xf32, #tpu.memory_space<vmem>>[vector<16xi32>], vector<16xf32>,
      %gather3A_238 = tpu.vector_load_idx %arg7[%add3A_98, %broadcast_in_dim3A_231] : memref<512x64xf32, #tpu.memory_space<vmem>>[vector<16xi32>, vector<16xi32>], vector<16xf32>,
      %mul3A_239 = arith.mulf %gather3A_237, %gather3A_238 : vector<16xf32>
      %add3A_240 = arith.addf %add3A_222, %mul3A_239 : vector<16xf32>
      %add3A_241 = arith.constant 15 : i32
      %add3A_242 = vector.broadcast %add3A_241 : i32 to vector<16xi32>
      %add3A_243 = arith.addi %mul3A_101, %add3A_242 : vector<16xi32>
      %gather3A_244 = tpu.vector_load_idx %arg8[%add3A_243] : memref<32768xf32, #tpu.memory_space<vmem>>[vector<16xi32>], vector<16xf32>,
      %gather3A_245 = tpu.vector_load_idx %arg7[%add3A_98, %broadcast_in_dim3A_233] : memref<512x64xf32, #tpu.memory_space<vmem>>[vector<16xi32>, vector<16xi32>], vector<16xf32>,
      %mul3A_246 = arith.mulf %gather3A_244, %gather3A_245 : vector<16xf32>
      %add3A_247 = arith.addf %add3A_229, %mul3A_246 : vector<16xf32>
      %broadcast_in_dim3A_248 = arith.constant 16 : i32
      %broadcast_in_dim3A_249 = vector.broadcast %broadcast_in_dim3A_248 : i32 to vector<16xi32>
      %broadcast_in_dim3A_250 = arith.constant 17 : i32
      %broadcast_in_dim3A_251 = vector.broadcast %broadcast_in_dim3A_250 : i32 to vector<16xi32>
      %add3A_252 = arith.constant 16 : i32
      %add3A_253 = vector.broadcast %add3A_252 : i32 to vector<16xi32>
      %add3A_254 = arith.addi %mul3A_101, %add3A_253 : vector<16xi32>
      %gather3A_255 = tpu.vector_load_idx %arg8[%add3A_254] : memref<32768xf32, #tpu.memory_space<vmem>>[vector<16xi32>], vector<16xf32>,
      %gather3A_256 = tpu.vector_load_idx %arg7[%add3A_98, %broadcast_in_dim3A_249] : memref<512x64xf32, #tpu.memory_space<vmem>>[vector<16xi32>, vector<16xi32>], vector<16xf32>,
      %mul3A_257 = arith.mulf %gather3A_255, %gather3A_256 : vector<16xf32>
      %add3A_258 = arith.addf %add3A_240, %mul3A_257 : vector<16xf32>
      %add3A_259 = arith.constant 17 : i32
      %add3A_260 = vector.broadcast %add3A_259 : i32 to vector<16xi32>
      %add3A_261 = arith.addi %mul3A_101, %add3A_260 : vector<16xi32>
      %gather3A_262 = tpu.vector_load_idx %arg8[%add3A_261] : memref<32768xf32, #tpu.memory_space<vmem>>[vector<16xi32>], vector<16xf32>,
      %gather3A_263 = tpu.vector_load_idx %arg7[%add3A_98, %broadcast_in_dim3A_251] : memref<512x64xf32, #tpu.memory_space<vmem>>[vector<16xi32>, vector<16xi32>], vector<16xf32>,
      %mul3A_264 = arith.mulf %gather3A_262, %gather3A_263 : vector<16xf32>
      %add3A_265 = arith.addf %add3A_247, %mul3A_264 : vector<16xf32>
      %broadcast_in_dim3A_266 = arith.constant 18 : i32
      %broadcast_in_dim3A_267 = vector.broadcast %broadcast_in_dim3A_266 : i32 to vector<16xi32>
      %broadcast_in_dim3A_268 = arith.constant 19 : i32
      %broadcast_in_dim3A_269 = vector.broadcast %broadcast_in_dim3A_268 : i32 to vector<16xi32>
      %add3A_270 = arith.constant 18 : i32
      %add3A_271 = vector.broadcast %add3A_270 : i32 to vector<16xi32>
      %add3A_272 = arith.addi %mul3A_101, %add3A_271 : vector<16xi32>
      %gather3A_273 = tpu.vector_load_idx %arg8[%add3A_272] : memref<32768xf32, #tpu.memory_space<vmem>>[vector<16xi32>], vector<16xf32>,
      %gather3A_274 = tpu.vector_load_idx %arg7[%add3A_98, %broadcast_in_dim3A_267] : memref<512x64xf32, #tpu.memory_space<vmem>>[vector<16xi32>, vector<16xi32>], vector<16xf32>,
      %mul3A_275 = arith.mulf %gather3A_273, %gather3A_274 : vector<16xf32>
      %add3A_276 = arith.addf %add3A_258, %mul3A_275 : vector<16xf32>
      %add3A_277 = arith.constant 19 : i32
      %add3A_278 = vector.broadcast %add3A_277 : i32 to vector<16xi32>
      %add3A_279 = arith.addi %mul3A_101, %add3A_278 : vector<16xi32>
      %gather3A_280 = tpu.vector_load_idx %arg8[%add3A_279] : memref<32768xf32, #tpu.memory_space<vmem>>[vector<16xi32>], vector<16xf32>,
      %gather3A_281 = tpu.vector_load_idx %arg7[%add3A_98, %broadcast_in_dim3A_269] : memref<512x64xf32, #tpu.memory_space<vmem>>[vector<16xi32>, vector<16xi32>], vector<16xf32>,
      %mul3A_282 = arith.mulf %gather3A_280, %gather3A_281 : vector<16xf32>
      %add3A_283 = arith.addf %add3A_265, %mul3A_282 : vector<16xf32>
      %broadcast_in_dim3A_284 = arith.constant 20 : i32
      %broadcast_in_dim3A_285 = vector.broadcast %broadcast_in_dim3A_284 : i32 to vector<16xi32>
      %broadcast_in_dim3A_286 = arith.constant 21 : i32
      %broadcast_in_dim3A_287 = vector.broadcast %broadcast_in_dim3A_286 : i32 to vector<16xi32>
      %add3A_288 = arith.constant 20 : i32
      %add3A_289 = vector.broadcast %add3A_288 : i32 to vector<16xi32>
      %add3A_290 = arith.addi %mul3A_101, %add3A_289 : vector<16xi32>
      %gather3A_291 = tpu.vector_load_idx %arg8[%add3A_290] : memref<32768xf32, #tpu.memory_space<vmem>>[vector<16xi32>], vector<16xf32>,
      %gather3A_292 = tpu.vector_load_idx %arg7[%add3A_98, %broadcast_in_dim3A_285] : memref<512x64xf32, #tpu.memory_space<vmem>>[vector<16xi32>, vector<16xi32>], vector<16xf32>,
      %mul3A_293 = arith.mulf %gather3A_291, %gather3A_292 : vector<16xf32>
      %add3A_294 = arith.addf %add3A_276, %mul3A_293 : vector<16xf32>
      %add3A_295 = arith.constant 21 : i32
      %add3A_296 = vector.broadcast %add3A_295 : i32 to vector<16xi32>
      %add3A_297 = arith.addi %mul3A_101, %add3A_296 : vector<16xi32>
      %gather3A_298 = tpu.vector_load_idx %arg8[%add3A_297] : memref<32768xf32, #tpu.memory_space<vmem>>[vector<16xi32>], vector<16xf32>,
      %gather3A_299 = tpu.vector_load_idx %arg7[%add3A_98, %broadcast_in_dim3A_287] : memref<512x64xf32, #tpu.memory_space<vmem>>[vector<16xi32>, vector<16xi32>], vector<16xf32>,
      %mul3A_300 = arith.mulf %gather3A_298, %gather3A_299 : vector<16xf32>
      %add3A_301 = arith.addf %add3A_283, %mul3A_300 : vector<16xf32>
      %broadcast_in_dim3A_302 = arith.constant 22 : i32
      %broadcast_in_dim3A_303 = vector.broadcast %broadcast_in_dim3A_302 : i32 to vector<16xi32>
      %broadcast_in_dim3A_304 = arith.constant 23 : i32
      %broadcast_in_dim3A_305 = vector.broadcast %broadcast_in_dim3A_304 : i32 to vector<16xi32>
      %add3A_306 = arith.constant 22 : i32
      %add3A_307 = vector.broadcast %add3A_306 : i32 to vector<16xi32>
      %add3A_308 = arith.addi %mul3A_101, %add3A_307 : vector<16xi32>
      %gather3A_309 = tpu.vector_load_idx %arg8[%add3A_308] : memref<32768xf32, #tpu.memory_space<vmem>>[vector<16xi32>], vector<16xf32>,
      %gather3A_310 = tpu.vector_load_idx %arg7[%add3A_98, %broadcast_in_dim3A_303] : memref<512x64xf32, #tpu.memory_space<vmem>>[vector<16xi32>, vector<16xi32>], vector<16xf32>,
      %mul3A_311 = arith.mulf %gather3A_309, %gather3A_310 : vector<16xf32>
      %add3A_312 = arith.addf %add3A_294, %mul3A_311 : vector<16xf32>
      %add3A_313 = arith.constant 23 : i32
      %add3A_314 = vector.broadcast %add3A_313 : i32 to vector<16xi32>
      %add3A_315 = arith.addi %mul3A_101, %add3A_314 : vector<16xi32>
      %gather3A_316 = tpu.vector_load_idx %arg8[%add3A_315] : memref<32768xf32, #tpu.memory_space<vmem>>[vector<16xi32>], vector<16xf32>,
      %gather3A_317 = tpu.vector_load_idx %arg7[%add3A_98, %broadcast_in_dim3A_305] : memref<512x64xf32, #tpu.memory_space<vmem>>[vector<16xi32>, vector<16xi32>], vector<16xf32>,
      %mul3A_318 = arith.mulf %gather3A_316, %gather3A_317 : vector<16xf32>
      %add3A_319 = arith.addf %add3A_301, %mul3A_318 : vector<16xf32>
      %broadcast_in_dim3A_320 = arith.constant 24 : i32
      %broadcast_in_dim3A_321 = vector.broadcast %broadcast_in_dim3A_320 : i32 to vector<16xi32>
      %broadcast_in_dim3A_322 = arith.constant 25 : i32
      %broadcast_in_dim3A_323 = vector.broadcast %broadcast_in_dim3A_322 : i32 to vector<16xi32>
      %add3A_324 = arith.constant 24 : i32
      %add3A_325 = vector.broadcast %add3A_324 : i32 to vector<16xi32>
      %add3A_326 = arith.addi %mul3A_101, %add3A_325 : vector<16xi32>
      %gather3A_327 = tpu.vector_load_idx %arg8[%add3A_326] : memref<32768xf32, #tpu.memory_space<vmem>>[vector<16xi32>], vector<16xf32>,
      %gather3A_328 = tpu.vector_load_idx %arg7[%add3A_98, %broadcast_in_dim3A_321] : memref<512x64xf32, #tpu.memory_space<vmem>>[vector<16xi32>, vector<16xi32>], vector<16xf32>,
      %mul3A_329 = arith.mulf %gather3A_327, %gather3A_328 : vector<16xf32>
      %add3A_330 = arith.addf %add3A_312, %mul3A_329 : vector<16xf32>
      %add3A_331 = arith.constant 25 : i32
      %add3A_332 = vector.broadcast %add3A_331 : i32 to vector<16xi32>
      %add3A_333 = arith.addi %mul3A_101, %add3A_332 : vector<16xi32>
      %gather3A_334 = tpu.vector_load_idx %arg8[%add3A_333] : memref<32768xf32, #tpu.memory_space<vmem>>[vector<16xi32>], vector<16xf32>,
      %gather3A_335 = tpu.vector_load_idx %arg7[%add3A_98, %broadcast_in_dim3A_323] : memref<512x64xf32, #tpu.memory_space<vmem>>[vector<16xi32>, vector<16xi32>], vector<16xf32>,
      %mul3A_336 = arith.mulf %gather3A_334, %gather3A_335 : vector<16xf32>
      %add3A_337 = arith.addf %add3A_319, %mul3A_336 : vector<16xf32>
      %broadcast_in_dim3A_338 = arith.constant 26 : i32
      %broadcast_in_dim3A_339 = vector.broadcast %broadcast_in_dim3A_338 : i32 to vector<16xi32>
      %broadcast_in_dim3A_340 = arith.constant 27 : i32
      %broadcast_in_dim3A_341 = vector.broadcast %broadcast_in_dim3A_340 : i32 to vector<16xi32>
      %add3A_342 = arith.constant 26 : i32
      %add3A_343 = vector.broadcast %add3A_342 : i32 to vector<16xi32>
      %add3A_344 = arith.addi %mul3A_101, %add3A_343 : vector<16xi32>
      %gather3A_345 = tpu.vector_load_idx %arg8[%add3A_344] : memref<32768xf32, #tpu.memory_space<vmem>>[vector<16xi32>], vector<16xf32>,
      %gather3A_346 = tpu.vector_load_idx %arg7[%add3A_98, %broadcast_in_dim3A_339] : memref<512x64xf32, #tpu.memory_space<vmem>>[vector<16xi32>, vector<16xi32>], vector<16xf32>,
      %mul3A_347 = arith.mulf %gather3A_345, %gather3A_346 : vector<16xf32>
      %add3A_348 = arith.addf %add3A_330, %mul3A_347 : vector<16xf32>
      %add3A_349 = arith.constant 27 : i32
      %add3A_350 = vector.broadcast %add3A_349 : i32 to vector<16xi32>
      %add3A_351 = arith.addi %mul3A_101, %add3A_350 : vector<16xi32>
      %gather3A_352 = tpu.vector_load_idx %arg8[%add3A_351] : memref<32768xf32, #tpu.memory_space<vmem>>[vector<16xi32>], vector<16xf32>,
      %gather3A_353 = tpu.vector_load_idx %arg7[%add3A_98, %broadcast_in_dim3A_341] : memref<512x64xf32, #tpu.memory_space<vmem>>[vector<16xi32>, vector<16xi32>], vector<16xf32>,
      %mul3A_354 = arith.mulf %gather3A_352, %gather3A_353 : vector<16xf32>
      %add3A_355 = arith.addf %add3A_337, %mul3A_354 : vector<16xf32>
      %broadcast_in_dim3A_356 = arith.constant 28 : i32
      %broadcast_in_dim3A_357 = vector.broadcast %broadcast_in_dim3A_356 : i32 to vector<16xi32>
      %broadcast_in_dim3A_358 = arith.constant 29 : i32
      %broadcast_in_dim3A_359 = vector.broadcast %broadcast_in_dim3A_358 : i32 to vector<16xi32>
      %add3A_360 = arith.constant 28 : i32
      %add3A_361 = vector.broadcast %add3A_360 : i32 to vector<16xi32>
      %add3A_362 = arith.addi %mul3A_101, %add3A_361 : vector<16xi32>
      %gather3A_363 = tpu.vector_load_idx %arg8[%add3A_362] : memref<32768xf32, #tpu.memory_space<vmem>>[vector<16xi32>], vector<16xf32>,
      %gather3A_364 = tpu.vector_load_idx %arg7[%add3A_98, %broadcast_in_dim3A_357] : memref<512x64xf32, #tpu.memory_space<vmem>>[vector<16xi32>, vector<16xi32>], vector<16xf32>,
      %mul3A_365 = arith.mulf %gather3A_363, %gather3A_364 : vector<16xf32>
      %add3A_366 = arith.addf %add3A_348, %mul3A_365 : vector<16xf32>
      %add3A_367 = arith.constant 29 : i32
      %add3A_368 = vector.broadcast %add3A_367 : i32 to vector<16xi32>
      %add3A_369 = arith.addi %mul3A_101, %add3A_368 : vector<16xi32>
      %gather3A_370 = tpu.vector_load_idx %arg8[%add3A_369] : memref<32768xf32, #tpu.memory_space<vmem>>[vector<16xi32>], vector<16xf32>,
      %gather3A_371 = tpu.vector_load_idx %arg7[%add3A_98, %broadcast_in_dim3A_359] : memref<512x64xf32, #tpu.memory_space<vmem>>[vector<16xi32>, vector<16xi32>], vector<16xf32>,
      %mul3A_372 = arith.mulf %gather3A_370, %gather3A_371 : vector<16xf32>
      %add3A_373 = arith.addf %add3A_355, %mul3A_372 : vector<16xf32>
      %broadcast_in_dim3A_374 = arith.constant 30 : i32
      %broadcast_in_dim3A_375 = vector.broadcast %broadcast_in_dim3A_374 : i32 to vector<16xi32>
      %broadcast_in_dim3A_376 = arith.constant 31 : i32
      %broadcast_in_dim3A_377 = vector.broadcast %broadcast_in_dim3A_376 : i32 to vector<16xi32>
      %add3A_378 = arith.constant 30 : i32
      %add3A_379 = vector.broadcast %add3A_378 : i32 to vector<16xi32>
      %add3A_380 = arith.addi %mul3A_101, %add3A_379 : vector<16xi32>
      %gather3A_381 = tpu.vector_load_idx %arg8[%add3A_380] : memref<32768xf32, #tpu.memory_space<vmem>>[vector<16xi32>], vector<16xf32>,
      %gather3A_382 = tpu.vector_load_idx %arg7[%add3A_98, %broadcast_in_dim3A_375] : memref<512x64xf32, #tpu.memory_space<vmem>>[vector<16xi32>, vector<16xi32>], vector<16xf32>,
      %mul3A_383 = arith.mulf %gather3A_381, %gather3A_382 : vector<16xf32>
      %add3A_384 = arith.addf %add3A_366, %mul3A_383 : vector<16xf32>
      %add3A_385 = arith.constant 31 : i32
      %add3A_386 = vector.broadcast %add3A_385 : i32 to vector<16xi32>
      %add3A_387 = arith.addi %mul3A_101, %add3A_386 : vector<16xi32>
      %gather3A_388 = tpu.vector_load_idx %arg8[%add3A_387] : memref<32768xf32, #tpu.memory_space<vmem>>[vector<16xi32>], vector<16xf32>,
      %gather3A_389 = tpu.vector_load_idx %arg7[%add3A_98, %broadcast_in_dim3A_377] : memref<512x64xf32, #tpu.memory_space<vmem>>[vector<16xi32>, vector<16xi32>], vector<16xf32>,
      %mul3A_390 = arith.mulf %gather3A_388, %gather3A_389 : vector<16xf32>
      %add3A_391 = arith.addf %add3A_373, %mul3A_390 : vector<16xf32>
      %broadcast_in_dim3A_392 = arith.constant 32 : i32
      %broadcast_in_dim3A_393 = vector.broadcast %broadcast_in_dim3A_392 : i32 to vector<16xi32>
      %broadcast_in_dim3A_394 = arith.constant 33 : i32
      %broadcast_in_dim3A_395 = vector.broadcast %broadcast_in_dim3A_394 : i32 to vector<16xi32>
      %add3A_396 = arith.constant 32 : i32
      %add3A_397 = vector.broadcast %add3A_396 : i32 to vector<16xi32>
      %add3A_398 = arith.addi %mul3A_101, %add3A_397 : vector<16xi32>
      %gather3A_399 = tpu.vector_load_idx %arg8[%add3A_398] : memref<32768xf32, #tpu.memory_space<vmem>>[vector<16xi32>], vector<16xf32>,
      %gather3A_400 = tpu.vector_load_idx %arg7[%add3A_98, %broadcast_in_dim3A_393] : memref<512x64xf32, #tpu.memory_space<vmem>>[vector<16xi32>, vector<16xi32>], vector<16xf32>,
      %mul3A_401 = arith.mulf %gather3A_399, %gather3A_400 : vector<16xf32>
      %add3A_402 = arith.addf %add3A_384, %mul3A_401 : vector<16xf32>
      %add3A_403 = arith.constant 33 : i32
      %add3A_404 = vector.broadcast %add3A_403 : i32 to vector<16xi32>
      %add3A_405 = arith.addi %mul3A_101, %add3A_404 : vector<16xi32>
      %gather3A_406 = tpu.vector_load_idx %arg8[%add3A_405] : memref<32768xf32, #tpu.memory_space<vmem>>[vector<16xi32>], vector<16xf32>,
      %gather3A_407 = tpu.vector_load_idx %arg7[%add3A_98, %broadcast_in_dim3A_395] : memref<512x64xf32, #tpu.memory_space<vmem>>[vector<16xi32>, vector<16xi32>], vector<16xf32>,
      %mul3A_408 = arith.mulf %gather3A_406, %gather3A_407 : vector<16xf32>
      %add3A_409 = arith.addf %add3A_391, %mul3A_408 : vector<16xf32>
      %broadcast_in_dim3A_410 = arith.constant 34 : i32
      %broadcast_in_dim3A_411 = vector.broadcast %broadcast_in_dim3A_410 : i32 to vector<16xi32>
      %broadcast_in_dim3A_412 = arith.constant 35 : i32
      %broadcast_in_dim3A_413 = vector.broadcast %broadcast_in_dim3A_412 : i32 to vector<16xi32>
      %add3A_414 = arith.constant 34 : i32
      %add3A_415 = vector.broadcast %add3A_414 : i32 to vector<16xi32>
      %add3A_416 = arith.addi %mul3A_101, %add3A_415 : vector<16xi32>
      %gather3A_417 = tpu.vector_load_idx %arg8[%add3A_416] : memref<32768xf32, #tpu.memory_space<vmem>>[vector<16xi32>], vector<16xf32>,
      %gather3A_418 = tpu.vector_load_idx %arg7[%add3A_98, %broadcast_in_dim3A_411] : memref<512x64xf32, #tpu.memory_space<vmem>>[vector<16xi32>, vector<16xi32>], vector<16xf32>,
      %mul3A_419 = arith.mulf %gather3A_417, %gather3A_418 : vector<16xf32>
      %add3A_420 = arith.addf %add3A_402, %mul3A_419 : vector<16xf32>
      %add3A_421 = arith.constant 35 : i32
      %add3A_422 = vector.broadcast %add3A_421 : i32 to vector<16xi32>
      %add3A_423 = arith.addi %mul3A_101, %add3A_422 : vector<16xi32>
      %gather3A_424 = tpu.vector_load_idx %arg8[%add3A_423] : memref<32768xf32, #tpu.memory_space<vmem>>[vector<16xi32>], vector<16xf32>,
      %gather3A_425 = tpu.vector_load_idx %arg7[%add3A_98, %broadcast_in_dim3A_413] : memref<512x64xf32, #tpu.memory_space<vmem>>[vector<16xi32>, vector<16xi32>], vector<16xf32>,
      %mul3A_426 = arith.mulf %gather3A_424, %gather3A_425 : vector<16xf32>
      %add3A_427 = arith.addf %add3A_409, %mul3A_426 : vector<16xf32>
      %broadcast_in_dim3A_428 = arith.constant 36 : i32
      %broadcast_in_dim3A_429 = vector.broadcast %broadcast_in_dim3A_428 : i32 to vector<16xi32>
      %broadcast_in_dim3A_430 = arith.constant 37 : i32
      %broadcast_in_dim3A_431 = vector.broadcast %broadcast_in_dim3A_430 : i32 to vector<16xi32>
      %add3A_432 = arith.constant 36 : i32
      %add3A_433 = vector.broadcast %add3A_432 : i32 to vector<16xi32>
      %add3A_434 = arith.addi %mul3A_101, %add3A_433 : vector<16xi32>
      %gather3A_435 = tpu.vector_load_idx %arg8[%add3A_434] : memref<32768xf32, #tpu.memory_space<vmem>>[vector<16xi32>], vector<16xf32>,
      %gather3A_436 = tpu.vector_load_idx %arg7[%add3A_98, %broadcast_in_dim3A_429] : memref<512x64xf32, #tpu.memory_space<vmem>>[vector<16xi32>, vector<16xi32>], vector<16xf32>,
      %mul3A_437 = arith.mulf %gather3A_435, %gather3A_436 : vector<16xf32>
      %add3A_438 = arith.addf %add3A_420, %mul3A_437 : vector<16xf32>
      %add3A_439 = arith.constant 37 : i32
      %add3A_440 = vector.broadcast %add3A_439 : i32 to vector<16xi32>
      %add3A_441 = arith.addi %mul3A_101, %add3A_440 : vector<16xi32>
      %gather3A_442 = tpu.vector_load_idx %arg8[%add3A_441] : memref<32768xf32, #tpu.memory_space<vmem>>[vector<16xi32>], vector<16xf32>,
      %gather3A_443 = tpu.vector_load_idx %arg7[%add3A_98, %broadcast_in_dim3A_431] : memref<512x64xf32, #tpu.memory_space<vmem>>[vector<16xi32>, vector<16xi32>], vector<16xf32>,
      %mul3A_444 = arith.mulf %gather3A_442, %gather3A_443 : vector<16xf32>
      %add3A_445 = arith.addf %add3A_427, %mul3A_444 : vector<16xf32>
      %broadcast_in_dim3A_446 = arith.constant 38 : i32
      %broadcast_in_dim3A_447 = vector.broadcast %broadcast_in_dim3A_446 : i32 to vector<16xi32>
      %broadcast_in_dim3A_448 = arith.constant 39 : i32
      %broadcast_in_dim3A_449 = vector.broadcast %broadcast_in_dim3A_448 : i32 to vector<16xi32>
      %add3A_450 = arith.constant 38 : i32
      %add3A_451 = vector.broadcast %add3A_450 : i32 to vector<16xi32>
      %add3A_452 = arith.addi %mul3A_101, %add3A_451 : vector<16xi32>
      %gather3A_453 = tpu.vector_load_idx %arg8[%add3A_452] : memref<32768xf32, #tpu.memory_space<vmem>>[vector<16xi32>], vector<16xf32>,
      %gather3A_454 = tpu.vector_load_idx %arg7[%add3A_98, %broadcast_in_dim3A_447] : memref<512x64xf32, #tpu.memory_space<vmem>>[vector<16xi32>, vector<16xi32>], vector<16xf32>,
      %mul3A_455 = arith.mulf %gather3A_453, %gather3A_454 : vector<16xf32>
      %add3A_456 = arith.addf %add3A_438, %mul3A_455 : vector<16xf32>
      %add3A_457 = arith.constant 39 : i32
      %add3A_458 = vector.broadcast %add3A_457 : i32 to vector<16xi32>
      %add3A_459 = arith.addi %mul3A_101, %add3A_458 : vector<16xi32>
      %gather3A_460 = tpu.vector_load_idx %arg8[%add3A_459] : memref<32768xf32, #tpu.memory_space<vmem>>[vector<16xi32>], vector<16xf32>,
      %gather3A_461 = tpu.vector_load_idx %arg7[%add3A_98, %broadcast_in_dim3A_449] : memref<512x64xf32, #tpu.memory_space<vmem>>[vector<16xi32>, vector<16xi32>], vector<16xf32>,
      %mul3A_462 = arith.mulf %gather3A_460, %gather3A_461 : vector<16xf32>
      %add3A_463 = arith.addf %add3A_445, %mul3A_462 : vector<16xf32>
      %broadcast_in_dim3A_464 = arith.constant 40 : i32
      %broadcast_in_dim3A_465 = vector.broadcast %broadcast_in_dim3A_464 : i32 to vector<16xi32>
      %broadcast_in_dim3A_466 = arith.constant 41 : i32
      %broadcast_in_dim3A_467 = vector.broadcast %broadcast_in_dim3A_466 : i32 to vector<16xi32>
      %add3A_468 = arith.constant 40 : i32
      %add3A_469 = vector.broadcast %add3A_468 : i32 to vector<16xi32>
      %add3A_470 = arith.addi %mul3A_101, %add3A_469 : vector<16xi32>
      %gather3A_471 = tpu.vector_load_idx %arg8[%add3A_470] : memref<32768xf32, #tpu.memory_space<vmem>>[vector<16xi32>], vector<16xf32>,
      %gather3A_472 = tpu.vector_load_idx %arg7[%add3A_98, %broadcast_in_dim3A_465] : memref<512x64xf32, #tpu.memory_space<vmem>>[vector<16xi32>, vector<16xi32>], vector<16xf32>,
      %mul3A_473 = arith.mulf %gather3A_471, %gather3A_472 : vector<16xf32>
      %add3A_474 = arith.addf %add3A_456, %mul3A_473 : vector<16xf32>
      %add3A_475 = arith.constant 41 : i32
      %add3A_476 = vector.broadcast %add3A_475 : i32 to vector<16xi32>
      %add3A_477 = arith.addi %mul3A_101, %add3A_476 : vector<16xi32>
      %gather3A_478 = tpu.vector_load_idx %arg8[%add3A_477] : memref<32768xf32, #tpu.memory_space<vmem>>[vector<16xi32>], vector<16xf32>,
      %gather3A_479 = tpu.vector_load_idx %arg7[%add3A_98, %broadcast_in_dim3A_467] : memref<512x64xf32, #tpu.memory_space<vmem>>[vector<16xi32>, vector<16xi32>], vector<16xf32>,
      %mul3A_480 = arith.mulf %gather3A_478, %gather3A_479 : vector<16xf32>
      %add3A_481 = arith.addf %add3A_463, %mul3A_480 : vector<16xf32>
      %broadcast_in_dim3A_482 = arith.constant 42 : i32
      %broadcast_in_dim3A_483 = vector.broadcast %broadcast_in_dim3A_482 : i32 to vector<16xi32>
      %broadcast_in_dim3A_484 = arith.constant 43 : i32
      %broadcast_in_dim3A_485 = vector.broadcast %broadcast_in_dim3A_484 : i32 to vector<16xi32>
      %add3A_486 = arith.constant 42 : i32
      %add3A_487 = vector.broadcast %add3A_486 : i32 to vector<16xi32>
      %add3A_488 = arith.addi %mul3A_101, %add3A_487 : vector<16xi32>
      %gather3A_489 = tpu.vector_load_idx %arg8[%add3A_488] : memref<32768xf32, #tpu.memory_space<vmem>>[vector<16xi32>], vector<16xf32>,
      %gather3A_490 = tpu.vector_load_idx %arg7[%add3A_98, %broadcast_in_dim3A_483] : memref<512x64xf32, #tpu.memory_space<vmem>>[vector<16xi32>, vector<16xi32>], vector<16xf32>,
      %mul3A_491 = arith.mulf %gather3A_489, %gather3A_490 : vector<16xf32>
      %add3A_492 = arith.addf %add3A_474, %mul3A_491 : vector<16xf32>
      %add3A_493 = arith.constant 43 : i32
      %add3A_494 = vector.broadcast %add3A_493 : i32 to vector<16xi32>
      %add3A_495 = arith.addi %mul3A_101, %add3A_494 : vector<16xi32>
      %gather3A_496 = tpu.vector_load_idx %arg8[%add3A_495] : memref<32768xf32, #tpu.memory_space<vmem>>[vector<16xi32>], vector<16xf32>,
      %gather3A_497 = tpu.vector_load_idx %arg7[%add3A_98, %broadcast_in_dim3A_485] : memref<512x64xf32, #tpu.memory_space<vmem>>[vector<16xi32>, vector<16xi32>], vector<16xf32>,
      %mul3A_498 = arith.mulf %gather3A_496, %gather3A_497 : vector<16xf32>
      %add3A_499 = arith.addf %add3A_481, %mul3A_498 : vector<16xf32>
      %broadcast_in_dim3A_500 = arith.constant 44 : i32
      %broadcast_in_dim3A_501 = vector.broadcast %broadcast_in_dim3A_500 : i32 to vector<16xi32>
      %broadcast_in_dim3A_502 = arith.constant 45 : i32
      %broadcast_in_dim3A_503 = vector.broadcast %broadcast_in_dim3A_502 : i32 to vector<16xi32>
      %add3A_504 = arith.constant 44 : i32
      %add3A_505 = vector.broadcast %add3A_504 : i32 to vector<16xi32>
      %add3A_506 = arith.addi %mul3A_101, %add3A_505 : vector<16xi32>
      %gather3A_507 = tpu.vector_load_idx %arg8[%add3A_506] : memref<32768xf32, #tpu.memory_space<vmem>>[vector<16xi32>], vector<16xf32>,
      %gather3A_508 = tpu.vector_load_idx %arg7[%add3A_98, %broadcast_in_dim3A_501] : memref<512x64xf32, #tpu.memory_space<vmem>>[vector<16xi32>, vector<16xi32>], vector<16xf32>,
      %mul3A_509 = arith.mulf %gather3A_507, %gather3A_508 : vector<16xf32>
      %add3A_510 = arith.addf %add3A_492, %mul3A_509 : vector<16xf32>
      %add3A_511 = arith.constant 45 : i32
      %add3A_512 = vector.broadcast %add3A_511 : i32 to vector<16xi32>
      %add3A_513 = arith.addi %mul3A_101, %add3A_512 : vector<16xi32>
      %gather3A_514 = tpu.vector_load_idx %arg8[%add3A_513] : memref<32768xf32, #tpu.memory_space<vmem>>[vector<16xi32>], vector<16xf32>,
      %gather3A_515 = tpu.vector_load_idx %arg7[%add3A_98, %broadcast_in_dim3A_503] : memref<512x64xf32, #tpu.memory_space<vmem>>[vector<16xi32>, vector<16xi32>], vector<16xf32>,
      %mul3A_516 = arith.mulf %gather3A_514, %gather3A_515 : vector<16xf32>
      %add3A_517 = arith.addf %add3A_499, %mul3A_516 : vector<16xf32>
      %broadcast_in_dim3A_518 = arith.constant 46 : i32
      %broadcast_in_dim3A_519 = vector.broadcast %broadcast_in_dim3A_518 : i32 to vector<16xi32>
      %broadcast_in_dim3A_520 = arith.constant 47 : i32
      %broadcast_in_dim3A_521 = vector.broadcast %broadcast_in_dim3A_520 : i32 to vector<16xi32>
      %add3A_522 = arith.constant 46 : i32
      %add3A_523 = vector.broadcast %add3A_522 : i32 to vector<16xi32>
      %add3A_524 = arith.addi %mul3A_101, %add3A_523 : vector<16xi32>
      %gather3A_525 = tpu.vector_load_idx %arg8[%add3A_524] : memref<32768xf32, #tpu.memory_space<vmem>>[vector<16xi32>], vector<16xf32>,
      %gather3A_526 = tpu.vector_load_idx %arg7[%add3A_98, %broadcast_in_dim3A_519] : memref<512x64xf32, #tpu.memory_space<vmem>>[vector<16xi32>, vector<16xi32>], vector<16xf32>,
      %mul3A_527 = arith.mulf %gather3A_525, %gather3A_526 : vector<16xf32>
      %add3A_528 = arith.addf %add3A_510, %mul3A_527 : vector<16xf32>
      %add3A_529 = arith.constant 47 : i32
      %add3A_530 = vector.broadcast %add3A_529 : i32 to vector<16xi32>
      %add3A_531 = arith.addi %mul3A_101, %add3A_530 : vector<16xi32>
      %gather3A_532 = tpu.vector_load_idx %arg8[%add3A_531] : memref<32768xf32, #tpu.memory_space<vmem>>[vector<16xi32>], vector<16xf32>,
      %gather3A_533 = tpu.vector_load_idx %arg7[%add3A_98, %broadcast_in_dim3A_521] : memref<512x64xf32, #tpu.memory_space<vmem>>[vector<16xi32>, vector<16xi32>], vector<16xf32>,
      %mul3A_534 = arith.mulf %gather3A_532, %gather3A_533 : vector<16xf32>
      %add3A_535 = arith.addf %add3A_517, %mul3A_534 : vector<16xf32>
      %broadcast_in_dim3A_536 = arith.constant 48 : i32
      %broadcast_in_dim3A_537 = vector.broadcast %broadcast_in_dim3A_536 : i32 to vector<16xi32>
      %broadcast_in_dim3A_538 = arith.constant 49 : i32
      %broadcast_in_dim3A_539 = vector.broadcast %broadcast_in_dim3A_538 : i32 to vector<16xi32>
      %add3A_540 = arith.constant 48 : i32
      %add3A_541 = vector.broadcast %add3A_540 : i32 to vector<16xi32>
      %add3A_542 = arith.addi %mul3A_101, %add3A_541 : vector<16xi32>
      %gather3A_543 = tpu.vector_load_idx %arg8[%add3A_542] : memref<32768xf32, #tpu.memory_space<vmem>>[vector<16xi32>], vector<16xf32>,
      %gather3A_544 = tpu.vector_load_idx %arg7[%add3A_98, %broadcast_in_dim3A_537] : memref<512x64xf32, #tpu.memory_space<vmem>>[vector<16xi32>, vector<16xi32>], vector<16xf32>,
      %mul3A_545 = arith.mulf %gather3A_543, %gather3A_544 : vector<16xf32>
      %add3A_546 = arith.addf %add3A_528, %mul3A_545 : vector<16xf32>
      %add3A_547 = arith.constant 49 : i32
      %add3A_548 = vector.broadcast %add3A_547 : i32 to vector<16xi32>
      %add3A_549 = arith.addi %mul3A_101, %add3A_548 : vector<16xi32>
      %gather3A_550 = tpu.vector_load_idx %arg8[%add3A_549] : memref<32768xf32, #tpu.memory_space<vmem>>[vector<16xi32>], vector<16xf32>,
      %gather3A_551 = tpu.vector_load_idx %arg7[%add3A_98, %broadcast_in_dim3A_539] : memref<512x64xf32, #tpu.memory_space<vmem>>[vector<16xi32>, vector<16xi32>], vector<16xf32>,
      %mul3A_552 = arith.mulf %gather3A_550, %gather3A_551 : vector<16xf32>
      %add3A_553 = arith.addf %add3A_535, %mul3A_552 : vector<16xf32>
      %broadcast_in_dim3A_554 = arith.constant 50 : i32
      %broadcast_in_dim3A_555 = vector.broadcast %broadcast_in_dim3A_554 : i32 to vector<16xi32>
      %broadcast_in_dim3A_556 = arith.constant 51 : i32
      %broadcast_in_dim3A_557 = vector.broadcast %broadcast_in_dim3A_556 : i32 to vector<16xi32>
      %add3A_558 = arith.constant 50 : i32
      %add3A_559 = vector.broadcast %add3A_558 : i32 to vector<16xi32>
      %add3A_560 = arith.addi %mul3A_101, %add3A_559 : vector<16xi32>
      %gather3A_561 = tpu.vector_load_idx %arg8[%add3A_560] : memref<32768xf32, #tpu.memory_space<vmem>>[vector<16xi32>], vector<16xf32>,
      %gather3A_562 = tpu.vector_load_idx %arg7[%add3A_98, %broadcast_in_dim3A_555] : memref<512x64xf32, #tpu.memory_space<vmem>>[vector<16xi32>, vector<16xi32>], vector<16xf32>,
      %mul3A_563 = arith.mulf %gather3A_561, %gather3A_562 : vector<16xf32>
      %add3A_564 = arith.addf %add3A_546, %mul3A_563 : vector<16xf32>
      %add3A_565 = arith.constant 51 : i32
      %add3A_566 = vector.broadcast %add3A_565 : i32 to vector<16xi32>
      %add3A_567 = arith.addi %mul3A_101, %add3A_566 : vector<16xi32>
      %gather3A_568 = tpu.vector_load_idx %arg8[%add3A_567] : memref<32768xf32, #tpu.memory_space<vmem>>[vector<16xi32>], vector<16xf32>,
      %gather3A_569 = tpu.vector_load_idx %arg7[%add3A_98, %broadcast_in_dim3A_557] : memref<512x64xf32, #tpu.memory_space<vmem>>[vector<16xi32>, vector<16xi32>], vector<16xf32>,
      %mul3A_570 = arith.mulf %gather3A_568, %gather3A_569 : vector<16xf32>
      %add3A_571 = arith.addf %add3A_553, %mul3A_570 : vector<16xf32>
      %broadcast_in_dim3A_572 = arith.constant 52 : i32
      %broadcast_in_dim3A_573 = vector.broadcast %broadcast_in_dim3A_572 : i32 to vector<16xi32>
      %broadcast_in_dim3A_574 = arith.constant 53 : i32
      %broadcast_in_dim3A_575 = vector.broadcast %broadcast_in_dim3A_574 : i32 to vector<16xi32>
      %add3A_576 = arith.constant 52 : i32
      %add3A_577 = vector.broadcast %add3A_576 : i32 to vector<16xi32>
      %add3A_578 = arith.addi %mul3A_101, %add3A_577 : vector<16xi32>
      %gather3A_579 = tpu.vector_load_idx %arg8[%add3A_578] : memref<32768xf32, #tpu.memory_space<vmem>>[vector<16xi32>], vector<16xf32>,
      %gather3A_580 = tpu.vector_load_idx %arg7[%add3A_98, %broadcast_in_dim3A_573] : memref<512x64xf32, #tpu.memory_space<vmem>>[vector<16xi32>, vector<16xi32>], vector<16xf32>,
      %mul3A_581 = arith.mulf %gather3A_579, %gather3A_580 : vector<16xf32>
      %add3A_582 = arith.addf %add3A_564, %mul3A_581 : vector<16xf32>
      %add3A_583 = arith.constant 53 : i32
      %add3A_584 = vector.broadcast %add3A_583 : i32 to vector<16xi32>
      %add3A_585 = arith.addi %mul3A_101, %add3A_584 : vector<16xi32>
      %gather3A_586 = tpu.vector_load_idx %arg8[%add3A_585] : memref<32768xf32, #tpu.memory_space<vmem>>[vector<16xi32>], vector<16xf32>,
      %gather3A_587 = tpu.vector_load_idx %arg7[%add3A_98, %broadcast_in_dim3A_575] : memref<512x64xf32, #tpu.memory_space<vmem>>[vector<16xi32>, vector<16xi32>], vector<16xf32>,
      %mul3A_588 = arith.mulf %gather3A_586, %gather3A_587 : vector<16xf32>
      %add3A_589 = arith.addf %add3A_571, %mul3A_588 : vector<16xf32>
      %broadcast_in_dim3A_590 = arith.constant 54 : i32
      %broadcast_in_dim3A_591 = vector.broadcast %broadcast_in_dim3A_590 : i32 to vector<16xi32>
      %broadcast_in_dim3A_592 = arith.constant 55 : i32
      %broadcast_in_dim3A_593 = vector.broadcast %broadcast_in_dim3A_592 : i32 to vector<16xi32>
      %add3A_594 = arith.constant 54 : i32
      %add3A_595 = vector.broadcast %add3A_594 : i32 to vector<16xi32>
      %add3A_596 = arith.addi %mul3A_101, %add3A_595 : vector<16xi32>
      %gather3A_597 = tpu.vector_load_idx %arg8[%add3A_596] : memref<32768xf32, #tpu.memory_space<vmem>>[vector<16xi32>], vector<16xf32>,
      %gather3A_598 = tpu.vector_load_idx %arg7[%add3A_98, %broadcast_in_dim3A_591] : memref<512x64xf32, #tpu.memory_space<vmem>>[vector<16xi32>, vector<16xi32>], vector<16xf32>,
      %mul3A_599 = arith.mulf %gather3A_597, %gather3A_598 : vector<16xf32>
      %add3A_600 = arith.addf %add3A_582, %mul3A_599 : vector<16xf32>
      %add3A_601 = arith.constant 55 : i32
      %add3A_602 = vector.broadcast %add3A_601 : i32 to vector<16xi32>
      %add3A_603 = arith.addi %mul3A_101, %add3A_602 : vector<16xi32>
      %gather3A_604 = tpu.vector_load_idx %arg8[%add3A_603] : memref<32768xf32, #tpu.memory_space<vmem>>[vector<16xi32>], vector<16xf32>,
      %gather3A_605 = tpu.vector_load_idx %arg7[%add3A_98, %broadcast_in_dim3A_593] : memref<512x64xf32, #tpu.memory_space<vmem>>[vector<16xi32>, vector<16xi32>], vector<16xf32>,
      %mul3A_606 = arith.mulf %gather3A_604, %gather3A_605 : vector<16xf32>
      %add3A_607 = arith.addf %add3A_589, %mul3A_606 : vector<16xf32>
      %broadcast_in_dim3A_608 = arith.constant 56 : i32
      %broadcast_in_dim3A_609 = vector.broadcast %broadcast_in_dim3A_608 : i32 to vector<16xi32>
      %broadcast_in_dim3A_610 = arith.constant 57 : i32
      %broadcast_in_dim3A_611 = vector.broadcast %broadcast_in_dim3A_610 : i32 to vector<16xi32>
      %add3A_612 = arith.constant 56 : i32
      %add3A_613 = vector.broadcast %add3A_612 : i32 to vector<16xi32>
      %add3A_614 = arith.addi %mul3A_101, %add3A_613 : vector<16xi32>
      %gather3A_615 = tpu.vector_load_idx %arg8[%add3A_614] : memref<32768xf32, #tpu.memory_space<vmem>>[vector<16xi32>], vector<16xf32>,
      %gather3A_616 = tpu.vector_load_idx %arg7[%add3A_98, %broadcast_in_dim3A_609] : memref<512x64xf32, #tpu.memory_space<vmem>>[vector<16xi32>, vector<16xi32>], vector<16xf32>,
      %mul3A_617 = arith.mulf %gather3A_615, %gather3A_616 : vector<16xf32>
      %add3A_618 = arith.addf %add3A_600, %mul3A_617 : vector<16xf32>
      %add3A_619 = arith.constant 57 : i32
      %add3A_620 = vector.broadcast %add3A_619 : i32 to vector<16xi32>
      %add3A_621 = arith.addi %mul3A_101, %add3A_620 : vector<16xi32>
      %gather3A_622 = tpu.vector_load_idx %arg8[%add3A_621] : memref<32768xf32, #tpu.memory_space<vmem>>[vector<16xi32>], vector<16xf32>,
      %gather3A_623 = tpu.vector_load_idx %arg7[%add3A_98, %broadcast_in_dim3A_611] : memref<512x64xf32, #tpu.memory_space<vmem>>[vector<16xi32>, vector<16xi32>], vector<16xf32>,
      %mul3A_624 = arith.mulf %gather3A_622, %gather3A_623 : vector<16xf32>
      %add3A_625 = arith.addf %add3A_607, %mul3A_624 : vector<16xf32>
      %broadcast_in_dim3A_626 = arith.constant 58 : i32
      %broadcast_in_dim3A_627 = vector.broadcast %broadcast_in_dim3A_626 : i32 to vector<16xi32>
      %broadcast_in_dim3A_628 = arith.constant 59 : i32
      %broadcast_in_dim3A_629 = vector.broadcast %broadcast_in_dim3A_628 : i32 to vector<16xi32>
      %add3A_630 = arith.constant 58 : i32
      %add3A_631 = vector.broadcast %add3A_630 : i32 to vector<16xi32>
      %add3A_632 = arith.addi %mul3A_101, %add3A_631 : vector<16xi32>
      %gather3A_633 = tpu.vector_load_idx %arg8[%add3A_632] : memref<32768xf32, #tpu.memory_space<vmem>>[vector<16xi32>], vector<16xf32>,
      %gather3A_634 = tpu.vector_load_idx %arg7[%add3A_98, %broadcast_in_dim3A_627] : memref<512x64xf32, #tpu.memory_space<vmem>>[vector<16xi32>, vector<16xi32>], vector<16xf32>,
      %mul3A_635 = arith.mulf %gather3A_633, %gather3A_634 : vector<16xf32>
      %add3A_636 = arith.addf %add3A_618, %mul3A_635 : vector<16xf32>
      %add3A_637 = arith.constant 59 : i32
      %add3A_638 = vector.broadcast %add3A_637 : i32 to vector<16xi32>
      %add3A_639 = arith.addi %mul3A_101, %add3A_638 : vector<16xi32>
      %gather3A_640 = tpu.vector_load_idx %arg8[%add3A_639] : memref<32768xf32, #tpu.memory_space<vmem>>[vector<16xi32>], vector<16xf32>,
      %gather3A_641 = tpu.vector_load_idx %arg7[%add3A_98, %broadcast_in_dim3A_629] : memref<512x64xf32, #tpu.memory_space<vmem>>[vector<16xi32>, vector<16xi32>], vector<16xf32>,
      %mul3A_642 = arith.mulf %gather3A_640, %gather3A_641 : vector<16xf32>
      %add3A_643 = arith.addf %add3A_625, %mul3A_642 : vector<16xf32>
      %broadcast_in_dim3A_644 = arith.constant 60 : i32
      %broadcast_in_dim3A_645 = vector.broadcast %broadcast_in_dim3A_644 : i32 to vector<16xi32>
      %broadcast_in_dim3A_646 = arith.constant 61 : i32
      %broadcast_in_dim3A_647 = vector.broadcast %broadcast_in_dim3A_646 : i32 to vector<16xi32>
      %add3A_648 = arith.constant 60 : i32
      %add3A_649 = vector.broadcast %add3A_648 : i32 to vector<16xi32>
      %add3A_650 = arith.addi %mul3A_101, %add3A_649 : vector<16xi32>
      %gather3A_651 = tpu.vector_load_idx %arg8[%add3A_650] : memref<32768xf32, #tpu.memory_space<vmem>>[vector<16xi32>], vector<16xf32>,
      %gather3A_652 = tpu.vector_load_idx %arg7[%add3A_98, %broadcast_in_dim3A_645] : memref<512x64xf32, #tpu.memory_space<vmem>>[vector<16xi32>, vector<16xi32>], vector<16xf32>,
      %mul3A_653 = arith.mulf %gather3A_651, %gather3A_652 : vector<16xf32>
      %add3A_654 = arith.addf %add3A_636, %mul3A_653 : vector<16xf32>
      %add3A_655 = arith.constant 61 : i32
      %add3A_656 = vector.broadcast %add3A_655 : i32 to vector<16xi32>
      %add3A_657 = arith.addi %mul3A_101, %add3A_656 : vector<16xi32>
      %gather3A_658 = tpu.vector_load_idx %arg8[%add3A_657] : memref<32768xf32, #tpu.memory_space<vmem>>[vector<16xi32>], vector<16xf32>,
      %gather3A_659 = tpu.vector_load_idx %arg7[%add3A_98, %broadcast_in_dim3A_647] : memref<512x64xf32, #tpu.memory_space<vmem>>[vector<16xi32>, vector<16xi32>], vector<16xf32>,
      %mul3A_660 = arith.mulf %gather3A_658, %gather3A_659 : vector<16xf32>
      %add3A_661 = arith.addf %add3A_643, %mul3A_660 : vector<16xf32>
      %broadcast_in_dim3A_662 = arith.constant 62 : i32
      %broadcast_in_dim3A_663 = vector.broadcast %broadcast_in_dim3A_662 : i32 to vector<16xi32>
      %broadcast_in_dim3A_664 = arith.constant 63 : i32
      %broadcast_in_dim3A_665 = vector.broadcast %broadcast_in_dim3A_664 : i32 to vector<16xi32>
      %add3A_666 = arith.constant 62 : i32
      %add3A_667 = vector.broadcast %add3A_666 : i32 to vector<16xi32>
      %add3A_668 = arith.addi %mul3A_101, %add3A_667 : vector<16xi32>
      %gather3A_669 = tpu.vector_load_idx %arg8[%add3A_668] : memref<32768xf32, #tpu.memory_space<vmem>>[vector<16xi32>], vector<16xf32>,
      %gather3A_670 = tpu.vector_load_idx %arg7[%add3A_98, %broadcast_in_dim3A_663] : memref<512x64xf32, #tpu.memory_space<vmem>>[vector<16xi32>, vector<16xi32>], vector<16xf32>,
      %mul3A_671 = arith.mulf %gather3A_669, %gather3A_670 : vector<16xf32>
      %add3A_672 = arith.addf %add3A_654, %mul3A_671 : vector<16xf32>
      %add3A_673 = arith.constant 63 : i32
      %add3A_674 = vector.broadcast %add3A_673 : i32 to vector<16xi32>
      %add3A_675 = arith.addi %mul3A_101, %add3A_674 : vector<16xi32>
      %gather3A_676 = tpu.vector_load_idx %arg8[%add3A_675] : memref<32768xf32, #tpu.memory_space<vmem>>[vector<16xi32>], vector<16xf32>,
      %gather3A_677 = tpu.vector_load_idx %arg7[%add3A_98, %broadcast_in_dim3A_665] : memref<512x64xf32, #tpu.memory_space<vmem>>[vector<16xi32>, vector<16xi32>], vector<16xf32>,
      %mul3A_678 = arith.mulf %gather3A_676, %gather3A_677 : vector<16xf32>
      %add3A_679 = arith.addf %add3A_661, %mul3A_678 : vector<16xf32>
      %add3A_680 = arith.addf %add3A_672, %add3A_679 : vector<16xf32>
      %mul3A_681 = arith.constant 16 : i32
      %mul3A_682 = arith.muli %scan3A_94, %mul3A_681 : i32
      %swap3A = arith.index_cast %mul3A_682 : i32 to index
      %swap3A_683 = tpu.vector_load %arg9[%swap3A] {strides = array<i32>} : memref<512xf32, #tpu.memory_space<vmem>>, vector<16xf32>,
      tpu.vector_store %arg9[%swap3A], %add3A_680 {strides = array<i32>} : memref<512xf32, #tpu.memory_space<vmem>>, vector<16xf32>,
    }
    %scan3A_93 = arith.constant 32 : i32
    "tpu.region"() ({
      %run_scoped3A = tpu.sem_alloc : memref<!tpu.dma_semaphore, #tpu.memory_space<semaphore_mem>>
      %dma_start3A_94 = tpu.memref_slice %arg5[%mul3A_2] : memref<16384xf32, #tpu.memory_space<hbm>> -> memref<512xf32, #tpu.memory_space<hbm>>
      %dma_start3A_95 = tpu.memref_slice %arg5[%mul3A_2] : memref<16384xf32, #tpu.memory_space<hbm>> -> memref<512xf32, #tpu.memory_space<hbm>>
      tpu.enqueue_dma source(%arg9 : memref<512xf32, #tpu.memory_space<vmem>>) target(%dma_start3A_95 : memref<512xf32, #tpu.memory_space<hbm>>) target_semaphore(%run_scoped3A : memref<!tpu.dma_semaphore, #tpu.memory_space<semaphore_mem>>)
      %dma_wait3A_96 = tpu.memref_slice %arg5[%mul3A_2] : memref<16384xf32, #tpu.memory_space<hbm>> -> memref<512xf32, #tpu.memory_space<hbm>>
      %dma_wait3A_97 = tpu.memref_slice %arg5[%mul3A_2] : memref<16384xf32, #tpu.memory_space<hbm>> -> memref<512xf32, #tpu.memory_space<hbm>>
      tpu.wait_dma2 semaphore(%run_scoped3A : memref<!tpu.dma_semaphore, #tpu.memory_space<semaphore_mem>>) src(%arg9 : memref<512xf32, #tpu.memory_space<vmem>>) dst(%dma_wait3A_97 : memref<512xf32, #tpu.memory_space<hbm>>)
      tpu.yield
    }) : () -> ()
    return
  }
}

</mosaic_0001>

<sc_bundles>
// kernel: _run.4.cloned.1.call-start
scs
__scs_entry_jumppad:
0x0: {  	(pc) =	sbr.rel $0x88, $3  }
0x1: {  	(tag) =	ssettag $0x0;
	lr =	simm.s32 $0x1  }
0x2: {  	[smem:$0x3F9B] =	sst lr;
	_ =	strace $0xD0000000  }
0x3: {  	_ = 	snop  }
0x4: {  	_ = 	snop  }
0x5: {  	_ = 	snop  }
0x6: {  	_ = 	snop  }
0x7: {  	_ = 	snop  }
__scs_overlays_trampoline_lowered:
0x8: {  	[smem:$0x3FAA] =	sst s0  }
0x9: {  	[smem:$0x3FAB] =	sst s1  }
0xa: {  	[smem:$0x3FAC] =	sst s2  }
0xb: {  	[smem:$0x3FAD] =	sst s3  }
0xc: {  	[smem:$0x3FAE] =	sst s4  }
0xd: {  	[smem:$0x3FAF] =	sst s5  }
0xe: {  	[smem:$0x3FB0] =	sst s6  }
0xf: {  	[smem:$0x3FB1] =	sst s7  }
0x10: {  	[smem:$0x3FB2] =	sst s8  }
0x11: {  	[smem:$0x3FB3] =	sst s9;
	s0 =	simm.s32 @!p0 $0x0  }
0x12: {  	s1 =	sld [smem:$0x3F99];
	s0 =	simm.s32 @p0 $0x1  }
0x13: {  	[smem:$0x3FB4] =	sst s0;
	s0 =	simm.s32 @!p1 $0x0  }
0x14: {  	s2 =	sld [smem:$0x3F98];
	s0 =	simm.s32 @p1 $0x1  }
0x15: {  	[smem:$0x3FB5] =	sst s0;
	s0 =	simm.s32 @!p2 $0x0  }
0x16: {  	s3 =	sld [smem:$0x3FDB];
	s0 =	simm.s32 @p2 $0x1  }
0x17: {  	s4 =	simm.s32 $0x1BF5;
	[smem:$0x3FB7] =	sst s0  }
0x18: {  	s0 =	sld [smem:$0x3F9A];
	_ =	swait.ge [sflag:s4], $0x0  }
0x19: {  	s7 =	sld [smem:$0x3F9B]  }
0x1a: {  	s8 =	sadd.s32 $0xFFFFE003, lr  }
0x1b: {  	s9 =	sadd.s32 $0xFFFFFEF7, lr;
	s5 =	simm.s32 $0xFFFFFFFF;
	p2 =	slt.u32 s8, $0xFFFFF086  }
0x1c: {  	p1 =	slt.u32 s9, $0xF7A;
	s5 =	simm.s32 @!p2 $0x0  }
0x1d: {  	s5 =	simm.s32 @p1 $0x1;
	p0 =	seq.s32 s7, s2  }
0x1e: {  	s7 =	smul.u32 @!p0 $0xF7A, s2;
	p2 =	seq.s32 @!p0 s5, $0x0  }
0x1f: {  	s9 =	smul.u32 $0xF7A, s1;
	s8 =	simm.s32 @!p0 $0x1BF5;
	p2 =	por !p2, p0  }
0x20: {  	[sflag:s8] =	ssyncset.s32 @!p0 $0xFFFFF086;
	s6 =	sadd.s32 @!p0 s3, s7;
	s7 =	simm.s32 @!p0 $0x108  }
0x21: {  	s3 =	sadd.s32 s3, s9;
	s6 =	sadd.s32 @!p0 $0x88, s6;
	s7 =	simm.s32 @p2 $0x1082  }
0x22: {  	[simem:s7], [sflag:s8] =	dma.local @!p0 [hbm:s6], $0xF7A  }
0x23: {  	s9 =	sor.u32 $0xD0000000, s2;
	s6 =	simm.s32 $0x108;
	_ =	swait.ge @!p0 [sflag:s8], $0x0  }
0x24: {  	s3 =	sadd.s32 $0x88, s3;
	s6 =	simm.s32 @!p1 $0x1082;
	[sflag:s4] =	ssyncset.s32 $0xFFFFF086  }
0x25: {  	[simem:s6], [sflag:s4] =	dma.local [hbm:s3], $0xF7A  }
0x26: {  	[smem:$0x3F9B] =	sst s1;
	(tag) =	ssettag s2;
	_ =	strace s9  }
0x27: {  	s1 =	sld [smem:$0x3FAB]  }
0x28: {  	s2 =	sld [smem:$0x3FAC]  }
0x29: {  	s4 =	sld [smem:$0x3FAE]  }
0x2a: {  	p0 =	seq.s32 s5, $0x0;
	s5 =	sld [smem:$0x3FAF]  }
0x2b: {  	s6 =	sld [smem:$0x3FB0]  }
0x2c: {  	s7 =	sld [smem:$0x3FB1]  }
0x2d: {  	s3 =	simm.s32 $0x108;
	s8 =	sld [smem:$0x3FB2]  }
0x2e: {  	s3 =	simm.s32 @!p0 $0x1082;
	s9 =	sld [smem:$0x3FB3]  }
0x2f: {  	lr =	sadd.s32 s0, s3;
	s0 =	sld [smem:$0x3FAA]  }
0x30: {  	s3 =	sld [smem:$0x3FAD]  }
0x31: {  	[smem:$0x3FB6] =	sst s10  }
0x32: {  	s10 =	sld [smem:$0x3FB4];
	_ =	sdelay $0x3  }
0x33: {  	p0 =	seq.s32 s10, $0x1;
	s10 =	sld [smem:$0x3FB6];
	_ =	sdelay $0x3  }
0x34: {  	[smem:$0x3FB6] =	sst s10  }
0x35: {  	s10 =	sld [smem:$0x3FB5];
	_ =	sdelay $0x3  }
0x36: {  	p1 =	seq.s32 s10, $0x1;
	s10 =	sld [smem:$0x3FB6];
	_ =	sdelay $0x3  }
0x37: {  	[smem:$0x3FB6] =	sst s10  }
0x38: {  	s10 =	sld [smem:$0x3FB7]  }
0x39: {  	_ = 	snop;
	(pc) =	sbr.ind lr, $3  }
0x3a: {  	_ = 	snop  }
0x3b: {  	_ = 	snop  }
0x3c: {  	p2 =	seq.s32 s10, $0x1;
	s10 =	sld [smem:$0x3FB6]  }
0x3d: {  	_ =	shalt  }
0x3e: {  	_ =	shalt  }
0x3f: {  	_ =	shalt  }
0x40: {  	_ =	shalt  }
0x41: {  	_ =	shalt  }
0x42: {  	_ =	shalt  }
0x43: {  	_ =	shalt  }
0x44: {  	_ =	shalt  }
0x45: {  	_ =	shalt  }
0x46: {  	_ =	shalt  }
0x47: {  	_ =	shalt  }
0x48: {  	_ =	shalt  }
0x49: {  	_ =	shalt  }
0x4a: {  	_ =	shalt  }
0x4b: {  	_ =	shalt  }
0x4c: {  	_ =	shalt  }
0x4d: {  	_ =	shalt  }
0x4e: {  	_ =	shalt  }
0x4f: {  	_ =	shalt  }
0x50: {  	_ =	shalt  }
0x51: {  	_ =	shalt  }
0x52: {  	_ =	shalt  }
0x53: {  	_ =	shalt  }
0x54: {  	_ =	shalt  }
0x55: {  	_ =	shalt  }
0x56: {  	_ =	shalt  }
0x57: {  	_ =	shalt  }
0x58: {  	_ =	shalt  }
0x59: {  	_ =	shalt  }
0x5a: {  	_ =	shalt  }
0x5b: {  	_ =	shalt  }
0x5c: {  	_ =	shalt  }
0x5d: {  	_ =	shalt  }
0x5e: {  	_ =	shalt  }
0x5f: {  	_ =	shalt  }
0x60: {  	_ =	shalt  }
0x61: {  	_ =	shalt  }
0x62: {  	_ =	shalt  }
0x63: {  	_ =	shalt  }
0x64: {  	_ =	shalt  }
0x65: {  	_ =	shalt  }
0x66: {  	_ =	shalt  }
0x67: {  	_ =	shalt  }
0x68: {  	_ =	shalt  }
0x69: {  	_ =	shalt  }
0x6a: {  	_ =	shalt  }
0x6b: {  	_ =	shalt  }
0x6c: {  	_ =	shalt  }
0x6d: {  	_ =	shalt  }
0x6e: {  	_ =	shalt  }
0x6f: {  	_ =	shalt  }
0x70: {  	_ =	shalt  }
0x71: {  	_ =	shalt  }
0x72: {  	_ =	shalt  }
0x73: {  	_ =	shalt  }
0x74: {  	_ =	shalt  }
0x75: {  	_ =	shalt  }
0x76: {  	_ =	shalt  }
0x77: {  	_ =	shalt  }
0x78: {  	_ =	shalt  }
0x79: {  	_ =	shalt  }
0x7a: {  	_ =	shalt  }
0x7b: {  	_ =	shalt  }
0x7c: {  	_ =	shalt  }
0x7d: {  	_ =	shalt  }
0x7e: {  	_ =	shalt  }
0x7f: {  	_ =	shalt  }
0x80: {  	_ =	shalt  }
0x81: {  	_ =	shalt  }
0x82: {  	_ =	shalt  }
0x83: {  	_ =	shalt  }
0x84: {  	_ =	shalt  }
0x85: {  	_ =	shalt  }
0x86: {  	_ =	shalt  }
0x87: {  	_ =	shalt  }
.Lfunc_end0:
.L_simem_size_0:
called_computation_lowered:
.L_overlay_start_0:
0x88: {  	s2 =	sld [smem:$0x3FD9]  }
0x89: {  	s3 =	sld [smem:$0x3FFE];
	_ =	sdelay $0x1  }
0x8a: {  	s1 =	srdreg.scid  }
0x8b: {  	s0 =	sand.u32 $0x1, s1  }
0x8c: {  	s17 =	sshll.u32 s0, $0xA;
	s2 =	sadd.s32 s3, s2  }
0x8d: {  	s2 =	sadd.s32 s2, s17  }
0x8e: {  	[smem:$0x3FC2] =	sst s2  }
0x8f: {  	_ = 	snop  }
0x90: {  	s2 =	sld [smem:$0x3FC9]  }
0x91: {  	s18 =	sld [smem:$0x3FC8]  }
0x92: {  	s4 =	sld [smem:$0x3FC6]  }
0x93: {  	s5 =	sld [smem:$0x3FC4];
	(tm) =	ssettm $0x1  }
0x94: {  	s6 =	sld [smem:$0x3FFB];
	_ =	sdelay $0x3  }
0x95: {  	_ =	strace s6  }
0x96: {  	s6 =	sld [smem:$0x3FFC];
	_ =	sdelay $0x3  }
0x97: {  	_ =	strace s6  }
0x98: {  	s6 =	sld [smem:$0x3FFD];
	_ =	sdelay $0x3  }
0x99: {  	_ =	strace s6  }
0x9a: {  	_ =	strace $0x8FFFFFFF  }
0x9b: {  	s19 =	sld [smem:$0x3FDB];
	_ =	sdelay $0x1  }
0x9c: {  	s7 =	simm.s32 $_scs_section_size  }
0x9d: {  	s8 =	simm.s32 $_size__tile_overlayer_lowered;
	s9 =	simm.s32 $_tile_overlayer_lowered  }
0x9e: {  	s22 =	simm.s32 $0x1BFF;
	s21 =	sshll.u32 s9, $0x1;
	s6 =	sadd.s32 s7, s19  }
0x9f: {  	s10 =	simm.s32 $0x0;
	s20 =	sshll.u32 s8, $0x1;
	s8 =	sadd.s32 s21, s6  }
0xa0: {  	[timem:s10], [sflag:s22] =	dma.local [hbm:s8], s20  }
0xa1: {  	_ =	swait.ge [sflag:s22], s20  }
0xa2: {  	s7 =	ssub.s32 $0x0, s20;
	[sflag:s22] =	ssyncset.done $0x0  }
0xa3: {  	[sflag:s22] =	ssyncadd.s32 s7;
	_ =	sdelay $0x1  }
0xa4: {  	s23 =	simm.s32 $0x1B8B  }
0xa5: {  	_ =	swait.ge [sflag:s23], $0x1  }
0xa6: {  	[sflag:s23] =	ssyncset.done $0x0  }
0xa7: {  	s25 =	simm.s32 $0x1B8E;
	s24 =	sld [smem:$0x3FFE];
	[sflag:s23] =	ssyncadd.s32 $0xFFFFFFFF  }
0xa8: {  	s26 =	simm.s32 $execute0_lowered;
	[smem:$0x3FD2] =	sst s25  }
0xa9: {  	s8 =	sshll.u32 s26, $0x1;
	_ =	strace $0x80000046;
	[dreg:$0x1] =	wrdreg $0xFFFFFFFF  }
0xaa: {  	s28 =	simm.s32 $_size_execute0_lowered;
	s6 =	sadd.s32 s6, s8;
	[dreg:$0x0] =	wrdreg $0x0  }
0xab: {  	s8 =	sshll.u32 s28, $0x1;
	[dreg:$0x2] =	wrdreg s6  }
0xac: {  	[dreg:$0x3] =	wrdreg s8  }
0xad: {  	[dreg:$0x4] =	wrdreg $0xC0  }
0xae: {  	_ =	task [dreg:s10], $0x5FFFF  }
0xaf: {  	[dreg:$0x1] =	wrdreg $0xFFFFFFFF  }
0xb0: {  	[dreg:$0x0] =	wrdreg $0x60  }
0xb1: {  	[dreg:$0x2] =	wrdreg s2  }
0xb2: {  	[dreg:$0x3] =	wrdreg s18  }
0xb3: {  	[dreg:$0x4] =	wrdreg s4  }
0xb4: {  	[dreg:$0x5] =	wrdreg s5  }
0xb5: {  	[dreg:$0x6] =	wrdreg s24  }
0xb6: {  	[dreg:$0x7] =	wrdreg $0x9  }
0xb7: {  	_ =	task.clear_ibuf [dreg:s10], $0x8FFFF;
	_ =	strace $0x90000046  }
0xb8: {  	s29 =	simm.s32 $0x9;
	_ =	strace $0x80000048  }
0xb9: {  	_ =	swait.ge [sflag:s29], $0x1  }
0xba: {  	[sflag:s29] =	ssyncadd.s32 $0xFFFFFFFF  }
0xbb: {  	_ =	strace $0x90000048  }
0xbc: {  	_ =	sfence  }
0xbd: {  	s30 =	sld [smem:$0x0];
	_ =	sdelay $0x2  }
0xbe: {  	s31 =	sshll.u32 s1, $0xD;
	s1 =	sshrl.u32 s1, $0x2  }
0xbf: {  	s3 =	sand.u32 $0x4000, s31;
	s1 =	sadd.s32 s1, s30  }
0xc0: {  	s0 =	sor.u32 s3, s0;
	s1 =	sshll.u32 s1, $0x11  }
0xc1: {  	s0 =	sor.u32 s1, s0  }
0xc2: {  	s0 =	sadd.s32 $0x8F2B, s0  }
0xc3: {  	[sflag:s0] =	ssyncadd.remote.s32 $0x1  }
0xc4: {  	_ =	sfence.sel $0xFFFF  }
0xc5: {  	[dreg:$0x0] =	wrdreg $0xFFFFFFFF;
	(pc) =	sbr.abs _section_cstart, $3  }
0xc6: {  	[dreg:$0x1] =	wrdreg $0xFFFFFFFF  }
0xc7: {  	_ =	task.clear_ibuf [dreg:s10], $0x2FFFF;
	_ =	strace $0x9FFFFFFF  }
0xc8: {  	(tm) =	ssettm $0x7FFFFFFF  }
0xc9: {  	_ =	shalt  }
tec
execute0_lowered:
.L_overlay_start_1:
0x0: {  	(tag) =	ssettag $0x1  }
0x1: {  	s6 =	rddreg [dreg:$0x0]  }
0x2: {  	s1 =	rddreg [dreg:$0x1]  }
0x3: {  	s2 =	rddreg [dreg:$0x2]  }
0x4: {  	s3 =	rddreg [dreg:$0x3]  }
0x5: {  	s7 =	rddreg [dreg:$0x4]  }
0x6: {  	s0 =	rddreg [dreg:$0x5];
	s4 =	simm.s32 $0x0  }
0x7: {  	s5 =	srdreg.scid;
	s11 =	simm.s32 $0x1CC80;
	s12 =	simm.s32 $0x200  }
0x8: {  	s13 =	simm.s32 $0x1;
	s14 =	simm.s32 $0xCC80;
	s15 =	simm.s32 $0x4C80  }
0x9: {  	s16 =	simm.s32 $0x2;
	s17 =	simm.s32 $0x0;
	[smem:$0x7FF] =	sst s4  }
.Ltmp0:
0xa: {  	s8 =	sand.u32 $0x1, s5;
	s5 =	stileid.u32;
	(pc) =	sbr.rel .LBB2_1-.Ltmp0, $4  }
0xb: {  	_ =	strace $0x80000047;
	s9 =	ssub.s32 $0x2, s8;
	s8 =	sshll.u32 s8, $0x6  }
0xc: {  	s31 =	sshll.u32 s5, $0x7;
	s10 =	sshrl.u32 s9, $0x1;
	s8 =	sadd.s32 s6, s8  }
0xd: {  	s6 =	sadd.s32 $0xA00, s7;
	s9 =	ssub.s32 s9, s10;
	s7 =	sadd.s32 s31, s8  }
0xe: {  	v0 =	vimm.s32 $0x0;
	v1 =	vlaneseq.u32;
	s10 =	simm.s32 $0x4010;
	s8 =	smax.u32 s9, $0x1;
	s9 =	simm.s32 $0x3  }
.LBB2_8:
0xf: {  	s17 =	sadd.s32 $0x1, s17  }
0x10: {  	p0 =	sne.s32 s17, s8  }
.Ltmp1:
0x11: {  	_ = 	snop;
	(pc) =	sbr.rel @!p0 .LBB2_9-.Ltmp1, $4  }
0x12: {  	_ = 	snop  }
0x13: {  	_ =	swait.ge [sflag:s16], $0x8000  }
0x14: {  	[sflag:s16] =	ssyncset.done $0x0  }
0x15: {  	[sflag:s16] =	ssyncadd.s32 $0xFFFF8000  }
.LBB2_1:
0x16: {  	[tilespmem:s4], [sflag:$0x3] =	stream.linear.gather [hbm4b:s1+s4], $0x4000, $0x38;
	[tilespmem:$0x1EC80] =	vst v63  }
0x17: {  	_ =	swait.ge [sflag:s9], $0x4000  }
0x18: {  	[sflag:s9] =	ssyncset.done $0x0  }
0x19: {  	[sflag:s9] =	ssyncadd.s32 $0xFFFFC000  }
0x1a: {  	[tilespmem:s10], [sflag:$0x3] =	stream.linear.gather [hbm4b:s7+s4], $0x200, $0x38;
	[tilespmem:$0x1EC80] =	vst v63  }
0x1b: {  	_ =	swait.ge [sflag:s9], $0x200  }
0x1c: {  	[sflag:s9] =	ssyncset.done $0x0  }
0x1d: {  	[sflag:s9] =	ssyncadd.s32 $0xFFFFFE00  }
0x1e: {  	[tilespmem:s11], [sflag:$0x3] =	stream.linear.gather [hbm4b:s3+s4], $0x2000, $0x38;
	[tilespmem:$0x1EC80] =	vst v63  }
0x1f: {  	_ =	swait.ge [sflag:s9], $0x2000  }
0x20: {  	[sflag:s9] =	ssyncset.done $0x0  }
0x21: {  	s19 =	simm.s32 $0x0;
	[sflag:s9] =	ssyncadd.s32 $0xFFFFE000  }
0x22: {  	v2 =	vld [tilespmem:s19+$0x4010];
	_ =	sdelay $0x4  }
0x23: {  	s18 =	simm.s32 $0x10;
	v3 =	vand.u32 $0x3FFF, v2  }
0x24: {  	v4 =	vld [tilespmem:s18+$0x4010];
	_ =	sdelay $0x3  }
0x25: {  	v2 =	vld.idx.msk [tilespmem:v3+s4+$0x0], $0xffff  }
0x26: {  	[tilespmem:s19+$0x4500] =	vst v3;
	v3 =	vand.u32 $0x3FFF, v4  }
0x27: {  	s21 =	simm.s32 $0x20  }
0x28: {  	s20 =	simm.s32 $0xC0;
	s22 =	simm.s32 $0x100;
	v4 =	vld [tilespmem:s21+$0x4010]  }
.LBB2_2:
0x29: {  	p0 =	sne.s32 s22, $0x7C0  }
0x2a: {  	[tilespmem:s19+$0x4290] =	vst v2;
	s19 =	smov.u32 s18;
	s18 =	smov.u32 s21  }
.Ltmp2:
0x2b: {  	v2 =	vld.idx.msk [tilespmem:v3+s4+$0x0], $0xffff;
	[tilespmem:s19+$0x4500] =	vst v3;
	(pc) =	sbr.rel @p0 .LBB2_2-.Ltmp2, $4  }
0x2c: {  	_ = 	snop  }
0x2d: {  	v3 =	vand.u32 $0x3FFF, v4  }
0x2e: {  	s21 =	sshra.s32 s20, $0x2;
	s20 =	smov.u32 s22  }
0x2f: {  	s22 =	sadd.s32 $0x40, s22;
	v4 =	vld [tilespmem:s21+$0x4010]  }
0x30: {  	_ =	sdelay $0x2  }
0x31: {  	[tilespmem:s19+$0x4290] =	vst v2  }
0x32: {  	v2 =	vld.idx.msk [tilespmem:v3+s4+$0x0], $0xffff  }
0x33: {  	s24 =	sshra.s32 s20, $0x2;
	[tilespmem:s18+$0x4500] =	vst v3;
	v3 =	vand.u32 $0x3FFF, v4  }
0x34: {  	v63 =	vld [tilespmem:s24+$0x4010];
	_ =	sdelay $0x2  }
0x35: {  	[tilespmem:s18+$0x4290] =	vst v2  }
0x36: {  	v2 =	vld.idx.msk [tilespmem:v3+s4+$0x0], $0xffff  }
0x37: {  	v4 =	vand.u32 $0x3FFF, v63;
	_ =	sdelay $0x2  }
0x38: {  	[tilespmem:s21+$0x4500] =	vst v3  }
0x39: {  	[tilespmem:s21+$0x4290] =	vst v2  }
0x3a: {  	v2 =	vld.idx.msk [tilespmem:v4+s4+$0x0], $0xffff;
	_ =	sdelay $0x3  }
0x3b: {  	[tilespmem:s24+$0x4500] =	vst v4  }
0x3c: {  	[tilespmem:s24+$0x4290] =	vst v2  }
0x3d: {  	v2 =	vld.msk [tilespmem:$0x4290 ss:$0x0], $0xffff;
	_ =	sdelay $0x4  }
0x3e: {  	s25 =	simm.s32 $0x4291;
	[tilespmem:$0x4280] =	vst v2  }
0x3f: {  	v2 =	vld [tilespmem:s25+$0x0]  }
0x40: {  	v3 =	vld [tilespmem:s25+$0xFFFFFFFF];
	_ =	sdelay $0x3  }
0x41: {  	(v2sf) =	vpush v2, $0x0  }
0x42: {  	(v2sf) =	vpush v3, $0x0;
	_ =	sdelay $0x5  }
0x43: {  	s26 =	simm.s32 $0x4292  }
0x44: {  	v2 =	vld [tilespmem:s26+$0x0]  }
0x45: {  	s28 =	simm.s32 $0x4293;
	v3 =	vld [tilespmem:s26+$0xFFFFFFFF]  }
0x46: {  	v4 =	vld [tilespmem:s28+$0x0]  }
0x47: {  	s29 =	simm.s32 $0x4294;
	v5 =	vld [tilespmem:s28+$0xFFFFFFFF]  }
0x48: {  	v6 =	vld [tilespmem:s29+$0x0]  }
0x49: {  	v7 =	vld [tilespmem:s29+$0xFFFFFFFF];
	(v2sf) =	vpush v2, $0x0  }
0x4a: {  	(v2sf) =	vpush v3, $0x0  }
0x4b: {  	s30 =	spop (v2sf);
	(v2sf) =	vpush v4, $0x0  }
0x4c: {  	s31 =	spop (v2sf);
	(v2sf) =	vpush v5, $0x0  }
0x4d: {  	(v2sf) =	vpush v6, $0x0  }
0x4e: {  	(v2sf) =	vpush v7, $0x0;
	_ =	sdelay $0x2  }
0x4f: {  	[smem:$0x0] =	sst s4;
	s23 =	simm.s32 $0x1;
	s22 =	simm.s32 $0x2  }
0x50: {  	s20 =	simm.s32 $0x5;
	s19 =	simm.s32 $0x4295;
	s24 =	sxor.u32 s30, s31  }
0x51: {  	s18 =	simm.s32 $0x4;
	s21 =	simm.s32 $0x3;
	p0 =	slt.u32 s24, $0x80  }
0x52: {  	s25 =	simm.s32 $0x6;
	v2 =	vld [tilespmem:s19+$0x0];
	[smem:s23] =	sst @!p0 s23;
	s24 =	simm.s32 @!p0 $0x2  }
.LBB2_4:
0x53: {  	s26 =	smov.u32 s23;
	s23 =	smov.u32 s24  }
0x54: {  	s23 =	smov.u32 @p0 s26;
	s26 =	smov.u32 s21;
	s21 =	smov.u32 s18  }
0x55: {  	s18 =	smov.u32 s20;
	s20 =	smov.u32 s25;
	s25 =	sadd.s32 $0x1, s25  }
0x56: {  	v3 =	vld [tilespmem:s19+$0xFFFFFFFF];
	p1 =	sne.s32 s25, $0x200  }
.Ltmp3:
0x57: {  	s24 =	spop (v2sf);
	(pc) =	sbr.rel @p1 .LBB2_4-.Ltmp3, $4  }
0x58: {  	s28 =	spop (v2sf)  }
0x59: {  	s24 =	sxor.u32 s24, s28  }
0x5a: {  	s19 =	sadd.s32 $0x1, s19;
	(v2sf) =	vpush v2, $0x0;
	p0 =	slt.u32 s24, $0x80  }
0x5b: {  	v2 =	vld [tilespmem:s19+$0x0];
	(v2sf) =	vpush v3, $0x0;
	[smem:s23] =	sst @!p0 s22;
	s24 =	sadd.s32 @!p0 $0x1, s23;
	s22 =	smov.u32 s26  }
0x5c: {  	v3 =	vld [tilespmem:s19+$0xFFFFFFFF];
	_ =	sdelay $0x3  }
0x5d: {  	(v2sf) =	vpush v2, $0x0  }
0x5e: {  	(v2sf) =	vpush v3, $0x0;
	_ =	sdelay $0x3  }
0x5f: {  	s19 =	simm.s32 $0x0  }
0x60: {  	v2 =	vld [tilespmem:s19+$0x4290]  }
0x61: {  	v3 =	vld [tilespmem:s19+$0x428F];
	_ =	sdelay $0x1  }
0x62: {  	s25 =	spop (v2sf)  }
0x63: {  	s26 =	spop (v2sf)  }
0x64: {  	s25 =	sxor.u32 s25, s26;
	s28 =	spop (v2sf)  }
0x65: {  	s24 =	smov.u32 @p0 s23;
	p0 =	slt.u32 s25, $0x80;
	s29 =	spop (v2sf);
	v4 =	vshrl.u32 v2, $0x7;
	v3 =	vshrl.u32 v3, $0x7  }
0x66: {  	s25 =	sadd.s32 @!p0 $0x1, s24;
	s23 =	sxor.u32 s28, s29;
	vm0 =	vne.s32 v4, v3;
	s30 =	spop (v2sf)  }
0x67: {  	s25 =	smov.u32 @p0 s24;
	p1 =	slt.u32 s23, $0x80;
	v3 =	vsel vm0, $0x1, v0;
	s31 =	spop (v2sf)  }
0x68: {  	s28 =	sadd.s32 @!p1 $0x1, s25;
	(xrf0) =	vadd.scan.msk.s32 $0xffff, v3;
	s23 =	sxor.u32 s30, s31;
	s29 =	spop (v2sf)  }
0x69: {  	s28 =	smov.u32 @p1 s25;
	p2 =	slt.u32 s23, $0x80;
	s30 =	spop (v2sf)  }
0x6a: {  	[smem:s24] =	sst @!p0 s22;
	vm0 =	veq.s32 v4, $0x1E84;
	v3 =	vadd.s32 $0xFFF0BE40, v2;
	v2 =	vand.u32 $0x7F, v2;
	s23 =	sadd.s32 @!p2 $0x1, s28;
	s31 =	sxor.u32 s29, s30  }
0x6b: {  	[smem:s25] =	sst @!p1 s21;
	v2 =	vsel vm0, v3, v2;
	s23 =	smov.u32 @p2 s28;
	p0 =	slt.u32 s31, $0x80  }
0x6c: {  	[smem:s28] =	sst @!p2 s18;
	s18 =	sadd.s32 @!p0 $0x1, s23  }
0x6d: {  	s22 =	simm.s32 $0x0;
	[smem:s23] =	sst @!p0 s20;
	s18 =	smov.u32 @p0 s23  }
0x6e: {  	s21 =	simm.s32 $0x80;
	[tilespmem:s19+$0x4A00] =	vst v2;
	v2, _, _ =	vpop (xrf0);
	s20 =	simm.s32 $0x40;
	[smem:s18] =	sst s12  }
.LBB2_6:
0x6f: {  	p0 =	sne.s32 s21, $0x7C0;
	s23 =	sshra.s32 s20, $0x2;
	v2 =	vadd.s32 s22, v2;
	s20 =	smov.u32 s21  }
0x70: {  	v3 =	vld [tilespmem:s23+$0x4290];
	v4 =	vand.u32 $0x7, v2;
	(v2sf) =	vpush v2, $0xF  }
0x71: {  	v2 =	vld [tilespmem:s23+$0x428F];
	v4 =	vsel vm0, $0x8, v4  }
0x72: {  	[tilespmem:s19+$0x4780] =	vst v4;
	s19 =	smov.u32 s23;
	_ =	sdelay $0x2  }
0x73: {  	v4 =	vadd.s32 $0xFFF0BE40, v3;
	v5 =	vand.u32 $0x7F, v3  }
0x74: {  	v3 =	vshrl.u32 v3, $0x7;
	v2 =	vshrl.u32 v2, $0x7  }
0x75: {  	vm0 =	veq.s32 v3, $0x1E84;
	vm1 =	vne.s32 v3, v2  }
0x76: {  	v3 =	vsel vm0, v4, v5;
	v2 =	vsel vm1, $0x1, v0  }
0x77: {  	[tilespmem:s19+$0x4A00] =	vst v3;
	(xrf0) =	vadd.scan.msk.s32 $0xffff, v2;
	_ =	sdelay $0x1  }
.Ltmp4:
0x78: {  	(pc) =	sbr.rel @p0 .LBB2_6-.Ltmp4, $2  }
0x79: {  	_ =	sdelay $0x2  }
0x7a: {  	s21 =	sadd.s32 $0x40, s21;
	v2, _, _ =	vpop (xrf0);
	s22 =	spop (v2sf)  }
0x7b: {  	s20 =	sshra.s32 s20, $0x2;
	v2 =	vadd.s32 s22, v2  }
0x7c: {  	v3 =	vld [tilespmem:s20+$0x4290];
	(v2sf) =	vpush v2, $0xF  }
0x7d: {  	v4 =	vld [tilespmem:s20+$0x428F];
	_ =	sdelay $0x4  }
0x7e: {  	v5 =	vshrl.u32 v3, $0x7;
	v4 =	vshrl.u32 v4, $0x7  }
0x7f: {  	vm1 =	vne.s32 v5, v4  }
0x80: {  	v4 =	vsel vm1, $0x1, v0  }
0x81: {  	(xrf0) =	vadd.scan.msk.s32 $0xffff, v4;
	_ =	sdelay $0x4  }
0x82: {  	v2 =	vand.u32 $0x7, v2  }
0x83: {  	s24 =	sshra.s32 s18, $0x1F;
	v2 =	vsel vm0, $0x8, v2;
	v63 =	vadd.s32 $0xFFF0BE40, v3;
	v4, _, _ =	vpop (xrf0);
	s21 =	spop (v2sf)  }
0x84: {  	s25 =	sand.u32 s24, s18;
	v3 =	vand.u32 $0x7F, v3;
	vm15 =	veq.s32 v5, $0x1E84;
	v4 =	vadd.s32 s21, v4  }
0x85: {  	s26 =	sld [smem:s25+$0x0];
	[tilespmem:s19+$0x4780] =	vst v2;
	v2 =	vsel vm15, v63, v3;
	v3 =	vand.u32 $0x7, v4  }
0x86: {  	[tilespmem:s20+$0x4A00] =	vst v2;
	v2 =	vsel vm15, $0x8, v3  }
0x87: {  	[tilespmem:s20+$0x4780] =	vst v2  }
0x88: {  	v2 =	vld [tilespmem:s26+$0x4290];
	_ =	sdelay $0x3  }
0x89: {  	(v2sf) =	vpush v4, $0xF  }
0x8a: {  	(v2sf) =	vpush v2, $0x0;
	_ =	sdelay $0xd  }
0x8b: {  	s28 =	spop (v2sf)  }
0x8c: {  	s19 =	spop (v2sf)  }
0x8d: {  	p0 =	slt.s32 s18, $0x1;
	s20 =	sand.u32 $0xFFFFFF80, s19  }
0x8e: {  	p1 =	seq.s32 @!p0 s20, $0xF4200;
	s20 =	smov.u32 s18  }
0x8f: {  	p1 =	por p1, p0;
	s20 =	simm.s32 @!p0 $0x1  }
0x90: {  	s19 =	sand.u32 @!p1 $0xFFFFF80, s19;
	s20 =	sld [smem:s20+$0x0];
	s21 =	simm.s32 @!p1 $0x400  }
0x91: {  	s22 =	simm.s32 @!p1 $0x7A1400;
	s23 =	simm.s32 @!p1 $0xCC80;
	s19 =	sadd.s32 @!p1 s2, s19  }
0x92: {  	[tilespmem:s23], [sflag:$0x1] =	stream.strided.gather @!p1 [hbm4b:s19+s21], $0x2000, s22, s21, $0x38;
	[tilespmem:$0x1EC80] =	vst v63  }
0x93: {  	v2 =	vld [tilespmem:s20+$0x4290];
	_ =	sdelay $0x4  }
0x94: {  	(v2sf) =	vpush v2, $0x0;
	_ =	sdelay $0xe  }
0x95: {  	s19 =	spop (v2sf)  }
0x96: {  	p0 =	slt.s32 s18, $0x2;
	s20 =	sand.u32 $0xFFFFFF80, s19  }
0x97: {  	p1 =	seq.s32 @!p0 s20, $0xF4200;
	s20 =	smov.u32 s18  }
0x98: {  	p1 =	por p1, p0;
	s20 =	simm.s32 @!p0 $0x2  }
0x99: {  	s19 =	sand.u32 @!p1 $0xFFFFF80, s19;
	s20 =	sld [smem:s20+$0x0];
	s21 =	simm.s32 @!p1 $0x400  }
0x9a: {  	s22 =	simm.s32 @!p1 $0x7A1400;
	s23 =	simm.s32 @!p1 $0xEC80;
	s19 =	sadd.s32 @!p1 s2, s19  }
0x9b: {  	[tilespmem:s23], [sflag:$0x1] =	stream.strided.gather @!p1 [hbm4b:s19+s21], $0x2000, s22, s21, $0x38;
	[tilespmem:$0x1EC80] =	vst v63  }
0x9c: {  	v2 =	vld [tilespmem:s20+$0x4290];
	_ =	sdelay $0x4  }
0x9d: {  	(v2sf) =	vpush v2, $0x0;
	_ =	sdelay $0xe  }
0x9e: {  	s19 =	spop (v2sf)  }
0x9f: {  	p0 =	slt.s32 s18, $0x3;
	s20 =	sand.u32 $0xFFFFFF80, s19  }
0xa0: {  	p1 =	seq.s32 @!p0 s20, $0xF4200;
	s20 =	smov.u32 s18  }
0xa1: {  	p1 =	por p1, p0;
	s20 =	simm.s32 @!p0 $0x3  }
0xa2: {  	s19 =	sand.u32 @!p1 $0xFFFFF80, s19;
	s20 =	sld [smem:s20+$0x0];
	s21 =	simm.s32 @!p1 $0x400  }
0xa3: {  	s22 =	simm.s32 @!p1 $0x7A1400;
	s23 =	simm.s32 @!p1 $0x10C80;
	s19 =	sadd.s32 @!p1 s2, s19  }
0xa4: {  	[tilespmem:s23], [sflag:$0x1] =	stream.strided.gather @!p1 [hbm4b:s19+s21], $0x2000, s22, s21, $0x38;
	[tilespmem:$0x1EC80] =	vst v63  }
0xa5: {  	v2 =	vld [tilespmem:s20+$0x4290];
	_ =	sdelay $0x4  }
0xa6: {  	(v2sf) =	vpush v2, $0x0;
	_ =	sdelay $0xb  }
0xa7: {  	s29 =	sadd.s32 $0x3, s18  }
0xa8: {  	s31 =	sand.u32 $0x3, s29  }
0xa9: {  	s30 =	sshra.s32 s29, $0x1F;
	p6 =	slt.s32 s29, $0x1;
	p2 =	sne.s32 s31, $0x0  }
0xaa: {  	p0 =	slt.s32 s18, $0x4;
	p1 =	por !p6, !p2;
	s21 =	spop (v2sf)  }
0xab: {  	s20 =	sshrl.u32 s30, $0x1E;
	p1 =	por !p1, !p1;
	s23 =	sand.u32 $0xFFFFFF80, s21  }
0xac: {  	s19 =	sadd.s32 s20, s29;
	s20 =	simm.s32 $0x1;
	p3 =	seq.s32 @!p0 s23, $0xF4200  }
0xad: {  	s19 =	sshra.s32 s19, $0x2;
	s20 =	simm.s32 @!p1 $0x0;
	p0 =	por p3, p0  }
0xae: {  	s19 =	ssub.s32 s19, s20;
	s21 =	sand.u32 @!p0 $0xFFFFF80, s21;
	s22 =	simm.s32 @!p0 $0x7A1400  }
0xaf: {  	s23 =	simm.s32 @!p0 $0x12C80;
	s20 =	sadd.s32 @!p0 s2, s21;
	s21 =	simm.s32 @!p0 $0x400  }
0xb0: {  	[tilespmem:s23], [sflag:$0x1] =	stream.strided.gather @!p0 [hbm4b:s20+s21], $0x2000, s22, s21, $0x38;
	[tilespmem:$0x1EC80] =	vst v63  }
0xb1: {  	p0 =	sgt.s32 s19, $0x0  }
.Ltmp5:
0xb2: {  	_ = 	snop;
	(pc) =	sbr.rel @p0 .LBB2_11-.Ltmp5, $4  }
.Ltmp6:
0xb3: {  	_ = 	snop;
	(pc) =	sbr.rel @!p0 .LBB2_8-.Ltmp6, $4  }
0xb4: {  	_ = 	snop  }
0xb5: {  	_ = 	snop  }
0xb6: {  	s20 =	simm.s32 $0x0  }
0xb7: {  	_ = 	snop  }
.LBB2_20:
0xb8: {  	s22 =	smov.u32 s21  }
.LBB2_24:
0xb9: {  	(v2sf) =	vpush v2, $0x0;
	_ =	sdelay $0xe  }
0xba: {  	s23 =	spop (v2sf)  }
0xbb: {  	s23 =	sshll.u32 s23, $0x3  }
0xbc: {  	s22 =	sadd.s32 @p0 $0x40, s22;
	s23 =	sand.u32 $0x1FFFFFF8, s23  }
0xbd: {  	s21 =	smov.u32 @p0 s22;
	s23 =	sadd.s32 s6, s23  }
0xbe: {  	[hbm4b:s23+s4] =	stream.linear.scatter [tilespmem:s21], [sflag:$0x2], $0x40, $0x38;
	[tilespmem:$0x1EC80] =	vst v63  }
.LBB2_10:
0xbf: {  	p0 =	seq.s32 s20, s19  }
.Ltmp7:
0xc0: {  	_ = 	snop;
	(pc) =	sbr.rel @p0 .LBB2_8-.Ltmp7, $1  }
0xc1: {  	_ =	sdelay $0x3  }
.LBB2_11:
0xc2: {  	s22 =	sshll.u32 s20, $0x2  }
0xc3: {  	s21 =	smov.u32 s18;
	p2 =	slt.s32 s22, s18;
	s23 =	sor.u32 $0x1, s22  }
0xc4: {  	s24 =	smov.u32 s18;
	s21 =	smov.u32 @p2 s22;
	p1 =	slt.s32 s23, s18  }
0xc5: {  	s22 =	sor.u32 $0x2, s22;
	s21 =	sld [smem:s21+$0x0];
	s24 =	smov.u32 @p1 s23  }
0xc6: {  	p0 =	slt.s32 s22, s18;
	s23 =	sld [smem:s24+$0x0];
	s24 =	smov.u32 s18  }
0xc7: {  	s24 =	smov.u32 @p0 s22;
	s22 =	sshllo.u32 s20, $0x2  }
0xc8: {  	s25 =	smov.u32 s18;
	v2 =	vld [tilespmem:s21+$0x4290];
	s24 =	sld [smem:s24+$0x0];
	p3 =	slt.s32 s22, s18  }
0xc9: {  	s25 =	smov.u32 @p3 s22;
	v3 =	vld [tilespmem:s23+$0x4290]  }
0xca: {  	s22 =	sld [smem:s25+$0x0]  }
0xcb: {  	v4 =	vld [tilespmem:s24+$0x4290];
	_ =	sdelay $0x1  }
0xcc: {  	(v2sf) =	vpush v2, $0x0;
	v2 =	vld [tilespmem:s22+$0x4290]  }
0xcd: {  	(v2sf) =	vpush v3, $0x0;
	_ =	sdelay $0x1  }
0xce: {  	(v2sf) =	vpush v4, $0x0;
	_ =	sdelay $0x1  }
0xcf: {  	(v2sf) =	vpush v2, $0x0;
	_ =	sdelay $0x9  }
0xd0: {  	s26 =	spop (v2sf)  }
0xd1: {  	s25 =	simm.s32 $0x1;
	s22 =	sand.u32 $0xFFFFFF80, s26;
	s28 =	spop (v2sf)  }
0xd2: {  	s24 =	simm.s32 $0x1;
	p4 =	sne.s32 s22, $0xF4200;
	s23 =	sand.u32 $0xFFFFFF80, s28  }
0xd3: {  	s29 =	spop (v2sf);
	p2 =	por !p2, !p4;
	p6 =	sne.s32 s23, $0xF4200  }
0xd4: {  	p2 =	por !p2, !p2;
	p1 =	por !p1, !p6;
	s22 =	sand.u32 $0xFFFFFF80, s29  }
0xd5: {  	s24 =	simm.s32 @!p2 $0x0;
	s30 =	spop (v2sf);
	p1 =	por !p1, !p1  }
0xd6: {  	p4 =	sne.s32 s22, $0xF4200;
	s23 =	sand.u32 $0xFFFFFF80, s30;
	s25 =	simm.s32 @!p1 $0x0  }
0xd7: {  	p0 =	por !p0, !p4;
	p5 =	sne.s32 s23, $0xF4200;
	s31 =	sadd.s32 s24, s25  }
0xd8: {  	p0 =	por !p0, !p0;
	s23 =	simm.s32 $0x1;
	p6 =	por !p3, !p5  }
0xd9: {  	s24 =	simm.s32 $0x1;
	s23 =	simm.s32 @!p0 $0x0;
	p0 =	por !p6, !p6  }
0xda: {  	s22 =	sadd.s32 s23, s31;
	s24 =	simm.s32 @!p0 $0x0  }
0xdb: {  	s22 =	sadd.s32 s24, s22  }
0xdc: {  	p0 =	seq.s32 s22, $0x0  }
.Ltmp8:
0xdd: {  	_ = 	snop;
	(pc) =	sbr.rel @p0 .LBB2_15-.Ltmp8, $1  }
0xde: {  	_ =	sdelay $0x3  }
0xdf: {  	p0 =	sne.s32 s22, $0x1  }
.Ltmp9:
0xe0: {  	_ = 	snop;
	(pc) =	sbr.rel @!p0 .LBB2_14-.Ltmp9, $3  }
0xe1: {  	_ =	sdelay $0x1  }
0xe2: {  	_ =	swait.ge [sflag:s13], $0x2000  }
0xe3: {  	s22 =	sadd.s32 $0xFFFFFFFF, s22;
	[sflag:s13] =	ssyncset.done $0x0  }
.LBB2_13:
0xe4: {  	p0 =	sne.s32 s22, $0x1;
	s22 =	sadd.s32 $0xFFFFFFFF, s22;
	[sflag:s13] =	ssyncadd.s32 $0xFFFFE000  }
.Ltmp10:
0xe5: {  	(pc) =	sbr.rel @p0 .LBB2_13-.Ltmp10, $3  }
0xe6: {  	_ =	sdelay $0x1  }
0xe7: {  	_ =	swait.ge [sflag:s13], $0x2000  }
0xe8: {  	[sflag:s13] =	ssyncset.done $0x0  }
.LBB2_14:
0xe9: {  	[sflag:s13] =	ssyncadd.s32 $0xFFFFE000  }
.LBB2_15:
0xea: {  	s20 =	sadd.s32 $0x1, s20  }
0xeb: {  	s23 =	sshll.u32 s20, $0x2  }
0xec: {  	s22 =	smov.u32 s18;
	p0 =	slt.s32 s23, s18  }
0xed: {  	s22 =	smov.u32 @p0 s23  }
0xee: {  	s22 =	sld [smem:s22+$0x0];
	_ =	sdelay $0x2  }
0xef: {  	v2 =	vld [tilespmem:s22+$0x4290];
	_ =	sdelay $0x4  }
0xf0: {  	(v2sf) =	vpush v2, $0x0;
	_ =	sdelay $0xe  }
0xf1: {  	s24 =	spop (v2sf)  }
0xf2: {  	p0 =	sge.s32 s23, s18;
	s25 =	sand.u32 $0xFFFFFF80, s24  }
0xf3: {  	p1 =	seq.s32 @!p0 s25, $0xF4200;
	s25 =	sor.u32 $0x1, s23  }
0xf4: {  	s28 =	smov.u32 s18;
	p0 =	por p1, p0;
	p1 =	slt.s32 s25, s18  }
0xf5: {  	s26 =	sshll.u32 @!p0 s20, $0xF;
	s28 =	smov.u32 @p1 s25;
	s24 =	sand.u32 @!p0 $0xFFFFF80, s24  }
0xf6: {  	s29 =	simm.s32 @!p0 $0x400;
	s26 =	sand.u32 @!p0 $0x8000, s26;
	s28 =	sld [smem:s28+$0x0]  }
0xf7: {  	s30 =	simm.s32 @!p0 $0x7A1400;
	s24 =	sadd.s32 @!p0 s2, s24;
	s26 =	sadd.s32 @!p0 $0xCC80, s26  }
0xf8: {  	[tilespmem:s26], [sflag:$0x1] =	stream.strided.gather @!p0 [hbm4b:s24+s29], $0x2000, s30, s29, $0x38;
	[tilespmem:$0x1EC80] =	vst v63  }
0xf9: {  	v2 =	vld [tilespmem:s28+$0x4290];
	_ =	sdelay $0x4  }
0xfa: {  	(v2sf) =	vpush v2, $0x0;
	_ =	sdelay $0xe  }
0xfb: {  	s24 =	spop (v2sf)  }
0xfc: {  	p0 =	sge.s32 s25, s18;
	s26 =	sand.u32 $0xFFFFFF80, s24  }
0xfd: {  	p1 =	seq.s32 @!p0 s26, $0xF4200;
	s26 =	sor.u32 $0x2, s23  }
0xfe: {  	s28 =	smov.u32 s18;
	p0 =	por p1, p0;
	p1 =	slt.s32 s26, s18  }
0xff: {  	s25 =	sshll.u32 @!p0 s25, $0xD;
	s28 =	smov.u32 @p1 s26;
	s24 =	sand.u32 @!p0 $0xFFFFF80, s24  }
0x100: {  	s29 =	simm.s32 @!p0 $0x400;
	s25 =	sand.u32 @!p0 $0xA000, s25;
	s28 =	sld [smem:s28+$0x0]  }
0x101: {  	s30 =	simm.s32 @!p0 $0x7A1400;
	s24 =	sadd.s32 @!p0 s2, s24;
	s25 =	sadd.s32 @!p0 $0xCC80, s25  }
0x102: {  	[tilespmem:s25], [sflag:$0x1] =	stream.strided.gather @!p0 [hbm4b:s24+s29], $0x2000, s30, s29, $0x38;
	[tilespmem:$0x1EC80] =	vst v63  }
0x103: {  	v2 =	vld [tilespmem:s28+$0x4290];
	_ =	sdelay $0x4  }
0x104: {  	(v2sf) =	vpush v2, $0x0;
	_ =	sdelay $0xe  }
0x105: {  	s24 =	spop (v2sf)  }
0x106: {  	p0 =	sge.s32 s26, s18;
	s25 =	sand.u32 $0xFFFFFF80, s24  }
0x107: {  	p1 =	seq.s32 @!p0 s25, $0xF4200  }
0x108: {  	s23 =	sor.u32 $0x3, s23;
	p0 =	por p1, p0  }
0x109: {  	p1 =	slt.s32 s23, s18;
	s25 =	sshll.u32 @!p0 s26, $0xD;
	s26 =	smov.u32 s18  }
0x10a: {  	s24 =	sand.u32 @!p0 $0xFFFFF80, s24;
	s26 =	smov.u32 @p1 s23  }
0x10b: {  	s28 =	simm.s32 @!p0 $0x400;
	s25 =	sand.u32 @!p0 $0xC000, s25;
	s26 =	sld [smem:s26+$0x0]  }
0x10c: {  	s29 =	simm.s32 @!p0 $0x7A1400;
	s24 =	sadd.s32 @!p0 s2, s24;
	s25 =	sadd.s32 @!p0 $0xCC80, s25  }
0x10d: {  	[tilespmem:s25], [sflag:$0x1] =	stream.strided.gather @!p0 [hbm4b:s24+s28], $0x2000, s29, s28, $0x38;
	[tilespmem:$0x1EC80] =	vst v63  }
0x10e: {  	v2 =	vld [tilespmem:s26+$0x4290];
	_ =	sdelay $0x4  }
0x10f: {  	(v2sf) =	vpush v2, $0x0;
	_ =	sdelay $0xe  }
0x110: {  	s24 =	spop (v2sf)  }
0x111: {  	p0 =	sge.s32 s23, s18;
	s25 =	sand.u32 $0xFFFFFF80, s24  }
0x112: {  	p1 =	seq.s32 @!p0 s25, $0xF4200  }
0x113: {  	p0 =	por p1, p0  }
0x114: {  	s31 =	sadd.s32 $0xF, s22;
	s23 =	sshll.u32 @!p0 s23, $0xD  }
0x115: {  	s24 =	sand.u32 @!p0 $0xFFFFF80, s24;
	s25 =	simm.s32 @!p0 $0x400;
	s23 =	sand.u32 @!p0 $0xE000, s23  }
0x116: {  	s26 =	simm.s32 @!p0 $0x7A1400;
	s24 =	sadd.s32 @!p0 s2, s24;
	s23 =	sadd.s32 @!p0 $0xCC80, s23  }
0x117: {  	[tilespmem:s23], [sflag:$0x1] =	stream.strided.gather @!p0 [hbm4b:s24+s25], $0x2000, s26, s25, $0x38;
	[tilespmem:$0x1EC80] =	vst v63  }
0x118: {  	s26 =	sshrl.u32 s21, $0x4;
	s23 =	sshrl.u32 s31, $0x4  }
0x119: {  	p0 =	sle.u32 s23, s26  }
.Ltmp11:
0x11a: {  	_ = 	snop;
	(pc) =	sbr.rel @p0 .LBB2_18-.Ltmp11, $1  }
0x11b: {  	_ =	sdelay $0x3  }
0x11c: {  	s24 =	sshll.u32 s26, $0x6  }
0x11d: {  	s23 =	ssub.s32 s23, s26;
	s25 =	sshra.s32 s24, $0x2  }
0x11e: {  	v2 =	vmov s21;
	v3 =	vmov s22;
	s26 =	sshll.u32 s26, $0x4;
	s24 =	sadd.s32 $0x4780, s25;
	s25 =	sadd.s32 $0x4A00, s25  }
.LBB2_17:
0x11f: {  	v4 =	vld [tilespmem:s24+$0x0]  }
0x120: {  	v5 =	vld [tilespmem:s25+$0x0];
	_ =	sdelay $0x4  }
0x121: {  	v6 =	vand.u32 $0xFFFFFF80, v5;
	v4 =	vshll.u32 v4, $0xD  }
0x122: {  	v5 =	vand.u32 $0x7F, v5;
	v4 =	vadd.s32 v4, v6  }
0x123: {  	v4 =	vor.u32 v5, v4;
	_ =	sdelay $0x1  }
0x124: {  	v5 =	vor.u32 s26, v1  }
0x125: {  	vm0 =	vge.s32 v5, v2;
	vm1 =	vlt.s32 v5, v3  }
0x126: {  	vm0 =	vmand vm0, vm1  }
0x127: {  	v5 =	vshll.u32 v5, $0x6;
	v45 =	vld.idx.msk [tilespmem:v4+s14+$0x0], $0xffff  }
0x128: {  	v7 =	vadd.s32 $0x80, v4;
	_ =	sdelay $0x3  }
0x129: {  	[tilespmem:v5+s15+$0x0] =	vst.idx.msk vm0, v45  }
0x12a: {  	v46 =	vor.u32 $0x1, v5;
	v6 =	vld.idx.msk [tilespmem:v7+s14+$0x0], $0xffff  }
0x12b: {  	v8 =	vadd.s32 $0x100, v4;
	_ =	sdelay $0x3  }
0x12c: {  	[tilespmem:v46+s15+$0x0] =	vst.idx.msk vm0, v6  }
0x12d: {  	v47 =	vor.u32 $0x2, v5;
	v6 =	vld.idx.msk [tilespmem:v8+s14+$0x0], $0xffff  }
0x12e: {  	v48 =	vadd.s32 $0x180, v4;
	_ =	sdelay $0x3  }
0x12f: {  	[tilespmem:v47+s15+$0x0] =	vst.idx.msk vm0, v6  }
0x130: {  	v49 =	vor.u32 $0x3, v5;
	v6 =	vld.idx.msk [tilespmem:v48+s14+$0x0], $0xffff  }
0x131: {  	v50 =	vadd.s32 $0x200, v4;
	_ =	sdelay $0x3  }
0x132: {  	[tilespmem:v49+s15+$0x0] =	vst.idx.msk vm0, v6  }
0x133: {  	v51 =	vor.u32 $0x4, v5;
	v6 =	vld.idx.msk [tilespmem:v50+s14+$0x0], $0xffff  }
0x134: {  	v52 =	vadd.s32 $0x280, v4;
	_ =	sdelay $0x3  }
0x135: {  	[tilespmem:v51+s15+$0x0] =	vst.idx.msk vm0, v6  }
0x136: {  	v53 =	vor.u32 $0x5, v5;
	v6 =	vld.idx.msk [tilespmem:v52+s14+$0x0], $0xffff  }
0x137: {  	v54 =	vadd.s32 $0x300, v4;
	_ =	sdelay $0x3  }
0x138: {  	[tilespmem:v53+s15+$0x0] =	vst.idx.msk vm0, v6  }
0x139: {  	v55 =	vor.u32 $0x6, v5;
	v6 =	vld.idx.msk [tilespmem:v54+s14+$0x0], $0xffff  }
0x13a: {  	v56 =	vadd.s32 $0x380, v4;
	_ =	sdelay $0x3  }
0x13b: {  	[tilespmem:v55+s15+$0x0] =	vst.idx.msk vm0, v6  }
0x13c: {  	v57 =	vor.u32 $0x7, v5;
	v6 =	vld.idx.msk [tilespmem:v56+s14+$0x0], $0xffff  }
0x13d: {  	v58 =	vadd.s32 $0x400, v4;
	_ =	sdelay $0x3  }
0x13e: {  	[tilespmem:v57+s15+$0x0] =	vst.idx.msk vm0, v6  }
0x13f: {  	v59 =	vor.u32 $0x8, v5;
	v6 =	vld.idx.msk [tilespmem:v58+s14+$0x0], $0xffff  }
0x140: {  	v60 =	vadd.s32 $0x480, v4;
	_ =	sdelay $0x3  }
0x141: {  	[tilespmem:v59+s15+$0x0] =	vst.idx.msk vm0, v6  }
0x142: {  	v61 =	vor.u32 $0x9, v5;
	v6 =	vld.idx.msk [tilespmem:v60+s14+$0x0], $0xffff  }
0x143: {  	v62 =	vadd.s32 $0x500, v4;
	_ =	sdelay $0x3  }
0x144: {  	[tilespmem:v61+s15+$0x0] =	vst.idx.msk vm0, v6  }
0x145: {  	v63 =	vor.u32 $0xA, v5;
	v6 =	vld.idx.msk [tilespmem:v62+s14+$0x0], $0xffff  }
0x146: {  	v12 =	vadd.s32 $0x580, v4;
	_ =	sdelay $0x3  }
0x147: {  	[tilespmem:v63+s15+$0x0] =	vst.idx.msk vm0, v6  }
0x148: {  	v13 =	vor.u32 $0xB, v5;
	v6 =	vld.idx.msk [tilespmem:v12+s14+$0x0], $0xffff  }
0x149: {  	v14 =	vadd.s32 $0x600, v4;
	_ =	sdelay $0x3  }
0x14a: {  	[tilespmem:v13+s15+$0x0] =	vst.idx.msk vm0, v6  }
0x14b: {  	v15 =	vor.u32 $0xC, v5;
	v6 =	vld.idx.msk [tilespmem:v14+s14+$0x0], $0xffff  }
0x14c: {  	v16 =	vadd.s32 $0x680, v4;
	_ =	sdelay $0x3  }
0x14d: {  	[tilespmem:v15+s15+$0x0] =	vst.idx.msk vm0, v6  }
0x14e: {  	v17 =	vor.u32 $0xD, v5;
	v6 =	vld.idx.msk [tilespmem:v16+s14+$0x0], $0xffff  }
0x14f: {  	v18 =	vadd.s32 $0x700, v4;
	_ =	sdelay $0x3  }
0x150: {  	[tilespmem:v17+s15+$0x0] =	vst.idx.msk vm0, v6  }
0x151: {  	v19 =	vor.u32 $0xE, v5;
	v6 =	vld.idx.msk [tilespmem:v18+s14+$0x0], $0xffff  }
0x152: {  	v20 =	vadd.s32 $0x780, v4;
	_ =	sdelay $0x3  }
0x153: {  	[tilespmem:v19+s15+$0x0] =	vst.idx.msk vm0, v6  }
0x154: {  	v21 =	vor.u32 $0xF, v5;
	v6 =	vld.idx.msk [tilespmem:v20+s14+$0x0], $0xffff  }
0x155: {  	v22 =	vadd.s32 $0x800, v4;
	_ =	sdelay $0x3  }
0x156: {  	[tilespmem:v21+s15+$0x0] =	vst.idx.msk vm0, v6  }
0x157: {  	v23 =	vor.u32 $0x10, v5;
	v6 =	vld.idx.msk [tilespmem:v22+s14+$0x0], $0xffff  }
0x158: {  	v24 =	vadd.s32 $0x880, v4;
	_ =	sdelay $0x3  }
0x159: {  	[tilespmem:v23+s15+$0x0] =	vst.idx.msk vm0, v6  }
0x15a: {  	v25 =	vor.u32 $0x11, v5;
	v6 =	vld.idx.msk [tilespmem:v24+s14+$0x0], $0xffff  }
0x15b: {  	v26 =	vadd.s32 $0x900, v4;
	_ =	sdelay $0x3  }
0x15c: {  	[tilespmem:v25+s15+$0x0] =	vst.idx.msk vm0, v6  }
0x15d: {  	v27 =	vor.u32 $0x12, v5;
	v6 =	vld.idx.msk [tilespmem:v26+s14+$0x0], $0xffff  }
0x15e: {  	v28 =	vadd.s32 $0x980, v4;
	_ =	sdelay $0x3  }
0x15f: {  	[tilespmem:v27+s15+$0x0] =	vst.idx.msk vm0, v6  }
0x160: {  	v29 =	vor.u32 $0x13, v5;
	v6 =	vld.idx.msk [tilespmem:v28+s14+$0x0], $0xffff  }
0x161: {  	v30 =	vadd.s32 $0xA00, v4;
	_ =	sdelay $0x3  }
0x162: {  	[tilespmem:v29+s15+$0x0] =	vst.idx.msk vm0, v6  }
0x163: {  	v31 =	vor.u32 $0x14, v5;
	v6 =	vld.idx.msk [tilespmem:v30+s14+$0x0], $0xffff  }
0x164: {  	v32 =	vadd.s32 $0xA80, v4;
	_ =	sdelay $0x3  }
0x165: {  	[tilespmem:v31+s15+$0x0] =	vst.idx.msk vm0, v6  }
0x166: {  	v33 =	vor.u32 $0x15, v5;
	v6 =	vld.idx.msk [tilespmem:v32+s14+$0x0], $0xffff  }
0x167: {  	v34 =	vadd.s32 $0xB00, v4;
	_ =	sdelay $0x3  }
0x168: {  	[tilespmem:v33+s15+$0x0] =	vst.idx.msk vm0, v6  }
0x169: {  	v35 =	vor.u32 $0x16, v5;
	v6 =	vld.idx.msk [tilespmem:v34+s14+$0x0], $0xffff  }
0x16a: {  	v36 =	vadd.s32 $0xB80, v4;
	_ =	sdelay $0x3  }
0x16b: {  	[tilespmem:v35+s15+$0x0] =	vst.idx.msk vm0, v6  }
0x16c: {  	v37 =	vor.u32 $0x17, v5;
	v6 =	vld.idx.msk [tilespmem:v36+s14+$0x0], $0xffff  }
0x16d: {  	v38 =	vadd.s32 $0xC00, v4;
	_ =	sdelay $0x3  }
0x16e: {  	[tilespmem:v37+s15+$0x0] =	vst.idx.msk vm0, v6  }
0x16f: {  	v39 =	vor.u32 $0x18, v5;
	v6 =	vld.idx.msk [tilespmem:v38+s14+$0x0], $0xffff  }
0x170: {  	v40 =	vadd.s32 $0xC80, v4;
	_ =	sdelay $0x3  }
0x171: {  	[tilespmem:v39+s15+$0x0] =	vst.idx.msk vm0, v6  }
0x172: {  	v41 =	vor.u32 $0x19, v5;
	v6 =	vld.idx.msk [tilespmem:v40+s14+$0x0], $0xffff  }
0x173: {  	v42 =	vadd.s32 $0xD00, v4;
	_ =	sdelay $0x3  }
0x174: {  	[tilespmem:v41+s15+$0x0] =	vst.idx.msk vm0, v6  }
0x175: {  	v43 =	vor.u32 $0x1A, v5;
	v6 =	vld.idx.msk [tilespmem:v42+s14+$0x0], $0xffff  }
0x176: {  	v44 =	vadd.s32 $0xD80, v4;
	_ =	sdelay $0x3  }
0x177: {  	[tilespmem:v43+s15+$0x0] =	vst.idx.msk vm0, v6  }
0x178: {  	v45 =	vor.u32 $0x1B, v5;
	v6 =	vld.idx.msk [tilespmem:v44+s14+$0x0], $0xffff  }
0x179: {  	v46 =	vadd.s32 $0xE00, v4;
	_ =	sdelay $0x3  }
0x17a: {  	[tilespmem:v45+s15+$0x0] =	vst.idx.msk vm0, v6  }
0x17b: {  	v47 =	vor.u32 $0x1C, v5;
	v6 =	vld.idx.msk [tilespmem:v46+s14+$0x0], $0xffff  }
0x17c: {  	v48 =	vadd.s32 $0xE80, v4;
	_ =	sdelay $0x3  }
0x17d: {  	[tilespmem:v47+s15+$0x0] =	vst.idx.msk vm0, v6  }
0x17e: {  	v49 =	vor.u32 $0x1D, v5;
	v6 =	vld.idx.msk [tilespmem:v48+s14+$0x0], $0xffff  }
0x17f: {  	v50 =	vadd.s32 $0xF00, v4;
	_ =	sdelay $0x3  }
0x180: {  	[tilespmem:v49+s15+$0x0] =	vst.idx.msk vm0, v6  }
0x181: {  	v51 =	vor.u32 $0x1E, v5;
	v6 =	vld.idx.msk [tilespmem:v50+s14+$0x0], $0xffff  }
0x182: {  	v52 =	vadd.s32 $0xF80, v4;
	_ =	sdelay $0x3  }
0x183: {  	[tilespmem:v51+s15+$0x0] =	vst.idx.msk vm0, v6  }
0x184: {  	v53 =	vor.u32 $0x1F, v5;
	v6 =	vld.idx.msk [tilespmem:v52+s14+$0x0], $0xffff  }
0x185: {  	v54 =	vadd.s32 $0x1000, v4;
	_ =	sdelay $0x3  }
0x186: {  	[tilespmem:v53+s15+$0x0] =	vst.idx.msk vm0, v6  }
0x187: {  	v55 =	vor.u32 $0x20, v5;
	v6 =	vld.idx.msk [tilespmem:v54+s14+$0x0], $0xffff  }
0x188: {  	v56 =	vadd.s32 $0x1080, v4;
	_ =	sdelay $0x3  }
0x189: {  	[tilespmem:v55+s15+$0x0] =	vst.idx.msk vm0, v6  }
0x18a: {  	v57 =	vor.u32 $0x21, v5;
	v6 =	vld.idx.msk [tilespmem:v56+s14+$0x0], $0xffff  }
0x18b: {  	v58 =	vadd.s32 $0x1100, v4;
	_ =	sdelay $0x3  }
0x18c: {  	[tilespmem:v57+s15+$0x0] =	vst.idx.msk vm0, v6  }
0x18d: {  	v59 =	vor.u32 $0x22, v5;
	v6 =	vld.idx.msk [tilespmem:v58+s14+$0x0], $0xffff  }
0x18e: {  	v60 =	vadd.s32 $0x1180, v4;
	_ =	sdelay $0x3  }
0x18f: {  	[tilespmem:v59+s15+$0x0] =	vst.idx.msk vm0, v6  }
0x190: {  	v61 =	vor.u32 $0x23, v5;
	v6 =	vld.idx.msk [tilespmem:v60+s14+$0x0], $0xffff  }
0x191: {  	v62 =	vadd.s32 $0x1200, v4;
	_ =	sdelay $0x3  }
0x192: {  	[tilespmem:v61+s15+$0x0] =	vst.idx.msk vm0, v6  }
0x193: {  	v63 =	vor.u32 $0x24, v5;
	v6 =	vld.idx.msk [tilespmem:v62+s14+$0x0], $0xffff  }
0x194: {  	v12 =	vadd.s32 $0x1280, v4;
	_ =	sdelay $0x3  }
0x195: {  	[tilespmem:v63+s15+$0x0] =	vst.idx.msk vm0, v6  }
0x196: {  	v13 =	vor.u32 $0x25, v5;
	v6 =	vld.idx.msk [tilespmem:v12+s14+$0x0], $0xffff  }
0x197: {  	v14 =	vadd.s32 $0x1300, v4;
	_ =	sdelay $0x3  }
0x198: {  	[tilespmem:v13+s15+$0x0] =	vst.idx.msk vm0, v6  }
0x199: {  	v15 =	vor.u32 $0x26, v5;
	v6 =	vld.idx.msk [tilespmem:v14+s14+$0x0], $0xffff  }
0x19a: {  	v16 =	vadd.s32 $0x1380, v4;
	_ =	sdelay $0x3  }
0x19b: {  	[tilespmem:v15+s15+$0x0] =	vst.idx.msk vm0, v6  }
0x19c: {  	v17 =	vor.u32 $0x27, v5;
	v6 =	vld.idx.msk [tilespmem:v16+s14+$0x0], $0xffff  }
0x19d: {  	v18 =	vadd.s32 $0x1400, v4;
	_ =	sdelay $0x3  }
0x19e: {  	[tilespmem:v17+s15+$0x0] =	vst.idx.msk vm0, v6  }
0x19f: {  	v19 =	vor.u32 $0x28, v5;
	v6 =	vld.idx.msk [tilespmem:v18+s14+$0x0], $0xffff  }
0x1a0: {  	v20 =	vadd.s32 $0x1480, v4;
	_ =	sdelay $0x3  }
0x1a1: {  	[tilespmem:v19+s15+$0x0] =	vst.idx.msk vm0, v6  }
0x1a2: {  	v21 =	vor.u32 $0x29, v5;
	v6 =	vld.idx.msk [tilespmem:v20+s14+$0x0], $0xffff  }
0x1a3: {  	v22 =	vadd.s32 $0x1500, v4;
	_ =	sdelay $0x3  }
0x1a4: {  	[tilespmem:v21+s15+$0x0] =	vst.idx.msk vm0, v6  }
0x1a5: {  	v23 =	vor.u32 $0x2A, v5;
	v6 =	vld.idx.msk [tilespmem:v22+s14+$0x0], $0xffff  }
0x1a6: {  	v24 =	vadd.s32 $0x1580, v4;
	_ =	sdelay $0x3  }
0x1a7: {  	[tilespmem:v23+s15+$0x0] =	vst.idx.msk vm0, v6  }
0x1a8: {  	v25 =	vor.u32 $0x2B, v5;
	v6 =	vld.idx.msk [tilespmem:v24+s14+$0x0], $0xffff  }
0x1a9: {  	v26 =	vadd.s32 $0x1600, v4;
	_ =	sdelay $0x3  }
0x1aa: {  	[tilespmem:v25+s15+$0x0] =	vst.idx.msk vm0, v6  }
0x1ab: {  	v27 =	vor.u32 $0x2C, v5;
	v6 =	vld.idx.msk [tilespmem:v26+s14+$0x0], $0xffff  }
0x1ac: {  	v28 =	vadd.s32 $0x1680, v4;
	_ =	sdelay $0x3  }
0x1ad: {  	[tilespmem:v27+s15+$0x0] =	vst.idx.msk vm0, v6  }
0x1ae: {  	v29 =	vor.u32 $0x2D, v5;
	v6 =	vld.idx.msk [tilespmem:v28+s14+$0x0], $0xffff  }
0x1af: {  	v30 =	vadd.s32 $0x1700, v4;
	_ =	sdelay $0x3  }
0x1b0: {  	[tilespmem:v29+s15+$0x0] =	vst.idx.msk vm0, v6  }
0x1b1: {  	v31 =	vor.u32 $0x2E, v5;
	v6 =	vld.idx.msk [tilespmem:v30+s14+$0x0], $0xffff  }
0x1b2: {  	v32 =	vadd.s32 $0x1780, v4;
	_ =	sdelay $0x3  }
0x1b3: {  	[tilespmem:v31+s15+$0x0] =	vst.idx.msk vm0, v6  }
0x1b4: {  	v33 =	vor.u32 $0x2F, v5;
	v6 =	vld.idx.msk [tilespmem:v32+s14+$0x0], $0xffff  }
0x1b5: {  	v34 =	vadd.s32 $0x1800, v4;
	_ =	sdelay $0x3  }
0x1b6: {  	[tilespmem:v33+s15+$0x0] =	vst.idx.msk vm0, v6  }
0x1b7: {  	v35 =	vor.u32 $0x30, v5;
	v6 =	vld.idx.msk [tilespmem:v34+s14+$0x0], $0xffff  }
0x1b8: {  	v36 =	vadd.s32 $0x1880, v4;
	_ =	sdelay $0x3  }
0x1b9: {  	[tilespmem:v35+s15+$0x0] =	vst.idx.msk vm0, v6  }
0x1ba: {  	v37 =	vor.u32 $0x31, v5;
	v6 =	vld.idx.msk [tilespmem:v36+s14+$0x0], $0xffff  }
0x1bb: {  	v38 =	vadd.s32 $0x1900, v4;
	_ =	sdelay $0x3  }
0x1bc: {  	[tilespmem:v37+s15+$0x0] =	vst.idx.msk vm0, v6  }
0x1bd: {  	v39 =	vor.u32 $0x32, v5;
	v6 =	vld.idx.msk [tilespmem:v38+s14+$0x0], $0xffff  }
0x1be: {  	v40 =	vadd.s32 $0x1980, v4;
	_ =	sdelay $0x3  }
0x1bf: {  	[tilespmem:v39+s15+$0x0] =	vst.idx.msk vm0, v6  }
0x1c0: {  	v41 =	vor.u32 $0x33, v5;
	v6 =	vld.idx.msk [tilespmem:v40+s14+$0x0], $0xffff  }
0x1c1: {  	v42 =	vadd.s32 $0x1A00, v4;
	_ =	sdelay $0x3  }
0x1c2: {  	[tilespmem:v41+s15+$0x0] =	vst.idx.msk vm0, v6  }
0x1c3: {  	v43 =	vor.u32 $0x34, v5;
	v6 =	vld.idx.msk [tilespmem:v42+s14+$0x0], $0xffff  }
0x1c4: {  	v44 =	vadd.s32 $0x1A80, v4;
	_ =	sdelay $0x3  }
0x1c5: {  	[tilespmem:v43+s15+$0x0] =	vst.idx.msk vm0, v6  }
0x1c6: {  	v45 =	vor.u32 $0x35, v5;
	v6 =	vld.idx.msk [tilespmem:v44+s14+$0x0], $0xffff  }
0x1c7: {  	v46 =	vadd.s32 $0x1B00, v4;
	_ =	sdelay $0x3  }
0x1c8: {  	[tilespmem:v45+s15+$0x0] =	vst.idx.msk vm0, v6  }
0x1c9: {  	v47 =	vor.u32 $0x36, v5;
	v6 =	vld.idx.msk [tilespmem:v46+s14+$0x0], $0xffff  }
0x1ca: {  	v48 =	vadd.s32 $0x1B80, v4;
	_ =	sdelay $0x3  }
0x1cb: {  	[tilespmem:v47+s15+$0x0] =	vst.idx.msk vm0, v6  }
0x1cc: {  	v49 =	vor.u32 $0x37, v5;
	v6 =	vld.idx.msk [tilespmem:v48+s14+$0x0], $0xffff  }
0x1cd: {  	v50 =	vadd.s32 $0x1C00, v4;
	_ =	sdelay $0x3  }
0x1ce: {  	[tilespmem:v49+s15+$0x0] =	vst.idx.msk vm0, v6  }
0x1cf: {  	v51 =	vor.u32 $0x38, v5;
	v6 =	vld.idx.msk [tilespmem:v50+s14+$0x0], $0xffff  }
0x1d0: {  	v52 =	vadd.s32 $0x1C80, v4;
	_ =	sdelay $0x3  }
0x1d1: {  	[tilespmem:v51+s15+$0x0] =	vst.idx.msk vm0, v6  }
0x1d2: {  	v53 =	vor.u32 $0x39, v5;
	v6 =	vld.idx.msk [tilespmem:v52+s14+$0x0], $0xffff  }
0x1d3: {  	v54 =	vadd.s32 $0x1D00, v4;
	_ =	sdelay $0x3  }
0x1d4: {  	[tilespmem:v53+s15+$0x0] =	vst.idx.msk vm0, v6  }
0x1d5: {  	v55 =	vor.u32 $0x3A, v5;
	v6 =	vld.idx.msk [tilespmem:v54+s14+$0x0], $0xffff  }
0x1d6: {  	v56 =	vadd.s32 $0x1D80, v4;
	_ =	sdelay $0x3  }
0x1d7: {  	[tilespmem:v55+s15+$0x0] =	vst.idx.msk vm0, v6  }
0x1d8: {  	v57 =	vor.u32 $0x3B, v5;
	v6 =	vld.idx.msk [tilespmem:v56+s14+$0x0], $0xffff  }
0x1d9: {  	v58 =	vadd.s32 $0x1E00, v4;
	_ =	sdelay $0x3  }
0x1da: {  	[tilespmem:v57+s15+$0x0] =	vst.idx.msk vm0, v6  }
0x1db: {  	v59 =	vor.u32 $0x3C, v5;
	v6 =	vld.idx.msk [tilespmem:v58+s14+$0x0], $0xffff  }
0x1dc: {  	v60 =	vadd.s32 $0x1E80, v4;
	_ =	sdelay $0x3  }
0x1dd: {  	[tilespmem:v59+s15+$0x0] =	vst.idx.msk vm0, v6  }
0x1de: {  	v61 =	vor.u32 $0x3D, v5;
	v6 =	vld.idx.msk [tilespmem:v60+s14+$0x0], $0xffff  }
0x1df: {  	v62 =	vadd.s32 $0x1F00, v4;
	_ =	sdelay $0x3  }
0x1e0: {  	[tilespmem:v61+s15+$0x0] =	vst.idx.msk vm0, v6  }
0x1e1: {  	v63 =	vor.u32 $0x3E, v5;
	v6 =	vld.idx.msk [tilespmem:v62+s14+$0x0], $0xffff  }
0x1e2: {  	v4 =	vadd.s32 $0x1F80, v4;
	_ =	sdelay $0x3  }
0x1e3: {  	[tilespmem:v63+s15+$0x0] =	vst.idx.msk vm0, v6  }
0x1e4: {  	p0 =	seq.s32 s23, $0x1;
	v5 =	vor.u32 $0x3F, v5;
	v4 =	vld.idx.msk [tilespmem:v4+s14+$0x0], $0xffff  }
.Ltmp12:
0x1e5: {  	_ = 	snop;
	(pc) =	sbr.rel @!p0 .LBB2_17-.Ltmp12, $3  }
0x1e6: {  	_ =	sdelay $0x1  }
0x1e7: {  	s24 =	sadd.s32 $0x10, s24  }
0x1e8: {  	s25 =	sadd.s32 $0x10, s25;
	s23 =	sadd.s32 $0xFFFFFFFF, s23;
	s26 =	sadd.s32 $0x10, s26;
	[tilespmem:v5+s15+$0x0] =	vst.idx.msk vm0, v4  }
.LBB2_18:
0x1e9: {  	p0 =	sle.s32 s22, s21  }
.Ltmp13:
0x1ea: {  	_ = 	snop;
	(pc) =	sbr.rel @p0 .LBB2_10-.Ltmp13, $1  }
0x1eb: {  	_ =	sdelay $0x3  }
0x1ec: {  	s24 =	sshll.u32 s21, $0x2  }
0x1ed: {  	s31 =	ssub.s32 s22, s21;
	s24 =	sshra.s32 s24, $0x2  }
0x1ee: {  	p1 =	seq.s32 s31, $0x1;
	s22 =	sadd.s32 $0x4500, s24  }
.Ltmp14:
0x1ef: {  	v2 =	vld [tilespmem:s22+$0x0];
	(pc) =	sbr.rel @p1 .LBB2_20-.Ltmp14, $4  }
0x1f0: {  	_ = 	snop  }
0x1f1: {  	s23 =	sshll.u32 s21, $0x8  }
0x1f2: {  	s25 =	sshra.s32 s23, $0x2  }
0x1f3: {  	p0 =	por $0x0, $0x0;
	s21 =	sadd.s32 $0x4C80, s25;
	s24 =	sadd.s32 $0xFFFFFFFF, s31  }
0x1f4: {  	(v2sf) =	vpush v2, $0x0;
	_ =	sdelay $0xe  }
0x1f5: {  	s23 =	spop (v2sf)  }
0x1f6: {  	s23 =	sshll.u32 s23, $0x3  }
0x1f7: {  	s23 =	sand.u32 $0x1FFFFFF8, s23  }
0x1f8: {  	s23 =	sadd.s32 s6, s23  }
0x1f9: {  	[hbm4b:s23+s4] =	stream.linear.scatter [tilespmem:s21], [sflag:$0x2], $0x40, $0x38;
	[tilespmem:$0x1EC80] =	vst v63  }
0x1fa: {  	p1 =	seq.s32 s24, $0x1;
	s23 =	sadd.s32 $0x1, s22  }
.Ltmp15:
0x1fb: {  	v2 =	vld [tilespmem:s23+$0x0];
	(pc) =	sbr.rel @p1 .LBB2_22-.Ltmp15, $2  }
0x1fc: {  	_ =	sdelay $0x2  }
0x1fd: {  	s24 =	sadd.s32 $0xFFFFFFFF, s24;
	p0 =	por $0x1, $0x1;
	s22 =	smov.u32 s21  }
.LBB2_23:
0x1fe: {  	p1 =	seq.s32 s24, $0x1;
	_ =	sdelay $0x3  }
0x1ff: {  	(v2sf) =	vpush v2, $0x0;
	_ =	sdelay $0xe  }
0x200: {  	s25 =	spop (v2sf)  }
.Ltmp16:
0x201: {  	s25 =	sshll.u32 s25, $0x3;
	(pc) =	sbr.rel @!p1 .LBB2_23-.Ltmp16, $4  }
0x202: {  	s25 =	sand.u32 $0x1FFFFFF8, s25  }
0x203: {  	s23 =	sadd.s32 $0x1, s23;
	s22 =	sadd.s32 $0x40, s22;
	s25 =	sadd.s32 s6, s25  }
0x204: {  	[hbm4b:s25+s4] =	stream.linear.scatter [tilespmem:s22], [sflag:$0x2], $0x40, $0x38;
	[tilespmem:$0x1EC80] =	vst v63  }
0x205: {  	s24 =	sadd.s32 $0xFFFFFFFF, s24;
	v2 =	vld [tilespmem:s23+$0x0]  }
.Ltmp17:
0x206: {  	_ = 	snop;
	(pc) =	sbr.rel .LBB2_24-.Ltmp17, $1  }
0x207: {  	_ =	sdelay $0x3  }
.LBB2_22:
.Ltmp18:
0x208: {  	(pc) =	sbr.rel .LBB2_24-.Ltmp18, $2  }
0x209: {  	_ =	sdelay $0x2  }
0x20a: {  	s22 =	smov.u32 s21  }
.LBB2_9:
0x20b: {  	_ =	sfence.sel $0x180000  }
0x20c: {  	[bflag:$0x0] =	sbarrier.arrive $0xFFFF  }
0x20d: {  	p0 =	sne.s32 s5, $0x0;
	_ =	strace $0x90000047  }
0x20e: {  	s0 =	sadd.s32 @!p0 $0x100000, s0;
	[bflag:$0x2] =	sbarrier.arrive $0xFFFF  }
0x20f: {  	[sflag:s0] =	ssyncadd.tile.s32 @!p0 $0x1;
	_ =	shalt  }
.Lfunc_end2:
_tile_overlayer_lowered:
.L_overlay_start_2:
0x210: {  	(tag) =	ssettag $0x2  }
0x211: {  	s0 =	rddreg [dreg:$0x0];
	s2 =	stileid.u32  }
0x212: {  	s1 =	rddreg [dreg:$0x1];
	p0 =	sne.s32 s2, $0x0  }
0x213: {  	s3 =	rddreg [dreg:$0x2];
	[bflag:$0x3] =	sbarrier.arrive $0xFFFF;
	s2 =	simm.s32 @!p0 $0x1C03  }
0x214: {  	[timem:s3], [sflag:s2] =	dma.local @!p0 [hbm:s0], s1  }
0x215: {  	s0 =	simm.s32 @!p0 $0x3  }
0x216: {  	_ =	swait.ge @!p0 [sflag:s0], s1  }
0x217: {  	s1 =	ssub.s32 @!p0 $0x0, s1;
	[sflag:s0] =	ssyncset.done @!p0 $0x0  }
0x218: {  	[sflag:s0] =	ssyncadd.s32 @!p0 s1  }
0x219: {  	[bflag:$0x3] =	sbarrier.arrive $0xFFFF  }
0x21a: {  	_ =	shalt  }

// kernel: _run.7.cloned.1.call-start
scs
__scs_entry_jumppad:
0x0: {  	(pc) =	sbr.rel $0x88, $3  }
0x1: {  	(tag) =	ssettag $0x0;
	lr =	simm.s32 $0x1  }
0x2: {  	[smem:$0x3F9B] =	sst lr;
	_ =	strace $0xD0000000  }
0x3: {  	_ = 	snop  }
0x4: {  	_ = 	snop  }
0x5: {  	_ = 	snop  }
0x6: {  	_ = 	snop  }
0x7: {  	_ = 	snop  }
__scs_overlays_trampoline_lowered:
0x8: {  	[smem:$0x3FAA] =	sst s0  }
0x9: {  	[smem:$0x3FAB] =	sst s1  }
0xa: {  	[smem:$0x3FAC] =	sst s2  }
0xb: {  	[smem:$0x3FAD] =	sst s3  }
0xc: {  	[smem:$0x3FAE] =	sst s4  }
0xd: {  	[smem:$0x3FAF] =	sst s5  }
0xe: {  	[smem:$0x3FB0] =	sst s6  }
0xf: {  	[smem:$0x3FB1] =	sst s7  }
0x10: {  	[smem:$0x3FB2] =	sst s8  }
0x11: {  	[smem:$0x3FB3] =	sst s9;
	s0 =	simm.s32 @!p0 $0x0  }
0x12: {  	s1 =	sld [smem:$0x3F99];
	s0 =	simm.s32 @p0 $0x1  }
0x13: {  	[smem:$0x3FB4] =	sst s0;
	s0 =	simm.s32 @!p1 $0x0  }
0x14: {  	s2 =	sld [smem:$0x3F98];
	s0 =	simm.s32 @p1 $0x1  }
0x15: {  	[smem:$0x3FB5] =	sst s0;
	s0 =	simm.s32 @!p2 $0x0  }
0x16: {  	s3 =	sld [smem:$0x3FDB];
	s0 =	simm.s32 @p2 $0x1  }
0x17: {  	s4 =	simm.s32 $0x1BF5;
	[smem:$0x3FB7] =	sst s0  }
0x18: {  	s0 =	sld [smem:$0x3F9A];
	_ =	swait.ge [sflag:s4], $0x0  }
0x19: {  	s7 =	sld [smem:$0x3F9B]  }
0x1a: {  	s8 =	sadd.s32 $0xFFFFE003, lr  }
0x1b: {  	s9 =	sadd.s32 $0xFFFFFEF7, lr;
	s5 =	simm.s32 $0xFFFFFFFF;
	p2 =	slt.u32 s8, $0xFFFFF086  }
0x1c: {  	p1 =	slt.u32 s9, $0xF7A;
	s5 =	simm.s32 @!p2 $0x0  }
0x1d: {  	s5 =	simm.s32 @p1 $0x1;
	p0 =	seq.s32 s7, s2  }
0x1e: {  	s7 =	smul.u32 @!p0 $0xF7A, s2;
	p2 =	seq.s32 @!p0 s5, $0x0  }
0x1f: {  	s9 =	smul.u32 $0xF7A, s1;
	s8 =	simm.s32 @!p0 $0x1BF5;
	p2 =	por !p2, p0  }
0x20: {  	[sflag:s8] =	ssyncset.s32 @!p0 $0xFFFFF086;
	s6 =	sadd.s32 @!p0 s3, s7;
	s7 =	simm.s32 @!p0 $0x108  }
0x21: {  	s3 =	sadd.s32 s3, s9;
	s6 =	sadd.s32 @!p0 $0x88, s6;
	s7 =	simm.s32 @p2 $0x1082  }
0x22: {  	[simem:s7], [sflag:s8] =	dma.local @!p0 [hbm:s6], $0xF7A  }
0x23: {  	s9 =	sor.u32 $0xD0000000, s2;
	s6 =	simm.s32 $0x108;
	_ =	swait.ge @!p0 [sflag:s8], $0x0  }
0x24: {  	s3 =	sadd.s32 $0x88, s3;
	s6 =	simm.s32 @!p1 $0x1082;
	[sflag:s4] =	ssyncset.s32 $0xFFFFF086  }
0x25: {  	[simem:s6], [sflag:s4] =	dma.local [hbm:s3], $0xF7A  }
0x26: {  	[smem:$0x3F9B] =	sst s1;
	(tag) =	ssettag s2;
	_ =	strace s9  }
0x27: {  	s1 =	sld [smem:$0x3FAB]  }
0x28: {  	s2 =	sld [smem:$0x3FAC]  }
0x29: {  	s4 =	sld [smem:$0x3FAE]  }
0x2a: {  	p0 =	seq.s32 s5, $0x0;
	s5 =	sld [smem:$0x3FAF]  }
0x2b: {  	s6 =	sld [smem:$0x3FB0]  }
0x2c: {  	s7 =	sld [smem:$0x3FB1]  }
0x2d: {  	s3 =	simm.s32 $0x108;
	s8 =	sld [smem:$0x3FB2]  }
0x2e: {  	s3 =	simm.s32 @!p0 $0x1082;
	s9 =	sld [smem:$0x3FB3]  }
0x2f: {  	lr =	sadd.s32 s0, s3;
	s0 =	sld [smem:$0x3FAA]  }
0x30: {  	s3 =	sld [smem:$0x3FAD]  }
0x31: {  	[smem:$0x3FB6] =	sst s10  }
0x32: {  	s10 =	sld [smem:$0x3FB4];
	_ =	sdelay $0x3  }
0x33: {  	p0 =	seq.s32 s10, $0x1;
	s10 =	sld [smem:$0x3FB6];
	_ =	sdelay $0x3  }
0x34: {  	[smem:$0x3FB6] =	sst s10  }
0x35: {  	s10 =	sld [smem:$0x3FB5];
	_ =	sdelay $0x3  }
0x36: {  	p1 =	seq.s32 s10, $0x1;
	s10 =	sld [smem:$0x3FB6];
	_ =	sdelay $0x3  }
0x37: {  	[smem:$0x3FB6] =	sst s10  }
0x38: {  	s10 =	sld [smem:$0x3FB7]  }
0x39: {  	_ = 	snop;
	(pc) =	sbr.ind lr, $3  }
0x3a: {  	_ = 	snop  }
0x3b: {  	_ = 	snop  }
0x3c: {  	p2 =	seq.s32 s10, $0x1;
	s10 =	sld [smem:$0x3FB6]  }
0x3d: {  	_ =	shalt  }
0x3e: {  	_ =	shalt  }
0x3f: {  	_ =	shalt  }
0x40: {  	_ =	shalt  }
0x41: {  	_ =	shalt  }
0x42: {  	_ =	shalt  }
0x43: {  	_ =	shalt  }
0x44: {  	_ =	shalt  }
0x45: {  	_ =	shalt  }
0x46: {  	_ =	shalt  }
0x47: {  	_ =	shalt  }
0x48: {  	_ =	shalt  }
0x49: {  	_ =	shalt  }
0x4a: {  	_ =	shalt  }
0x4b: {  	_ =	shalt  }
0x4c: {  	_ =	shalt  }
0x4d: {  	_ =	shalt  }
0x4e: {  	_ =	shalt  }
0x4f: {  	_ =	shalt  }
0x50: {  	_ =	shalt  }
0x51: {  	_ =	shalt  }
0x52: {  	_ =	shalt  }
0x53: {  	_ =	shalt  }
0x54: {  	_ =	shalt  }
0x55: {  	_ =	shalt  }
0x56: {  	_ =	shalt  }
0x57: {  	_ =	shalt  }
0x58: {  	_ =	shalt  }
0x59: {  	_ =	shalt  }
0x5a: {  	_ =	shalt  }
0x5b: {  	_ =	shalt  }
0x5c: {  	_ =	shalt  }
0x5d: {  	_ =	shalt  }
0x5e: {  	_ =	shalt  }
0x5f: {  	_ =	shalt  }
0x60: {  	_ =	shalt  }
0x61: {  	_ =	shalt  }
0x62: {  	_ =	shalt  }
0x63: {  	_ =	shalt  }
0x64: {  	_ =	shalt  }
0x65: {  	_ =	shalt  }
0x66: {  	_ =	shalt  }
0x67: {  	_ =	shalt  }
0x68: {  	_ =	shalt  }
0x69: {  	_ =	shalt  }
0x6a: {  	_ =	shalt  }
0x6b: {  	_ =	shalt  }
0x6c: {  	_ =	shalt  }
0x6d: {  	_ =	shalt  }
0x6e: {  	_ =	shalt  }
0x6f: {  	_ =	shalt  }
0x70: {  	_ =	shalt  }
0x71: {  	_ =	shalt  }
0x72: {  	_ =	shalt  }
0x73: {  	_ =	shalt  }
0x74: {  	_ =	shalt  }
0x75: {  	_ =	shalt  }
0x76: {  	_ =	shalt  }
0x77: {  	_ =	shalt  }
0x78: {  	_ =	shalt  }
0x79: {  	_ =	shalt  }
0x7a: {  	_ =	shalt  }
0x7b: {  	_ =	shalt  }
0x7c: {  	_ =	shalt  }
0x7d: {  	_ =	shalt  }
0x7e: {  	_ =	shalt  }
0x7f: {  	_ =	shalt  }
0x80: {  	_ =	shalt  }
0x81: {  	_ =	shalt  }
0x82: {  	_ =	shalt  }
0x83: {  	_ =	shalt  }
0x84: {  	_ =	shalt  }
0x85: {  	_ =	shalt  }
0x86: {  	_ =	shalt  }
0x87: {  	_ =	shalt  }
.Lfunc_end0:
.L_simem_size_0:
called_computation.1_lowered:
.L_overlay_start_0:
0x88: {  	s2 =	sld [smem:$0x3FD9]  }
0x89: {  	s3 =	sld [smem:$0x3FFE];
	_ =	sdelay $0x1  }
0x8a: {  	s1 =	srdreg.scid  }
0x8b: {  	s0 =	sand.u32 $0x1, s1  }
0x8c: {  	s17 =	sshll.u32 s0, $0xA;
	s2 =	sadd.s32 s3, s2  }
0x8d: {  	s2 =	sadd.s32 s2, s17  }
0x8e: {  	[smem:$0x3FC2] =	sst s2  }
0x8f: {  	_ = 	snop  }
0x90: {  	s2 =	sld [smem:$0x3FC7]  }
0x91: {  	s18 =	sld [smem:$0x3FD0];
	(tm) =	ssettm $0x1  }
0x92: {  	s4 =	sld [smem:$0x3FFB];
	_ =	sdelay $0x3  }
0x93: {  	_ =	strace s4  }
0x94: {  	s4 =	sld [smem:$0x3FFC];
	_ =	sdelay $0x3  }
0x95: {  	_ =	strace s4  }
0x96: {  	s4 =	sld [smem:$0x3FFD];
	_ =	sdelay $0x3  }
0x97: {  	_ =	strace s4  }
0x98: {  	_ =	strace $0x8FFFFFFF  }
0x99: {  	s19 =	sld [smem:$0x3FDB];
	_ =	sdelay $0x1  }
0x9a: {  	s5 =	simm.s32 $_scs_section_size  }
0x9b: {  	s6 =	simm.s32 $_size__tile_overlayer_lowered;
	s7 =	simm.s32 $_tile_overlayer_lowered  }
0x9c: {  	s22 =	simm.s32 $0x1BFF;
	s21 =	sshll.u32 s7, $0x1;
	s4 =	sadd.s32 s5, s19  }
0x9d: {  	s8 =	simm.s32 $0x0;
	s20 =	sshll.u32 s6, $0x1;
	s6 =	sadd.s32 s21, s4  }
0x9e: {  	[timem:s8], [sflag:s22] =	dma.local [hbm:s6], s20  }
0x9f: {  	_ =	swait.ge [sflag:s22], s20  }
0xa0: {  	s5 =	ssub.s32 $0x0, s20;
	[sflag:s22] =	ssyncset.done $0x0  }
0xa1: {  	[sflag:s22] =	ssyncadd.s32 s5;
	_ =	sdelay $0x1  }
0xa2: {  	s23 =	simm.s32 $0x1B8B  }
0xa3: {  	_ =	swait.ge [sflag:s23], $0x1  }
0xa4: {  	[sflag:s23] =	ssyncset.done $0x0  }
0xa5: {  	s25 =	simm.s32 $0x1B8E;
	s24 =	sld [smem:$0x3FFE];
	[sflag:s23] =	ssyncadd.s32 $0xFFFFFFFF  }
0xa6: {  	s26 =	simm.s32 $execute0_lowered;
	[smem:$0x3FD2] =	sst s25  }
0xa7: {  	s6 =	sshll.u32 s26, $0x1;
	_ =	strace $0x80000049;
	[dreg:$0x1] =	wrdreg $0xFFFFFFFF  }
0xa8: {  	s28 =	simm.s32 $_size_execute0_lowered;
	s4 =	sadd.s32 s4, s6;
	[dreg:$0x0] =	wrdreg $0x0  }
0xa9: {  	s6 =	sshll.u32 s28, $0x1;
	[dreg:$0x2] =	wrdreg s4  }
0xaa: {  	[dreg:$0x3] =	wrdreg s6  }
0xab: {  	[dreg:$0x4] =	wrdreg $0xC0  }
0xac: {  	_ =	task [dreg:s8], $0x5FFFF  }
0xad: {  	[dreg:$0x1] =	wrdreg $0xFFFFFFFF  }
0xae: {  	[dreg:$0x0] =	wrdreg $0x60  }
0xaf: {  	[dreg:$0x2] =	wrdreg s2  }
0xb0: {  	[dreg:$0x3] =	wrdreg s24  }
0xb1: {  	[dreg:$0x4] =	wrdreg s18  }
0xb2: {  	[dreg:$0x5] =	wrdreg $0x9  }
0xb3: {  	_ =	task.clear_ibuf [dreg:s8], $0x6FFFF;
	_ =	strace $0x90000049  }
0xb4: {  	s29 =	simm.s32 $0x9;
	_ =	strace $0x8000004B  }
0xb5: {  	_ =	swait.ge [sflag:s29], $0x1  }
0xb6: {  	[sflag:s29] =	ssyncadd.s32 $0xFFFFFFFF  }
0xb7: {  	_ =	strace $0x9000004B  }
0xb8: {  	_ =	sfence  }
0xb9: {  	s30 =	sld [smem:$0x0];
	_ =	sdelay $0x2  }
0xba: {  	s31 =	sshll.u32 s1, $0xD;
	s1 =	sshrl.u32 s1, $0x2  }
0xbb: {  	s3 =	sand.u32 $0x4000, s31;
	s1 =	sadd.s32 s1, s30  }
0xbc: {  	s0 =	sor.u32 s3, s0;
	s1 =	sshll.u32 s1, $0x11  }
0xbd: {  	s0 =	sor.u32 s1, s0  }
0xbe: {  	s0 =	sadd.s32 $0x8F2B, s0  }
0xbf: {  	[sflag:s0] =	ssyncadd.remote.s32 $0x1  }
0xc0: {  	_ =	sfence.sel $0xFFFF  }
0xc1: {  	[dreg:$0x0] =	wrdreg $0xFFFFFFFF;
	(pc) =	sbr.abs _section_cstart, $3  }
0xc2: {  	[dreg:$0x1] =	wrdreg $0xFFFFFFFF  }
0xc3: {  	_ =	task.clear_ibuf [dreg:s8], $0x2FFFF;
	_ =	strace $0x9FFFFFFF  }
0xc4: {  	(tm) =	ssettm $0x7FFFFFFF  }
0xc5: {  	_ =	shalt  }
tec
execute0_lowered:
.L_overlay_start_1:
0x0: {  	(tag) =	ssettag $0x1  }
0x1: {  	s4 =	rddreg [dreg:$0x0]  }
0x2: {  	s5 =	rddreg [dreg:$0x1]  }
0x3: {  	s6 =	rddreg [dreg:$0x2]  }
0x4: {  	s0 =	rddreg [dreg:$0x3];
	s2 =	simm.s32 $0x0;
	s3 =	srdreg.scid  }
0x5: {  	s1 =	stileid.u32;
	s10 =	simm.s32 $0x80;
	s11 =	simm.s32 $0x200  }
0x6: {  	s12 =	simm.s32 $0x2200;
	s13 =	simm.s32 $0x100;
	s14 =	simm.s32 $0x4200  }
0x7: {  	s15 =	simm.s32 $0x180;
	s16 =	simm.s32 $0x6200;
	s17 =	simm.s32 $0x1  }
0x8: {  	s18 =	simm.s32 $0x2;
	s19 =	simm.s32 $0x10200;
	s20 =	simm.s32 $0x0  }
0x9: {  	[smem:$0x7FF] =	sst s2;
	s7 =	sand.u32 $0x1, s3;
	s30 =	sshll.u32 s1, $0x1  }
0xa: {  	s3 =	sadd.s32 $0x1A7400, s5;
	s8 =	sor.u32 s7, s30;
	s7 =	ssub.s32 $0x2, s7  }
0xb: {  	v0 =	vlaneseq.u32;
	_ =	strace $0x8000004A;
	s9 =	sshll.u32 s8, $0xC;
	s31 =	sshrl.u32 s7, $0x1  }
0xc: {  	v0 =	vmul.u32 $0x40, v0;
	s8 =	sshll.u32 s8, $0x6;
	s5 =	sadd.s32 s9, s5;
	s7 =	ssub.s32 s7, s31  }
0xd: {  	s4 =	sadd.s32 s4, s8;
	s6 =	sadd.s32 s6, s8;
	s8 =	simm.s32 $0x3  }
0xe: {  	[tilespmem:$0x1FFF0] =	vst v0;
	s9 =	simm.s32 $0x8200;
	s5 =	sadd.s32 $0xA00, s5;
	s7 =	smax.u32 s7, $0x1  }
.LBB2_1:
0xf: {  	[tilespmem:s2], [sflag:$0x3] =	stream.linear.gather [hbm4b:s4+s2], $0x200, $0x38;
	[tilespmem:$0x10400] =	vst v63  }
0x10: {  	_ =	swait.ge [sflag:s8], $0x200  }
0x11: {  	[sflag:s8] =	ssyncset.done $0x0  }
0x12: {  	[sflag:s8] =	ssyncadd.s32 $0xFFFFFE00  }
0x13: {  	[tilespmem:s9], [sflag:$0x2] =	stream.linear.gather [hbm4b:s5+s2], $0x8000, $0x38;
	[tilespmem:$0x10400] =	vst v63  }
0x14: {  	_ = 	snop  }
0x15: {  	[tilespmem:s11], [sflag:$0x1] =	stream.indirect.gather [hbm4b:s3+s10], $0x40, s2, s10, $0xb8;
	[tilespmem:$0x10400] =	vst v63  }
0x16: {  	_ = 	snop  }
0x17: {  	[tilespmem:s12], [sflag:$0x1] =	stream.indirect.gather [hbm4b:s3+s10], $0x40, s10, s10, $0xb8;
	[tilespmem:$0x10400] =	vst v63  }
0x18: {  	_ = 	snop  }
0x19: {  	[tilespmem:s14], [sflag:$0x1] =	stream.indirect.gather [hbm4b:s3+s10], $0x40, s13, s10, $0xb8;
	[tilespmem:$0x10400] =	vst v63  }
0x1a: {  	_ = 	snop  }
0x1b: {  	[tilespmem:s16], [sflag:$0x1] =	stream.indirect.gather [hbm4b:s3+s10], $0x40, s15, s10, $0xb8;
	[tilespmem:$0x10400] =	vst v63  }
0x1c: {  	_ =	swait.ge [sflag:s17], $0x2000  }
0x1d: {  	[sflag:s17] =	ssyncset.done $0x0  }
0x1e: {  	[sflag:s17] =	ssyncadd.s32 $0xFFFFE000  }
0x1f: {  	_ =	swait.ge [sflag:s17], $0x2000  }
0x20: {  	[sflag:s17] =	ssyncset.done $0x0  }
0x21: {  	[sflag:s17] =	ssyncadd.s32 $0xFFFFE000  }
0x22: {  	_ =	swait.ge [sflag:s17], $0x2000  }
0x23: {  	v1 =	vmov s2;
	[sflag:s17] =	ssyncset.done $0x0  }
0x24: {  	v1 =	vshll.u32 v1, $0x6;
	[sflag:s17] =	ssyncadd.s32 $0xFFFFE000  }
0x25: {  	v7 =	vor.u32 v0, v1;
	_ =	swait.ge [sflag:s17], $0x2000  }
0x26: {  	v2 =	vor.u32 $0x3E, v7;
	[sflag:s17] =	ssyncset.done $0x0  }
0x27: {  	[sflag:s17] =	ssyncadd.s32 $0xFFFFE000  }
0x28: {  	v4 =	vor.u32 $0x3C, v7;
	_ =	swait.ge [sflag:s18], $0x8000  }
0x29: {  	[sflag:s18] =	ssyncset.done $0x0  }
0x2a: {  	v6 =	vor.u32 $0x3A, v7;
	[sflag:s18] =	ssyncadd.s32 $0xFFFF8000  }
0x2b: {  	v50 =	vld.idx.msk [tilespmem:v2+s9+$0x0], $0xffff  }
0x2c: {  	v9 =	vor.u32 $0x38, v7;
	v51 =	vld.idx.msk [tilespmem:v2+s11+$0x0], $0xffff  }
0x2d: {  	v52 =	vld.idx.msk [tilespmem:v4+s9+$0x0], $0xffff  }
0x2e: {  	v11 =	vor.u32 $0x36, v7;
	v53 =	vld.idx.msk [tilespmem:v4+s11+$0x0], $0xffff  }
0x2f: {  	v54 =	vld.idx.msk [tilespmem:v6+s9+$0x0], $0xffff  }
0x30: {  	v13 =	vor.u32 $0x34, v7;
	v55 =	vld.idx.msk [tilespmem:v6+s11+$0x0], $0xffff  }
0x31: {  	v56 =	vld.idx.msk [tilespmem:v9+s9+$0x0], $0xffff  }
0x32: {  	v15 =	vor.u32 $0x32, v7;
	v57 =	vld.idx.msk [tilespmem:v9+s11+$0x0], $0xffff  }
0x33: {  	v58 =	vld.idx.msk [tilespmem:v11+s9+$0x0], $0xffff  }
0x34: {  	v17 =	vor.u32 $0x30, v7;
	v59 =	vld.idx.msk [tilespmem:v11+s11+$0x0], $0xffff  }
0x35: {  	v60 =	vld.idx.msk [tilespmem:v13+s9+$0x0], $0xffff  }
0x36: {  	v19 =	vor.u32 $0x2E, v7;
	v13 =	vld.idx.msk [tilespmem:v13+s11+$0x0], $0xffff  }
0x37: {  	v14 =	vld.idx.msk [tilespmem:v15+s9+$0x0], $0xffff  }
0x38: {  	v21 =	vor.u32 $0x2C, v7;
	v15 =	vld.idx.msk [tilespmem:v15+s11+$0x0], $0xffff  }
0x39: {  	v16 =	vld.idx.msk [tilespmem:v17+s9+$0x0], $0xffff  }
0x3a: {  	v23 =	vor.u32 $0x2A, v7;
	v17 =	vld.idx.msk [tilespmem:v17+s11+$0x0], $0xffff  }
0x3b: {  	v18 =	vld.idx.msk [tilespmem:v19+s9+$0x0], $0xffff  }
0x3c: {  	v25 =	vor.u32 $0x28, v7;
	v19 =	vld.idx.msk [tilespmem:v19+s11+$0x0], $0xffff  }
0x3d: {  	v20 =	vld.idx.msk [tilespmem:v21+s9+$0x0], $0xffff  }
0x3e: {  	v27 =	vor.u32 $0x26, v7;
	v21 =	vld.idx.msk [tilespmem:v21+s11+$0x0], $0xffff  }
0x3f: {  	v22 =	vld.idx.msk [tilespmem:v23+s9+$0x0], $0xffff  }
0x40: {  	v29 =	vor.u32 $0x24, v7;
	v23 =	vld.idx.msk [tilespmem:v23+s11+$0x0], $0xffff  }
0x41: {  	v24 =	vld.idx.msk [tilespmem:v25+s9+$0x0], $0xffff  }
0x42: {  	v31 =	vor.u32 $0x22, v7;
	v25 =	vld.idx.msk [tilespmem:v25+s11+$0x0], $0xffff  }
0x43: {  	v26 =	vld.idx.msk [tilespmem:v27+s9+$0x0], $0xffff  }
0x44: {  	v33 =	vor.u32 $0x20, v7;
	v27 =	vld.idx.msk [tilespmem:v27+s11+$0x0], $0xffff  }
0x45: {  	v28 =	vld.idx.msk [tilespmem:v29+s9+$0x0], $0xffff  }
0x46: {  	v35 =	vor.u32 $0x1E, v7;
	v29 =	vld.idx.msk [tilespmem:v29+s11+$0x0], $0xffff  }
0x47: {  	v30 =	vld.idx.msk [tilespmem:v31+s9+$0x0], $0xffff  }
0x48: {  	v37 =	vor.u32 $0x1C, v7;
	v31 =	vld.idx.msk [tilespmem:v31+s11+$0x0], $0xffff  }
0x49: {  	v32 =	vld.idx.msk [tilespmem:v33+s9+$0x0], $0xffff  }
0x4a: {  	v39 =	vor.u32 $0x1A, v7;
	v33 =	vld.idx.msk [tilespmem:v33+s11+$0x0], $0xffff  }
0x4b: {  	v34 =	vld.idx.msk [tilespmem:v35+s9+$0x0], $0xffff  }
0x4c: {  	v41 =	vor.u32 $0x18, v7;
	v35 =	vld.idx.msk [tilespmem:v35+s11+$0x0], $0xffff  }
0x4d: {  	v36 =	vld.idx.msk [tilespmem:v37+s9+$0x0], $0xffff  }
0x4e: {  	v42 =	vor.u32 $0x16, v7;
	v37 =	vld.idx.msk [tilespmem:v37+s11+$0x0], $0xffff  }
0x4f: {  	v38 =	vld.idx.msk [tilespmem:v39+s9+$0x0], $0xffff  }
0x50: {  	v43 =	vor.u32 $0x14, v7;
	v39 =	vld.idx.msk [tilespmem:v39+s11+$0x0], $0xffff  }
0x51: {  	v40 =	vld.idx.msk [tilespmem:v41+s9+$0x0], $0xffff  }
0x52: {  	v44 =	vor.u32 $0x12, v7;
	v41 =	vld.idx.msk [tilespmem:v41+s11+$0x0], $0xffff  }
0x53: {  	v45 =	vld.idx.msk [tilespmem:v42+s9+$0x0], $0xffff  }
0x54: {  	v62 =	vor.u32 $0x1, v7;
	v42 =	vld.idx.msk [tilespmem:v42+s11+$0x0], $0xffff  }
0x55: {  	v47 =	vld.idx.msk [tilespmem:v43+s9+$0x0], $0xffff  }
0x56: {  	v43 =	vld.idx.msk [tilespmem:v43+s11+$0x0], $0xffff  }
0x57: {  	v49 =	vld.idx.msk [tilespmem:v44+s9+$0x0], $0xffff  }
0x58: {  	v1 =	vor.u32 $0x3, v7;
	v44 =	vld.idx.msk [tilespmem:v44+s11+$0x0], $0xffff  }
0x59: {  	v9 =	vld.idx.msk [tilespmem:v62+s9+$0x0], $0xffff  }
0x5a: {  	v46 =	vor.u32 $0x10, v7;
	v62 =	vld.idx.msk [tilespmem:v62+s11+$0x0], $0xffff  }
0x5b: {  	v5 =	vld.idx.msk [tilespmem:v7+s11+$0x0], $0xffff  }
0x5c: {  	v48 =	vor.u32 $0xE, v7;
	v4 =	vld.idx.msk [tilespmem:v7+s9+$0x0], $0xffff  }
0x5d: {  	v8 =	vld.idx.msk [tilespmem:v1+s9+$0x0], $0xffff  }
0x5e: {  	v2 =	vor.u32 $0x5, v7;
	v6 =	vld.idx.msk [tilespmem:v1+s11+$0x0], $0xffff  }
0x5f: {  	[tilespmem:$0x1FF30] =	vst v51;
	v51 =	vld.idx.msk [tilespmem:v46+s9+$0x0], $0xffff  }
0x60: {  	v3 =	vor.u32 $0x7, v7;
	v46 =	vld.idx.msk [tilespmem:v46+s11+$0x0], $0xffff  }
0x61: {  	[tilespmem:$0x1FF10] =	vst v53;
	v53 =	vld.idx.msk [tilespmem:v48+s9+$0x0], $0xffff  }
0x62: {  	v1 =	vor.u32 $0x9, v7;
	v48 =	vld.idx.msk [tilespmem:v48+s11+$0x0], $0xffff  }
0x63: {  	v11 =	vld.idx.msk [tilespmem:v2+s9+$0x0], $0xffff  }
0x64: {  	[tilespmem:$0x1FF20] =	vst v50;
	v50 =	vor.u32 $0xC, v7;
	v10 =	vld.idx.msk [tilespmem:v2+s11+$0x0], $0xffff  }
0x65: {  	v4 =	vmul.f32 v5, v4;
	v5 =	vmul.f32 v62, v9;
	v9 =	vld.idx.msk [tilespmem:v3+s9+$0x0], $0xffff  }
0x66: {  	[tilespmem:$0x1FF00] =	vst v52;
	v52 =	vor.u32 $0xA, v7;
	v3 =	vld.idx.msk [tilespmem:v3+s11+$0x0], $0xffff  }
0x67: {  	[tilespmem:$0x1FEF0] =	vst v55;
	v6 =	vmul.f32 v6, v8;
	v8 =	vld.idx.msk [tilespmem:v1+s9+$0x0], $0xffff  }
0x68: {  	[tilespmem:$0x1FEA0] =	vst v58;
	v58 =	vor.u32 $0x4, v7;
	v1 =	vld.idx.msk [tilespmem:v1+s11+$0x0], $0xffff  }
0x69: {  	[tilespmem:$0x1FE90] =	vst v60;
	v60 =	vor.u32 $0x2, v7;
	v55 =	vld.idx.msk [tilespmem:v50+s9+$0x0], $0xffff  }
0x6a: {  	v50 =	vld.idx.msk [tilespmem:v50+s11+$0x0], $0xffff  }
0x6b: {  	[tilespmem:$0x1FED0] =	vst v57;
	v57 =	vld.idx.msk [tilespmem:v52+s9+$0x0], $0xffff  }
0x6c: {  	[tilespmem:$0x1FEE0] =	vst v54;
	v54 =	vor.u32 $0x8, v7;
	v52 =	vld.idx.msk [tilespmem:v52+s11+$0x0], $0xffff  }
0x6d: {  	v63 =	vld.idx.msk [tilespmem:v58+s9+$0x0], $0xffff  }
0x6e: {  	[tilespmem:$0x1FEC0] =	vst v56;
	v56 =	vor.u32 $0x6, v7;
	v12 =	vld.idx.msk [tilespmem:v60+s9+$0x0], $0xffff  }
0x6f: {  	v60 =	vld.idx.msk [tilespmem:v60+s11+$0x0], $0xffff  }
0x70: {  	v2 =	vor.u32 $0xB, v7;
	v58 =	vld.idx.msk [tilespmem:v58+s11+$0x0], $0xffff  }
0x71: {  	[tilespmem:$0x1FEB0] =	vst v59;
	v5 =	vadd.f32 $0.0e+00, v5;
	v59 =	vld.idx.msk [tilespmem:v54+s9+$0x0], $0xffff  }
0x72: {  	v62 =	vor.u32 $0xF, v7;
	v54 =	vld.idx.msk [tilespmem:v54+s11+$0x0], $0xffff  }
0x73: {  	v4 =	vadd.f32 $0.0e+00, v4;
	v5 =	vadd.f32 v6, v5;
	v61 =	vld.idx.msk [tilespmem:v56+s9+$0x0], $0xffff;
	v6 =	vmul.f32 v10, v11  }
0x74: {  	v56 =	vld.idx.msk [tilespmem:v56+s11+$0x0], $0xffff;
	v3 =	vmul.f32 v3, v9;
	v12 =	vmul.f32 v60, v12;
	v60 =	vor.u32 $0xD, v7  }
0x75: {  	v10 =	vld.idx.msk [tilespmem:v2+s9+$0x0], $0xffff;
	v1 =	vmul.f32 v1, v8;
	v5 =	vadd.f32 v6, v5;
	v58 =	vmul.f32 v58, v63  }
0x76: {  	v2 =	vld.idx.msk [tilespmem:v2+s11+$0x0], $0xffff;
	v8 =	vmul.f32 v52, v57;
	v57 =	vor.u32 $0x1B, v7;
	v4 =	vadd.f32 v12, v4  }
0x77: {  	v3 =	vadd.f32 v3, v5;
	v5 =	vld.idx.msk [tilespmem:v62+s9+$0x0], $0xffff;
	v12 =	vor.u32 $0x11, v7  }
0x78: {  	v4 =	vadd.f32 v58, v4;
	v58 =	vld.idx.msk [tilespmem:v62+s11+$0x0], $0xffff  }
0x79: {  	v11 =	vmul.f32 v56, v61;
	v6 =	vld.idx.msk [tilespmem:v60+s9+$0x0], $0xffff  }
0x7a: {  	v61 =	vmul.f32 v54, v59;
	v59 =	vor.u32 $0x15, v7;
	v63 =	vld.idx.msk [tilespmem:v60+s11+$0x0], $0xffff  }
0x7b: {  	v4 =	vadd.f32 v11, v4;
	v11 =	vld.idx.msk [tilespmem:v57+s11+$0x0], $0xffff  }
0x7c: {  	v56 =	vor.u32 $0x13, v7;
	v60 =	vld.idx.msk [tilespmem:v12+s9+$0x0], $0xffff  }
0x7d: {  	v62 =	vld.idx.msk [tilespmem:v12+s11+$0x0], $0xffff  }
0x7e: {  	v12 =	vor.u32 $0x17, v7;
	v4 =	vadd.f32 v61, v4;
	v61 =	vmul.f32 v50, v55;
	v50 =	vld.idx.msk [tilespmem:v57+s9+$0x0], $0xffff  }
0x7f: {  	v55 =	vmul.f32 v58, v5;
	v5 =	vld.idx.msk [tilespmem:v59+s9+$0x0], $0xffff  }
0x80: {  	v57 =	vor.u32 $0x25, v7;
	v58 =	vld.idx.msk [tilespmem:v59+s11+$0x0], $0xffff;
	v4 =	vadd.f32 v8, v4  }
0x81: {  	v2 =	vmul.f32 v2, v10;
	v54 =	vld.idx.msk [tilespmem:v56+s11+$0x0], $0xffff;
	v8 =	vmul.f32 v48, v53;
	v53 =	vor.u32 $0x19, v7  }
0x82: {  	v1 =	vadd.f32 v1, v3;
	v63 =	vmul.f32 v63, v6;
	v6 =	vld.idx.msk [tilespmem:v56+s9+$0x0], $0xffff;
	v4 =	vadd.f32 v61, v4  }
0x83: {  	v59 =	vmul.f32 v62, v60;
	v60 =	vor.u32 $0x1D, v7;
	v61 =	vld.idx.msk [tilespmem:v12+s11+$0x0], $0xffff  }
0x84: {  	v1 =	vadd.f32 v2, v1;
	v4 =	vadd.f32 v8, v4;
	v8 =	vld.idx.msk [tilespmem:v12+s9+$0x0], $0xffff  }
0x85: {  	v56 =	vmul.f32 v46, v51;
	v9 =	vld.idx.msk [tilespmem:v57+s11+$0x0], $0xffff;
	v51 =	vmul.f32 v58, v5;
	v5 =	vor.u32 $0x21, v7  }
0x86: {  	v1 =	vadd.f32 v63, v1;
	v12 =	vmul.f32 v44, v49;
	v62 =	vld.idx.msk [tilespmem:v53+s9+$0x0], $0xffff  }
0x87: {  	v63 =	vmul.f32 v54, v6;
	v6 =	vor.u32 $0x1F, v7;
	v49 =	vld.idx.msk [tilespmem:v53+s11+$0x0], $0xffff;
	v4 =	vadd.f32 v56, v4  }
0x88: {  	v43 =	vmul.f32 v43, v47;
	v52 =	vld.idx.msk [tilespmem:v60+s9+$0x0], $0xffff  }
0x89: {  	v3 =	vld.idx.msk [tilespmem:v60+s11+$0x0], $0xffff;
	v4 =	vadd.f32 v12, v4;
	v53 =	vmul.f32 v61, v8;
	v8 =	vor.u32 $0x23, v7  }
0x8a: {  	v1 =	vadd.f32 v55, v1;
	v58 =	vld.idx.msk [tilespmem:v5+s9+$0x0], $0xffff  }
0x8b: {  	v12 =	vmul.f32 v42, v45;
	v5 =	vld.idx.msk [tilespmem:v5+s11+$0x0], $0xffff;
	v4 =	vadd.f32 v43, v4  }
0x8c: {  	v1 =	vadd.f32 v59, v1;
	v55 =	vld.idx.msk [tilespmem:v6+s9+$0x0], $0xffff  }
0x8d: {  	v54 =	vmul.f32 v41, v40;
	v60 =	vor.u32 $0x27, v7;
	v6 =	vld.idx.msk [tilespmem:v6+s11+$0x0], $0xffff;
	v4 =	vadd.f32 v12, v4  }
0x8e: {  	v1 =	vadd.f32 v63, v1;
	v61 =	vmul.f32 v37, v36;
	v56 =	vmul.f32 v49, v62;
	v62 =	vld.idx.msk [tilespmem:v8+s9+$0x0], $0xffff  }
0x8f: {  	v37 =	vor.u32 $0x29, v7;
	v12 =	vmul.f32 v39, v38;
	v4 =	vadd.f32 v54, v4;
	v8 =	vld.idx.msk [tilespmem:v8+s11+$0x0], $0xffff  }
0x90: {  	v59 =	vmul.f32 v11, v50;
	v50 =	vor.u32 $0x33, v7;
	v36 =	vld [tilespmem:$0x1FED0]  }
0x91: {  	v1 =	vadd.f32 v51, v1;
	v39 =	vld.idx.msk [tilespmem:v57+s9+$0x0], $0xffff;
	v4 =	vadd.f32 v12, v4  }
0x92: {  	v46 =	vmul.f32 v29, v28;
	v43 =	vld.idx.msk [tilespmem:v60+s9+$0x0], $0xffff;
	v41 =	vmul.f32 v6, v55;
	v6 =	vor.u32 $0x2B, v7  }
0x93: {  	v1 =	vadd.f32 v53, v1;
	v10 =	vld.idx.msk [tilespmem:v60+s11+$0x0], $0xffff;
	v12 =	vmul.f32 v35, v34;
	v4 =	vadd.f32 v61, v4  }
0x94: {  	v63 =	vmul.f32 v3, v52;
	v3 =	vld.idx.msk [tilespmem:v37+s11+$0x0], $0xffff;
	v45 =	vmul.f32 v8, v62;
	v8 =	vor.u32 $0x2F, v7  }
0x95: {  	v42 =	vmul.f32 v33, v32;
	v55 =	vmul.f32 v21, v20;
	v20 =	vld.idx.msk [tilespmem:v50+s9+$0x0], $0xffff;
	v4 =	vadd.f32 v12, v4  }
0x96: {  	v48 =	vor.u32 $0x31, v7;
	v1 =	vadd.f32 v56, v1;
	v44 =	vmul.f32 v5, v58;
	v35 =	vld [tilespmem:$0x1FEC0]  }
0x97: {  	v5 =	vor.u32 $0x2D, v7;
	v12 =	vmul.f32 v31, v30;
	v28 =	vld.idx.msk [tilespmem:v6+s9+$0x0], $0xffff;
	v4 =	vadd.f32 v42, v4  }
0x98: {  	v1 =	vadd.f32 v59, v1;
	v6 =	vld.idx.msk [tilespmem:v6+s11+$0x0], $0xffff  }
0x99: {  	v51 =	vmul.f32 v25, v24;
	v4 =	vadd.f32 v12, v4;
	v24 =	vld.idx.msk [tilespmem:v8+s9+$0x0], $0xffff  }
0x9a: {  	v1 =	vadd.f32 v63, v1;
	v8 =	vld.idx.msk [tilespmem:v8+s11+$0x0], $0xffff  }
0x9b: {  	v47 =	vmul.f32 v9, v39;
	v9 =	vld.idx.msk [tilespmem:v48+s11+$0x0], $0xffff;
	v12 =	vmul.f32 v27, v26;
	v4 =	vadd.f32 v46, v4  }
0x9c: {  	v1 =	vadd.f32 v41, v1;
	v26 =	vld.idx.msk [tilespmem:v5+s9+$0x0], $0xffff  }
0x9d: {  	v5 =	vld.idx.msk [tilespmem:v5+s11+$0x0], $0xffff;
	v54 =	vmul.f32 v6, v28;
	v6 =	vor.u32 $0x37, v7;
	v4 =	vadd.f32 v12, v4  }
0x9e: {  	v49 =	vmul.f32 v10, v43;
	v10 =	vld.idx.msk [tilespmem:v50+s11+$0x0], $0xffff;
	v1 =	vadd.f32 v44, v1;
	v12 =	vmul.f32 v23, v22  }
0x9f: {  	v62 =	vld [tilespmem:$0x1FE90];
	v57 =	vmul.f32 v8, v24;
	v8 =	vor.u32 $0x3B, v7;
	v4 =	vadd.f32 v51, v4  }
0xa0: {  	v30 =	vld.idx.msk [tilespmem:v37+s9+$0x0], $0xffff  }
0xa1: {  	v1 =	vadd.f32 v45, v1;
	v22 =	vld.idx.msk [tilespmem:v48+s9+$0x0], $0xffff;
	v4 =	vadd.f32 v12, v4  }
0xa2: {  	v58 =	vmul.f32 v17, v16;
	v56 =	vmul.f32 v5, v26;
	v5 =	vor.u32 $0x39, v7;
	v16 =	vld.idx.msk [tilespmem:v6+s9+$0x0], $0xffff  }
0xa3: {  	v1 =	vadd.f32 v47, v1;
	v6 =	vld.idx.msk [tilespmem:v6+s11+$0x0], $0xffff;
	v12 =	vmul.f32 v19, v18;
	v4 =	vadd.f32 v55, v4  }
0xa4: {  	v53 =	vor.u32 $0x35, v7;
	v63 =	vld.idx.msk [tilespmem:v8+s9+$0x0], $0xffff  }
0xa5: {  	v52 =	vmul.f32 v3, v30;
	v1 =	vadd.f32 v49, v1;
	v33 =	vld.idx.msk [tilespmem:v8+s11+$0x0], $0xffff;
	v4 =	vadd.f32 v12, v4  }
0xa6: {  	v60 =	vor.u32 $0x3D, v7;
	v7 =	vor.u32 $0x3F, v7;
	v8 =	vld [tilespmem:$0x1FEA0]  }
0xa7: {  	v1 =	vadd.f32 v52, v1;
	v12 =	vmul.f32 v15, v14;
	v14 =	vld.idx.msk [tilespmem:v5+s9+$0x0], $0xffff;
	v4 =	vadd.f32 v58, v4  }
0xa8: {  	v5 =	vld.idx.msk [tilespmem:v5+s11+$0x0], $0xffff  }
0xa9: {  	v1 =	vadd.f32 v54, v1;
	v4 =	vadd.f32 v12, v4;
	v12 =	vld [tilespmem:$0x1FEB0]  }
0xaa: {  	v3 =	vld.idx.msk [tilespmem:v53+s11+$0x0], $0xffff  }
0xab: {  	v18 =	vld.idx.msk [tilespmem:v53+s9+$0x0], $0xffff;
	v1 =	vadd.f32 v56, v1  }
0xac: {  	v61 =	vmul.f32 v10, v20;
	v10 =	vmul.f32 v13, v62;
	v37 =	vld.idx.msk [tilespmem:v7+s9+$0x0], $0xffff  }
0xad: {  	v59 =	vmul.f32 v9, v22;
	v34 =	vmul.f32 v6, v16;
	v6 =	vld.idx.msk [tilespmem:v60+s11+$0x0], $0xffff;
	v1 =	vadd.f32 v57, v1  }
0xae: {  	v38 =	vmul.f32 v5, v14;
	v5 =	vld.idx.msk [tilespmem:v7+s11+$0x0], $0xffff;
	v4 =	vadd.f32 v10, v4;
	v8 =	vmul.f32 v12, v8  }
0xaf: {  	v7 =	vld [tilespmem:$0x1FEE0]  }
0xb0: {  	v1 =	vadd.f32 v59, v1;
	v4 =	vadd.f32 v8, v4;
	v8 =	vld [tilespmem:$0x1FEF0]  }
0xb1: {  	v12 =	vld.idx.msk [tilespmem:v60+s9+$0x0], $0xffff  }
0xb2: {  	v32 =	vmul.f32 v3, v18;
	v1 =	vadd.f32 v61, v1  }
0xb3: {  	v9 =	vmul.f32 v36, v35  }
0xb4: {  	v41 =	vld [tilespmem:$0x1FF10];
	v1 =	vadd.f32 v32, v1  }
0xb5: {  	v4 =	vadd.f32 v9, v4;
	v7 =	vmul.f32 v8, v7;
	v8 =	vld [tilespmem:$0x1FF00]  }
0xb6: {  	v1 =	vadd.f32 v34, v1;
	v42 =	vmul.f32 v6, v12;
	v6 =	vld [tilespmem:$0x1FF20]  }
0xb7: {  	v4 =	vadd.f32 v7, v4;
	v7 =	vld [tilespmem:$0x1FF30]  }
0xb8: {  	v39 =	vmul.f32 v33, v63;
	v1 =	vadd.f32 v38, v1  }
0xb9: {  	s21 =	simm.s32 $0x10  }
0xba: {  	v40 =	vmov s21;
	v1 =	vadd.f32 v39, v1;
	v8 =	vmul.f32 v41, v8  }
0xbb: {  	v3 =	vshll.u32 v40, $0x6;
	v43 =	vmul.f32 v5, v37  }
0xbc: {  	v1 =	vadd.f32 v42, v1;
	v6 =	vmul.f32 v7, v6;
	v4 =	vadd.f32 v8, v4  }
0xbd: {  	v7 =	vor.u32 v0, v3  }
0xbe: {  	v1 =	vadd.f32 v43, v1;
	v3 =	vor.u32 $0x3E, v7;
	v4 =	vadd.f32 v6, v4;
	_ =	sdelay $0x1  }
0xbf: {  	v5 =	vor.u32 $0x3C, v7;
	v1 =	vadd.f32 v1, v4;
	_ =	sdelay $0x1  }
0xc0: {  	v6 =	vor.u32 $0x3A, v7;
	[tilespmem:s19+$0x0] =	vst v1  }
0xc1: {  	v63 =	vld.idx.msk [tilespmem:v3+s9+$0x0], $0xffff  }
0xc2: {  	v44 =	vor.u32 $0x38, v7;
	v1 =	vld.idx.msk [tilespmem:v3+s11+$0x0], $0xffff  }
0xc3: {  	v45 =	vld.idx.msk [tilespmem:v5+s9+$0x0], $0xffff  }
0xc4: {  	v46 =	vor.u32 $0x36, v7;
	v47 =	vld.idx.msk [tilespmem:v5+s11+$0x0], $0xffff  }
0xc5: {  	v48 =	vld.idx.msk [tilespmem:v6+s9+$0x0], $0xffff  }
0xc6: {  	v13 =	vor.u32 $0x34, v7;
	v49 =	vld.idx.msk [tilespmem:v6+s11+$0x0], $0xffff  }
0xc7: {  	v50 =	vld.idx.msk [tilespmem:v44+s9+$0x0], $0xffff  }
0xc8: {  	v15 =	vor.u32 $0x32, v7;
	v51 =	vld.idx.msk [tilespmem:v44+s11+$0x0], $0xffff  }
0xc9: {  	v52 =	vld.idx.msk [tilespmem:v46+s9+$0x0], $0xffff  }
0xca: {  	v17 =	vor.u32 $0x30, v7;
	v53 =	vld.idx.msk [tilespmem:v46+s11+$0x0], $0xffff  }
0xcb: {  	v54 =	vld.idx.msk [tilespmem:v13+s9+$0x0], $0xffff  }
0xcc: {  	v19 =	vor.u32 $0x2E, v7;
	v55 =	vld.idx.msk [tilespmem:v13+s11+$0x0], $0xffff  }
0xcd: {  	v14 =	vld.idx.msk [tilespmem:v15+s9+$0x0], $0xffff  }
0xce: {  	v21 =	vor.u32 $0x2C, v7;
	v13 =	vld.idx.msk [tilespmem:v15+s11+$0x0], $0xffff  }
0xcf: {  	v16 =	vld.idx.msk [tilespmem:v17+s9+$0x0], $0xffff  }
0xd0: {  	v23 =	vor.u32 $0x2A, v7;
	v17 =	vld.idx.msk [tilespmem:v17+s11+$0x0], $0xffff  }
0xd1: {  	v18 =	vld.idx.msk [tilespmem:v19+s9+$0x0], $0xffff  }
0xd2: {  	v25 =	vor.u32 $0x28, v7;
	v19 =	vld.idx.msk [tilespmem:v19+s11+$0x0], $0xffff  }
0xd3: {  	v20 =	vld.idx.msk [tilespmem:v21+s9+$0x0], $0xffff  }
0xd4: {  	v27 =	vor.u32 $0x26, v7;
	v21 =	vld.idx.msk [tilespmem:v21+s11+$0x0], $0xffff  }
0xd5: {  	v22 =	vld.idx.msk [tilespmem:v23+s9+$0x0], $0xffff  }
0xd6: {  	v29 =	vor.u32 $0x24, v7;
	v23 =	vld.idx.msk [tilespmem:v23+s11+$0x0], $0xffff  }
0xd7: {  	v24 =	vld.idx.msk [tilespmem:v25+s9+$0x0], $0xffff  }
0xd8: {  	v31 =	vor.u32 $0x22, v7;
	v25 =	vld.idx.msk [tilespmem:v25+s11+$0x0], $0xffff  }
0xd9: {  	v26 =	vld.idx.msk [tilespmem:v27+s9+$0x0], $0xffff  }
0xda: {  	v56 =	vor.u32 $0x20, v7;
	v27 =	vld.idx.msk [tilespmem:v27+s11+$0x0], $0xffff  }
0xdb: {  	v28 =	vld.idx.msk [tilespmem:v29+s9+$0x0], $0xffff  }
0xdc: {  	v57 =	vor.u32 $0x1E, v7;
	v29 =	vld.idx.msk [tilespmem:v29+s11+$0x0], $0xffff  }
0xdd: {  	v30 =	vld.idx.msk [tilespmem:v31+s9+$0x0], $0xffff  }
0xde: {  	v58 =	vor.u32 $0x1C, v7;
	v31 =	vld.idx.msk [tilespmem:v31+s11+$0x0], $0xffff  }
0xdf: {  	v32 =	vld.idx.msk [tilespmem:v56+s9+$0x0], $0xffff  }
0xe0: {  	v59 =	vor.u32 $0x1A, v7;
	v33 =	vld.idx.msk [tilespmem:v56+s11+$0x0], $0xffff  }
0xe1: {  	v34 =	vld.idx.msk [tilespmem:v57+s9+$0x0], $0xffff  }
0xe2: {  	v60 =	vor.u32 $0x18, v7;
	v35 =	vld.idx.msk [tilespmem:v57+s11+$0x0], $0xffff  }
0xe3: {  	v36 =	vld.idx.msk [tilespmem:v58+s9+$0x0], $0xffff  }
0xe4: {  	v61 =	vor.u32 $0x16, v7;
	v37 =	vld.idx.msk [tilespmem:v58+s11+$0x0], $0xffff  }
0xe5: {  	v38 =	vld.idx.msk [tilespmem:v59+s9+$0x0], $0xffff  }
0xe6: {  	v62 =	vor.u32 $0x14, v7;
	v39 =	vld.idx.msk [tilespmem:v59+s11+$0x0], $0xffff  }
0xe7: {  	v0 =	vor.u32 $0x12, v7;
	v40 =	vld.idx.msk [tilespmem:v60+s9+$0x0], $0xffff  }
0xe8: {  	v10 =	vor.u32 $0x8, v7;
	v41 =	vld.idx.msk [tilespmem:v60+s11+$0x0], $0xffff  }
0xe9: {  	v42 =	vld.idx.msk [tilespmem:v61+s9+$0x0], $0xffff  }
0xea: {  	v11 =	vor.u32 $0x6, v7;
	v43 =	vld.idx.msk [tilespmem:v61+s11+$0x0], $0xffff  }
0xeb: {  	v44 =	vld.idx.msk [tilespmem:v62+s9+$0x0], $0xffff  }
0xec: {  	v46 =	vld.idx.msk [tilespmem:v0+s9+$0x0], $0xffff  }
0xed: {  	v56 =	vld.idx.msk [tilespmem:v10+s9+$0x0], $0xffff  }
0xee: {  	v2 =	vor.u32 $0xE, v7;
	v57 =	vld.idx.msk [tilespmem:v10+s11+$0x0], $0xffff  }
0xef: {  	v58 =	vld.idx.msk [tilespmem:v11+s9+$0x0], $0xffff  }
0xf0: {  	v3 =	vor.u32 $0xC, v7;
	v59 =	vld.idx.msk [tilespmem:v11+s11+$0x0], $0xffff;
	[tilespmem:$0x1FF40] =	vst v1  }
0xf1: {  	[tilespmem:$0x1FF50] =	vst v45;
	v45 =	vld.idx.msk [tilespmem:v62+s11+$0x0], $0xffff  }
0xf2: {  	v9 =	vor.u32 $0xA, v7;
	[tilespmem:$0x1FF60] =	vst v47;
	v47 =	vld.idx.msk [tilespmem:v0+s11+$0x0], $0xffff  }
0xf3: {  	[tilespmem:$0x1FF90] =	vst v50;
	v50 =	vld.idx.msk [tilespmem:v2+s9+$0x0], $0xffff  }
0xf4: {  	[tilespmem:$0x1FFA0] =	vst v51;
	v1 =	vor.u32 $0x10, v7;
	v51 =	vld.idx.msk [tilespmem:v2+s11+$0x0], $0xffff  }
0xf5: {  	[tilespmem:$0x1FFB0] =	vst v52;
	v52 =	vld.idx.msk [tilespmem:v3+s9+$0x0], $0xffff  }
0xf6: {  	[tilespmem:$0x1FFC0] =	vst v53;
	v53 =	vld.idx.msk [tilespmem:v3+s11+$0x0], $0xffff  }
0xf7: {  	[tilespmem:$0x1FFD0] =	vst v54;
	v54 =	vld.idx.msk [tilespmem:v9+s9+$0x0], $0xffff  }
0xf8: {  	[tilespmem:$0x1FFE0] =	vst v55;
	v55 =	vld.idx.msk [tilespmem:v9+s11+$0x0], $0xffff  }
0xf9: {  	[tilespmem:$0x1FF70] =	vst v48;
	v48 =	vld.idx.msk [tilespmem:v1+s9+$0x0], $0xffff  }
0xfa: {  	s22 =	simm.s32 $0x20;
	s21 =	simm.s32 $0x10200;
	v60 =	vor.u32 $0x4, v7;
	v61 =	vor.u32 $0x2, v7;
	[tilespmem:$0x1FF80] =	vst v49;
	v49 =	vld.idx.msk [tilespmem:v1+s11+$0x0], $0xffff  }
.LBB2_2:
0xfb: {  	_ =	sdelay $0x3  }
0xfc: {  	v62 =	vld.idx.msk [tilespmem:v60+s9+$0x0], $0xffff  }
0xfd: {  	v11 =	vor.u32 $0x1, v7;
	v60 =	vld.idx.msk [tilespmem:v60+s11+$0x0], $0xffff  }
0xfe: {  	v0 =	vld.idx.msk [tilespmem:v61+s9+$0x0], $0xffff  }
0xff: {  	v61 =	vld.idx.msk [tilespmem:v61+s11+$0x0], $0xffff;
	v1 =	vor.u32 $0x3, v7  }
0x100: {  	v2 =	vld.idx.msk [tilespmem:v7+s11+$0x0], $0xffff  }
0x101: {  	v3 =	vld.idx.msk [tilespmem:v7+s9+$0x0], $0xffff;
	v4 =	vor.u32 $0x5, v7  }
0x102: {  	v5 =	vld.idx.msk [tilespmem:v11+s9+$0x0], $0xffff  }
0x103: {  	v15 =	vmov v63;
	v6 =	vor.u32 $0x7, v7;
	v63 =	vld.idx.msk [tilespmem:v11+s11+$0x0], $0xffff  }
0x104: {  	v8 =	vld.idx.msk [tilespmem:v1+s9+$0x0], $0xffff  }
0x105: {  	v9 =	vor.u32 $0x9, v7;
	v1 =	vld.idx.msk [tilespmem:v1+s11+$0x0], $0xffff  }
0x106: {  	v10 =	vld.idx.msk [tilespmem:v4+s9+$0x0], $0xffff  }
0x107: {  	v4 =	vld.idx.msk [tilespmem:v4+s11+$0x0], $0xffff;
	v11 =	vor.u32 $0xB, v7  }
0x108: {  	v12 =	vld.idx.msk [tilespmem:v6+s9+$0x0], $0xffff;
	v2 =	vmul.f32 v2, v3  }
0x109: {  	v3 =	vmul.f32 v63, v5;
	v5 =	vld.idx.msk [tilespmem:v6+s11+$0x0], $0xffff;
	v6 =	vor.u32 $0xD, v7  }
0x10a: {  	v0 =	vmul.f32 v61, v0;
	v61 =	vld.idx.msk [tilespmem:v9+s9+$0x0], $0xffff;
	v2 =	vadd.f32 $0.0e+00, v2  }
0x10b: {  	v63 =	vor.u32 $0xF, v7;
	v1 =	vmul.f32 v1, v8;
	v8 =	vld.idx.msk [tilespmem:v9+s11+$0x0], $0xffff;
	v3 =	vadd.f32 $0.0e+00, v3  }
0x10c: {  	v0 =	vadd.f32 v0, v2;
	v9 =	vmul.f32 v60, v62;
	v60 =	vld.idx.msk [tilespmem:v11+s9+$0x0], $0xffff  }
0x10d: {  	v62 =	vor.u32 $0x11, v7;
	v1 =	vadd.f32 v1, v3;
	v3 =	vld.idx.msk [tilespmem:v11+s11+$0x0], $0xffff  }
0x10e: {  	v2 =	vmul.f32 v4, v10;
	v4 =	vmul.f32 v59, v58;
	v0 =	vadd.f32 v9, v0;
	v10 =	vld.idx.msk [tilespmem:v6+s9+$0x0], $0xffff  }
0x10f: {  	v11 =	vor.u32 $0x13, v7;
	v59 =	vmul.f32 v5, v12;
	v5 =	vld.idx.msk [tilespmem:v6+s11+$0x0], $0xffff  }
0x110: {  	v0 =	vadd.f32 v4, v0;
	v9 =	vld.idx.msk [tilespmem:v63+s9+$0x0], $0xffff  }
0x111: {  	v6 =	vmul.f32 v57, v56;
	v12 =	vor.u32 $0x15, v7;
	v4 =	vld.idx.msk [tilespmem:v63+s11+$0x0], $0xffff;
	v1 =	vadd.f32 v2, v1  }
0x112: {  	v61 =	vmul.f32 v8, v61;
	v8 =	vmul.f32 v55, v54;
	v54 =	vld.idx.msk [tilespmem:v62+s9+$0x0], $0xffff  }
0x113: {  	v57 =	vor.u32 $0x17, v7;
	v1 =	vadd.f32 v59, v1;
	v59 =	vld.idx.msk [tilespmem:v62+s11+$0x0], $0xffff  }
0x114: {  	v0 =	vadd.f32 v6, v0;
	v58 =	vmul.f32 v3, v60;
	v60 =	vld.idx.msk [tilespmem:v11+s9+$0x0], $0xffff  }
0x115: {  	v1 =	vadd.f32 v61, v1;
	v61 =	vor.u32 $0x19, v7;
	v62 =	vmul.f32 v5, v10;
	v5 =	vld.idx.msk [tilespmem:v11+s11+$0x0], $0xffff  }
0x116: {  	v6 =	vmul.f32 v53, v52;
	v0 =	vadd.f32 v8, v0;
	v63 =	vld.idx.msk [tilespmem:v12+s9+$0x0], $0xffff  }
0x117: {  	v8 =	vmul.f32 v51, v50;
	v11 =	vor.u32 $0x1B, v7;
	v50 =	vmul.f32 v4, v9;
	v4 =	vld.idx.msk [tilespmem:v12+s11+$0x0], $0xffff  }
0x118: {  	v51 =	vld.idx.msk [tilespmem:v57+s9+$0x0], $0xffff;
	v0 =	vadd.f32 v6, v0  }
0x119: {  	v12 =	vor.u32 $0x1D, v7;
	v57 =	vld.idx.msk [tilespmem:v57+s11+$0x0], $0xffff  }
0x11a: {  	v6 =	vmul.f32 v49, v48;
	v1 =	vadd.f32 v58, v1;
	v0 =	vadd.f32 v8, v0;
	v58 =	vld.idx.msk [tilespmem:v61+s9+$0x0], $0xffff  }
0x11b: {  	v49 =	vor.u32 $0x23, v7;
	v56 =	vmul.f32 v59, v54;
	v60 =	vmul.f32 v5, v60;
	v5 =	vld.idx.msk [tilespmem:v61+s11+$0x0], $0xffff  }
0x11c: {  	v8 =	vmul.f32 v47, v46;
	v59 =	vor.u32 $0x1F, v7;
	v0 =	vadd.f32 v6, v0;
	v61 =	vld.idx.msk [tilespmem:v11+s9+$0x0], $0xffff  }
0x11d: {  	v1 =	vadd.f32 v62, v1;
	v63 =	vmul.f32 v4, v63;
	v4 =	vld.idx.msk [tilespmem:v11+s11+$0x0], $0xffff  }
0x11e: {  	v62 =	vor.u32 $0x21, v7;
	v6 =	vmul.f32 v45, v44;
	v48 =	vld.idx.msk [tilespmem:v12+s9+$0x0], $0xffff;
	v0 =	vadd.f32 v8, v0  }
0x11f: {  	v1 =	vadd.f32 v50, v1;
	v50 =	vmul.f32 v57, v51;
	v51 =	vld.idx.msk [tilespmem:v12+s11+$0x0], $0xffff  }
0x120: {  	v57 =	vld.idx.msk [tilespmem:v49+s9+$0x0], $0xffff;
	v8 =	vmul.f32 v43, v42;
	v0 =	vadd.f32 v6, v0  }
0x121: {  	v12 =	vor.u32 $0x25, v7;
	v1 =	vadd.f32 v56, v1;
	v52 =	vld.idx.msk [tilespmem:v59+s9+$0x0], $0xffff  }
0x122: {  	v6 =	vmul.f32 v41, v40;
	v53 =	vmul.f32 v5, v58;
	v5 =	vld.idx.msk [tilespmem:v59+s11+$0x0], $0xffff;
	v0 =	vadd.f32 v8, v0  }
0x123: {  	v55 =	vor.u32 $0x27, v7;
	v54 =	vld.idx.msk [tilespmem:v62+s9+$0x0], $0xffff;
	v1 =	vadd.f32 v60, v1  }
0x124: {  	v56 =	vmul.f32 v4, v61;
	v4 =	vld.idx.msk [tilespmem:v62+s11+$0x0], $0xffff;
	v8 =	vmul.f32 v39, v38;
	v0 =	vadd.f32 v6, v0  }
0x125: {  	v58 =	vor.u32 $0x29, v7;
	v60 =	vld.idx.msk [tilespmem:v49+s11+$0x0], $0xffff;
	v59 =	vmul.f32 v51, v48;
	v48 =	vor.u32 $0x3B, v7  }
0x126: {  	v61 =	vld.idx.msk [tilespmem:v12+s9+$0x0], $0xffff;
	v1 =	vadd.f32 v63, v1;
	v6 =	vmul.f32 v37, v36;
	v0 =	vadd.f32 v8, v0  }
0x127: {  	v63 =	vmul.f32 v5, v52;
	v5 =	vld.idx.msk [tilespmem:v12+s11+$0x0], $0xffff  }
0x128: {  	v1 =	vadd.f32 v50, v1;
	v8 =	vmul.f32 v35, v34;
	v34 =	vld.idx.msk [tilespmem:v55+s9+$0x0], $0xffff;
	v0 =	vadd.f32 v6, v0  }
0x129: {  	v62 =	vor.u32 $0x2B, v7;
	v12 =	vor.u32 $0x2D, v7;
	v35 =	vmul.f32 v4, v54;
	v4 =	vld.idx.msk [tilespmem:v55+s11+$0x0], $0xffff  }
0x12a: {  	v37 =	vld.idx.msk [tilespmem:v58+s11+$0x0], $0xffff;
	v1 =	vadd.f32 v53, v1;
	v6 =	vmul.f32 v33, v32;
	v0 =	vadd.f32 v8, v0  }
0x12b: {  	v55 =	vld.idx.msk [tilespmem:v48+s11+$0x0], $0xffff  }
0x12c: {  	v1 =	vadd.f32 v56, v1;
	v56 =	vld [tilespmem:$0x1FFC0];
	v8 =	vmul.f32 v31, v30;
	v0 =	vadd.f32 v6, v0  }
0x12d: {  	v30 =	vld.idx.msk [tilespmem:v58+s9+$0x0], $0xffff;
	v31 =	vor.u32 $0x2F, v7  }
0x12e: {  	v38 =	vmul.f32 v5, v61;
	v5 =	vld.idx.msk [tilespmem:v62+s11+$0x0], $0xffff;
	v6 =	vmul.f32 v29, v28;
	v0 =	vadd.f32 v8, v0  }
0x12f: {  	v40 =	vor.u32 $0x33, v7;
	v39 =	vld.idx.msk [tilespmem:v12+s9+$0x0], $0xffff  }
0x130: {  	v41 =	vmul.f32 v4, v34;
	v4 =	vld.idx.msk [tilespmem:v12+s11+$0x0], $0xffff;
	v8 =	vmul.f32 v27, v26;
	v0 =	vadd.f32 v6, v0  }
0x131: {  	v1 =	vadd.f32 v59, v1;
	v12 =	vor.u32 $0x35, v7;
	v59 =	vld [tilespmem:$0x1FFA0]  }
0x132: {  	v28 =	vld.idx.msk [tilespmem:v62+s9+$0x0], $0xffff;
	v6 =	vmul.f32 v25, v24;
	v0 =	vadd.f32 v8, v0  }
0x133: {  	v1 =	vadd.f32 v63, v1;
	v42 =	vld.idx.msk [tilespmem:v31+s9+$0x0], $0xffff  }
0x134: {  	v29 =	vor.u32 $0x31, v7;
	v44 =	vld.idx.msk [tilespmem:v31+s11+$0x0], $0xffff;
	v8 =	vmul.f32 v23, v22;
	v0 =	vadd.f32 v6, v0  }
0x135: {  	v36 =	vmul.f32 v60, v57;
	v1 =	vadd.f32 v35, v1;
	v46 =	vmul.f32 v4, v39;
	v4 =	vld.idx.msk [tilespmem:v40+s11+$0x0], $0xffff  }
0x136: {  	v47 =	vld.idx.msk [tilespmem:v12+s9+$0x0], $0xffff;
	v6 =	vmul.f32 v21, v20;
	v0 =	vadd.f32 v8, v0  }
0x137: {  	v50 =	vld.idx.msk [tilespmem:v12+s11+$0x0], $0xffff;
	v1 =	vadd.f32 v36, v1  }
0x138: {  	v20 =	vld.idx.msk [tilespmem:v40+s9+$0x0], $0xffff;
	v21 =	vor.u32 $0x39, v7;
	v8 =	vmul.f32 v19, v18;
	v0 =	vadd.f32 v6, v0  }
0x139: {  	v45 =	vmul.f32 v5, v28;
	v5 =	vld.idx.msk [tilespmem:v29+s11+$0x0], $0xffff  }
0x13a: {  	v22 =	vld.idx.msk [tilespmem:v29+s9+$0x0], $0xffff;
	v1 =	vadd.f32 v38, v1;
	v6 =	vmul.f32 v17, v16;
	v0 =	vadd.f32 v8, v0  }
0x13b: {  	v23 =	vor.u32 $0x37, v7;
	v8 =	vmul.f32 v13, v14;
	v13 =	vld [tilespmem:$0x1FFE0]  }
0x13c: {  	v43 =	vmul.f32 v37, v30;
	v1 =	vadd.f32 v41, v1;
	v0 =	vadd.f32 v6, v0;
	v6 =	vld [tilespmem:$0x1FFD0]  }
0x13d: {  	v12 =	vor.u32 $0x3D, v7;
	v7 =	vor.u32 $0x3F, v7;
	v53 =	vmul.f32 v4, v20;
	v4 =	vld.idx.msk [tilespmem:v21+s11+$0x0], $0xffff  }
0x13e: {  	v1 =	vadd.f32 v43, v1;
	v14 =	vld.idx.msk [tilespmem:v21+s9+$0x0], $0xffff  }
0x13f: {  	v0 =	vadd.f32 v8, v0;
	v8 =	vld [tilespmem:$0x1FFB0]  }
0x140: {  	v51 =	vld.idx.msk [tilespmem:v23+s9+$0x0], $0xffff;
	v1 =	vadd.f32 v45, v1  }
0x141: {  	v52 =	vmul.f32 v5, v22;
	v5 =	vld.idx.msk [tilespmem:v23+s11+$0x0], $0xffff;
	v6 =	vmul.f32 v13, v6  }
0x142: {  	v49 =	vmul.f32 v44, v42;
	v60 =	vld.idx.msk [tilespmem:v7+s9+$0x0], $0xffff;
	v1 =	vadd.f32 v46, v1  }
0x143: {  	v0 =	vadd.f32 v6, v0;
	v6 =	vld [tilespmem:$0x1FF90]  }
0x144: {  	v1 =	vadd.f32 v49, v1;
	v61 =	vmul.f32 v4, v14;
	v4 =	vld.idx.msk [tilespmem:v7+s11+$0x0], $0xffff;
	v8 =	vmul.f32 v56, v8  }
0x145: {  	v7 =	vld [tilespmem:$0x1FF70]  }
0x146: {  	v1 =	vadd.f32 v52, v1;
	v0 =	vadd.f32 v8, v0;
	v8 =	vld [tilespmem:$0x1FF80]  }
0x147: {  	v54 =	vmul.f32 v50, v47;
	v57 =	vld.idx.msk [tilespmem:v12+s9+$0x0], $0xffff  }
0x148: {  	v58 =	vmul.f32 v5, v51;
	v5 =	vld.idx.msk [tilespmem:v12+s11+$0x0], $0xffff;
	v1 =	vadd.f32 v53, v1;
	v6 =	vmul.f32 v59, v6  }
0x149: {  	v13 =	vld.idx.msk [tilespmem:v48+s9+$0x0], $0xffff  }
0x14a: {  	v1 =	vadd.f32 v54, v1;
	v0 =	vadd.f32 v6, v0;
	v6 =	vld [tilespmem:$0x1FF50]  }
0x14b: {  	v7 =	vmul.f32 v8, v7;
	v8 =	vld [tilespmem:$0x1FF60]  }
0x14c: {  	v1 =	vadd.f32 v58, v1  }
0x14d: {  	v11 =	vmul.f32 v5, v57;
	v5 =	vld [tilespmem:$0x1FF40]  }
0x14e: {  	v32 =	vmul.f32 v4, v60;
	v4 =	vld [tilespmem:$0x1FFF0];
	v62 =	vmul.f32 v55, v13;
	v1 =	vadd.f32 v61, v1  }
0x14f: {  	v63 =	vmov s22  }
0x150: {  	v1 =	vadd.f32 v62, v1;
	v0 =	vadd.f32 v7, v0;
	v6 =	vmul.f32 v8, v6  }
0x151: {  	v3 =	vshll.u32 v63, $0x6  }
0x152: {  	v5 =	vmul.f32 v5, v15;
	v1 =	vadd.f32 v11, v1;
	v0 =	vadd.f32 v6, v0  }
0x153: {  	v7 =	vor.u32 v4, v3  }
0x154: {  	v3 =	vor.u32 $0x3E, v7;
	v1 =	vadd.f32 v32, v1;
	v0 =	vadd.f32 v5, v0;
	_ =	sdelay $0x1  }
0x155: {  	v33 =	vor.u32 $0x3C, v7;
	v0 =	vadd.f32 v1, v0  }
0x156: {  	s21 =	sadd.s32 $0x10, s21  }
0x157: {  	v34 =	vor.u32 $0x3A, v7;
	[tilespmem:s21+$0x0] =	vst v0  }
0x158: {  	v63 =	vld.idx.msk [tilespmem:v3+s9+$0x0], $0xffff  }
0x159: {  	v35 =	vor.u32 $0x38, v7;
	v3 =	vld.idx.msk [tilespmem:v3+s11+$0x0], $0xffff  }
0x15a: {  	v36 =	vld.idx.msk [tilespmem:v33+s9+$0x0], $0xffff  }
0x15b: {  	v37 =	vor.u32 $0x36, v7;
	v2 =	vld.idx.msk [tilespmem:v33+s11+$0x0], $0xffff  }
0x15c: {  	v39 =	vor.u32 $0x34, v7;
	v38 =	vld.idx.msk [tilespmem:v34+s9+$0x0], $0xffff  }
0x15d: {  	v41 =	vor.u32 $0x32, v7;
	v1 =	vld.idx.msk [tilespmem:v34+s11+$0x0], $0xffff  }
0x15e: {  	v40 =	vld.idx.msk [tilespmem:v35+s9+$0x0], $0xffff  }
0x15f: {  	v43 =	vor.u32 $0x30, v7;
	v0 =	vld.idx.msk [tilespmem:v35+s11+$0x0], $0xffff  }
0x160: {  	v42 =	vld.idx.msk [tilespmem:v37+s9+$0x0], $0xffff  }
0x161: {  	v45 =	vor.u32 $0x2E, v7;
	v44 =	vld.idx.msk [tilespmem:v39+s9+$0x0], $0xffff  }
0x162: {  	v14 =	vld.idx.msk [tilespmem:v41+s9+$0x0], $0xffff  }
0x163: {  	v46 =	vor.u32 $0x2C, v7;
	v13 =	vld.idx.msk [tilespmem:v41+s11+$0x0], $0xffff  }
0x164: {  	v16 =	vld.idx.msk [tilespmem:v43+s9+$0x0], $0xffff  }
0x165: {  	v47 =	vor.u32 $0x2A, v7;
	v17 =	vld.idx.msk [tilespmem:v43+s11+$0x0], $0xffff  }
0x166: {  	v18 =	vld.idx.msk [tilespmem:v45+s9+$0x0], $0xffff  }
0x167: {  	v48 =	vor.u32 $0x28, v7;
	v19 =	vld.idx.msk [tilespmem:v45+s11+$0x0], $0xffff  }
0x168: {  	v20 =	vld.idx.msk [tilespmem:v46+s9+$0x0], $0xffff  }
0x169: {  	v49 =	vor.u32 $0x26, v7;
	v21 =	vld.idx.msk [tilespmem:v46+s11+$0x0], $0xffff  }
0x16a: {  	v22 =	vld.idx.msk [tilespmem:v47+s9+$0x0], $0xffff  }
0x16b: {  	v50 =	vor.u32 $0x24, v7;
	v23 =	vld.idx.msk [tilespmem:v47+s11+$0x0], $0xffff  }
0x16c: {  	v24 =	vld.idx.msk [tilespmem:v48+s9+$0x0], $0xffff  }
0x16d: {  	v51 =	vor.u32 $0x22, v7;
	v25 =	vld.idx.msk [tilespmem:v48+s11+$0x0], $0xffff  }
0x16e: {  	v26 =	vld.idx.msk [tilespmem:v49+s9+$0x0], $0xffff  }
0x16f: {  	v52 =	vor.u32 $0x20, v7;
	v27 =	vld.idx.msk [tilespmem:v49+s11+$0x0], $0xffff  }
0x170: {  	v28 =	vld.idx.msk [tilespmem:v50+s9+$0x0], $0xffff  }
0x171: {  	v53 =	vor.u32 $0x1E, v7;
	v29 =	vld.idx.msk [tilespmem:v50+s11+$0x0], $0xffff  }
0x172: {  	v30 =	vld.idx.msk [tilespmem:v51+s9+$0x0], $0xffff  }
0x173: {  	v56 =	vor.u32 $0x18, v7;
	v31 =	vld.idx.msk [tilespmem:v51+s11+$0x0], $0xffff  }
0x174: {  	v57 =	vor.u32 $0x16, v7;
	v32 =	vld.idx.msk [tilespmem:v52+s9+$0x0], $0xffff  }
0x175: {  	v58 =	vor.u32 $0x14, v7;
	v33 =	vld.idx.msk [tilespmem:v52+s11+$0x0], $0xffff  }
0x176: {  	v59 =	vor.u32 $0x12, v7;
	v34 =	vld.idx.msk [tilespmem:v53+s9+$0x0], $0xffff  }
0x177: {  	v35 =	vld.idx.msk [tilespmem:v53+s11+$0x0], $0xffff  }
0x178: {  	v60 =	vor.u32 $0x10, v7;
	v41 =	vld.idx.msk [tilespmem:v56+s11+$0x0], $0xffff  }
0x179: {  	v43 =	vld.idx.msk [tilespmem:v57+s11+$0x0], $0xffff  }
0x17a: {  	v61 =	vor.u32 $0xE, v7;
	v45 =	vld.idx.msk [tilespmem:v58+s11+$0x0], $0xffff  }
0x17b: {  	v46 =	vld.idx.msk [tilespmem:v59+s9+$0x0], $0xffff  }
0x17c: {  	v62 =	vor.u32 $0xC, v7;
	v47 =	vld.idx.msk [tilespmem:v59+s11+$0x0], $0xffff  }
0x17d: {  	v48 =	vld.idx.msk [tilespmem:v60+s9+$0x0], $0xffff  }
0x17e: {  	v11 =	vor.u32 $0x6, v7;
	v49 =	vld.idx.msk [tilespmem:v60+s11+$0x0], $0xffff  }
0x17f: {  	v50 =	vld.idx.msk [tilespmem:v61+s9+$0x0], $0xffff  }
0x180: {  	v51 =	vld.idx.msk [tilespmem:v61+s11+$0x0], $0xffff  }
0x181: {  	v54 =	vor.u32 $0x1C, v7;
	v52 =	vld.idx.msk [tilespmem:v62+s9+$0x0], $0xffff  }
0x182: {  	v53 =	vld.idx.msk [tilespmem:v62+s11+$0x0], $0xffff  }
0x183: {  	v55 =	vor.u32 $0x1A, v7;
	v59 =	vld.idx.msk [tilespmem:v11+s11+$0x0], $0xffff  }
0x184: {  	[tilespmem:$0x1FF40] =	vst v3;
	v3 =	vld.idx.msk [tilespmem:v37+s11+$0x0], $0xffff  }
0x185: {  	[tilespmem:$0x1FF60] =	vst v2;
	v2 =	vld.idx.msk [tilespmem:v39+s11+$0x0], $0xffff  }
0x186: {  	[tilespmem:$0x1FF50] =	vst v36;
	v36 =	vld.idx.msk [tilespmem:v54+s9+$0x0], $0xffff  }
0x187: {  	v37 =	vld.idx.msk [tilespmem:v54+s11+$0x0], $0xffff  }
0x188: {  	v9 =	vor.u32 $0xA, v7;
	[tilespmem:$0x1FF70] =	vst v38;
	v38 =	vld.idx.msk [tilespmem:v55+s9+$0x0], $0xffff  }
0x189: {  	v39 =	vld.idx.msk [tilespmem:v55+s11+$0x0], $0xffff  }
0x18a: {  	v10 =	vor.u32 $0x8, v7;
	[tilespmem:$0x1FF90] =	vst v40;
	v40 =	vld.idx.msk [tilespmem:v56+s9+$0x0], $0xffff  }
0x18b: {  	[tilespmem:$0x1FFB0] =	vst v42;
	v42 =	vld.idx.msk [tilespmem:v57+s9+$0x0], $0xffff  }
0x18c: {  	p0 =	sne.s32 s22, $0x1F0;
	[tilespmem:$0x1FFD0] =	vst v44;
	v44 =	vld.idx.msk [tilespmem:v58+s9+$0x0], $0xffff  }
.Ltmp0:
0x18d: {  	v54 =	vld.idx.msk [tilespmem:v9+s9+$0x0], $0xffff;
	(pc) =	sbr.rel @p0 .LBB2_2-.Ltmp0, $4  }
0x18e: {  	[tilespmem:$0x1FF80] =	vst v1;
	v55 =	vld.idx.msk [tilespmem:v9+s11+$0x0], $0xffff  }
0x18f: {  	[tilespmem:$0x1FFA0] =	vst v0;
	v56 =	vld.idx.msk [tilespmem:v10+s9+$0x0], $0xffff  }
0x190: {  	v57 =	vld.idx.msk [tilespmem:v10+s11+$0x0], $0xffff;
	[tilespmem:$0x1FFC0] =	vst v3  }
0x191: {  	s22 =	sadd.s32 $0x10, s22;
	v60 =	vor.u32 $0x4, v7;
	v61 =	vor.u32 $0x2, v7;
	v58 =	vld.idx.msk [tilespmem:v11+s9+$0x0], $0xffff;
	[tilespmem:$0x1FFE0] =	vst v2  }
0x192: {  	_ =	sdelay $0x3  }
0x193: {  	v1 =	vld.idx.msk [tilespmem:v60+s9+$0x0], $0xffff  }
0x194: {  	v0 =	vor.u32 $0x1, v7;
	v2 =	vld.idx.msk [tilespmem:v60+s11+$0x0], $0xffff  }
0x195: {  	v3 =	vld.idx.msk [tilespmem:v61+s9+$0x0], $0xffff  }
0x196: {  	v5 =	vor.u32 $0x3, v7;
	v9 =	vld.idx.msk [tilespmem:v7+s11+$0x0], $0xffff  }
0x197: {  	v10 =	vld.idx.msk [tilespmem:v7+s9+$0x0], $0xffff  }
0x198: {  	v4 =	vld.idx.msk [tilespmem:v61+s11+$0x0], $0xffff;
	v8 =	vor.u32 $0x5, v7  }
0x199: {  	v6 =	vld.idx.msk [tilespmem:v0+s9+$0x0], $0xffff  }
0x19a: {  	v11 =	vor.u32 $0x7, v7;
	v0 =	vld.idx.msk [tilespmem:v0+s11+$0x0], $0xffff  }
0x19b: {  	v12 =	vld.idx.msk [tilespmem:v5+s9+$0x0], $0xffff  }
0x19c: {  	v15 =	vor.u32 $0x9, v7;
	v5 =	vld.idx.msk [tilespmem:v5+s11+$0x0], $0xffff;
	v9 =	vmul.f32 v9, v10  }
0x19d: {  	v61 =	vld.idx.msk [tilespmem:v8+s9+$0x0], $0xffff  }
0x19e: {  	v62 =	vor.u32 $0xB, v7;
	v8 =	vld.idx.msk [tilespmem:v8+s11+$0x0], $0xffff;
	v3 =	vmul.f32 v4, v3;
	v9 =	vadd.f32 $0.0e+00, v9  }
0x19f: {  	v4 =	vld.idx.msk [tilespmem:v11+s11+$0x0], $0xffff;
	v10 =	vor.u32 $0xD, v7  }
0x1a0: {  	v1 =	vmul.f32 v2, v1;
	v3 =	vadd.f32 v3, v9;
	v0 =	vmul.f32 v0, v6;
	v6 =	vld.idx.msk [tilespmem:v11+s9+$0x0], $0xffff  }
0x1a1: {  	v2 =	vld.idx.msk [tilespmem:v15+s11+$0x0], $0xffff;
	v5 =	vmul.f32 v5, v12;
	v12 =	vor.u32 $0xF, v7  }
0x1a2: {  	v11 =	vld.idx.msk [tilespmem:v15+s9+$0x0], $0xffff;
	v15 =	vmul.f32 v59, v58;
	v1 =	vadd.f32 v1, v3;
	v0 =	vadd.f32 $0.0e+00, v0  }
0x1a3: {  	v61 =	vmul.f32 v8, v61;
	v8 =	vld.idx.msk [tilespmem:v62+s9+$0x0], $0xffff;
	v59 =	vor.u32 $0x11, v7  }
0x1a4: {  	v60 =	vmul.f32 v57, v56;
	v58 =	vld.idx.msk [tilespmem:v62+s11+$0x0], $0xffff;
	v1 =	vadd.f32 v15, v1;
	v0 =	vadd.f32 v5, v0  }
0x1a5: {  	v62 =	vmul.f32 v55, v54;
	v3 =	vmul.f32 v4, v6;
	v4 =	vld.idx.msk [tilespmem:v10+s9+$0x0], $0xffff  }
0x1a6: {  	v1 =	vadd.f32 v60, v1;
	v0 =	vadd.f32 v61, v0;
	v61 =	vld.idx.msk [tilespmem:v10+s11+$0x0], $0xffff;
	v10 =	vor.u32 $0x13, v7  }
0x1a7: {  	v2 =	vmul.f32 v2, v11;
	v11 =	vld.idx.msk [tilespmem:v12+s11+$0x0], $0xffff  }
0x1a8: {  	v56 =	vld.idx.msk [tilespmem:v59+s9+$0x0], $0xffff;
	v1 =	vadd.f32 v62, v1;
	v62 =	vor.u32 $0x19, v7;
	v0 =	vadd.f32 v3, v0  }
0x1a9: {  	v57 =	vmul.f32 v53, v52;
	v3 =	vld.idx.msk [tilespmem:v12+s9+$0x0], $0xffff  }
0x1aa: {  	v52 =	vor.u32 $0x1D, v7;
	v0 =	vadd.f32 v2, v0;
	v2 =	vmul.f32 v58, v8;
	v58 =	vld.idx.msk [tilespmem:v59+s11+$0x0], $0xffff  }
0x1ab: {  	v12 =	vor.u32 $0x15, v7;
	v60 =	vld.idx.msk [tilespmem:v10+s9+$0x0], $0xffff  }
0x1ac: {  	v10 =	vld.idx.msk [tilespmem:v10+s11+$0x0], $0xffff  }
0x1ad: {  	v48 =	vmul.f32 v49, v48;
	v49 =	vor.u32 $0x1B, v7;
	v54 =	vld.idx.msk [tilespmem:v62+s9+$0x0], $0xffff  }
0x1ae: {  	v59 =	vor.u32 $0x17, v7;
	v0 =	vadd.f32 v2, v0;
	v2 =	vmul.f32 v61, v4;
	v9 =	vld.idx.msk [tilespmem:v62+s11+$0x0], $0xffff  }
0x1af: {  	v1 =	vadd.f32 v57, v1;
	v62 =	vld.idx.msk [tilespmem:v52+s11+$0x0], $0xffff  }
0x1b0: {  	v61 =	vmul.f32 v51, v50;
	v0 =	vadd.f32 v2, v0;
	v2 =	vmul.f32 v11, v3;
	v3 =	vld.idx.msk [tilespmem:v12+s9+$0x0], $0xffff  }
0x1b1: {  	v55 =	vmul.f32 v45, v44;
	v45 =	vor.u32 $0x25, v7;
	v12 =	vld.idx.msk [tilespmem:v12+s11+$0x0], $0xffff  }
0x1b2: {  	v1 =	vadd.f32 v61, v1;
	v11 =	vld.idx.msk [tilespmem:v49+s11+$0x0], $0xffff;
	v61 =	vor.u32 $0x23, v7  }
0x1b3: {  	v50 =	vld.idx.msk [tilespmem:v59+s9+$0x0], $0xffff  }
0x1b4: {  	v53 =	vld.idx.msk [tilespmem:v59+s11+$0x0], $0xffff;
	v0 =	vadd.f32 v2, v0;
	v2 =	vmul.f32 v58, v56  }
0x1b5: {  	v51 =	vmul.f32 v47, v46;
	v59 =	vld.idx.msk [tilespmem:v52+s9+$0x0], $0xffff;
	v1 =	vadd.f32 v48, v1;
	v56 =	vor.u32 $0x1F, v7  }
0x1b6: {  	v52 =	vld.idx.msk [tilespmem:v45+s9+$0x0], $0xffff;
	v0 =	vadd.f32 v2, v0;
	v2 =	vmul.f32 v10, v60  }
0x1b7: {  	v58 =	vor.u32 $0x21, v7;
	v1 =	vadd.f32 v51, v1;
	v48 =	vld.idx.msk [tilespmem:v61+s9+$0x0], $0xffff  }
0x1b8: {  	v51 =	vld.idx.msk [tilespmem:v61+s11+$0x0], $0xffff;
	v0 =	vadd.f32 v2, v0;
	v2 =	vmul.f32 v12, v3  }
0x1b9: {  	v57 =	vmul.f32 v43, v42;
	v46 =	vmul.f32 v37, v36;
	v3 =	vld.idx.msk [tilespmem:v49+s9+$0x0], $0xffff;
	v1 =	vadd.f32 v55, v1  }
0x1ba: {  	v47 =	vor.u32 $0x27, v7;
	v43 =	vld.idx.msk [tilespmem:v56+s9+$0x0], $0xffff;
	v0 =	vadd.f32 v2, v0;
	v2 =	vmul.f32 v53, v50  }
0x1bb: {  	v37 =	vor.u32 $0x37, v7;
	v60 =	vmul.f32 v41, v40;
	v10 =	vld.idx.msk [tilespmem:v56+s11+$0x0], $0xffff;
	v1 =	vadd.f32 v57, v1  }
0x1bc: {  	v12 =	vld.idx.msk [tilespmem:v58+s11+$0x0], $0xffff;
	v50 =	vor.u32 $0x29, v7;
	v0 =	vadd.f32 v2, v0;
	v2 =	vmul.f32 v9, v54  }
0x1bd: {  	v44 =	vmul.f32 v39, v38;
	v53 =	vmul.f32 v33, v32;
	v33 =	vor.u32 $0x35, v7;
	v9 =	vld.idx.msk [tilespmem:v45+s11+$0x0], $0xffff  }
0x1be: {  	v1 =	vadd.f32 v60, v1;
	v0 =	vadd.f32 v2, v0;
	v2 =	vmul.f32 v11, v3;
	v3 =	vld.idx.msk [tilespmem:v58+s9+$0x0], $0xffff  }
0x1bf: {  	v39 =	vor.u32 $0x39, v7;
	v11 =	vld.idx.msk [tilespmem:v47+s11+$0x0], $0xffff  }
0x1c0: {  	v54 =	vor.u32 $0x2B, v7;
	v1 =	vadd.f32 v44, v1;
	v44 =	vld.idx.msk [tilespmem:v37+s9+$0x0], $0xffff  }
0x1c1: {  	v57 =	vld.idx.msk [tilespmem:v50+s9+$0x0], $0xffff  }
0x1c2: {  	v60 =	vld.idx.msk [tilespmem:v50+s11+$0x0], $0xffff  }
0x1c3: {  	v42 =	vor.u32 $0x3B, v7;
	v40 =	vld.idx.msk [tilespmem:v33+s9+$0x0], $0xffff  }
0x1c4: {  	v50 =	vld.idx.msk [tilespmem:v39+s11+$0x0], $0xffff;
	v0 =	vadd.f32 v2, v0;
	v2 =	vmul.f32 v62, v59  }
0x1c5: {  	v56 =	vor.u32 $0x2D, v7;
	v61 =	vld.idx.msk [tilespmem:v54+s9+$0x0], $0xffff  }
0x1c6: {  	v0 =	vadd.f32 v2, v0;
	v2 =	vmul.f32 v10, v43;
	v10 =	vld.idx.msk [tilespmem:v54+s11+$0x0], $0xffff  }
0x1c7: {  	v43 =	vld.idx.msk [tilespmem:v33+s11+$0x0], $0xffff  }
0x1c8: {  	v49 =	vmul.f32 v35, v34;
	v1 =	vadd.f32 v46, v1;
	v59 =	vor.u32 $0x2F, v7;
	v54 =	vld.idx.msk [tilespmem:v42+s11+$0x0], $0xffff  }
0x1c9: {  	v0 =	vadd.f32 v2, v0;
	v2 =	vmul.f32 v12, v3;
	v3 =	vld.idx.msk [tilespmem:v47+s9+$0x0], $0xffff  }
0x1ca: {  	v62 =	vmul.f32 v27, v26;
	v26 =	vor.u32 $0x31, v7;
	v1 =	vadd.f32 v49, v1;
	v12 =	vld.idx.msk [tilespmem:v56+s11+$0x0], $0xffff  }
0x1cb: {  	v55 =	vmul.f32 v31, v30;
	v47 =	vld [tilespmem:$0x1FFD0]  }
0x1cc: {  	v1 =	vadd.f32 v53, v1;
	v53 =	vld [tilespmem:$0x1FFC0];
	v0 =	vadd.f32 v2, v0;
	v2 =	vmul.f32 v51, v48  }
0x1cd: {  	v58 =	vmul.f32 v29, v28;
	v31 =	vld.idx.msk [tilespmem:v59+s9+$0x0], $0xffff  }
0x1ce: {  	v34 =	vld.idx.msk [tilespmem:v59+s11+$0x0], $0xffff;
	v1 =	vadd.f32 v55, v1;
	v0 =	vadd.f32 v2, v0;
	v2 =	vmul.f32 v9, v52  }
0x1cf: {  	v46 =	vor.u32 $0x3D, v7;
	v35 =	vld.idx.msk [tilespmem:v26+s9+$0x0], $0xffff  }
0x1d0: {  	v59 =	vld [tilespmem:$0x1FF80];
	v1 =	vadd.f32 v58, v1;
	v0 =	vadd.f32 v2, v0;
	v2 =	vmul.f32 v11, v3  }
0x1d1: {  	v30 =	vor.u32 $0x33, v7;
	v27 =	vmul.f32 v25, v24;
	v3 =	vld.idx.msk [tilespmem:v56+s9+$0x0], $0xffff  }
0x1d2: {  	v48 =	vld [tilespmem:$0x1FFE0];
	v1 =	vadd.f32 v62, v1;
	v0 =	vadd.f32 v2, v0;
	v2 =	vmul.f32 v60, v57  }
0x1d3: {  	v32 =	vmul.f32 v23, v22;
	v49 =	vor.u32 $0x3F, v7;
	v51 =	vld.idx.msk [tilespmem:v42+s9+$0x0], $0xffff  }
0x1d4: {  	v55 =	vld.idx.msk [tilespmem:v46+s9+$0x0], $0xffff;
	v1 =	vadd.f32 v27, v1;
	v0 =	vadd.f32 v2, v0;
	v2 =	vmul.f32 v10, v61  }
0x1d5: {  	v36 =	vmul.f32 v21, v20;
	v9 =	vld.idx.msk [tilespmem:v26+s11+$0x0], $0xffff  }
0x1d6: {  	v11 =	vld.idx.msk [tilespmem:v30+s11+$0x0], $0xffff;
	v1 =	vadd.f32 v32, v1;
	v0 =	vadd.f32 v2, v0;
	v2 =	vmul.f32 v12, v3  }
0x1d7: {  	v38 =	vmul.f32 v19, v18;
	v3 =	vld.idx.msk [tilespmem:v30+s9+$0x0], $0xffff  }
0x1d8: {  	v7 =	vld.idx.msk [tilespmem:v49+s11+$0x0], $0xffff;
	v1 =	vadd.f32 v36, v1;
	v0 =	vadd.f32 v2, v0;
	v2 =	vmul.f32 v34, v31  }
0x1d9: {  	v41 =	vmul.f32 v17, v16;
	v52 =	vld [tilespmem:$0x1FFB0]  }
0x1da: {  	v56 =	vld [tilespmem:$0x1FF90];
	v1 =	vadd.f32 v38, v1;
	v0 =	vadd.f32 v2, v0;
	v2 =	vmul.f32 v9, v35  }
0x1db: {  	v45 =	vmul.f32 v13, v14;
	v10 =	vld.idx.msk [tilespmem:v37+s11+$0x0], $0xffff  }
0x1dc: {  	v57 =	vld [tilespmem:$0x1FFA0];
	v1 =	vadd.f32 v41, v1;
	v0 =	vadd.f32 v2, v0;
	v2 =	vmul.f32 v11, v3  }
0x1dd: {  	v8 =	vmul.f32 v48, v47;
	v3 =	vld.idx.msk [tilespmem:v39+s9+$0x0], $0xffff  }
0x1de: {  	v58 =	vld [tilespmem:$0x1FF70];
	v1 =	vadd.f32 v45, v1;
	v0 =	vadd.f32 v2, v0;
	v2 =	vmul.f32 v43, v40  }
0x1df: {  	v60 =	vld [tilespmem:$0x1FF50];
	v6 =	vmul.f32 v53, v52  }
0x1e0: {  	v61 =	vld [tilespmem:$0x1FF60];
	v1 =	vadd.f32 v8, v1;
	v0 =	vadd.f32 v2, v0;
	v2 =	vmul.f32 v10, v44  }
0x1e1: {  	v9 =	vld.idx.msk [tilespmem:v46+s11+$0x0], $0xffff;
	v8 =	vmul.f32 v57, v56  }
0x1e2: {  	v62 =	vld [tilespmem:$0x1FF40];
	v1 =	vadd.f32 v6, v1;
	v0 =	vadd.f32 v2, v0;
	v2 =	vmul.f32 v50, v3  }
0x1e3: {  	v6 =	vmul.f32 v59, v58;
	v3 =	vld.idx.msk [tilespmem:v49+s9+$0x0], $0xffff  }
0x1e4: {  	v1 =	vadd.f32 v8, v1;
	v0 =	vadd.f32 v2, v0;
	v2 =	vmul.f32 v54, v51  }
0x1e5: {  	v5 =	vmul.f32 v61, v60  }
0x1e6: {  	v1 =	vadd.f32 v6, v1;
	v0 =	vadd.f32 v2, v0;
	v2 =	vmul.f32 v9, v55  }
0x1e7: {  	v4 =	vmul.f32 v62, v63  }
0x1e8: {  	v1 =	vadd.f32 v5, v1;
	v0 =	vadd.f32 v2, v0;
	v2 =	vmul.f32 v7, v3;
	_ =	sdelay $0x1  }
0x1e9: {  	v1 =	vadd.f32 v4, v1;
	v0 =	vadd.f32 v2, v0;
	_ =	sdelay $0x1  }
0x1ea: {  	s20 =	sadd.s32 $0x1, s20;
	v0 =	vadd.f32 v0, v1  }
0x1eb: {  	s21 =	sadd.s32 $0x10, s21;
	p0 =	sne.s32 s20, s7  }
.Ltmp1:
0x1ec: {  	[tilespmem:s21+$0x0] =	vst v0;
	(pc) =	sbr.rel @p0 .LBB2_1-.Ltmp1, $4  }
0x1ed: {  	[hbm4b:s6+s2] =	stream.linear.scatter [tilespmem:s19], [sflag:$0x3], $0x200, $0x38;
	[tilespmem:$0x10400] =	vst v63  }
0x1ee: {  	_ =	swait.ge [sflag:s8], $0x200  }
0x1ef: {  	[sflag:s8] =	ssyncset.done $0x0  }
0x1f0: {  	v0 =	vld [tilespmem:$0x1FFF0];
	[sflag:s8] =	ssyncadd.s32 $0xFFFFFE00  }
0x1f1: {  	_ =	sfence.sel $0x180000  }
0x1f2: {  	[bflag:$0x0] =	sbarrier.arrive $0xFFFF  }
0x1f3: {  	p0 =	sne.s32 s1, $0x0;
	_ =	strace $0x9000004A  }
0x1f4: {  	s0 =	sadd.s32 @!p0 $0x100000, s0;
	[bflag:$0x2] =	sbarrier.arrive $0xFFFF  }
0x1f5: {  	[sflag:s0] =	ssyncadd.tile.s32 @!p0 $0x1;
	_ =	shalt  }
.Lfunc_end2:
_tile_overlayer_lowered:
.L_overlay_start_2:
0x1f6: {  	(tag) =	ssettag $0x2  }
0x1f7: {  	s0 =	rddreg [dreg:$0x0];
	s2 =	stileid.u32  }
0x1f8: {  	s1 =	rddreg [dreg:$0x1];
	p0 =	sne.s32 s2, $0x0  }
0x1f9: {  	s3 =	rddreg [dreg:$0x2];
	[bflag:$0x3] =	sbarrier.arrive $0xFFFF;
	s2 =	simm.s32 @!p0 $0x1C03  }
0x1fa: {  	[timem:s3], [sflag:s2] =	dma.local @!p0 [hbm:s0], s1  }
0x1fb: {  	s0 =	simm.s32 @!p0 $0x3  }
0x1fc: {  	_ =	swait.ge @!p0 [sflag:s0], s1  }
0x1fd: {  	s1 =	ssub.s32 @!p0 $0x0, s1;
	[sflag:s0] =	ssyncset.done @!p0 $0x0  }
0x1fe: {  	[sflag:s0] =	ssyncadd.s32 @!p0 s1  }
0x1ff: {  	[bflag:$0x3] =	sbarrier.arrive $0xFFFF  }
0x200: {  	_ =	shalt  }

</sc_bundles>
